<compile_context>
chip_gen: v7x
topology: tpu7x:2x2x1
jax: 0.10.2.dev20260603
libtpu: 0.0.44.dev20260713+nightly
codegen_flags: <defaults>
</compile_context>

<pallas_src>
import functools

import jax
import jax.numpy as jnp
from jax import lax
from jax.experimental import pallas as pl
from jax.experimental.pallas import tpu as pltpu
from jax.experimental.pallas import tpu_sc as plsc

_B = 128
_U = 200
_D = 16
_N = _B * _U
_E = 409600
_NC = 2
_NS = 16
_TILE_EDGES = _E // (_NC * _NS)
_CHUNK = 128
_NCHUNK = _TILE_EDGES // _CHUNK
_ROWS_PER_TILE = _N // _NS
_ZROWS = 100
_NBUF = 4


def _node_body(xf_ref, wu_ref, bu_ref, wpq_ref, root_ref, bias_ref,
               t_ref, hroot_ref):
    h = jnp.maximum(xf_ref[...] * wu_ref[...] + bu_ref[...], 0.0)
    t_ref[...] = jnp.dot(h, wpq_ref[...], preferred_element_type=jnp.float32)
    hroot_ref[...] = (
        jnp.dot(h, root_ref[...], preferred_element_type=jnp.float32)
        + bias_ref[...])


def _node_phase(xf, wu, bu, wpq, root, bias):
    return pl.pallas_call(
        _node_body,
        out_shape=(
            jax.ShapeDtypeStruct((_N, 2 * _D), jnp.float32),
            jax.ShapeDtypeStruct((_N, _D), jnp.float32),
        ),
    )(xf, wu, bu, wpq, root, bias)


def _sc_body(t_hbm, src_hbm, dst_hbm, ea_hbm, out_hbm,
             sall, dall, eall, rows, msg, zbuf, acc_sh, gsem):
    cid = lax.axis_index("c")
    sid = lax.axis_index("s")
    wid = cid * _NS + sid

    pltpu.sync_copy(src_hbm.at[pl.ds(wid * _NCHUNK, _NCHUNK)], sall)
    pltpu.sync_copy(dst_hbm.at[pl.ds(wid * _NCHUNK, _NCHUNK)], dall)
    pltpu.sync_copy(ea_hbm.at[pl.ds(wid * _NCHUNK, _NCHUNK)], eall)

    zero16 = jnp.zeros((_D,), jnp.float32)

    def zfill(j, carry):
        zbuf[j, pl.ds(0, _D)] = zero16
        zbuf[j, pl.ds(_D, _D)] = zero16
        return carry

    lax.fori_loop(0, _ZROWS, zfill, 0)
    row0 = sid * _ROWS_PER_TILE
    for k in range(_ROWS_PER_TILE // _ZROWS):
        pltpu.sync_copy(zbuf, acc_sh.at[pl.ds(row0 + k * _ZROWS, _ZROWS)])

    one16 = jnp.ones((_D,), jnp.float32)

    def ofill(j, carry):
        msg[j, pl.ds(_D, _D)] = one16
        return carry

    lax.fori_loop(0, _CHUNK, ofill, 0)
    plsc.subcore_barrier()

    def start_gather(ci, b):
        pltpu.async_copy(t_hbm.at[sall.at[ci]], rows.at[b], gsem)

    for p in range(_NBUF - 1):
        start_gather(p, p)

    def do_chunk(ci, b):
        nci = ci + _NBUF - 1

        @pl.when(nci < _NCHUNK)
        def _():
            start_gather(nci, (b + _NBUF - 1) % _NBUF)

        pltpu.make_async_copy(t_hbm.at[sall.at[ci]], rows.at[b], gsem).wait()

        def group_body(g, c2):
            base = g * _D
            ev = eall[ci, pl.ds(base, _D)]
            for k in range(_D):
                j = base + k
                p = rows[b, j, pl.ds(0, _D)]
                q = rows[b, j, pl.ds(_D, _D)]
                msg[j, pl.ds(0, _D)] = p * ev[k] + q
            return c2

        lax.fori_loop(0, _CHUNK // _D, group_body, 0)
        pltpu.sync_copy(msg, acc_sh.at[dall.at[ci]], add=True)

    def ring_body(h, carry):
        for b in range(_NBUF):
            do_chunk(h * _NBUF + b, b)
        return carry

    lax.fori_loop(0, _NCHUNK // _NBUF, ring_body, 0)
    plsc.subcore_barrier()

    pltpu.sync_copy(acc_sh.at[pl.ds(row0, _ROWS_PER_TILE)],
                    out_hbm.at[cid, pl.ds(row0, _ROWS_PER_TILE)])


def _edge_phase(t, src, dst, ea):
    mesh = plsc.VectorSubcoreMesh(core_axis_name="c", subcore_axis_name="s")
    f = pl.kernel(
        _sc_body,
        mesh=mesh,
        compiler_params=pltpu.CompilerParams(use_tc_tiling_on_sc=False),
        out_type=jax.ShapeDtypeStruct((_NC, _N, 2 * _D), jnp.float32),
        scratch_types=[
            pltpu.VMEM((_NCHUNK, _CHUNK), jnp.int32),
            pltpu.VMEM((_NCHUNK, _CHUNK), jnp.int32),
            pltpu.VMEM((_NCHUNK, _CHUNK), jnp.float32),
            pltpu.VMEM((_NBUF, _CHUNK, 2 * _D), jnp.float32),
            pltpu.VMEM((_CHUNK, 2 * _D), jnp.float32),
            pltpu.VMEM((_ZROWS, 2 * _D), jnp.float32),
            pltpu.VMEM_SHARED((_N, 2 * _D), jnp.float32),
            pltpu.SemaphoreType.DMA,
        ],
    )
    src2 = src.reshape(_E // _CHUNK, _CHUNK)
    dst2 = dst.reshape(_E // _CHUNK, _CHUNK)
    ea2 = ea.reshape(_E // _CHUNK, _CHUNK)
    return f(t, src2, dst2, ea2)


_CSTRIPE = _N // (_NC * _NS)
_LUTN = 4096


_CHALF = _CSTRIPE // 2


def _combine_body(acc_hbm, hroot_hbm, lut_hbm, out_hbm,
                  va, vb, vh, vo, vlut, sem0, sem1):
    cid = lax.axis_index("c")
    sid = lax.axis_index("s")
    wid = cid * _NS + sid
    n0 = wid * _CSTRIPE

    def half_copies(h, sem):
        o = n0 + h * _CHALF
        r = h * _CHALF
        return (
            pltpu.make_async_copy(acc_hbm.at[0, pl.ds(o, _CHALF)],
                                  va.at[pl.ds(r, _CHALF)], sem),
            pltpu.make_async_copy(acc_hbm.at[1, pl.ds(o, _CHALF)],
                                  vb.at[pl.ds(r, _CHALF)], sem),
            pltpu.make_async_copy(hroot_hbm.at[pl.ds(o, _CHALF)],
                                  vh.at[pl.ds(r, _CHALF)], sem),
        )

    for c in half_copies(0, sem0):
        c.start()
    pltpu.async_copy(lut_hbm, vlut, sem0)
    for c in half_copies(1, sem1):
        c.start()
    for c in half_copies(0, sem0):
        c.wait()
    pltpu.make_async_copy(lut_hbm, vlut, sem0).wait()

    def node_group(g, carry):
        for k in range(_D):
            j = g * _D + k
            s = va[j, pl.ds(0, _D)] + vb[j, pl.ds(0, _D)]
            c = va[j, pl.ds(_D, _D)] + vb[j, pl.ds(_D, _D)]
            idx = jnp.minimum(c, float(_LUTN - 1)).astype(jnp.int32)
            inv = plsc.load_gather(vlut, [idx])
            vo[2 * g + k // 8, pl.ds((k % 8) * _D, _D)] = (
                s * inv + vh[j, :])
        return carry

    lax.fori_loop(0, _CHALF // _D, node_group, 0)
    for c in half_copies(1, sem1):
        c.wait()
    lax.fori_loop(_CHALF // _D, _CSTRIPE // _D, node_group, 0)
    pltpu.sync_copy(vo, out_hbm.at[pl.ds(wid * (_CSTRIPE // 8),
                                         _CSTRIPE // 8)])


def _combine(acc, hroot):
    mesh = plsc.VectorSubcoreMesh(core_axis_name="c", subcore_axis_name="s")
    f = pl.kernel(
        _combine_body,
        mesh=mesh,
        compiler_params=pltpu.CompilerParams(use_tc_tiling_on_sc=False,
                                             needs_layout_passes=False),
        out_type=jax.ShapeDtypeStruct((_N // 8, 128), jnp.float32),
        scratch_types=[
            pltpu.VMEM((_CSTRIPE, 2 * _D), jnp.float32),
            pltpu.VMEM((_CSTRIPE, 2 * _D), jnp.float32),
            pltpu.VMEM((_CSTRIPE, _D), jnp.float32),
            pltpu.VMEM((_CSTRIPE // 8, 128), jnp.float32),
            pltpu.VMEM((_LUTN,), jnp.float32),
            pltpu.SemaphoreType.DMA,
            pltpu.SemaphoreType.DMA,
        ],
    )
    lut = jnp.concatenate(
        [jnp.zeros((1,), jnp.float32),
         1.0 / jnp.arange(1, _LUTN, dtype=jnp.float32)])
    return f(acc, hroot, lut).reshape(_N, _D)


def kernel(x, edge_index, edge_attribute, i, dummy,
           W_u, b_u, W_l1, b_l1, root, bias):
    xf = x.reshape(_N, 1)
    src = edge_index[0]
    dst = edge_index[1]
    ea = edge_attribute.reshape(_E)
    wpq = jnp.concatenate(
        [W_l1.reshape(_D, _D), b_l1.reshape(_D, _D)], axis=1)
    t, hroot = _node_phase(xf, W_u, b_u.reshape(1, _D), wpq,
                           root, bias.reshape(1, _D))
    acc = _edge_phase(t, src, dst, ea)
    return _combine(acc, hroot)

# --- scband reference (transcript-rebuilt; emitter-appended) ---
"""Pipeline reference for scband-mpnn-53352083751303 (READ-ONLY COPY).

The authoritative reference and input builder live on the scoring server;
editing this copy changes nothing except your own understanding.
"""

import jax, jax.numpy as jnp
import numpy as np

B = 128   # opts.batch_size
U = 200   # u_size + 1
I = 0     # current step i (i tensor holds 0)
D = 16    # embed_dim
NL = 3    # n_layers
N = B * (U + I)
E = 409600


def setup_inputs(seed: int = 0):
    key = jax.random.key(seed)
    ks = jax.random.split(key, 8)
    x = jax.random.normal(ks[0], (B, U + I), dtype=jnp.float32)
    edge_index = jax.random.randint(ks[1], (2, E), 0, N)
    edge_attribute = jax.random.normal(ks[2], (E, 1), dtype=jnp.float32)
    i = jnp.zeros((1,), dtype=jnp.int32)
    dummy = jnp.zeros((1,), dtype=jnp.float32)
    # learned parameters
    W_u = jax.random.normal(ks[3], (1, D), dtype=jnp.float32)          # node_embed_u (shared with node_embed_v)
    b_u = jax.random.normal(ks[4], (D,), dtype=jnp.float32) * 0.01
    W_l1 = jax.random.normal(ks[5], (1, D * D), dtype=jnp.float32) * (1.0 / D)  # l1: edge_attr -> D*D
    b_l1 = jax.random.normal(ks[6], (D * D,), dtype=jnp.float32) * 0.01
    root = jax.random.normal(ks[7], (D, D), dtype=jnp.float32) * (1.0 / np.sqrt(D))  # NNConv root weight
    bias = jnp.zeros((D,), dtype=jnp.float32)                                        # NNConv bias
    return {"x": x, "edge_index": edge_index, "edge_attribute": edge_attribute, "i": i, "dummy": dummy,
            "W_u": W_u, "b_u": b_u, "W_l1": W_l1, "b_l1": b_l1, "root": root, "bias": bias}


def reference(x, edge_index, edge_attribute, i, dummy, W_u, b_u, W_l1, b_l1, root, bias):
    i_val = I  # i.item()
    graph_size = U + i_val
    n_encode_layers = min(i_val + 1, NL)
    x_u = x[:, :U].reshape(B, U, 1)
    x_v = x[:, U:].reshape(B, i_val, 1)
    x_u = x_u @ W_u + b_u
    x_v = x_v @ W_u + b_u  # node_dim_u == node_dim_v -> node_embed_v is node_embed_u
    h = jnp.concatenate([x_u, x_v], axis=1).reshape(B * graph_size, D)
    src = edge_index[0]
    dst = edge_index[1]
    ea = edge_attribute.astype(jnp.float32)
    for _ in range(n_encode_layers):
        h = jax.nn.relu(h)
        # NNConv (aggr='mean'): per-edge weight from l1(edge_attr)
        w = (ea @ W_l1 + b_l1).reshape(E, D, D)
        msg = jnp.einsum('ed,edo->eo', h[src], w)
        summed = jax.ops.segment_sum(msg, dst, num_segments=N)
        cnt = jax.ops.segment_sum(jnp.ones((E,), dtype=jnp.float32), dst, num_segments=N)
        aggr = jnp.where(cnt[:, None] > 0, summed / jnp.maximum(cnt[:, None], 1.0), 0.0)
        h = aggr + h @ root + bias
    return h

if __name__ == "__main__":
    import jax
    _d = setup_inputs()
    print(jax.jit(kernel)(*tuple(_d.values())))

</pallas_src>

<mosaic_0001>
#map = affine_map<(d0, d1) -> (0, 0, 0)>
#map1 = affine_map<(d0, d1) -> (0, 0)>
#map2 = affine_map<(d0, d1) -> (0)>
module attributes {stable_mosaic.version = 14 : i64} {
  func.func @_combine_body(%arg0: i32, %arg1: i32, %arg2: memref<2x25600x32xf32, #tpu.memory_space<hbm>>, %arg3: memref<25600x16xf32, #tpu.memory_space<hbm>>, %arg4: memref<4096xf32, #tpu.memory_space<hbm>>, %arg5: memref<3200x128xf32, #tpu.memory_space<hbm>>, %arg6: memref<800x32xf32, #tpu.memory_space<vmem>>, %arg7: memref<800x32xf32, #tpu.memory_space<vmem>>, %arg8: memref<800x16xf32, #tpu.memory_space<vmem>>, %arg9: memref<100x128xf32, #tpu.memory_space<vmem>>, %arg10: memref<4096xf32, #tpu.memory_space<vmem>>, %arg11: memref<!tpu.dma_semaphore, #tpu.memory_space<semaphore_mem>>, %arg12: memref<!tpu.dma_semaphore, #tpu.memory_space<semaphore_mem>>) attributes {dimension_semantics = [#tpu.dimension_semantics<core_parallel>, #tpu.dimension_semantics<subcore_parallel>], iteration_bounds = array<i64: 2, 16>, scalar_prefetch = 0 : i64, scratch_operands = 7 : i64, tpu.core_type = #tpu.core_type<sc_vector_subcore>, window_params = [{transform_indices = #map}, {transform_indices = #map1}, {transform_indices = #map2}, {transform_indices = #map1}]} {
    %mul3A = arith.constant 16 : i32
    %mul3A_0 = arith.muli %arg0, %mul3A : i32
    %add3A = arith.addi %mul3A_0, %arg1 : i32
    %mul3A_1 = arith.constant 800 : i32
    %mul3A_2 = arith.muli %add3A, %mul3A_1 : i32
    %add3A_3 = arith.constant 0 : i32
    %add3A_4 = arith.addi %mul3A_2, %add3A_3 : i32
    %dma_start3A = arith.constant 0 : i32
    %dma_start3A_5 = arith.constant 0 : i32
    %dma_start3A_6 = arith.constant 0 : i32
    %dma_start3A_7 = tpu.memref_slice %arg6[%dma_start3A_5, %dma_start3A_6] : memref<800x32xf32, #tpu.memory_space<vmem>> -> memref<400x32xf32, #tpu.memory_space<vmem>>
    %dma_start3A_8 = arith.constant 0 : i32
    %dma_start3A_9 = tpu.memref_slice %arg2[%dma_start3A, %add3A_4, %dma_start3A_8] : memref<2x25600x32xf32, #tpu.memory_space<hbm>> -> memref<1x400x32xf32, #tpu.memory_space<hbm>>
    %dma_start3A_10 = tpu.memref_squeeze %dma_start3A_9 : memref<1x400x32xf32, #tpu.memory_space<hbm>> -> memref<400x32xf32, #tpu.memory_space<hbm>>
    %dma_start3A_11 = arith.constant 0 : i32
    %dma_start3A_12 = arith.constant 0 : i32
    %dma_start3A_13 = tpu.memref_slice %arg6[%dma_start3A_11, %dma_start3A_12] : memref<800x32xf32, #tpu.memory_space<vmem>> -> memref<400x32xf32, #tpu.memory_space<vmem>>
    %dma_start3A_14 = arith.constant 0 : i32
    %dma_start3A_15 = tpu.memref_slice %arg2[%dma_start3A, %add3A_4, %dma_start3A_14] : memref<2x25600x32xf32, #tpu.memory_space<hbm>> -> memref<1x400x32xf32, #tpu.memory_space<hbm>>
    %dma_start3A_16 = tpu.memref_squeeze %dma_start3A_15 : memref<1x400x32xf32, #tpu.memory_space<hbm>> -> memref<400x32xf32, #tpu.memory_space<hbm>>
    tpu.enqueue_dma source(%dma_start3A_16 : memref<400x32xf32, #tpu.memory_space<hbm>>) target(%dma_start3A_13 : memref<400x32xf32, #tpu.memory_space<vmem>>) target_semaphore(%arg11 : memref<!tpu.dma_semaphore, #tpu.memory_space<semaphore_mem>>)
    %dma_start3A_17 = arith.constant 1 : i32
    %dma_start3A_18 = arith.constant 0 : i32
    %dma_start3A_19 = arith.constant 0 : i32
    %dma_start3A_20 = tpu.memref_slice %arg7[%dma_start3A_18, %dma_start3A_19] : memref<800x32xf32, #tpu.memory_space<vmem>> -> memref<400x32xf32, #tpu.memory_space<vmem>>
    %dma_start3A_21 = arith.constant 0 : i32
    %dma_start3A_22 = tpu.memref_slice %arg2[%dma_start3A_17, %add3A_4, %dma_start3A_21] : memref<2x25600x32xf32, #tpu.memory_space<hbm>> -> memref<1x400x32xf32, #tpu.memory_space<hbm>>
    %dma_start3A_23 = tpu.memref_squeeze %dma_start3A_22 : memref<1x400x32xf32, #tpu.memory_space<hbm>> -> memref<400x32xf32, #tpu.memory_space<hbm>>
    %dma_start3A_24 = arith.constant 0 : i32
    %dma_start3A_25 = arith.constant 0 : i32
    %dma_start3A_26 = tpu.memref_slice %arg7[%dma_start3A_24, %dma_start3A_25] : memref<800x32xf32, #tpu.memory_space<vmem>> -> memref<400x32xf32, #tpu.memory_space<vmem>>
    %dma_start3A_27 = arith.constant 0 : i32
    %dma_start3A_28 = tpu.memref_slice %arg2[%dma_start3A_17, %add3A_4, %dma_start3A_27] : memref<2x25600x32xf32, #tpu.memory_space<hbm>> -> memref<1x400x32xf32, #tpu.memory_space<hbm>>
    %dma_start3A_29 = tpu.memref_squeeze %dma_start3A_28 : memref<1x400x32xf32, #tpu.memory_space<hbm>> -> memref<400x32xf32, #tpu.memory_space<hbm>>
    tpu.enqueue_dma source(%dma_start3A_29 : memref<400x32xf32, #tpu.memory_space<hbm>>) target(%dma_start3A_26 : memref<400x32xf32, #tpu.memory_space<vmem>>) target_semaphore(%arg11 : memref<!tpu.dma_semaphore, #tpu.memory_space<semaphore_mem>>)
    %dma_start3A_30 = arith.constant 0 : i32
    %dma_start3A_31 = arith.constant 0 : i32
    %dma_start3A_32 = tpu.memref_slice %arg8[%dma_start3A_30, %dma_start3A_31] : memref<800x16xf32, #tpu.memory_space<vmem>> -> memref<400x16xf32, #tpu.memory_space<vmem>>
    %dma_start3A_33 = arith.constant 0 : i32
    %dma_start3A_34 = tpu.memref_slice %arg3[%add3A_4, %dma_start3A_33] : memref<25600x16xf32, #tpu.memory_space<hbm>> -> memref<400x16xf32, #tpu.memory_space<hbm>>
    %dma_start3A_35 = arith.constant 0 : i32
    %dma_start3A_36 = arith.constant 0 : i32
    %dma_start3A_37 = tpu.memref_slice %arg8[%dma_start3A_35, %dma_start3A_36] : memref<800x16xf32, #tpu.memory_space<vmem>> -> memref<400x16xf32, #tpu.memory_space<vmem>>
    %dma_start3A_38 = arith.constant 0 : i32
    %dma_start3A_39 = tpu.memref_slice %arg3[%add3A_4, %dma_start3A_38] : memref<25600x16xf32, #tpu.memory_space<hbm>> -> memref<400x16xf32, #tpu.memory_space<hbm>>
    tpu.enqueue_dma source(%dma_start3A_39 : memref<400x16xf32, #tpu.memory_space<hbm>>) target(%dma_start3A_37 : memref<400x16xf32, #tpu.memory_space<vmem>>) target_semaphore(%arg11 : memref<!tpu.dma_semaphore, #tpu.memory_space<semaphore_mem>>)
    tpu.enqueue_dma source(%arg4 : memref<4096xf32, #tpu.memory_space<hbm>>) target(%arg10 : memref<4096xf32, #tpu.memory_space<vmem>>) target_semaphore(%arg11 : memref<!tpu.dma_semaphore, #tpu.memory_space<semaphore_mem>>)
    %add3A_40 = arith.constant 400 : i32
    %add3A_41 = arith.addi %mul3A_2, %add3A_40 : i32
    %dma_start3A_42 = arith.constant 0 : i32
    %dma_start3A_43 = arith.constant 400 : i32
    %dma_start3A_44 = arith.constant 0 : i32
    %dma_start3A_45 = tpu.memref_slice %arg6[%dma_start3A_43, %dma_start3A_44] : memref<800x32xf32, #tpu.memory_space<vmem>> -> memref<400x32xf32, #tpu.memory_space<vmem>>
    %dma_start3A_46 = arith.constant 0 : i32
    %dma_start3A_47 = tpu.memref_slice %arg2[%dma_start3A_42, %add3A_41, %dma_start3A_46] : memref<2x25600x32xf32, #tpu.memory_space<hbm>> -> memref<1x400x32xf32, #tpu.memory_space<hbm>>
    %dma_start3A_48 = tpu.memref_squeeze %dma_start3A_47 : memref<1x400x32xf32, #tpu.memory_space<hbm>> -> memref<400x32xf32, #tpu.memory_space<hbm>>
    %dma_start3A_49 = arith.constant 400 : i32
    %dma_start3A_50 = arith.constant 0 : i32
    %dma_start3A_51 = tpu.memref_slice %arg6[%dma_start3A_49, %dma_start3A_50] : memref<800x32xf32, #tpu.memory_space<vmem>> -> memref<400x32xf32, #tpu.memory_space<vmem>>
    %dma_start3A_52 = arith.constant 0 : i32
    %dma_start3A_53 = tpu.memref_slice %arg2[%dma_start3A_42, %add3A_41, %dma_start3A_52] : memref<2x25600x32xf32, #tpu.memory_space<hbm>> -> memref<1x400x32xf32, #tpu.memory_space<hbm>>
    %dma_start3A_54 = tpu.memref_squeeze %dma_start3A_53 : memref<1x400x32xf32, #tpu.memory_space<hbm>> -> memref<400x32xf32, #tpu.memory_space<hbm>>
    tpu.enqueue_dma source(%dma_start3A_54 : memref<400x32xf32, #tpu.memory_space<hbm>>) target(%dma_start3A_51 : memref<400x32xf32, #tpu.memory_space<vmem>>) target_semaphore(%arg12 : memref<!tpu.dma_semaphore, #tpu.memory_space<semaphore_mem>>)
    %dma_start3A_55 = arith.constant 1 : i32
    %dma_start3A_56 = arith.constant 400 : i32
    %dma_start3A_57 = arith.constant 0 : i32
    %dma_start3A_58 = tpu.memref_slice %arg7[%dma_start3A_56, %dma_start3A_57] : memref<800x32xf32, #tpu.memory_space<vmem>> -> memref<400x32xf32, #tpu.memory_space<vmem>>
    %dma_start3A_59 = arith.constant 0 : i32
    %dma_start3A_60 = tpu.memref_slice %arg2[%dma_start3A_55, %add3A_41, %dma_start3A_59] : memref<2x25600x32xf32, #tpu.memory_space<hbm>> -> memref<1x400x32xf32, #tpu.memory_space<hbm>>
    %dma_start3A_61 = tpu.memref_squeeze %dma_start3A_60 : memref<1x400x32xf32, #tpu.memory_space<hbm>> -> memref<400x32xf32, #tpu.memory_space<hbm>>
    %dma_start3A_62 = arith.constant 400 : i32
    %dma_start3A_63 = arith.constant 0 : i32
    %dma_start3A_64 = tpu.memref_slice %arg7[%dma_start3A_62, %dma_start3A_63] : memref<800x32xf32, #tpu.memory_space<vmem>> -> memref<400x32xf32, #tpu.memory_space<vmem>>
    %dma_start3A_65 = arith.constant 0 : i32
    %dma_start3A_66 = tpu.memref_slice %arg2[%dma_start3A_55, %add3A_41, %dma_start3A_65] : memref<2x25600x32xf32, #tpu.memory_space<hbm>> -> memref<1x400x32xf32, #tpu.memory_space<hbm>>
    %dma_start3A_67 = tpu.memref_squeeze %dma_start3A_66 : memref<1x400x32xf32, #tpu.memory_space<hbm>> -> memref<400x32xf32, #tpu.memory_space<hbm>>
    tpu.enqueue_dma source(%dma_start3A_67 : memref<400x32xf32, #tpu.memory_space<hbm>>) target(%dma_start3A_64 : memref<400x32xf32, #tpu.memory_space<vmem>>) target_semaphore(%arg12 : memref<!tpu.dma_semaphore, #tpu.memory_space<semaphore_mem>>)
    %dma_start3A_68 = arith.constant 400 : i32
    %dma_start3A_69 = arith.constant 0 : i32
    %dma_start3A_70 = tpu.memref_slice %arg8[%dma_start3A_68, %dma_start3A_69] : memref<800x16xf32, #tpu.memory_space<vmem>> -> memref<400x16xf32, #tpu.memory_space<vmem>>
    %dma_start3A_71 = arith.constant 0 : i32
    %dma_start3A_72 = tpu.memref_slice %arg3[%add3A_41, %dma_start3A_71] : memref<25600x16xf32, #tpu.memory_space<hbm>> -> memref<400x16xf32, #tpu.memory_space<hbm>>
    %dma_start3A_73 = arith.constant 400 : i32
    %dma_start3A_74 = arith.constant 0 : i32
    %dma_start3A_75 = tpu.memref_slice %arg8[%dma_start3A_73, %dma_start3A_74] : memref<800x16xf32, #tpu.memory_space<vmem>> -> memref<400x16xf32, #tpu.memory_space<vmem>>
    %dma_start3A_76 = arith.constant 0 : i32
    %dma_start3A_77 = tpu.memref_slice %arg3[%add3A_41, %dma_start3A_76] : memref<25600x16xf32, #tpu.memory_space<hbm>> -> memref<400x16xf32, #tpu.memory_space<hbm>>
    tpu.enqueue_dma source(%dma_start3A_77 : memref<400x16xf32, #tpu.memory_space<hbm>>) target(%dma_start3A_75 : memref<400x16xf32, #tpu.memory_space<vmem>>) target_semaphore(%arg12 : memref<!tpu.dma_semaphore, #tpu.memory_space<semaphore_mem>>)
    %add3A_78 = arith.constant 0 : i32
    %add3A_79 = arith.addi %mul3A_2, %add3A_78 : i32
    %dma_wait3A = arith.constant 0 : i32
    %dma_wait3A_80 = arith.constant 0 : i32
    %dma_wait3A_81 = arith.constant 0 : i32
    %dma_wait3A_82 = tpu.memref_slice %arg6[%dma_wait3A_80, %dma_wait3A_81] : memref<800x32xf32, #tpu.memory_space<vmem>> -> memref<400x32xf32, #tpu.memory_space<vmem>>
    %dma_wait3A_83 = arith.constant 0 : i32
    %dma_wait3A_84 = tpu.memref_slice %arg2[%dma_wait3A, %add3A_79, %dma_wait3A_83] : memref<2x25600x32xf32, #tpu.memory_space<hbm>> -> memref<1x400x32xf32, #tpu.memory_space<hbm>>
    %dma_wait3A_85 = tpu.memref_squeeze %dma_wait3A_84 : memref<1x400x32xf32, #tpu.memory_space<hbm>> -> memref<400x32xf32, #tpu.memory_space<hbm>>
    %dma_wait3A_86 = arith.constant 0 : i32
    %dma_wait3A_87 = arith.constant 0 : i32
    %dma_wait3A_88 = tpu.memref_slice %arg6[%dma_wait3A_86, %dma_wait3A_87] : memref<800x32xf32, #tpu.memory_space<vmem>> -> memref<400x32xf32, #tpu.memory_space<vmem>>
    %dma_wait3A_89 = arith.constant 0 : i32
    %dma_wait3A_90 = tpu.memref_slice %arg2[%dma_wait3A, %add3A_79, %dma_wait3A_89] : memref<2x25600x32xf32, #tpu.memory_space<hbm>> -> memref<1x400x32xf32, #tpu.memory_space<hbm>>
    %dma_wait3A_91 = tpu.memref_squeeze %dma_wait3A_90 : memref<1x400x32xf32, #tpu.memory_space<hbm>> -> memref<400x32xf32, #tpu.memory_space<hbm>>
    tpu.wait_dma2 semaphore(%arg11 : memref<!tpu.dma_semaphore, #tpu.memory_space<semaphore_mem>>) src(%dma_wait3A_91 : memref<400x32xf32, #tpu.memory_space<hbm>>) dst(%dma_wait3A_88 : memref<400x32xf32, #tpu.memory_space<vmem>>)
    %dma_wait3A_92 = arith.constant 1 : i32
    %dma_wait3A_93 = arith.constant 0 : i32
    %dma_wait3A_94 = arith.constant 0 : i32
    %dma_wait3A_95 = tpu.memref_slice %arg7[%dma_wait3A_93, %dma_wait3A_94] : memref<800x32xf32, #tpu.memory_space<vmem>> -> memref<400x32xf32, #tpu.memory_space<vmem>>
    %dma_wait3A_96 = arith.constant 0 : i32
    %dma_wait3A_97 = tpu.memref_slice %arg2[%dma_wait3A_92, %add3A_79, %dma_wait3A_96] : memref<2x25600x32xf32, #tpu.memory_space<hbm>> -> memref<1x400x32xf32, #tpu.memory_space<hbm>>
    %dma_wait3A_98 = tpu.memref_squeeze %dma_wait3A_97 : memref<1x400x32xf32, #tpu.memory_space<hbm>> -> memref<400x32xf32, #tpu.memory_space<hbm>>
    %dma_wait3A_99 = arith.constant 0 : i32
    %dma_wait3A_100 = arith.constant 0 : i32
    %dma_wait3A_101 = tpu.memref_slice %arg7[%dma_wait3A_99, %dma_wait3A_100] : memref<800x32xf32, #tpu.memory_space<vmem>> -> memref<400x32xf32, #tpu.memory_space<vmem>>
    %dma_wait3A_102 = arith.constant 0 : i32
    %dma_wait3A_103 = tpu.memref_slice %arg2[%dma_wait3A_92, %add3A_79, %dma_wait3A_102] : memref<2x25600x32xf32, #tpu.memory_space<hbm>> -> memref<1x400x32xf32, #tpu.memory_space<hbm>>
    %dma_wait3A_104 = tpu.memref_squeeze %dma_wait3A_103 : memref<1x400x32xf32, #tpu.memory_space<hbm>> -> memref<400x32xf32, #tpu.memory_space<hbm>>
    tpu.wait_dma2 semaphore(%arg11 : memref<!tpu.dma_semaphore, #tpu.memory_space<semaphore_mem>>) src(%dma_wait3A_104 : memref<400x32xf32, #tpu.memory_space<hbm>>) dst(%dma_wait3A_101 : memref<400x32xf32, #tpu.memory_space<vmem>>)
    %dma_wait3A_105 = arith.constant 0 : i32
    %dma_wait3A_106 = arith.constant 0 : i32
    %dma_wait3A_107 = tpu.memref_slice %arg8[%dma_wait3A_105, %dma_wait3A_106] : memref<800x16xf32, #tpu.memory_space<vmem>> -> memref<400x16xf32, #tpu.memory_space<vmem>>
    %dma_wait3A_108 = arith.constant 0 : i32
    %dma_wait3A_109 = tpu.memref_slice %arg3[%add3A_79, %dma_wait3A_108] : memref<25600x16xf32, #tpu.memory_space<hbm>> -> memref<400x16xf32, #tpu.memory_space<hbm>>
    %dma_wait3A_110 = arith.constant 0 : i32
    %dma_wait3A_111 = arith.constant 0 : i32
    %dma_wait3A_112 = tpu.memref_slice %arg8[%dma_wait3A_110, %dma_wait3A_111] : memref<800x16xf32, #tpu.memory_space<vmem>> -> memref<400x16xf32, #tpu.memory_space<vmem>>
    %dma_wait3A_113 = arith.constant 0 : i32
    %dma_wait3A_114 = tpu.memref_slice %arg3[%add3A_79, %dma_wait3A_113] : memref<25600x16xf32, #tpu.memory_space<hbm>> -> memref<400x16xf32, #tpu.memory_space<hbm>>
    tpu.wait_dma2 semaphore(%arg11 : memref<!tpu.dma_semaphore, #tpu.memory_space<semaphore_mem>>) src(%dma_wait3A_114 : memref<400x16xf32, #tpu.memory_space<hbm>>) dst(%dma_wait3A_112 : memref<400x16xf32, #tpu.memory_space<vmem>>)
    tpu.wait_dma2 semaphore(%arg11 : memref<!tpu.dma_semaphore, #tpu.memory_space<semaphore_mem>>) src(%arg4 : memref<4096xf32, #tpu.memory_space<hbm>>) dst(%arg10 : memref<4096xf32, #tpu.memory_space<vmem>>)
    %scan3A = arith.constant 0 : i32
    %scan3A_115 = arith.constant 0 : i32
    %scan3A_116 = arith.constant 25 : i32
    %scan3A_117 = arith.addi %scan3A_115, %scan3A_116 : i32
    %scan3A_118 = arith.constant 1 : i32
    scf.for %scan3A_166 = %scan3A_115 to %scan3A_117 step %scan3A_118  : i32 {
      %mul3A_167 = arith.constant 16 : i32
      %mul3A_168 = arith.muli %scan3A_166, %mul3A_167 : i32
      %add3A_169 = arith.constant 0 : i32
      %add3A_170 = arith.addi %mul3A_168, %add3A_169 : i32
      %get3A = arith.index_cast %add3A_170 : i32 to index
      %get3A_171 = arith.constant 0 : index
      %get3A_172 = tpu.vector_load %arg6[%get3A, %get3A_171] {strides = array<i32>} : memref<800x32xf32, #tpu.memory_space<vmem>>, vector<16xf32>,
      %get3A_173 = arith.index_cast %add3A_170 : i32 to index
      %get3A_174 = arith.constant 0 : index
      %get3A_175 = tpu.vector_load %arg7[%get3A_173, %get3A_174] {strides = array<i32>} : memref<800x32xf32, #tpu.memory_space<vmem>>, vector<16xf32>,
      %add3A_176 = arith.addf %get3A_172, %get3A_175 : vector<16xf32>
      %get3A_177 = arith.index_cast %add3A_170 : i32 to index
      %get3A_178 = arith.constant 16 : index
      %get3A_179 = tpu.vector_load %arg6[%get3A_177, %get3A_178] {strides = array<i32>} : memref<800x32xf32, #tpu.memory_space<vmem>>, vector<16xf32>,
      %get3A_180 = arith.index_cast %add3A_170 : i32 to index
      %get3A_181 = arith.constant 16 : index
      %get3A_182 = tpu.vector_load %arg7[%get3A_180, %get3A_181] {strides = array<i32>} : memref<800x32xf32, #tpu.memory_space<vmem>>, vector<16xf32>,
      %add3A_183 = arith.addf %get3A_179, %get3A_182 : vector<16xf32>
      %min3A = arith.constant 4.095000e+03 : f32
      %min3A_184 = vector.broadcast %min3A : f32 to vector<16xf32>
      %min3A_185 = arith.minimumf %add3A_183, %min3A_184 : vector<16xf32>
      %convert_element_type3A = arith.fptosi %min3A_185 : vector<16xf32> to vector<16xi32>
      %gather3A = tpu.vector_load_idx %arg10[%convert_element_type3A] : memref<4096xf32, #tpu.memory_space<vmem>>[vector<16xi32>], vector<16xf32>,
      %mul3A_186 = arith.mulf %add3A_176, %gather3A : vector<16xf32>
      %get3A_187 = arith.index_cast %add3A_170 : i32 to index
      %get3A_188 = arith.constant 0 : index
      %get3A_189 = tpu.vector_load %arg8[%get3A_187, %get3A_188] {strides = array<i32>} : memref<800x16xf32, #tpu.memory_space<vmem>>, vector<16xf32>,
      %add3A_190 = arith.addf %mul3A_186, %get3A_189 : vector<16xf32>
      %mul3A_191 = arith.constant 2 : i32
      %mul3A_192 = arith.muli %mul3A_191, %scan3A_166 : i32
      %add3A_193 = arith.constant 0 : i32
      %add3A_194 = arith.addi %mul3A_192, %add3A_193 : i32
      %swap3A = arith.index_cast %add3A_194 : i32 to index
      %swap3A_195 = arith.constant 0 : index
      %swap3A_196 = tpu.vector_load %arg9[%swap3A, %swap3A_195] {strides = array<i32>} : memref<100x128xf32, #tpu.memory_space<vmem>>, vector<16xf32>,
      tpu.vector_store %arg9[%swap3A, %swap3A_195], %add3A_190 {strides = array<i32>} : memref<100x128xf32, #tpu.memory_space<vmem>>, vector<16xf32>,
      %mul3A_197 = arith.constant 16 : i32
      %mul3A_198 = arith.muli %scan3A_166, %mul3A_197 : i32
      %add3A_199 = arith.constant 1 : i32
      %add3A_200 = arith.addi %mul3A_198, %add3A_199 : i32
      %get3A_201 = arith.index_cast %add3A_200 : i32 to index
      %get3A_202 = arith.constant 0 : index
      %get3A_203 = tpu.vector_load %arg6[%get3A_201, %get3A_202] {strides = array<i32>} : memref<800x32xf32, #tpu.memory_space<vmem>>, vector<16xf32>,
      %get3A_204 = arith.index_cast %add3A_200 : i32 to index
      %get3A_205 = arith.constant 0 : index
      %get3A_206 = tpu.vector_load %arg7[%get3A_204, %get3A_205] {strides = array<i32>} : memref<800x32xf32, #tpu.memory_space<vmem>>, vector<16xf32>,
      %add3A_207 = arith.addf %get3A_203, %get3A_206 : vector<16xf32>
      %get3A_208 = arith.index_cast %add3A_200 : i32 to index
      %get3A_209 = arith.constant 16 : index
      %get3A_210 = tpu.vector_load %arg6[%get3A_208, %get3A_209] {strides = array<i32>} : memref<800x32xf32, #tpu.memory_space<vmem>>, vector<16xf32>,
      %get3A_211 = arith.index_cast %add3A_200 : i32 to index
      %get3A_212 = arith.constant 16 : index
      %get3A_213 = tpu.vector_load %arg7[%get3A_211, %get3A_212] {strides = array<i32>} : memref<800x32xf32, #tpu.memory_space<vmem>>, vector<16xf32>,
      %add3A_214 = arith.addf %get3A_210, %get3A_213 : vector<16xf32>
      %min3A_215 = arith.constant 4.095000e+03 : f32
      %min3A_216 = vector.broadcast %min3A_215 : f32 to vector<16xf32>
      %min3A_217 = arith.minimumf %add3A_214, %min3A_216 : vector<16xf32>
      %convert_element_type3A_218 = arith.fptosi %min3A_217 : vector<16xf32> to vector<16xi32>
      %gather3A_219 = tpu.vector_load_idx %arg10[%convert_element_type3A_218] : memref<4096xf32, #tpu.memory_space<vmem>>[vector<16xi32>], vector<16xf32>,
      %mul3A_220 = arith.mulf %add3A_207, %gather3A_219 : vector<16xf32>
      %get3A_221 = arith.index_cast %add3A_200 : i32 to index
      %get3A_222 = arith.constant 0 : index
      %get3A_223 = tpu.vector_load %arg8[%get3A_221, %get3A_222] {strides = array<i32>} : memref<800x16xf32, #tpu.memory_space<vmem>>, vector<16xf32>,
      %add3A_224 = arith.addf %mul3A_220, %get3A_223 : vector<16xf32>
      %mul3A_225 = arith.constant 2 : i32
      %mul3A_226 = arith.muli %mul3A_225, %scan3A_166 : i32
      %add3A_227 = arith.constant 0 : i32
      %add3A_228 = arith.addi %mul3A_226, %add3A_227 : i32
      %swap3A_229 = arith.index_cast %add3A_228 : i32 to index
      %swap3A_230 = arith.constant 16 : index
      %swap3A_231 = tpu.vector_load %arg9[%swap3A_229, %swap3A_230] {strides = array<i32>} : memref<100x128xf32, #tpu.memory_space<vmem>>, vector<16xf32>,
      tpu.vector_store %arg9[%swap3A_229, %swap3A_230], %add3A_224 {strides = array<i32>} : memref<100x128xf32, #tpu.memory_space<vmem>>, vector<16xf32>,
      %mul3A_232 = arith.constant 16 : i32
      %mul3A_233 = arith.muli %scan3A_166, %mul3A_232 : i32
      %add3A_234 = arith.constant 2 : i32
      %add3A_235 = arith.addi %mul3A_233, %add3A_234 : i32
      %get3A_236 = arith.index_cast %add3A_235 : i32 to index
      %get3A_237 = arith.constant 0 : index
      %get3A_238 = tpu.vector_load %arg6[%get3A_236, %get3A_237] {strides = array<i32>} : memref<800x32xf32, #tpu.memory_space<vmem>>, vector<16xf32>,
      %get3A_239 = arith.index_cast %add3A_235 : i32 to index
      %get3A_240 = arith.constant 0 : index
      %get3A_241 = tpu.vector_load %arg7[%get3A_239, %get3A_240] {strides = array<i32>} : memref<800x32xf32, #tpu.memory_space<vmem>>, vector<16xf32>,
      %add3A_242 = arith.addf %get3A_238, %get3A_241 : vector<16xf32>
      %get3A_243 = arith.index_cast %add3A_235 : i32 to index
      %get3A_244 = arith.constant 16 : index
      %get3A_245 = tpu.vector_load %arg6[%get3A_243, %get3A_244] {strides = array<i32>} : memref<800x32xf32, #tpu.memory_space<vmem>>, vector<16xf32>,
      %get3A_246 = arith.index_cast %add3A_235 : i32 to index
      %get3A_247 = arith.constant 16 : index
      %get3A_248 = tpu.vector_load %arg7[%get3A_246, %get3A_247] {strides = array<i32>} : memref<800x32xf32, #tpu.memory_space<vmem>>, vector<16xf32>,
      %add3A_249 = arith.addf %get3A_245, %get3A_248 : vector<16xf32>
      %min3A_250 = arith.constant 4.095000e+03 : f32
      %min3A_251 = vector.broadcast %min3A_250 : f32 to vector<16xf32>
      %min3A_252 = arith.minimumf %add3A_249, %min3A_251 : vector<16xf32>
      %convert_element_type3A_253 = arith.fptosi %min3A_252 : vector<16xf32> to vector<16xi32>
      %gather3A_254 = tpu.vector_load_idx %arg10[%convert_element_type3A_253] : memref<4096xf32, #tpu.memory_space<vmem>>[vector<16xi32>], vector<16xf32>,
      %mul3A_255 = arith.mulf %add3A_242, %gather3A_254 : vector<16xf32>
      %get3A_256 = arith.index_cast %add3A_235 : i32 to index
      %get3A_257 = arith.constant 0 : index
      %get3A_258 = tpu.vector_load %arg8[%get3A_256, %get3A_257] {strides = array<i32>} : memref<800x16xf32, #tpu.memory_space<vmem>>, vector<16xf32>,
      %add3A_259 = arith.addf %mul3A_255, %get3A_258 : vector<16xf32>
      %mul3A_260 = arith.constant 2 : i32
      %mul3A_261 = arith.muli %mul3A_260, %scan3A_166 : i32
      %add3A_262 = arith.constant 0 : i32
      %add3A_263 = arith.addi %mul3A_261, %add3A_262 : i32
      %swap3A_264 = arith.index_cast %add3A_263 : i32 to index
      %swap3A_265 = arith.constant 32 : index
      %swap3A_266 = tpu.vector_load %arg9[%swap3A_264, %swap3A_265] {strides = array<i32>} : memref<100x128xf32, #tpu.memory_space<vmem>>, vector<16xf32>,
      tpu.vector_store %arg9[%swap3A_264, %swap3A_265], %add3A_259 {strides = array<i32>} : memref<100x128xf32, #tpu.memory_space<vmem>>, vector<16xf32>,
      %mul3A_267 = arith.constant 16 : i32
      %mul3A_268 = arith.muli %scan3A_166, %mul3A_267 : i32
      %add3A_269 = arith.constant 3 : i32
      %add3A_270 = arith.addi %mul3A_268, %add3A_269 : i32
      %get3A_271 = arith.index_cast %add3A_270 : i32 to index
      %get3A_272 = arith.constant 0 : index
      %get3A_273 = tpu.vector_load %arg6[%get3A_271, %get3A_272] {strides = array<i32>} : memref<800x32xf32, #tpu.memory_space<vmem>>, vector<16xf32>,
      %get3A_274 = arith.index_cast %add3A_270 : i32 to index
      %get3A_275 = arith.constant 0 : index
      %get3A_276 = tpu.vector_load %arg7[%get3A_274, %get3A_275] {strides = array<i32>} : memref<800x32xf32, #tpu.memory_space<vmem>>, vector<16xf32>,
      %add3A_277 = arith.addf %get3A_273, %get3A_276 : vector<16xf32>
      %get3A_278 = arith.index_cast %add3A_270 : i32 to index
      %get3A_279 = arith.constant 16 : index
      %get3A_280 = tpu.vector_load %arg6[%get3A_278, %get3A_279] {strides = array<i32>} : memref<800x32xf32, #tpu.memory_space<vmem>>, vector<16xf32>,
      %get3A_281 = arith.index_cast %add3A_270 : i32 to index
      %get3A_282 = arith.constant 16 : index
      %get3A_283 = tpu.vector_load %arg7[%get3A_281, %get3A_282] {strides = array<i32>} : memref<800x32xf32, #tpu.memory_space<vmem>>, vector<16xf32>,
      %add3A_284 = arith.addf %get3A_280, %get3A_283 : vector<16xf32>
      %min3A_285 = arith.constant 4.095000e+03 : f32
      %min3A_286 = vector.broadcast %min3A_285 : f32 to vector<16xf32>
      %min3A_287 = arith.minimumf %add3A_284, %min3A_286 : vector<16xf32>
      %convert_element_type3A_288 = arith.fptosi %min3A_287 : vector<16xf32> to vector<16xi32>
      %gather3A_289 = tpu.vector_load_idx %arg10[%convert_element_type3A_288] : memref<4096xf32, #tpu.memory_space<vmem>>[vector<16xi32>], vector<16xf32>,
      %mul3A_290 = arith.mulf %add3A_277, %gather3A_289 : vector<16xf32>
      %get3A_291 = arith.index_cast %add3A_270 : i32 to index
      %get3A_292 = arith.constant 0 : index
      %get3A_293 = tpu.vector_load %arg8[%get3A_291, %get3A_292] {strides = array<i32>} : memref<800x16xf32, #tpu.memory_space<vmem>>, vector<16xf32>,
      %add3A_294 = arith.addf %mul3A_290, %get3A_293 : vector<16xf32>
      %mul3A_295 = arith.constant 2 : i32
      %mul3A_296 = arith.muli %mul3A_295, %scan3A_166 : i32
      %add3A_297 = arith.constant 0 : i32
      %add3A_298 = arith.addi %mul3A_296, %add3A_297 : i32
      %swap3A_299 = arith.index_cast %add3A_298 : i32 to index
      %swap3A_300 = arith.constant 48 : index
      %swap3A_301 = tpu.vector_load %arg9[%swap3A_299, %swap3A_300] {strides = array<i32>} : memref<100x128xf32, #tpu.memory_space<vmem>>, vector<16xf32>,
      tpu.vector_store %arg9[%swap3A_299, %swap3A_300], %add3A_294 {strides = array<i32>} : memref<100x128xf32, #tpu.memory_space<vmem>>, vector<16xf32>,
      %mul3A_302 = arith.constant 16 : i32
      %mul3A_303 = arith.muli %scan3A_166, %mul3A_302 : i32
      %add3A_304 = arith.constant 4 : i32
      %add3A_305 = arith.addi %mul3A_303, %add3A_304 : i32
      %get3A_306 = arith.index_cast %add3A_305 : i32 to index
      %get3A_307 = arith.constant 0 : index
      %get3A_308 = tpu.vector_load %arg6[%get3A_306, %get3A_307] {strides = array<i32>} : memref<800x32xf32, #tpu.memory_space<vmem>>, vector<16xf32>,
      %get3A_309 = arith.index_cast %add3A_305 : i32 to index
      %get3A_310 = arith.constant 0 : index
      %get3A_311 = tpu.vector_load %arg7[%get3A_309, %get3A_310] {strides = array<i32>} : memref<800x32xf32, #tpu.memory_space<vmem>>, vector<16xf32>,
      %add3A_312 = arith.addf %get3A_308, %get3A_311 : vector<16xf32>
      %get3A_313 = arith.index_cast %add3A_305 : i32 to index
      %get3A_314 = arith.constant 16 : index
      %get3A_315 = tpu.vector_load %arg6[%get3A_313, %get3A_314] {strides = array<i32>} : memref<800x32xf32, #tpu.memory_space<vmem>>, vector<16xf32>,
      %get3A_316 = arith.index_cast %add3A_305 : i32 to index
      %get3A_317 = arith.constant 16 : index
      %get3A_318 = tpu.vector_load %arg7[%get3A_316, %get3A_317] {strides = array<i32>} : memref<800x32xf32, #tpu.memory_space<vmem>>, vector<16xf32>,
      %add3A_319 = arith.addf %get3A_315, %get3A_318 : vector<16xf32>
      %min3A_320 = arith.constant 4.095000e+03 : f32
      %min3A_321 = vector.broadcast %min3A_320 : f32 to vector<16xf32>
      %min3A_322 = arith.minimumf %add3A_319, %min3A_321 : vector<16xf32>
      %convert_element_type3A_323 = arith.fptosi %min3A_322 : vector<16xf32> to vector<16xi32>
      %gather3A_324 = tpu.vector_load_idx %arg10[%convert_element_type3A_323] : memref<4096xf32, #tpu.memory_space<vmem>>[vector<16xi32>], vector<16xf32>,
      %mul3A_325 = arith.mulf %add3A_312, %gather3A_324 : vector<16xf32>
      %get3A_326 = arith.index_cast %add3A_305 : i32 to index
      %get3A_327 = arith.constant 0 : index
      %get3A_328 = tpu.vector_load %arg8[%get3A_326, %get3A_327] {strides = array<i32>} : memref<800x16xf32, #tpu.memory_space<vmem>>, vector<16xf32>,
      %add3A_329 = arith.addf %mul3A_325, %get3A_328 : vector<16xf32>
      %mul3A_330 = arith.constant 2 : i32
      %mul3A_331 = arith.muli %mul3A_330, %scan3A_166 : i32
      %add3A_332 = arith.constant 0 : i32
      %add3A_333 = arith.addi %mul3A_331, %add3A_332 : i32
      %swap3A_334 = arith.index_cast %add3A_333 : i32 to index
      %swap3A_335 = arith.constant 64 : index
      %swap3A_336 = tpu.vector_load %arg9[%swap3A_334, %swap3A_335] {strides = array<i32>} : memref<100x128xf32, #tpu.memory_space<vmem>>, vector<16xf32>,
      tpu.vector_store %arg9[%swap3A_334, %swap3A_335], %add3A_329 {strides = array<i32>} : memref<100x128xf32, #tpu.memory_space<vmem>>, vector<16xf32>,
      %mul3A_337 = arith.constant 16 : i32
      %mul3A_338 = arith.muli %scan3A_166, %mul3A_337 : i32
      %add3A_339 = arith.constant 5 : i32
      %add3A_340 = arith.addi %mul3A_338, %add3A_339 : i32
      %get3A_341 = arith.index_cast %add3A_340 : i32 to index
      %get3A_342 = arith.constant 0 : index
      %get3A_343 = tpu.vector_load %arg6[%get3A_341, %get3A_342] {strides = array<i32>} : memref<800x32xf32, #tpu.memory_space<vmem>>, vector<16xf32>,
      %get3A_344 = arith.index_cast %add3A_340 : i32 to index
      %get3A_345 = arith.constant 0 : index
      %get3A_346 = tpu.vector_load %arg7[%get3A_344, %get3A_345] {strides = array<i32>} : memref<800x32xf32, #tpu.memory_space<vmem>>, vector<16xf32>,
      %add3A_347 = arith.addf %get3A_343, %get3A_346 : vector<16xf32>
      %get3A_348 = arith.index_cast %add3A_340 : i32 to index
      %get3A_349 = arith.constant 16 : index
      %get3A_350 = tpu.vector_load %arg6[%get3A_348, %get3A_349] {strides = array<i32>} : memref<800x32xf32, #tpu.memory_space<vmem>>, vector<16xf32>,
      %get3A_351 = arith.index_cast %add3A_340 : i32 to index
      %get3A_352 = arith.constant 16 : index
      %get3A_353 = tpu.vector_load %arg7[%get3A_351, %get3A_352] {strides = array<i32>} : memref<800x32xf32, #tpu.memory_space<vmem>>, vector<16xf32>,
      %add3A_354 = arith.addf %get3A_350, %get3A_353 : vector<16xf32>
      %min3A_355 = arith.constant 4.095000e+03 : f32
      %min3A_356 = vector.broadcast %min3A_355 : f32 to vector<16xf32>
      %min3A_357 = arith.minimumf %add3A_354, %min3A_356 : vector<16xf32>
      %convert_element_type3A_358 = arith.fptosi %min3A_357 : vector<16xf32> to vector<16xi32>
      %gather3A_359 = tpu.vector_load_idx %arg10[%convert_element_type3A_358] : memref<4096xf32, #tpu.memory_space<vmem>>[vector<16xi32>], vector<16xf32>,
      %mul3A_360 = arith.mulf %add3A_347, %gather3A_359 : vector<16xf32>
      %get3A_361 = arith.index_cast %add3A_340 : i32 to index
      %get3A_362 = arith.constant 0 : index
      %get3A_363 = tpu.vector_load %arg8[%get3A_361, %get3A_362] {strides = array<i32>} : memref<800x16xf32, #tpu.memory_space<vmem>>, vector<16xf32>,
      %add3A_364 = arith.addf %mul3A_360, %get3A_363 : vector<16xf32>
      %mul3A_365 = arith.constant 2 : i32
      %mul3A_366 = arith.muli %mul3A_365, %scan3A_166 : i32
      %add3A_367 = arith.constant 0 : i32
      %add3A_368 = arith.addi %mul3A_366, %add3A_367 : i32
      %swap3A_369 = arith.index_cast %add3A_368 : i32 to index
      %swap3A_370 = arith.constant 80 : index
      %swap3A_371 = tpu.vector_load %arg9[%swap3A_369, %swap3A_370] {strides = array<i32>} : memref<100x128xf32, #tpu.memory_space<vmem>>, vector<16xf32>,
      tpu.vector_store %arg9[%swap3A_369, %swap3A_370], %add3A_364 {strides = array<i32>} : memref<100x128xf32, #tpu.memory_space<vmem>>, vector<16xf32>,
      %mul3A_372 = arith.constant 16 : i32
      %mul3A_373 = arith.muli %scan3A_166, %mul3A_372 : i32
      %add3A_374 = arith.constant 6 : i32
      %add3A_375 = arith.addi %mul3A_373, %add3A_374 : i32
      %get3A_376 = arith.index_cast %add3A_375 : i32 to index
      %get3A_377 = arith.constant 0 : index
      %get3A_378 = tpu.vector_load %arg6[%get3A_376, %get3A_377] {strides = array<i32>} : memref<800x32xf32, #tpu.memory_space<vmem>>, vector<16xf32>,
      %get3A_379 = arith.index_cast %add3A_375 : i32 to index
      %get3A_380 = arith.constant 0 : index
      %get3A_381 = tpu.vector_load %arg7[%get3A_379, %get3A_380] {strides = array<i32>} : memref<800x32xf32, #tpu.memory_space<vmem>>, vector<16xf32>,
      %add3A_382 = arith.addf %get3A_378, %get3A_381 : vector<16xf32>
      %get3A_383 = arith.index_cast %add3A_375 : i32 to index
      %get3A_384 = arith.constant 16 : index
      %get3A_385 = tpu.vector_load %arg6[%get3A_383, %get3A_384] {strides = array<i32>} : memref<800x32xf32, #tpu.memory_space<vmem>>, vector<16xf32>,
      %get3A_386 = arith.index_cast %add3A_375 : i32 to index
      %get3A_387 = arith.constant 16 : index
      %get3A_388 = tpu.vector_load %arg7[%get3A_386, %get3A_387] {strides = array<i32>} : memref<800x32xf32, #tpu.memory_space<vmem>>, vector<16xf32>,
      %add3A_389 = arith.addf %get3A_385, %get3A_388 : vector<16xf32>
      %min3A_390 = arith.constant 4.095000e+03 : f32
      %min3A_391 = vector.broadcast %min3A_390 : f32 to vector<16xf32>
      %min3A_392 = arith.minimumf %add3A_389, %min3A_391 : vector<16xf32>
      %convert_element_type3A_393 = arith.fptosi %min3A_392 : vector<16xf32> to vector<16xi32>
      %gather3A_394 = tpu.vector_load_idx %arg10[%convert_element_type3A_393] : memref<4096xf32, #tpu.memory_space<vmem>>[vector<16xi32>], vector<16xf32>,
      %mul3A_395 = arith.mulf %add3A_382, %gather3A_394 : vector<16xf32>
      %get3A_396 = arith.index_cast %add3A_375 : i32 to index
      %get3A_397 = arith.constant 0 : index
      %get3A_398 = tpu.vector_load %arg8[%get3A_396, %get3A_397] {strides = array<i32>} : memref<800x16xf32, #tpu.memory_space<vmem>>, vector<16xf32>,
      %add3A_399 = arith.addf %mul3A_395, %get3A_398 : vector<16xf32>
      %mul3A_400 = arith.constant 2 : i32
      %mul3A_401 = arith.muli %mul3A_400, %scan3A_166 : i32
      %add3A_402 = arith.constant 0 : i32
      %add3A_403 = arith.addi %mul3A_401, %add3A_402 : i32
      %swap3A_404 = arith.index_cast %add3A_403 : i32 to index
      %swap3A_405 = arith.constant 96 : index
      %swap3A_406 = tpu.vector_load %arg9[%swap3A_404, %swap3A_405] {strides = array<i32>} : memref<100x128xf32, #tpu.memory_space<vmem>>, vector<16xf32>,
      tpu.vector_store %arg9[%swap3A_404, %swap3A_405], %add3A_399 {strides = array<i32>} : memref<100x128xf32, #tpu.memory_space<vmem>>, vector<16xf32>,
      %mul3A_407 = arith.constant 16 : i32
      %mul3A_408 = arith.muli %scan3A_166, %mul3A_407 : i32
      %add3A_409 = arith.constant 7 : i32
      %add3A_410 = arith.addi %mul3A_408, %add3A_409 : i32
      %get3A_411 = arith.index_cast %add3A_410 : i32 to index
      %get3A_412 = arith.constant 0 : index
      %get3A_413 = tpu.vector_load %arg6[%get3A_411, %get3A_412] {strides = array<i32>} : memref<800x32xf32, #tpu.memory_space<vmem>>, vector<16xf32>,
      %get3A_414 = arith.index_cast %add3A_410 : i32 to index
      %get3A_415 = arith.constant 0 : index
      %get3A_416 = tpu.vector_load %arg7[%get3A_414, %get3A_415] {strides = array<i32>} : memref<800x32xf32, #tpu.memory_space<vmem>>, vector<16xf32>,
      %add3A_417 = arith.addf %get3A_413, %get3A_416 : vector<16xf32>
      %get3A_418 = arith.index_cast %add3A_410 : i32 to index
      %get3A_419 = arith.constant 16 : index
      %get3A_420 = tpu.vector_load %arg6[%get3A_418, %get3A_419] {strides = array<i32>} : memref<800x32xf32, #tpu.memory_space<vmem>>, vector<16xf32>,
      %get3A_421 = arith.index_cast %add3A_410 : i32 to index
      %get3A_422 = arith.constant 16 : index
      %get3A_423 = tpu.vector_load %arg7[%get3A_421, %get3A_422] {strides = array<i32>} : memref<800x32xf32, #tpu.memory_space<vmem>>, vector<16xf32>,
      %add3A_424 = arith.addf %get3A_420, %get3A_423 : vector<16xf32>
      %min3A_425 = arith.constant 4.095000e+03 : f32
      %min3A_426 = vector.broadcast %min3A_425 : f32 to vector<16xf32>
      %min3A_427 = arith.minimumf %add3A_424, %min3A_426 : vector<16xf32>
      %convert_element_type3A_428 = arith.fptosi %min3A_427 : vector<16xf32> to vector<16xi32>
      %gather3A_429 = tpu.vector_load_idx %arg10[%convert_element_type3A_428] : memref<4096xf32, #tpu.memory_space<vmem>>[vector<16xi32>], vector<16xf32>,
      %mul3A_430 = arith.mulf %add3A_417, %gather3A_429 : vector<16xf32>
      %get3A_431 = arith.index_cast %add3A_410 : i32 to index
      %get3A_432 = arith.constant 0 : index
      %get3A_433 = tpu.vector_load %arg8[%get3A_431, %get3A_432] {strides = array<i32>} : memref<800x16xf32, #tpu.memory_space<vmem>>, vector<16xf32>,
      %add3A_434 = arith.addf %mul3A_430, %get3A_433 : vector<16xf32>
      %mul3A_435 = arith.constant 2 : i32
      %mul3A_436 = arith.muli %mul3A_435, %scan3A_166 : i32
      %add3A_437 = arith.constant 0 : i32
      %add3A_438 = arith.addi %mul3A_436, %add3A_437 : i32
      %swap3A_439 = arith.index_cast %add3A_438 : i32 to index
      %swap3A_440 = arith.constant 112 : index
      %swap3A_441 = tpu.vector_load %arg9[%swap3A_439, %swap3A_440] {strides = array<i32>} : memref<100x128xf32, #tpu.memory_space<vmem>>, vector<16xf32>,
      tpu.vector_store %arg9[%swap3A_439, %swap3A_440], %add3A_434 {strides = array<i32>} : memref<100x128xf32, #tpu.memory_space<vmem>>, vector<16xf32>,
      %mul3A_442 = arith.constant 16 : i32
      %mul3A_443 = arith.muli %scan3A_166, %mul3A_442 : i32
      %add3A_444 = arith.constant 8 : i32
      %add3A_445 = arith.addi %mul3A_443, %add3A_444 : i32
      %get3A_446 = arith.index_cast %add3A_445 : i32 to index
      %get3A_447 = arith.constant 0 : index
      %get3A_448 = tpu.vector_load %arg6[%get3A_446, %get3A_447] {strides = array<i32>} : memref<800x32xf32, #tpu.memory_space<vmem>>, vector<16xf32>,
      %get3A_449 = arith.index_cast %add3A_445 : i32 to index
      %get3A_450 = arith.constant 0 : index
      %get3A_451 = tpu.vector_load %arg7[%get3A_449, %get3A_450] {strides = array<i32>} : memref<800x32xf32, #tpu.memory_space<vmem>>, vector<16xf32>,
      %add3A_452 = arith.addf %get3A_448, %get3A_451 : vector<16xf32>
      %get3A_453 = arith.index_cast %add3A_445 : i32 to index
      %get3A_454 = arith.constant 16 : index
      %get3A_455 = tpu.vector_load %arg6[%get3A_453, %get3A_454] {strides = array<i32>} : memref<800x32xf32, #tpu.memory_space<vmem>>, vector<16xf32>,
      %get3A_456 = arith.index_cast %add3A_445 : i32 to index
      %get3A_457 = arith.constant 16 : index
      %get3A_458 = tpu.vector_load %arg7[%get3A_456, %get3A_457] {strides = array<i32>} : memref<800x32xf32, #tpu.memory_space<vmem>>, vector<16xf32>,
      %add3A_459 = arith.addf %get3A_455, %get3A_458 : vector<16xf32>
      %min3A_460 = arith.constant 4.095000e+03 : f32
      %min3A_461 = vector.broadcast %min3A_460 : f32 to vector<16xf32>
      %min3A_462 = arith.minimumf %add3A_459, %min3A_461 : vector<16xf32>
      %convert_element_type3A_463 = arith.fptosi %min3A_462 : vector<16xf32> to vector<16xi32>
      %gather3A_464 = tpu.vector_load_idx %arg10[%convert_element_type3A_463] : memref<4096xf32, #tpu.memory_space<vmem>>[vector<16xi32>], vector<16xf32>,
      %mul3A_465 = arith.mulf %add3A_452, %gather3A_464 : vector<16xf32>
      %get3A_466 = arith.index_cast %add3A_445 : i32 to index
      %get3A_467 = arith.constant 0 : index
      %get3A_468 = tpu.vector_load %arg8[%get3A_466, %get3A_467] {strides = array<i32>} : memref<800x16xf32, #tpu.memory_space<vmem>>, vector<16xf32>,
      %add3A_469 = arith.addf %mul3A_465, %get3A_468 : vector<16xf32>
      %mul3A_470 = arith.constant 2 : i32
      %mul3A_471 = arith.muli %mul3A_470, %scan3A_166 : i32
      %add3A_472 = arith.constant 1 : i32
      %add3A_473 = arith.addi %mul3A_471, %add3A_472 : i32
      %swap3A_474 = arith.index_cast %add3A_473 : i32 to index
      %swap3A_475 = arith.constant 0 : index
      %swap3A_476 = tpu.vector_load %arg9[%swap3A_474, %swap3A_475] {strides = array<i32>} : memref<100x128xf32, #tpu.memory_space<vmem>>, vector<16xf32>,
      tpu.vector_store %arg9[%swap3A_474, %swap3A_475], %add3A_469 {strides = array<i32>} : memref<100x128xf32, #tpu.memory_space<vmem>>, vector<16xf32>,
      %mul3A_477 = arith.constant 16 : i32
      %mul3A_478 = arith.muli %scan3A_166, %mul3A_477 : i32
      %add3A_479 = arith.constant 9 : i32
      %add3A_480 = arith.addi %mul3A_478, %add3A_479 : i32
      %get3A_481 = arith.index_cast %add3A_480 : i32 to index
      %get3A_482 = arith.constant 0 : index
      %get3A_483 = tpu.vector_load %arg6[%get3A_481, %get3A_482] {strides = array<i32>} : memref<800x32xf32, #tpu.memory_space<vmem>>, vector<16xf32>,
      %get3A_484 = arith.index_cast %add3A_480 : i32 to index
      %get3A_485 = arith.constant 0 : index
      %get3A_486 = tpu.vector_load %arg7[%get3A_484, %get3A_485] {strides = array<i32>} : memref<800x32xf32, #tpu.memory_space<vmem>>, vector<16xf32>,
      %add3A_487 = arith.addf %get3A_483, %get3A_486 : vector<16xf32>
      %get3A_488 = arith.index_cast %add3A_480 : i32 to index
      %get3A_489 = arith.constant 16 : index
      %get3A_490 = tpu.vector_load %arg6[%get3A_488, %get3A_489] {strides = array<i32>} : memref<800x32xf32, #tpu.memory_space<vmem>>, vector<16xf32>,
      %get3A_491 = arith.index_cast %add3A_480 : i32 to index
      %get3A_492 = arith.constant 16 : index
      %get3A_493 = tpu.vector_load %arg7[%get3A_491, %get3A_492] {strides = array<i32>} : memref<800x32xf32, #tpu.memory_space<vmem>>, vector<16xf32>,
      %add3A_494 = arith.addf %get3A_490, %get3A_493 : vector<16xf32>
      %min3A_495 = arith.constant 4.095000e+03 : f32
      %min3A_496 = vector.broadcast %min3A_495 : f32 to vector<16xf32>
      %min3A_497 = arith.minimumf %add3A_494, %min3A_496 : vector<16xf32>
      %convert_element_type3A_498 = arith.fptosi %min3A_497 : vector<16xf32> to vector<16xi32>
      %gather3A_499 = tpu.vector_load_idx %arg10[%convert_element_type3A_498] : memref<4096xf32, #tpu.memory_space<vmem>>[vector<16xi32>], vector<16xf32>,
      %mul3A_500 = arith.mulf %add3A_487, %gather3A_499 : vector<16xf32>
      %get3A_501 = arith.index_cast %add3A_480 : i32 to index
      %get3A_502 = arith.constant 0 : index
      %get3A_503 = tpu.vector_load %arg8[%get3A_501, %get3A_502] {strides = array<i32>} : memref<800x16xf32, #tpu.memory_space<vmem>>, vector<16xf32>,
      %add3A_504 = arith.addf %mul3A_500, %get3A_503 : vector<16xf32>
      %mul3A_505 = arith.constant 2 : i32
      %mul3A_506 = arith.muli %mul3A_505, %scan3A_166 : i32
      %add3A_507 = arith.constant 1 : i32
      %add3A_508 = arith.addi %mul3A_506, %add3A_507 : i32
      %swap3A_509 = arith.index_cast %add3A_508 : i32 to index
      %swap3A_510 = arith.constant 16 : index
      %swap3A_511 = tpu.vector_load %arg9[%swap3A_509, %swap3A_510] {strides = array<i32>} : memref<100x128xf32, #tpu.memory_space<vmem>>, vector<16xf32>,
      tpu.vector_store %arg9[%swap3A_509, %swap3A_510], %add3A_504 {strides = array<i32>} : memref<100x128xf32, #tpu.memory_space<vmem>>, vector<16xf32>,
      %mul3A_512 = arith.constant 16 : i32
      %mul3A_513 = arith.muli %scan3A_166, %mul3A_512 : i32
      %add3A_514 = arith.constant 10 : i32
      %add3A_515 = arith.addi %mul3A_513, %add3A_514 : i32
      %get3A_516 = arith.index_cast %add3A_515 : i32 to index
      %get3A_517 = arith.constant 0 : index
      %get3A_518 = tpu.vector_load %arg6[%get3A_516, %get3A_517] {strides = array<i32>} : memref<800x32xf32, #tpu.memory_space<vmem>>, vector<16xf32>,
      %get3A_519 = arith.index_cast %add3A_515 : i32 to index
      %get3A_520 = arith.constant 0 : index
      %get3A_521 = tpu.vector_load %arg7[%get3A_519, %get3A_520] {strides = array<i32>} : memref<800x32xf32, #tpu.memory_space<vmem>>, vector<16xf32>,
      %add3A_522 = arith.addf %get3A_518, %get3A_521 : vector<16xf32>
      %get3A_523 = arith.index_cast %add3A_515 : i32 to index
      %get3A_524 = arith.constant 16 : index
      %get3A_525 = tpu.vector_load %arg6[%get3A_523, %get3A_524] {strides = array<i32>} : memref<800x32xf32, #tpu.memory_space<vmem>>, vector<16xf32>,
      %get3A_526 = arith.index_cast %add3A_515 : i32 to index
      %get3A_527 = arith.constant 16 : index
      %get3A_528 = tpu.vector_load %arg7[%get3A_526, %get3A_527] {strides = array<i32>} : memref<800x32xf32, #tpu.memory_space<vmem>>, vector<16xf32>,
      %add3A_529 = arith.addf %get3A_525, %get3A_528 : vector<16xf32>
      %min3A_530 = arith.constant 4.095000e+03 : f32
      %min3A_531 = vector.broadcast %min3A_530 : f32 to vector<16xf32>
      %min3A_532 = arith.minimumf %add3A_529, %min3A_531 : vector<16xf32>
      %convert_element_type3A_533 = arith.fptosi %min3A_532 : vector<16xf32> to vector<16xi32>
      %gather3A_534 = tpu.vector_load_idx %arg10[%convert_element_type3A_533] : memref<4096xf32, #tpu.memory_space<vmem>>[vector<16xi32>], vector<16xf32>,
      %mul3A_535 = arith.mulf %add3A_522, %gather3A_534 : vector<16xf32>
      %get3A_536 = arith.index_cast %add3A_515 : i32 to index
      %get3A_537 = arith.constant 0 : index
      %get3A_538 = tpu.vector_load %arg8[%get3A_536, %get3A_537] {strides = array<i32>} : memref<800x16xf32, #tpu.memory_space<vmem>>, vector<16xf32>,
      %add3A_539 = arith.addf %mul3A_535, %get3A_538 : vector<16xf32>
      %mul3A_540 = arith.constant 2 : i32
      %mul3A_541 = arith.muli %mul3A_540, %scan3A_166 : i32
      %add3A_542 = arith.constant 1 : i32
      %add3A_543 = arith.addi %mul3A_541, %add3A_542 : i32
      %swap3A_544 = arith.index_cast %add3A_543 : i32 to index
      %swap3A_545 = arith.constant 32 : index
      %swap3A_546 = tpu.vector_load %arg9[%swap3A_544, %swap3A_545] {strides = array<i32>} : memref<100x128xf32, #tpu.memory_space<vmem>>, vector<16xf32>,
      tpu.vector_store %arg9[%swap3A_544, %swap3A_545], %add3A_539 {strides = array<i32>} : memref<100x128xf32, #tpu.memory_space<vmem>>, vector<16xf32>,
      %mul3A_547 = arith.constant 16 : i32
      %mul3A_548 = arith.muli %scan3A_166, %mul3A_547 : i32
      %add3A_549 = arith.constant 11 : i32
      %add3A_550 = arith.addi %mul3A_548, %add3A_549 : i32
      %get3A_551 = arith.index_cast %add3A_550 : i32 to index
      %get3A_552 = arith.constant 0 : index
      %get3A_553 = tpu.vector_load %arg6[%get3A_551, %get3A_552] {strides = array<i32>} : memref<800x32xf32, #tpu.memory_space<vmem>>, vector<16xf32>,
      %get3A_554 = arith.index_cast %add3A_550 : i32 to index
      %get3A_555 = arith.constant 0 : index
      %get3A_556 = tpu.vector_load %arg7[%get3A_554, %get3A_555] {strides = array<i32>} : memref<800x32xf32, #tpu.memory_space<vmem>>, vector<16xf32>,
      %add3A_557 = arith.addf %get3A_553, %get3A_556 : vector<16xf32>
      %get3A_558 = arith.index_cast %add3A_550 : i32 to index
      %get3A_559 = arith.constant 16 : index
      %get3A_560 = tpu.vector_load %arg6[%get3A_558, %get3A_559] {strides = array<i32>} : memref<800x32xf32, #tpu.memory_space<vmem>>, vector<16xf32>,
      %get3A_561 = arith.index_cast %add3A_550 : i32 to index
      %get3A_562 = arith.constant 16 : index
      %get3A_563 = tpu.vector_load %arg7[%get3A_561, %get3A_562] {strides = array<i32>} : memref<800x32xf32, #tpu.memory_space<vmem>>, vector<16xf32>,
      %add3A_564 = arith.addf %get3A_560, %get3A_563 : vector<16xf32>
      %min3A_565 = arith.constant 4.095000e+03 : f32
      %min3A_566 = vector.broadcast %min3A_565 : f32 to vector<16xf32>
      %min3A_567 = arith.minimumf %add3A_564, %min3A_566 : vector<16xf32>
      %convert_element_type3A_568 = arith.fptosi %min3A_567 : vector<16xf32> to vector<16xi32>
      %gather3A_569 = tpu.vector_load_idx %arg10[%convert_element_type3A_568] : memref<4096xf32, #tpu.memory_space<vmem>>[vector<16xi32>], vector<16xf32>,
      %mul3A_570 = arith.mulf %add3A_557, %gather3A_569 : vector<16xf32>
      %get3A_571 = arith.index_cast %add3A_550 : i32 to index
      %get3A_572 = arith.constant 0 : index
      %get3A_573 = tpu.vector_load %arg8[%get3A_571, %get3A_572] {strides = array<i32>} : memref<800x16xf32, #tpu.memory_space<vmem>>, vector<16xf32>,
      %add3A_574 = arith.addf %mul3A_570, %get3A_573 : vector<16xf32>
      %mul3A_575 = arith.constant 2 : i32
      %mul3A_576 = arith.muli %mul3A_575, %scan3A_166 : i32
      %add3A_577 = arith.constant 1 : i32
      %add3A_578 = arith.addi %mul3A_576, %add3A_577 : i32
      %swap3A_579 = arith.index_cast %add3A_578 : i32 to index
      %swap3A_580 = arith.constant 48 : index
      %swap3A_581 = tpu.vector_load %arg9[%swap3A_579, %swap3A_580] {strides = array<i32>} : memref<100x128xf32, #tpu.memory_space<vmem>>, vector<16xf32>,
      tpu.vector_store %arg9[%swap3A_579, %swap3A_580], %add3A_574 {strides = array<i32>} : memref<100x128xf32, #tpu.memory_space<vmem>>, vector<16xf32>,
      %mul3A_582 = arith.constant 16 : i32
      %mul3A_583 = arith.muli %scan3A_166, %mul3A_582 : i32
      %add3A_584 = arith.constant 12 : i32
      %add3A_585 = arith.addi %mul3A_583, %add3A_584 : i32
      %get3A_586 = arith.index_cast %add3A_585 : i32 to index
      %get3A_587 = arith.constant 0 : index
      %get3A_588 = tpu.vector_load %arg6[%get3A_586, %get3A_587] {strides = array<i32>} : memref<800x32xf32, #tpu.memory_space<vmem>>, vector<16xf32>,
      %get3A_589 = arith.index_cast %add3A_585 : i32 to index
      %get3A_590 = arith.constant 0 : index
      %get3A_591 = tpu.vector_load %arg7[%get3A_589, %get3A_590] {strides = array<i32>} : memref<800x32xf32, #tpu.memory_space<vmem>>, vector<16xf32>,
      %add3A_592 = arith.addf %get3A_588, %get3A_591 : vector<16xf32>
      %get3A_593 = arith.index_cast %add3A_585 : i32 to index
      %get3A_594 = arith.constant 16 : index
      %get3A_595 = tpu.vector_load %arg6[%get3A_593, %get3A_594] {strides = array<i32>} : memref<800x32xf32, #tpu.memory_space<vmem>>, vector<16xf32>,
      %get3A_596 = arith.index_cast %add3A_585 : i32 to index
      %get3A_597 = arith.constant 16 : index
      %get3A_598 = tpu.vector_load %arg7[%get3A_596, %get3A_597] {strides = array<i32>} : memref<800x32xf32, #tpu.memory_space<vmem>>, vector<16xf32>,
      %add3A_599 = arith.addf %get3A_595, %get3A_598 : vector<16xf32>
      %min3A_600 = arith.constant 4.095000e+03 : f32
      %min3A_601 = vector.broadcast %min3A_600 : f32 to vector<16xf32>
      %min3A_602 = arith.minimumf %add3A_599, %min3A_601 : vector<16xf32>
      %convert_element_type3A_603 = arith.fptosi %min3A_602 : vector<16xf32> to vector<16xi32>
      %gather3A_604 = tpu.vector_load_idx %arg10[%convert_element_type3A_603] : memref<4096xf32, #tpu.memory_space<vmem>>[vector<16xi32>], vector<16xf32>,
      %mul3A_605 = arith.mulf %add3A_592, %gather3A_604 : vector<16xf32>
      %get3A_606 = arith.index_cast %add3A_585 : i32 to index
      %get3A_607 = arith.constant 0 : index
      %get3A_608 = tpu.vector_load %arg8[%get3A_606, %get3A_607] {strides = array<i32>} : memref<800x16xf32, #tpu.memory_space<vmem>>, vector<16xf32>,
      %add3A_609 = arith.addf %mul3A_605, %get3A_608 : vector<16xf32>
      %mul3A_610 = arith.constant 2 : i32
      %mul3A_611 = arith.muli %mul3A_610, %scan3A_166 : i32
      %add3A_612 = arith.constant 1 : i32
      %add3A_613 = arith.addi %mul3A_611, %add3A_612 : i32
      %swap3A_614 = arith.index_cast %add3A_613 : i32 to index
      %swap3A_615 = arith.constant 64 : index
      %swap3A_616 = tpu.vector_load %arg9[%swap3A_614, %swap3A_615] {strides = array<i32>} : memref<100x128xf32, #tpu.memory_space<vmem>>, vector<16xf32>,
      tpu.vector_store %arg9[%swap3A_614, %swap3A_615], %add3A_609 {strides = array<i32>} : memref<100x128xf32, #tpu.memory_space<vmem>>, vector<16xf32>,
      %mul3A_617 = arith.constant 16 : i32
      %mul3A_618 = arith.muli %scan3A_166, %mul3A_617 : i32
      %add3A_619 = arith.constant 13 : i32
      %add3A_620 = arith.addi %mul3A_618, %add3A_619 : i32
      %get3A_621 = arith.index_cast %add3A_620 : i32 to index
      %get3A_622 = arith.constant 0 : index
      %get3A_623 = tpu.vector_load %arg6[%get3A_621, %get3A_622] {strides = array<i32>} : memref<800x32xf32, #tpu.memory_space<vmem>>, vector<16xf32>,
      %get3A_624 = arith.index_cast %add3A_620 : i32 to index
      %get3A_625 = arith.constant 0 : index
      %get3A_626 = tpu.vector_load %arg7[%get3A_624, %get3A_625] {strides = array<i32>} : memref<800x32xf32, #tpu.memory_space<vmem>>, vector<16xf32>,
      %add3A_627 = arith.addf %get3A_623, %get3A_626 : vector<16xf32>
      %get3A_628 = arith.index_cast %add3A_620 : i32 to index
      %get3A_629 = arith.constant 16 : index
      %get3A_630 = tpu.vector_load %arg6[%get3A_628, %get3A_629] {strides = array<i32>} : memref<800x32xf32, #tpu.memory_space<vmem>>, vector<16xf32>,
      %get3A_631 = arith.index_cast %add3A_620 : i32 to index
      %get3A_632 = arith.constant 16 : index
      %get3A_633 = tpu.vector_load %arg7[%get3A_631, %get3A_632] {strides = array<i32>} : memref<800x32xf32, #tpu.memory_space<vmem>>, vector<16xf32>,
      %add3A_634 = arith.addf %get3A_630, %get3A_633 : vector<16xf32>
      %min3A_635 = arith.constant 4.095000e+03 : f32
      %min3A_636 = vector.broadcast %min3A_635 : f32 to vector<16xf32>
      %min3A_637 = arith.minimumf %add3A_634, %min3A_636 : vector<16xf32>
      %convert_element_type3A_638 = arith.fptosi %min3A_637 : vector<16xf32> to vector<16xi32>
      %gather3A_639 = tpu.vector_load_idx %arg10[%convert_element_type3A_638] : memref<4096xf32, #tpu.memory_space<vmem>>[vector<16xi32>], vector<16xf32>,
      %mul3A_640 = arith.mulf %add3A_627, %gather3A_639 : vector<16xf32>
      %get3A_641 = arith.index_cast %add3A_620 : i32 to index
      %get3A_642 = arith.constant 0 : index
      %get3A_643 = tpu.vector_load %arg8[%get3A_641, %get3A_642] {strides = array<i32>} : memref<800x16xf32, #tpu.memory_space<vmem>>, vector<16xf32>,
      %add3A_644 = arith.addf %mul3A_640, %get3A_643 : vector<16xf32>
      %mul3A_645 = arith.constant 2 : i32
      %mul3A_646 = arith.muli %mul3A_645, %scan3A_166 : i32
      %add3A_647 = arith.constant 1 : i32
      %add3A_648 = arith.addi %mul3A_646, %add3A_647 : i32
      %swap3A_649 = arith.index_cast %add3A_648 : i32 to index
      %swap3A_650 = arith.constant 80 : index
      %swap3A_651 = tpu.vector_load %arg9[%swap3A_649, %swap3A_650] {strides = array<i32>} : memref<100x128xf32, #tpu.memory_space<vmem>>, vector<16xf32>,
      tpu.vector_store %arg9[%swap3A_649, %swap3A_650], %add3A_644 {strides = array<i32>} : memref<100x128xf32, #tpu.memory_space<vmem>>, vector<16xf32>,
      %mul3A_652 = arith.constant 16 : i32
      %mul3A_653 = arith.muli %scan3A_166, %mul3A_652 : i32
      %add3A_654 = arith.constant 14 : i32
      %add3A_655 = arith.addi %mul3A_653, %add3A_654 : i32
      %get3A_656 = arith.index_cast %add3A_655 : i32 to index
      %get3A_657 = arith.constant 0 : index
      %get3A_658 = tpu.vector_load %arg6[%get3A_656, %get3A_657] {strides = array<i32>} : memref<800x32xf32, #tpu.memory_space<vmem>>, vector<16xf32>,
      %get3A_659 = arith.index_cast %add3A_655 : i32 to index
      %get3A_660 = arith.constant 0 : index
      %get3A_661 = tpu.vector_load %arg7[%get3A_659, %get3A_660] {strides = array<i32>} : memref<800x32xf32, #tpu.memory_space<vmem>>, vector<16xf32>,
      %add3A_662 = arith.addf %get3A_658, %get3A_661 : vector<16xf32>
      %get3A_663 = arith.index_cast %add3A_655 : i32 to index
      %get3A_664 = arith.constant 16 : index
      %get3A_665 = tpu.vector_load %arg6[%get3A_663, %get3A_664] {strides = array<i32>} : memref<800x32xf32, #tpu.memory_space<vmem>>, vector<16xf32>,
      %get3A_666 = arith.index_cast %add3A_655 : i32 to index
      %get3A_667 = arith.constant 16 : index
      %get3A_668 = tpu.vector_load %arg7[%get3A_666, %get3A_667] {strides = array<i32>} : memref<800x32xf32, #tpu.memory_space<vmem>>, vector<16xf32>,
      %add3A_669 = arith.addf %get3A_665, %get3A_668 : vector<16xf32>
      %min3A_670 = arith.constant 4.095000e+03 : f32
      %min3A_671 = vector.broadcast %min3A_670 : f32 to vector<16xf32>
      %min3A_672 = arith.minimumf %add3A_669, %min3A_671 : vector<16xf32>
      %convert_element_type3A_673 = arith.fptosi %min3A_672 : vector<16xf32> to vector<16xi32>
      %gather3A_674 = tpu.vector_load_idx %arg10[%convert_element_type3A_673] : memref<4096xf32, #tpu.memory_space<vmem>>[vector<16xi32>], vector<16xf32>,
      %mul3A_675 = arith.mulf %add3A_662, %gather3A_674 : vector<16xf32>
      %get3A_676 = arith.index_cast %add3A_655 : i32 to index
      %get3A_677 = arith.constant 0 : index
      %get3A_678 = tpu.vector_load %arg8[%get3A_676, %get3A_677] {strides = array<i32>} : memref<800x16xf32, #tpu.memory_space<vmem>>, vector<16xf32>,
      %add3A_679 = arith.addf %mul3A_675, %get3A_678 : vector<16xf32>
      %mul3A_680 = arith.constant 2 : i32
      %mul3A_681 = arith.muli %mul3A_680, %scan3A_166 : i32
      %add3A_682 = arith.constant 1 : i32
      %add3A_683 = arith.addi %mul3A_681, %add3A_682 : i32
      %swap3A_684 = arith.index_cast %add3A_683 : i32 to index
      %swap3A_685 = arith.constant 96 : index
      %swap3A_686 = tpu.vector_load %arg9[%swap3A_684, %swap3A_685] {strides = array<i32>} : memref<100x128xf32, #tpu.memory_space<vmem>>, vector<16xf32>,
      tpu.vector_store %arg9[%swap3A_684, %swap3A_685], %add3A_679 {strides = array<i32>} : memref<100x128xf32, #tpu.memory_space<vmem>>, vector<16xf32>,
      %mul3A_687 = arith.constant 16 : i32
      %mul3A_688 = arith.muli %scan3A_166, %mul3A_687 : i32
      %add3A_689 = arith.constant 15 : i32
      %add3A_690 = arith.addi %mul3A_688, %add3A_689 : i32
      %get3A_691 = arith.index_cast %add3A_690 : i32 to index
      %get3A_692 = arith.constant 0 : index
      %get3A_693 = tpu.vector_load %arg6[%get3A_691, %get3A_692] {strides = array<i32>} : memref<800x32xf32, #tpu.memory_space<vmem>>, vector<16xf32>,
      %get3A_694 = arith.index_cast %add3A_690 : i32 to index
      %get3A_695 = arith.constant 0 : index
      %get3A_696 = tpu.vector_load %arg7[%get3A_694, %get3A_695] {strides = array<i32>} : memref<800x32xf32, #tpu.memory_space<vmem>>, vector<16xf32>,
      %add3A_697 = arith.addf %get3A_693, %get3A_696 : vector<16xf32>
      %get3A_698 = arith.index_cast %add3A_690 : i32 to index
      %get3A_699 = arith.constant 16 : index
      %get3A_700 = tpu.vector_load %arg6[%get3A_698, %get3A_699] {strides = array<i32>} : memref<800x32xf32, #tpu.memory_space<vmem>>, vector<16xf32>,
      %get3A_701 = arith.index_cast %add3A_690 : i32 to index
      %get3A_702 = arith.constant 16 : index
      %get3A_703 = tpu.vector_load %arg7[%get3A_701, %get3A_702] {strides = array<i32>} : memref<800x32xf32, #tpu.memory_space<vmem>>, vector<16xf32>,
      %add3A_704 = arith.addf %get3A_700, %get3A_703 : vector<16xf32>
      %min3A_705 = arith.constant 4.095000e+03 : f32
      %min3A_706 = vector.broadcast %min3A_705 : f32 to vector<16xf32>
      %min3A_707 = arith.minimumf %add3A_704, %min3A_706 : vector<16xf32>
      %convert_element_type3A_708 = arith.fptosi %min3A_707 : vector<16xf32> to vector<16xi32>
      %gather3A_709 = tpu.vector_load_idx %arg10[%convert_element_type3A_708] : memref<4096xf32, #tpu.memory_space<vmem>>[vector<16xi32>], vector<16xf32>,
      %mul3A_710 = arith.mulf %add3A_697, %gather3A_709 : vector<16xf32>
      %get3A_711 = arith.index_cast %add3A_690 : i32 to index
      %get3A_712 = arith.constant 0 : index
      %get3A_713 = tpu.vector_load %arg8[%get3A_711, %get3A_712] {strides = array<i32>} : memref<800x16xf32, #tpu.memory_space<vmem>>, vector<16xf32>,
      %add3A_714 = arith.addf %mul3A_710, %get3A_713 : vector<16xf32>
      %mul3A_715 = arith.constant 2 : i32
      %mul3A_716 = arith.muli %mul3A_715, %scan3A_166 : i32
      %add3A_717 = arith.constant 1 : i32
      %add3A_718 = arith.addi %mul3A_716, %add3A_717 : i32
      %swap3A_719 = arith.index_cast %add3A_718 : i32 to index
      %swap3A_720 = arith.constant 112 : index
      %swap3A_721 = tpu.vector_load %arg9[%swap3A_719, %swap3A_720] {strides = array<i32>} : memref<100x128xf32, #tpu.memory_space<vmem>>, vector<16xf32>,
      tpu.vector_store %arg9[%swap3A_719, %swap3A_720], %add3A_714 {strides = array<i32>} : memref<100x128xf32, #tpu.memory_space<vmem>>, vector<16xf32>,
    }
    %scan3A_119 = arith.constant 25 : i32
    %add3A_120 = arith.constant 400 : i32
    %add3A_121 = arith.addi %mul3A_2, %add3A_120 : i32
    %dma_wait3A_122 = arith.constant 0 : i32
    %dma_wait3A_123 = arith.constant 400 : i32
    %dma_wait3A_124 = arith.constant 0 : i32
    %dma_wait3A_125 = tpu.memref_slice %arg6[%dma_wait3A_123, %dma_wait3A_124] : memref<800x32xf32, #tpu.memory_space<vmem>> -> memref<400x32xf32, #tpu.memory_space<vmem>>
    %dma_wait3A_126 = arith.constant 0 : i32
    %dma_wait3A_127 = tpu.memref_slice %arg2[%dma_wait3A_122, %add3A_121, %dma_wait3A_126] : memref<2x25600x32xf32, #tpu.memory_space<hbm>> -> memref<1x400x32xf32, #tpu.memory_space<hbm>>
    %dma_wait3A_128 = tpu.memref_squeeze %dma_wait3A_127 : memref<1x400x32xf32, #tpu.memory_space<hbm>> -> memref<400x32xf32, #tpu.memory_space<hbm>>
    %dma_wait3A_129 = arith.constant 400 : i32
    %dma_wait3A_130 = arith.constant 0 : i32
    %dma_wait3A_131 = tpu.memref_slice %arg6[%dma_wait3A_129, %dma_wait3A_130] : memref<800x32xf32, #tpu.memory_space<vmem>> -> memref<400x32xf32, #tpu.memory_space<vmem>>
    %dma_wait3A_132 = arith.constant 0 : i32
    %dma_wait3A_133 = tpu.memref_slice %arg2[%dma_wait3A_122, %add3A_121, %dma_wait3A_132] : memref<2x25600x32xf32, #tpu.memory_space<hbm>> -> memref<1x400x32xf32, #tpu.memory_space<hbm>>
    %dma_wait3A_134 = tpu.memref_squeeze %dma_wait3A_133 : memref<1x400x32xf32, #tpu.memory_space<hbm>> -> memref<400x32xf32, #tpu.memory_space<hbm>>
    tpu.wait_dma2 semaphore(%arg12 : memref<!tpu.dma_semaphore, #tpu.memory_space<semaphore_mem>>) src(%dma_wait3A_134 : memref<400x32xf32, #tpu.memory_space<hbm>>) dst(%dma_wait3A_131 : memref<400x32xf32, #tpu.memory_space<vmem>>)
    %dma_wait3A_135 = arith.constant 1 : i32
    %dma_wait3A_136 = arith.constant 400 : i32
    %dma_wait3A_137 = arith.constant 0 : i32
    %dma_wait3A_138 = tpu.memref_slice %arg7[%dma_wait3A_136, %dma_wait3A_137] : memref<800x32xf32, #tpu.memory_space<vmem>> -> memref<400x32xf32, #tpu.memory_space<vmem>>
    %dma_wait3A_139 = arith.constant 0 : i32
    %dma_wait3A_140 = tpu.memref_slice %arg2[%dma_wait3A_135, %add3A_121, %dma_wait3A_139] : memref<2x25600x32xf32, #tpu.memory_space<hbm>> -> memref<1x400x32xf32, #tpu.memory_space<hbm>>
    %dma_wait3A_141 = tpu.memref_squeeze %dma_wait3A_140 : memref<1x400x32xf32, #tpu.memory_space<hbm>> -> memref<400x32xf32, #tpu.memory_space<hbm>>
    %dma_wait3A_142 = arith.constant 400 : i32
    %dma_wait3A_143 = arith.constant 0 : i32
    %dma_wait3A_144 = tpu.memref_slice %arg7[%dma_wait3A_142, %dma_wait3A_143] : memref<800x32xf32, #tpu.memory_space<vmem>> -> memref<400x32xf32, #tpu.memory_space<vmem>>
    %dma_wait3A_145 = arith.constant 0 : i32
    %dma_wait3A_146 = tpu.memref_slice %arg2[%dma_wait3A_135, %add3A_121, %dma_wait3A_145] : memref<2x25600x32xf32, #tpu.memory_space<hbm>> -> memref<1x400x32xf32, #tpu.memory_space<hbm>>
    %dma_wait3A_147 = tpu.memref_squeeze %dma_wait3A_146 : memref<1x400x32xf32, #tpu.memory_space<hbm>> -> memref<400x32xf32, #tpu.memory_space<hbm>>
    tpu.wait_dma2 semaphore(%arg12 : memref<!tpu.dma_semaphore, #tpu.memory_space<semaphore_mem>>) src(%dma_wait3A_147 : memref<400x32xf32, #tpu.memory_space<hbm>>) dst(%dma_wait3A_144 : memref<400x32xf32, #tpu.memory_space<vmem>>)
    %dma_wait3A_148 = arith.constant 400 : i32
    %dma_wait3A_149 = arith.constant 0 : i32
    %dma_wait3A_150 = tpu.memref_slice %arg8[%dma_wait3A_148, %dma_wait3A_149] : memref<800x16xf32, #tpu.memory_space<vmem>> -> memref<400x16xf32, #tpu.memory_space<vmem>>
    %dma_wait3A_151 = arith.constant 0 : i32
    %dma_wait3A_152 = tpu.memref_slice %arg3[%add3A_121, %dma_wait3A_151] : memref<25600x16xf32, #tpu.memory_space<hbm>> -> memref<400x16xf32, #tpu.memory_space<hbm>>
    %dma_wait3A_153 = arith.constant 400 : i32
    %dma_wait3A_154 = arith.constant 0 : i32
    %dma_wait3A_155 = tpu.memref_slice %arg8[%dma_wait3A_153, %dma_wait3A_154] : memref<800x16xf32, #tpu.memory_space<vmem>> -> memref<400x16xf32, #tpu.memory_space<vmem>>
    %dma_wait3A_156 = arith.constant 0 : i32
    %dma_wait3A_157 = tpu.memref_slice %arg3[%add3A_121, %dma_wait3A_156] : memref<25600x16xf32, #tpu.memory_space<hbm>> -> memref<400x16xf32, #tpu.memory_space<hbm>>
    tpu.wait_dma2 semaphore(%arg12 : memref<!tpu.dma_semaphore, #tpu.memory_space<semaphore_mem>>) src(%dma_wait3A_157 : memref<400x16xf32, #tpu.memory_space<hbm>>) dst(%dma_wait3A_155 : memref<400x16xf32, #tpu.memory_space<vmem>>)
    %scan3A_158 = arith.constant 0 : i32
    %scan3A_159 = arith.constant 25 : i32
    %scan3A_160 = arith.constant 25 : i32
    %scan3A_161 = arith.addi %scan3A_159, %scan3A_160 : i32
    %scan3A_162 = arith.constant 1 : i32
    scf.for %scan3A_166 = %scan3A_159 to %scan3A_161 step %scan3A_162  : i32 {
      %mul3A_167 = arith.constant 16 : i32
      %mul3A_168 = arith.muli %scan3A_166, %mul3A_167 : i32
      %add3A_169 = arith.constant 0 : i32
      %add3A_170 = arith.addi %mul3A_168, %add3A_169 : i32
      %get3A = arith.index_cast %add3A_170 : i32 to index
      %get3A_171 = arith.constant 0 : index
      %get3A_172 = tpu.vector_load %arg6[%get3A, %get3A_171] {strides = array<i32>} : memref<800x32xf32, #tpu.memory_space<vmem>>, vector<16xf32>,
      %get3A_173 = arith.index_cast %add3A_170 : i32 to index
      %get3A_174 = arith.constant 0 : index
      %get3A_175 = tpu.vector_load %arg7[%get3A_173, %get3A_174] {strides = array<i32>} : memref<800x32xf32, #tpu.memory_space<vmem>>, vector<16xf32>,
      %add3A_176 = arith.addf %get3A_172, %get3A_175 : vector<16xf32>
      %get3A_177 = arith.index_cast %add3A_170 : i32 to index
      %get3A_178 = arith.constant 16 : index
      %get3A_179 = tpu.vector_load %arg6[%get3A_177, %get3A_178] {strides = array<i32>} : memref<800x32xf32, #tpu.memory_space<vmem>>, vector<16xf32>,
      %get3A_180 = arith.index_cast %add3A_170 : i32 to index
      %get3A_181 = arith.constant 16 : index
      %get3A_182 = tpu.vector_load %arg7[%get3A_180, %get3A_181] {strides = array<i32>} : memref<800x32xf32, #tpu.memory_space<vmem>>, vector<16xf32>,
      %add3A_183 = arith.addf %get3A_179, %get3A_182 : vector<16xf32>
      %min3A = arith.constant 4.095000e+03 : f32
      %min3A_184 = vector.broadcast %min3A : f32 to vector<16xf32>
      %min3A_185 = arith.minimumf %add3A_183, %min3A_184 : vector<16xf32>
      %convert_element_type3A = arith.fptosi %min3A_185 : vector<16xf32> to vector<16xi32>
      %gather3A = tpu.vector_load_idx %arg10[%convert_element_type3A] : memref<4096xf32, #tpu.memory_space<vmem>>[vector<16xi32>], vector<16xf32>,
      %mul3A_186 = arith.mulf %add3A_176, %gather3A : vector<16xf32>
      %get3A_187 = arith.index_cast %add3A_170 : i32 to index
      %get3A_188 = arith.constant 0 : index
      %get3A_189 = tpu.vector_load %arg8[%get3A_187, %get3A_188] {strides = array<i32>} : memref<800x16xf32, #tpu.memory_space<vmem>>, vector<16xf32>,
      %add3A_190 = arith.addf %mul3A_186, %get3A_189 : vector<16xf32>
      %mul3A_191 = arith.constant 2 : i32
      %mul3A_192 = arith.muli %mul3A_191, %scan3A_166 : i32
      %add3A_193 = arith.constant 0 : i32
      %add3A_194 = arith.addi %mul3A_192, %add3A_193 : i32
      %swap3A = arith.index_cast %add3A_194 : i32 to index
      %swap3A_195 = arith.constant 0 : index
      %swap3A_196 = tpu.vector_load %arg9[%swap3A, %swap3A_195] {strides = array<i32>} : memref<100x128xf32, #tpu.memory_space<vmem>>, vector<16xf32>,
      tpu.vector_store %arg9[%swap3A, %swap3A_195], %add3A_190 {strides = array<i32>} : memref<100x128xf32, #tpu.memory_space<vmem>>, vector<16xf32>,
      %mul3A_197 = arith.constant 16 : i32
      %mul3A_198 = arith.muli %scan3A_166, %mul3A_197 : i32
      %add3A_199 = arith.constant 1 : i32
      %add3A_200 = arith.addi %mul3A_198, %add3A_199 : i32
      %get3A_201 = arith.index_cast %add3A_200 : i32 to index
      %get3A_202 = arith.constant 0 : index
      %get3A_203 = tpu.vector_load %arg6[%get3A_201, %get3A_202] {strides = array<i32>} : memref<800x32xf32, #tpu.memory_space<vmem>>, vector<16xf32>,
      %get3A_204 = arith.index_cast %add3A_200 : i32 to index
      %get3A_205 = arith.constant 0 : index
      %get3A_206 = tpu.vector_load %arg7[%get3A_204, %get3A_205] {strides = array<i32>} : memref<800x32xf32, #tpu.memory_space<vmem>>, vector<16xf32>,
      %add3A_207 = arith.addf %get3A_203, %get3A_206 : vector<16xf32>
      %get3A_208 = arith.index_cast %add3A_200 : i32 to index
      %get3A_209 = arith.constant 16 : index
      %get3A_210 = tpu.vector_load %arg6[%get3A_208, %get3A_209] {strides = array<i32>} : memref<800x32xf32, #tpu.memory_space<vmem>>, vector<16xf32>,
      %get3A_211 = arith.index_cast %add3A_200 : i32 to index
      %get3A_212 = arith.constant 16 : index
      %get3A_213 = tpu.vector_load %arg7[%get3A_211, %get3A_212] {strides = array<i32>} : memref<800x32xf32, #tpu.memory_space<vmem>>, vector<16xf32>,
      %add3A_214 = arith.addf %get3A_210, %get3A_213 : vector<16xf32>
      %min3A_215 = arith.constant 4.095000e+03 : f32
      %min3A_216 = vector.broadcast %min3A_215 : f32 to vector<16xf32>
      %min3A_217 = arith.minimumf %add3A_214, %min3A_216 : vector<16xf32>
      %convert_element_type3A_218 = arith.fptosi %min3A_217 : vector<16xf32> to vector<16xi32>
      %gather3A_219 = tpu.vector_load_idx %arg10[%convert_element_type3A_218] : memref<4096xf32, #tpu.memory_space<vmem>>[vector<16xi32>], vector<16xf32>,
      %mul3A_220 = arith.mulf %add3A_207, %gather3A_219 : vector<16xf32>
      %get3A_221 = arith.index_cast %add3A_200 : i32 to index
      %get3A_222 = arith.constant 0 : index
      %get3A_223 = tpu.vector_load %arg8[%get3A_221, %get3A_222] {strides = array<i32>} : memref<800x16xf32, #tpu.memory_space<vmem>>, vector<16xf32>,
      %add3A_224 = arith.addf %mul3A_220, %get3A_223 : vector<16xf32>
      %mul3A_225 = arith.constant 2 : i32
      %mul3A_226 = arith.muli %mul3A_225, %scan3A_166 : i32
      %add3A_227 = arith.constant 0 : i32
      %add3A_228 = arith.addi %mul3A_226, %add3A_227 : i32
      %swap3A_229 = arith.index_cast %add3A_228 : i32 to index
      %swap3A_230 = arith.constant 16 : index
      %swap3A_231 = tpu.vector_load %arg9[%swap3A_229, %swap3A_230] {strides = array<i32>} : memref<100x128xf32, #tpu.memory_space<vmem>>, vector<16xf32>,
      tpu.vector_store %arg9[%swap3A_229, %swap3A_230], %add3A_224 {strides = array<i32>} : memref<100x128xf32, #tpu.memory_space<vmem>>, vector<16xf32>,
      %mul3A_232 = arith.constant 16 : i32
      %mul3A_233 = arith.muli %scan3A_166, %mul3A_232 : i32
      %add3A_234 = arith.constant 2 : i32
      %add3A_235 = arith.addi %mul3A_233, %add3A_234 : i32
      %get3A_236 = arith.index_cast %add3A_235 : i32 to index
      %get3A_237 = arith.constant 0 : index
      %get3A_238 = tpu.vector_load %arg6[%get3A_236, %get3A_237] {strides = array<i32>} : memref<800x32xf32, #tpu.memory_space<vmem>>, vector<16xf32>,
      %get3A_239 = arith.index_cast %add3A_235 : i32 to index
      %get3A_240 = arith.constant 0 : index
      %get3A_241 = tpu.vector_load %arg7[%get3A_239, %get3A_240] {strides = array<i32>} : memref<800x32xf32, #tpu.memory_space<vmem>>, vector<16xf32>,
      %add3A_242 = arith.addf %get3A_238, %get3A_241 : vector<16xf32>
      %get3A_243 = arith.index_cast %add3A_235 : i32 to index
      %get3A_244 = arith.constant 16 : index
      %get3A_245 = tpu.vector_load %arg6[%get3A_243, %get3A_244] {strides = array<i32>} : memref<800x32xf32, #tpu.memory_space<vmem>>, vector<16xf32>,
      %get3A_246 = arith.index_cast %add3A_235 : i32 to index
      %get3A_247 = arith.constant 16 : index
      %get3A_248 = tpu.vector_load %arg7[%get3A_246, %get3A_247] {strides = array<i32>} : memref<800x32xf32, #tpu.memory_space<vmem>>, vector<16xf32>,
      %add3A_249 = arith.addf %get3A_245, %get3A_248 : vector<16xf32>
      %min3A_250 = arith.constant 4.095000e+03 : f32
      %min3A_251 = vector.broadcast %min3A_250 : f32 to vector<16xf32>
      %min3A_252 = arith.minimumf %add3A_249, %min3A_251 : vector<16xf32>
      %convert_element_type3A_253 = arith.fptosi %min3A_252 : vector<16xf32> to vector<16xi32>
      %gather3A_254 = tpu.vector_load_idx %arg10[%convert_element_type3A_253] : memref<4096xf32, #tpu.memory_space<vmem>>[vector<16xi32>], vector<16xf32>,
      %mul3A_255 = arith.mulf %add3A_242, %gather3A_254 : vector<16xf32>
      %get3A_256 = arith.index_cast %add3A_235 : i32 to index
      %get3A_257 = arith.constant 0 : index
      %get3A_258 = tpu.vector_load %arg8[%get3A_256, %get3A_257] {strides = array<i32>} : memref<800x16xf32, #tpu.memory_space<vmem>>, vector<16xf32>,
      %add3A_259 = arith.addf %mul3A_255, %get3A_258 : vector<16xf32>
      %mul3A_260 = arith.constant 2 : i32
      %mul3A_261 = arith.muli %mul3A_260, %scan3A_166 : i32
      %add3A_262 = arith.constant 0 : i32
      %add3A_263 = arith.addi %mul3A_261, %add3A_262 : i32
      %swap3A_264 = arith.index_cast %add3A_263 : i32 to index
      %swap3A_265 = arith.constant 32 : index
      %swap3A_266 = tpu.vector_load %arg9[%swap3A_264, %swap3A_265] {strides = array<i32>} : memref<100x128xf32, #tpu.memory_space<vmem>>, vector<16xf32>,
      tpu.vector_store %arg9[%swap3A_264, %swap3A_265], %add3A_259 {strides = array<i32>} : memref<100x128xf32, #tpu.memory_space<vmem>>, vector<16xf32>,
      %mul3A_267 = arith.constant 16 : i32
      %mul3A_268 = arith.muli %scan3A_166, %mul3A_267 : i32
      %add3A_269 = arith.constant 3 : i32
      %add3A_270 = arith.addi %mul3A_268, %add3A_269 : i32
      %get3A_271 = arith.index_cast %add3A_270 : i32 to index
      %get3A_272 = arith.constant 0 : index
      %get3A_273 = tpu.vector_load %arg6[%get3A_271, %get3A_272] {strides = array<i32>} : memref<800x32xf32, #tpu.memory_space<vmem>>, vector<16xf32>,
      %get3A_274 = arith.index_cast %add3A_270 : i32 to index
      %get3A_275 = arith.constant 0 : index
      %get3A_276 = tpu.vector_load %arg7[%get3A_274, %get3A_275] {strides = array<i32>} : memref<800x32xf32, #tpu.memory_space<vmem>>, vector<16xf32>,
      %add3A_277 = arith.addf %get3A_273, %get3A_276 : vector<16xf32>
      %get3A_278 = arith.index_cast %add3A_270 : i32 to index
      %get3A_279 = arith.constant 16 : index
      %get3A_280 = tpu.vector_load %arg6[%get3A_278, %get3A_279] {strides = array<i32>} : memref<800x32xf32, #tpu.memory_space<vmem>>, vector<16xf32>,
      %get3A_281 = arith.index_cast %add3A_270 : i32 to index
      %get3A_282 = arith.constant 16 : index
      %get3A_283 = tpu.vector_load %arg7[%get3A_281, %get3A_282] {strides = array<i32>} : memref<800x32xf32, #tpu.memory_space<vmem>>, vector<16xf32>,
      %add3A_284 = arith.addf %get3A_280, %get3A_283 : vector<16xf32>
      %min3A_285 = arith.constant 4.095000e+03 : f32
      %min3A_286 = vector.broadcast %min3A_285 : f32 to vector<16xf32>
      %min3A_287 = arith.minimumf %add3A_284, %min3A_286 : vector<16xf32>
      %convert_element_type3A_288 = arith.fptosi %min3A_287 : vector<16xf32> to vector<16xi32>
      %gather3A_289 = tpu.vector_load_idx %arg10[%convert_element_type3A_288] : memref<4096xf32, #tpu.memory_space<vmem>>[vector<16xi32>], vector<16xf32>,
      %mul3A_290 = arith.mulf %add3A_277, %gather3A_289 : vector<16xf32>
      %get3A_291 = arith.index_cast %add3A_270 : i32 to index
      %get3A_292 = arith.constant 0 : index
      %get3A_293 = tpu.vector_load %arg8[%get3A_291, %get3A_292] {strides = array<i32>} : memref<800x16xf32, #tpu.memory_space<vmem>>, vector<16xf32>,
      %add3A_294 = arith.addf %mul3A_290, %get3A_293 : vector<16xf32>
      %mul3A_295 = arith.constant 2 : i32
      %mul3A_296 = arith.muli %mul3A_295, %scan3A_166 : i32
      %add3A_297 = arith.constant 0 : i32
      %add3A_298 = arith.addi %mul3A_296, %add3A_297 : i32
      %swap3A_299 = arith.index_cast %add3A_298 : i32 to index
      %swap3A_300 = arith.constant 48 : index
      %swap3A_301 = tpu.vector_load %arg9[%swap3A_299, %swap3A_300] {strides = array<i32>} : memref<100x128xf32, #tpu.memory_space<vmem>>, vector<16xf32>,
      tpu.vector_store %arg9[%swap3A_299, %swap3A_300], %add3A_294 {strides = array<i32>} : memref<100x128xf32, #tpu.memory_space<vmem>>, vector<16xf32>,
      %mul3A_302 = arith.constant 16 : i32
      %mul3A_303 = arith.muli %scan3A_166, %mul3A_302 : i32
      %add3A_304 = arith.constant 4 : i32
      %add3A_305 = arith.addi %mul3A_303, %add3A_304 : i32
      %get3A_306 = arith.index_cast %add3A_305 : i32 to index
      %get3A_307 = arith.constant 0 : index
      %get3A_308 = tpu.vector_load %arg6[%get3A_306, %get3A_307] {strides = array<i32>} : memref<800x32xf32, #tpu.memory_space<vmem>>, vector<16xf32>,
      %get3A_309 = arith.index_cast %add3A_305 : i32 to index
      %get3A_310 = arith.constant 0 : index
      %get3A_311 = tpu.vector_load %arg7[%get3A_309, %get3A_310] {strides = array<i32>} : memref<800x32xf32, #tpu.memory_space<vmem>>, vector<16xf32>,
      %add3A_312 = arith.addf %get3A_308, %get3A_311 : vector<16xf32>
      %get3A_313 = arith.index_cast %add3A_305 : i32 to index
      %get3A_314 = arith.constant 16 : index
      %get3A_315 = tpu.vector_load %arg6[%get3A_313, %get3A_314] {strides = array<i32>} : memref<800x32xf32, #tpu.memory_space<vmem>>, vector<16xf32>,
      %get3A_316 = arith.index_cast %add3A_305 : i32 to index
      %get3A_317 = arith.constant 16 : index
      %get3A_318 = tpu.vector_load %arg7[%get3A_316, %get3A_317] {strides = array<i32>} : memref<800x32xf32, #tpu.memory_space<vmem>>, vector<16xf32>,
      %add3A_319 = arith.addf %get3A_315, %get3A_318 : vector<16xf32>
      %min3A_320 = arith.constant 4.095000e+03 : f32
      %min3A_321 = vector.broadcast %min3A_320 : f32 to vector<16xf32>
      %min3A_322 = arith.minimumf %add3A_319, %min3A_321 : vector<16xf32>
      %convert_element_type3A_323 = arith.fptosi %min3A_322 : vector<16xf32> to vector<16xi32>
      %gather3A_324 = tpu.vector_load_idx %arg10[%convert_element_type3A_323] : memref<4096xf32, #tpu.memory_space<vmem>>[vector<16xi32>], vector<16xf32>,
      %mul3A_325 = arith.mulf %add3A_312, %gather3A_324 : vector<16xf32>
      %get3A_326 = arith.index_cast %add3A_305 : i32 to index
      %get3A_327 = arith.constant 0 : index
      %get3A_328 = tpu.vector_load %arg8[%get3A_326, %get3A_327] {strides = array<i32>} : memref<800x16xf32, #tpu.memory_space<vmem>>, vector<16xf32>,
      %add3A_329 = arith.addf %mul3A_325, %get3A_328 : vector<16xf32>
      %mul3A_330 = arith.constant 2 : i32
      %mul3A_331 = arith.muli %mul3A_330, %scan3A_166 : i32
      %add3A_332 = arith.constant 0 : i32
      %add3A_333 = arith.addi %mul3A_331, %add3A_332 : i32
      %swap3A_334 = arith.index_cast %add3A_333 : i32 to index
      %swap3A_335 = arith.constant 64 : index
      %swap3A_336 = tpu.vector_load %arg9[%swap3A_334, %swap3A_335] {strides = array<i32>} : memref<100x128xf32, #tpu.memory_space<vmem>>, vector<16xf32>,
      tpu.vector_store %arg9[%swap3A_334, %swap3A_335], %add3A_329 {strides = array<i32>} : memref<100x128xf32, #tpu.memory_space<vmem>>, vector<16xf32>,
      %mul3A_337 = arith.constant 16 : i32
      %mul3A_338 = arith.muli %scan3A_166, %mul3A_337 : i32
      %add3A_339 = arith.constant 5 : i32
      %add3A_340 = arith.addi %mul3A_338, %add3A_339 : i32
      %get3A_341 = arith.index_cast %add3A_340 : i32 to index
      %get3A_342 = arith.constant 0 : index
      %get3A_343 = tpu.vector_load %arg6[%get3A_341, %get3A_342] {strides = array<i32>} : memref<800x32xf32, #tpu.memory_space<vmem>>, vector<16xf32>,
      %get3A_344 = arith.index_cast %add3A_340 : i32 to index
      %get3A_345 = arith.constant 0 : index
      %get3A_346 = tpu.vector_load %arg7[%get3A_344, %get3A_345] {strides = array<i32>} : memref<800x32xf32, #tpu.memory_space<vmem>>, vector<16xf32>,
      %add3A_347 = arith.addf %get3A_343, %get3A_346 : vector<16xf32>
      %get3A_348 = arith.index_cast %add3A_340 : i32 to index
      %get3A_349 = arith.constant 16 : index
      %get3A_350 = tpu.vector_load %arg6[%get3A_348, %get3A_349] {strides = array<i32>} : memref<800x32xf32, #tpu.memory_space<vmem>>, vector<16xf32>,
      %get3A_351 = arith.index_cast %add3A_340 : i32 to index
      %get3A_352 = arith.constant 16 : index
      %get3A_353 = tpu.vector_load %arg7[%get3A_351, %get3A_352] {strides = array<i32>} : memref<800x32xf32, #tpu.memory_space<vmem>>, vector<16xf32>,
      %add3A_354 = arith.addf %get3A_350, %get3A_353 : vector<16xf32>
      %min3A_355 = arith.constant 4.095000e+03 : f32
      %min3A_356 = vector.broadcast %min3A_355 : f32 to vector<16xf32>
      %min3A_357 = arith.minimumf %add3A_354, %min3A_356 : vector<16xf32>
      %convert_element_type3A_358 = arith.fptosi %min3A_357 : vector<16xf32> to vector<16xi32>
      %gather3A_359 = tpu.vector_load_idx %arg10[%convert_element_type3A_358] : memref<4096xf32, #tpu.memory_space<vmem>>[vector<16xi32>], vector<16xf32>,
      %mul3A_360 = arith.mulf %add3A_347, %gather3A_359 : vector<16xf32>
      %get3A_361 = arith.index_cast %add3A_340 : i32 to index
      %get3A_362 = arith.constant 0 : index
      %get3A_363 = tpu.vector_load %arg8[%get3A_361, %get3A_362] {strides = array<i32>} : memref<800x16xf32, #tpu.memory_space<vmem>>, vector<16xf32>,
      %add3A_364 = arith.addf %mul3A_360, %get3A_363 : vector<16xf32>
      %mul3A_365 = arith.constant 2 : i32
      %mul3A_366 = arith.muli %mul3A_365, %scan3A_166 : i32
      %add3A_367 = arith.constant 0 : i32
      %add3A_368 = arith.addi %mul3A_366, %add3A_367 : i32
      %swap3A_369 = arith.index_cast %add3A_368 : i32 to index
      %swap3A_370 = arith.constant 80 : index
      %swap3A_371 = tpu.vector_load %arg9[%swap3A_369, %swap3A_370] {strides = array<i32>} : memref<100x128xf32, #tpu.memory_space<vmem>>, vector<16xf32>,
      tpu.vector_store %arg9[%swap3A_369, %swap3A_370], %add3A_364 {strides = array<i32>} : memref<100x128xf32, #tpu.memory_space<vmem>>, vector<16xf32>,
      %mul3A_372 = arith.constant 16 : i32
      %mul3A_373 = arith.muli %scan3A_166, %mul3A_372 : i32
      %add3A_374 = arith.constant 6 : i32
      %add3A_375 = arith.addi %mul3A_373, %add3A_374 : i32
      %get3A_376 = arith.index_cast %add3A_375 : i32 to index
      %get3A_377 = arith.constant 0 : index
      %get3A_378 = tpu.vector_load %arg6[%get3A_376, %get3A_377] {strides = array<i32>} : memref<800x32xf32, #tpu.memory_space<vmem>>, vector<16xf32>,
      %get3A_379 = arith.index_cast %add3A_375 : i32 to index
      %get3A_380 = arith.constant 0 : index
      %get3A_381 = tpu.vector_load %arg7[%get3A_379, %get3A_380] {strides = array<i32>} : memref<800x32xf32, #tpu.memory_space<vmem>>, vector<16xf32>,
      %add3A_382 = arith.addf %get3A_378, %get3A_381 : vector<16xf32>
      %get3A_383 = arith.index_cast %add3A_375 : i32 to index
      %get3A_384 = arith.constant 16 : index
      %get3A_385 = tpu.vector_load %arg6[%get3A_383, %get3A_384] {strides = array<i32>} : memref<800x32xf32, #tpu.memory_space<vmem>>, vector<16xf32>,
      %get3A_386 = arith.index_cast %add3A_375 : i32 to index
      %get3A_387 = arith.constant 16 : index
      %get3A_388 = tpu.vector_load %arg7[%get3A_386, %get3A_387] {strides = array<i32>} : memref<800x32xf32, #tpu.memory_space<vmem>>, vector<16xf32>,
      %add3A_389 = arith.addf %get3A_385, %get3A_388 : vector<16xf32>
      %min3A_390 = arith.constant 4.095000e+03 : f32
      %min3A_391 = vector.broadcast %min3A_390 : f32 to vector<16xf32>
      %min3A_392 = arith.minimumf %add3A_389, %min3A_391 : vector<16xf32>
      %convert_element_type3A_393 = arith.fptosi %min3A_392 : vector<16xf32> to vector<16xi32>
      %gather3A_394 = tpu.vector_load_idx %arg10[%convert_element_type3A_393] : memref<4096xf32, #tpu.memory_space<vmem>>[vector<16xi32>], vector<16xf32>,
      %mul3A_395 = arith.mulf %add3A_382, %gather3A_394 : vector<16xf32>
      %get3A_396 = arith.index_cast %add3A_375 : i32 to index
      %get3A_397 = arith.constant 0 : index
      %get3A_398 = tpu.vector_load %arg8[%get3A_396, %get3A_397] {strides = array<i32>} : memref<800x16xf32, #tpu.memory_space<vmem>>, vector<16xf32>,
      %add3A_399 = arith.addf %mul3A_395, %get3A_398 : vector<16xf32>
      %mul3A_400 = arith.constant 2 : i32
      %mul3A_401 = arith.muli %mul3A_400, %scan3A_166 : i32
      %add3A_402 = arith.constant 0 : i32
      %add3A_403 = arith.addi %mul3A_401, %add3A_402 : i32
      %swap3A_404 = arith.index_cast %add3A_403 : i32 to index
      %swap3A_405 = arith.constant 96 : index
      %swap3A_406 = tpu.vector_load %arg9[%swap3A_404, %swap3A_405] {strides = array<i32>} : memref<100x128xf32, #tpu.memory_space<vmem>>, vector<16xf32>,
      tpu.vector_store %arg9[%swap3A_404, %swap3A_405], %add3A_399 {strides = array<i32>} : memref<100x128xf32, #tpu.memory_space<vmem>>, vector<16xf32>,
      %mul3A_407 = arith.constant 16 : i32
      %mul3A_408 = arith.muli %scan3A_166, %mul3A_407 : i32
      %add3A_409 = arith.constant 7 : i32
      %add3A_410 = arith.addi %mul3A_408, %add3A_409 : i32
      %get3A_411 = arith.index_cast %add3A_410 : i32 to index
      %get3A_412 = arith.constant 0 : index
      %get3A_413 = tpu.vector_load %arg6[%get3A_411, %get3A_412] {strides = array<i32>} : memref<800x32xf32, #tpu.memory_space<vmem>>, vector<16xf32>,
      %get3A_414 = arith.index_cast %add3A_410 : i32 to index
      %get3A_415 = arith.constant 0 : index
      %get3A_416 = tpu.vector_load %arg7[%get3A_414, %get3A_415] {strides = array<i32>} : memref<800x32xf32, #tpu.memory_space<vmem>>, vector<16xf32>,
      %add3A_417 = arith.addf %get3A_413, %get3A_416 : vector<16xf32>
      %get3A_418 = arith.index_cast %add3A_410 : i32 to index
      %get3A_419 = arith.constant 16 : index
      %get3A_420 = tpu.vector_load %arg6[%get3A_418, %get3A_419] {strides = array<i32>} : memref<800x32xf32, #tpu.memory_space<vmem>>, vector<16xf32>,
      %get3A_421 = arith.index_cast %add3A_410 : i32 to index
      %get3A_422 = arith.constant 16 : index
      %get3A_423 = tpu.vector_load %arg7[%get3A_421, %get3A_422] {strides = array<i32>} : memref<800x32xf32, #tpu.memory_space<vmem>>, vector<16xf32>,
      %add3A_424 = arith.addf %get3A_420, %get3A_423 : vector<16xf32>
      %min3A_425 = arith.constant 4.095000e+03 : f32
      %min3A_426 = vector.broadcast %min3A_425 : f32 to vector<16xf32>
      %min3A_427 = arith.minimumf %add3A_424, %min3A_426 : vector<16xf32>
      %convert_element_type3A_428 = arith.fptosi %min3A_427 : vector<16xf32> to vector<16xi32>
      %gather3A_429 = tpu.vector_load_idx %arg10[%convert_element_type3A_428] : memref<4096xf32, #tpu.memory_space<vmem>>[vector<16xi32>], vector<16xf32>,
      %mul3A_430 = arith.mulf %add3A_417, %gather3A_429 : vector<16xf32>
      %get3A_431 = arith.index_cast %add3A_410 : i32 to index
      %get3A_432 = arith.constant 0 : index
      %get3A_433 = tpu.vector_load %arg8[%get3A_431, %get3A_432] {strides = array<i32>} : memref<800x16xf32, #tpu.memory_space<vmem>>, vector<16xf32>,
      %add3A_434 = arith.addf %mul3A_430, %get3A_433 : vector<16xf32>
      %mul3A_435 = arith.constant 2 : i32
      %mul3A_436 = arith.muli %mul3A_435, %scan3A_166 : i32
      %add3A_437 = arith.constant 0 : i32
      %add3A_438 = arith.addi %mul3A_436, %add3A_437 : i32
      %swap3A_439 = arith.index_cast %add3A_438 : i32 to index
      %swap3A_440 = arith.constant 112 : index
      %swap3A_441 = tpu.vector_load %arg9[%swap3A_439, %swap3A_440] {strides = array<i32>} : memref<100x128xf32, #tpu.memory_space<vmem>>, vector<16xf32>,
      tpu.vector_store %arg9[%swap3A_439, %swap3A_440], %add3A_434 {strides = array<i32>} : memref<100x128xf32, #tpu.memory_space<vmem>>, vector<16xf32>,
      %mul3A_442 = arith.constant 16 : i32
      %mul3A_443 = arith.muli %scan3A_166, %mul3A_442 : i32
      %add3A_444 = arith.constant 8 : i32
      %add3A_445 = arith.addi %mul3A_443, %add3A_444 : i32
      %get3A_446 = arith.index_cast %add3A_445 : i32 to index
      %get3A_447 = arith.constant 0 : index
      %get3A_448 = tpu.vector_load %arg6[%get3A_446, %get3A_447] {strides = array<i32>} : memref<800x32xf32, #tpu.memory_space<vmem>>, vector<16xf32>,
      %get3A_449 = arith.index_cast %add3A_445 : i32 to index
      %get3A_450 = arith.constant 0 : index
      %get3A_451 = tpu.vector_load %arg7[%get3A_449, %get3A_450] {strides = array<i32>} : memref<800x32xf32, #tpu.memory_space<vmem>>, vector<16xf32>,
      %add3A_452 = arith.addf %get3A_448, %get3A_451 : vector<16xf32>
      %get3A_453 = arith.index_cast %add3A_445 : i32 to index
      %get3A_454 = arith.constant 16 : index
      %get3A_455 = tpu.vector_load %arg6[%get3A_453, %get3A_454] {strides = array<i32>} : memref<800x32xf32, #tpu.memory_space<vmem>>, vector<16xf32>,
      %get3A_456 = arith.index_cast %add3A_445 : i32 to index
      %get3A_457 = arith.constant 16 : index
      %get3A_458 = tpu.vector_load %arg7[%get3A_456, %get3A_457] {strides = array<i32>} : memref<800x32xf32, #tpu.memory_space<vmem>>, vector<16xf32>,
      %add3A_459 = arith.addf %get3A_455, %get3A_458 : vector<16xf32>
      %min3A_460 = arith.constant 4.095000e+03 : f32
      %min3A_461 = vector.broadcast %min3A_460 : f32 to vector<16xf32>
      %min3A_462 = arith.minimumf %add3A_459, %min3A_461 : vector<16xf32>
      %convert_element_type3A_463 = arith.fptosi %min3A_462 : vector<16xf32> to vector<16xi32>
      %gather3A_464 = tpu.vector_load_idx %arg10[%convert_element_type3A_463] : memref<4096xf32, #tpu.memory_space<vmem>>[vector<16xi32>], vector<16xf32>,
      %mul3A_465 = arith.mulf %add3A_452, %gather3A_464 : vector<16xf32>
      %get3A_466 = arith.index_cast %add3A_445 : i32 to index
      %get3A_467 = arith.constant 0 : index
      %get3A_468 = tpu.vector_load %arg8[%get3A_466, %get3A_467] {strides = array<i32>} : memref<800x16xf32, #tpu.memory_space<vmem>>, vector<16xf32>,
      %add3A_469 = arith.addf %mul3A_465, %get3A_468 : vector<16xf32>
      %mul3A_470 = arith.constant 2 : i32
      %mul3A_471 = arith.muli %mul3A_470, %scan3A_166 : i32
      %add3A_472 = arith.constant 1 : i32
      %add3A_473 = arith.addi %mul3A_471, %add3A_472 : i32
      %swap3A_474 = arith.index_cast %add3A_473 : i32 to index
      %swap3A_475 = arith.constant 0 : index
      %swap3A_476 = tpu.vector_load %arg9[%swap3A_474, %swap3A_475] {strides = array<i32>} : memref<100x128xf32, #tpu.memory_space<vmem>>, vector<16xf32>,
      tpu.vector_store %arg9[%swap3A_474, %swap3A_475], %add3A_469 {strides = array<i32>} : memref<100x128xf32, #tpu.memory_space<vmem>>, vector<16xf32>,
      %mul3A_477 = arith.constant 16 : i32
      %mul3A_478 = arith.muli %scan3A_166, %mul3A_477 : i32
      %add3A_479 = arith.constant 9 : i32
      %add3A_480 = arith.addi %mul3A_478, %add3A_479 : i32
      %get3A_481 = arith.index_cast %add3A_480 : i32 to index
      %get3A_482 = arith.constant 0 : index
      %get3A_483 = tpu.vector_load %arg6[%get3A_481, %get3A_482] {strides = array<i32>} : memref<800x32xf32, #tpu.memory_space<vmem>>, vector<16xf32>,
      %get3A_484 = arith.index_cast %add3A_480 : i32 to index
      %get3A_485 = arith.constant 0 : index
      %get3A_486 = tpu.vector_load %arg7[%get3A_484, %get3A_485] {strides = array<i32>} : memref<800x32xf32, #tpu.memory_space<vmem>>, vector<16xf32>,
      %add3A_487 = arith.addf %get3A_483, %get3A_486 : vector<16xf32>
      %get3A_488 = arith.index_cast %add3A_480 : i32 to index
      %get3A_489 = arith.constant 16 : index
      %get3A_490 = tpu.vector_load %arg6[%get3A_488, %get3A_489] {strides = array<i32>} : memref<800x32xf32, #tpu.memory_space<vmem>>, vector<16xf32>,
      %get3A_491 = arith.index_cast %add3A_480 : i32 to index
      %get3A_492 = arith.constant 16 : index
      %get3A_493 = tpu.vector_load %arg7[%get3A_491, %get3A_492] {strides = array<i32>} : memref<800x32xf32, #tpu.memory_space<vmem>>, vector<16xf32>,
      %add3A_494 = arith.addf %get3A_490, %get3A_493 : vector<16xf32>
      %min3A_495 = arith.constant 4.095000e+03 : f32
      %min3A_496 = vector.broadcast %min3A_495 : f32 to vector<16xf32>
      %min3A_497 = arith.minimumf %add3A_494, %min3A_496 : vector<16xf32>
      %convert_element_type3A_498 = arith.fptosi %min3A_497 : vector<16xf32> to vector<16xi32>
      %gather3A_499 = tpu.vector_load_idx %arg10[%convert_element_type3A_498] : memref<4096xf32, #tpu.memory_space<vmem>>[vector<16xi32>], vector<16xf32>,
      %mul3A_500 = arith.mulf %add3A_487, %gather3A_499 : vector<16xf32>
      %get3A_501 = arith.index_cast %add3A_480 : i32 to index
      %get3A_502 = arith.constant 0 : index
      %get3A_503 = tpu.vector_load %arg8[%get3A_501, %get3A_502] {strides = array<i32>} : memref<800x16xf32, #tpu.memory_space<vmem>>, vector<16xf32>,
      %add3A_504 = arith.addf %mul3A_500, %get3A_503 : vector<16xf32>
      %mul3A_505 = arith.constant 2 : i32
      %mul3A_506 = arith.muli %mul3A_505, %scan3A_166 : i32
      %add3A_507 = arith.constant 1 : i32
      %add3A_508 = arith.addi %mul3A_506, %add3A_507 : i32
      %swap3A_509 = arith.index_cast %add3A_508 : i32 to index
      %swap3A_510 = arith.constant 16 : index
      %swap3A_511 = tpu.vector_load %arg9[%swap3A_509, %swap3A_510] {strides = array<i32>} : memref<100x128xf32, #tpu.memory_space<vmem>>, vector<16xf32>,
      tpu.vector_store %arg9[%swap3A_509, %swap3A_510], %add3A_504 {strides = array<i32>} : memref<100x128xf32, #tpu.memory_space<vmem>>, vector<16xf32>,
      %mul3A_512 = arith.constant 16 : i32
      %mul3A_513 = arith.muli %scan3A_166, %mul3A_512 : i32
      %add3A_514 = arith.constant 10 : i32
      %add3A_515 = arith.addi %mul3A_513, %add3A_514 : i32
      %get3A_516 = arith.index_cast %add3A_515 : i32 to index
      %get3A_517 = arith.constant 0 : index
      %get3A_518 = tpu.vector_load %arg6[%get3A_516, %get3A_517] {strides = array<i32>} : memref<800x32xf32, #tpu.memory_space<vmem>>, vector<16xf32>,
      %get3A_519 = arith.index_cast %add3A_515 : i32 to index
      %get3A_520 = arith.constant 0 : index
      %get3A_521 = tpu.vector_load %arg7[%get3A_519, %get3A_520] {strides = array<i32>} : memref<800x32xf32, #tpu.memory_space<vmem>>, vector<16xf32>,
      %add3A_522 = arith.addf %get3A_518, %get3A_521 : vector<16xf32>
      %get3A_523 = arith.index_cast %add3A_515 : i32 to index
      %get3A_524 = arith.constant 16 : index
      %get3A_525 = tpu.vector_load %arg6[%get3A_523, %get3A_524] {strides = array<i32>} : memref<800x32xf32, #tpu.memory_space<vmem>>, vector<16xf32>,
      %get3A_526 = arith.index_cast %add3A_515 : i32 to index
      %get3A_527 = arith.constant 16 : index
      %get3A_528 = tpu.vector_load %arg7[%get3A_526, %get3A_527] {strides = array<i32>} : memref<800x32xf32, #tpu.memory_space<vmem>>, vector<16xf32>,
      %add3A_529 = arith.addf %get3A_525, %get3A_528 : vector<16xf32>
      %min3A_530 = arith.constant 4.095000e+03 : f32
      %min3A_531 = vector.broadcast %min3A_530 : f32 to vector<16xf32>
      %min3A_532 = arith.minimumf %add3A_529, %min3A_531 : vector<16xf32>
      %convert_element_type3A_533 = arith.fptosi %min3A_532 : vector<16xf32> to vector<16xi32>
      %gather3A_534 = tpu.vector_load_idx %arg10[%convert_element_type3A_533] : memref<4096xf32, #tpu.memory_space<vmem>>[vector<16xi32>], vector<16xf32>,
      %mul3A_535 = arith.mulf %add3A_522, %gather3A_534 : vector<16xf32>
      %get3A_536 = arith.index_cast %add3A_515 : i32 to index
      %get3A_537 = arith.constant 0 : index
      %get3A_538 = tpu.vector_load %arg8[%get3A_536, %get3A_537] {strides = array<i32>} : memref<800x16xf32, #tpu.memory_space<vmem>>, vector<16xf32>,
      %add3A_539 = arith.addf %mul3A_535, %get3A_538 : vector<16xf32>
      %mul3A_540 = arith.constant 2 : i32
      %mul3A_541 = arith.muli %mul3A_540, %scan3A_166 : i32
      %add3A_542 = arith.constant 1 : i32
      %add3A_543 = arith.addi %mul3A_541, %add3A_542 : i32
      %swap3A_544 = arith.index_cast %add3A_543 : i32 to index
      %swap3A_545 = arith.constant 32 : index
      %swap3A_546 = tpu.vector_load %arg9[%swap3A_544, %swap3A_545] {strides = array<i32>} : memref<100x128xf32, #tpu.memory_space<vmem>>, vector<16xf32>,
      tpu.vector_store %arg9[%swap3A_544, %swap3A_545], %add3A_539 {strides = array<i32>} : memref<100x128xf32, #tpu.memory_space<vmem>>, vector<16xf32>,
      %mul3A_547 = arith.constant 16 : i32
      %mul3A_548 = arith.muli %scan3A_166, %mul3A_547 : i32
      %add3A_549 = arith.constant 11 : i32
      %add3A_550 = arith.addi %mul3A_548, %add3A_549 : i32
      %get3A_551 = arith.index_cast %add3A_550 : i32 to index
      %get3A_552 = arith.constant 0 : index
      %get3A_553 = tpu.vector_load %arg6[%get3A_551, %get3A_552] {strides = array<i32>} : memref<800x32xf32, #tpu.memory_space<vmem>>, vector<16xf32>,
      %get3A_554 = arith.index_cast %add3A_550 : i32 to index
      %get3A_555 = arith.constant 0 : index
      %get3A_556 = tpu.vector_load %arg7[%get3A_554, %get3A_555] {strides = array<i32>} : memref<800x32xf32, #tpu.memory_space<vmem>>, vector<16xf32>,
      %add3A_557 = arith.addf %get3A_553, %get3A_556 : vector<16xf32>
      %get3A_558 = arith.index_cast %add3A_550 : i32 to index
      %get3A_559 = arith.constant 16 : index
      %get3A_560 = tpu.vector_load %arg6[%get3A_558, %get3A_559] {strides = array<i32>} : memref<800x32xf32, #tpu.memory_space<vmem>>, vector<16xf32>,
      %get3A_561 = arith.index_cast %add3A_550 : i32 to index
      %get3A_562 = arith.constant 16 : index
      %get3A_563 = tpu.vector_load %arg7[%get3A_561, %get3A_562] {strides = array<i32>} : memref<800x32xf32, #tpu.memory_space<vmem>>, vector<16xf32>,
      %add3A_564 = arith.addf %get3A_560, %get3A_563 : vector<16xf32>
      %min3A_565 = arith.constant 4.095000e+03 : f32
      %min3A_566 = vector.broadcast %min3A_565 : f32 to vector<16xf32>
      %min3A_567 = arith.minimumf %add3A_564, %min3A_566 : vector<16xf32>
      %convert_element_type3A_568 = arith.fptosi %min3A_567 : vector<16xf32> to vector<16xi32>
      %gather3A_569 = tpu.vector_load_idx %arg10[%convert_element_type3A_568] : memref<4096xf32, #tpu.memory_space<vmem>>[vector<16xi32>], vector<16xf32>,
      %mul3A_570 = arith.mulf %add3A_557, %gather3A_569 : vector<16xf32>
      %get3A_571 = arith.index_cast %add3A_550 : i32 to index
      %get3A_572 = arith.constant 0 : index
      %get3A_573 = tpu.vector_load %arg8[%get3A_571, %get3A_572] {strides = array<i32>} : memref<800x16xf32, #tpu.memory_space<vmem>>, vector<16xf32>,
      %add3A_574 = arith.addf %mul3A_570, %get3A_573 : vector<16xf32>
      %mul3A_575 = arith.constant 2 : i32
      %mul3A_576 = arith.muli %mul3A_575, %scan3A_166 : i32
      %add3A_577 = arith.constant 1 : i32
      %add3A_578 = arith.addi %mul3A_576, %add3A_577 : i32
      %swap3A_579 = arith.index_cast %add3A_578 : i32 to index
      %swap3A_580 = arith.constant 48 : index
      %swap3A_581 = tpu.vector_load %arg9[%swap3A_579, %swap3A_580] {strides = array<i32>} : memref<100x128xf32, #tpu.memory_space<vmem>>, vector<16xf32>,
      tpu.vector_store %arg9[%swap3A_579, %swap3A_580], %add3A_574 {strides = array<i32>} : memref<100x128xf32, #tpu.memory_space<vmem>>, vector<16xf32>,
      %mul3A_582 = arith.constant 16 : i32
      %mul3A_583 = arith.muli %scan3A_166, %mul3A_582 : i32
      %add3A_584 = arith.constant 12 : i32
      %add3A_585 = arith.addi %mul3A_583, %add3A_584 : i32
      %get3A_586 = arith.index_cast %add3A_585 : i32 to index
      %get3A_587 = arith.constant 0 : index
      %get3A_588 = tpu.vector_load %arg6[%get3A_586, %get3A_587] {strides = array<i32>} : memref<800x32xf32, #tpu.memory_space<vmem>>, vector<16xf32>,
      %get3A_589 = arith.index_cast %add3A_585 : i32 to index
      %get3A_590 = arith.constant 0 : index
      %get3A_591 = tpu.vector_load %arg7[%get3A_589, %get3A_590] {strides = array<i32>} : memref<800x32xf32, #tpu.memory_space<vmem>>, vector<16xf32>,
      %add3A_592 = arith.addf %get3A_588, %get3A_591 : vector<16xf32>
      %get3A_593 = arith.index_cast %add3A_585 : i32 to index
      %get3A_594 = arith.constant 16 : index
      %get3A_595 = tpu.vector_load %arg6[%get3A_593, %get3A_594] {strides = array<i32>} : memref<800x32xf32, #tpu.memory_space<vmem>>, vector<16xf32>,
      %get3A_596 = arith.index_cast %add3A_585 : i32 to index
      %get3A_597 = arith.constant 16 : index
      %get3A_598 = tpu.vector_load %arg7[%get3A_596, %get3A_597] {strides = array<i32>} : memref<800x32xf32, #tpu.memory_space<vmem>>, vector<16xf32>,
      %add3A_599 = arith.addf %get3A_595, %get3A_598 : vector<16xf32>
      %min3A_600 = arith.constant 4.095000e+03 : f32
      %min3A_601 = vector.broadcast %min3A_600 : f32 to vector<16xf32>
      %min3A_602 = arith.minimumf %add3A_599, %min3A_601 : vector<16xf32>
      %convert_element_type3A_603 = arith.fptosi %min3A_602 : vector<16xf32> to vector<16xi32>
      %gather3A_604 = tpu.vector_load_idx %arg10[%convert_element_type3A_603] : memref<4096xf32, #tpu.memory_space<vmem>>[vector<16xi32>], vector<16xf32>,
      %mul3A_605 = arith.mulf %add3A_592, %gather3A_604 : vector<16xf32>
      %get3A_606 = arith.index_cast %add3A_585 : i32 to index
      %get3A_607 = arith.constant 0 : index
      %get3A_608 = tpu.vector_load %arg8[%get3A_606, %get3A_607] {strides = array<i32>} : memref<800x16xf32, #tpu.memory_space<vmem>>, vector<16xf32>,
      %add3A_609 = arith.addf %mul3A_605, %get3A_608 : vector<16xf32>
      %mul3A_610 = arith.constant 2 : i32
      %mul3A_611 = arith.muli %mul3A_610, %scan3A_166 : i32
      %add3A_612 = arith.constant 1 : i32
      %add3A_613 = arith.addi %mul3A_611, %add3A_612 : i32
      %swap3A_614 = arith.index_cast %add3A_613 : i32 to index
      %swap3A_615 = arith.constant 64 : index
      %swap3A_616 = tpu.vector_load %arg9[%swap3A_614, %swap3A_615] {strides = array<i32>} : memref<100x128xf32, #tpu.memory_space<vmem>>, vector<16xf32>,
      tpu.vector_store %arg9[%swap3A_614, %swap3A_615], %add3A_609 {strides = array<i32>} : memref<100x128xf32, #tpu.memory_space<vmem>>, vector<16xf32>,
      %mul3A_617 = arith.constant 16 : i32
      %mul3A_618 = arith.muli %scan3A_166, %mul3A_617 : i32
      %add3A_619 = arith.constant 13 : i32
      %add3A_620 = arith.addi %mul3A_618, %add3A_619 : i32
      %get3A_621 = arith.index_cast %add3A_620 : i32 to index
      %get3A_622 = arith.constant 0 : index
      %get3A_623 = tpu.vector_load %arg6[%get3A_621, %get3A_622] {strides = array<i32>} : memref<800x32xf32, #tpu.memory_space<vmem>>, vector<16xf32>,
      %get3A_624 = arith.index_cast %add3A_620 : i32 to index
      %get3A_625 = arith.constant 0 : index
      %get3A_626 = tpu.vector_load %arg7[%get3A_624, %get3A_625] {strides = array<i32>} : memref<800x32xf32, #tpu.memory_space<vmem>>, vector<16xf32>,
      %add3A_627 = arith.addf %get3A_623, %get3A_626 : vector<16xf32>
      %get3A_628 = arith.index_cast %add3A_620 : i32 to index
      %get3A_629 = arith.constant 16 : index
      %get3A_630 = tpu.vector_load %arg6[%get3A_628, %get3A_629] {strides = array<i32>} : memref<800x32xf32, #tpu.memory_space<vmem>>, vector<16xf32>,
      %get3A_631 = arith.index_cast %add3A_620 : i32 to index
      %get3A_632 = arith.constant 16 : index
      %get3A_633 = tpu.vector_load %arg7[%get3A_631, %get3A_632] {strides = array<i32>} : memref<800x32xf32, #tpu.memory_space<vmem>>, vector<16xf32>,
      %add3A_634 = arith.addf %get3A_630, %get3A_633 : vector<16xf32>
      %min3A_635 = arith.constant 4.095000e+03 : f32
      %min3A_636 = vector.broadcast %min3A_635 : f32 to vector<16xf32>
      %min3A_637 = arith.minimumf %add3A_634, %min3A_636 : vector<16xf32>
      %convert_element_type3A_638 = arith.fptosi %min3A_637 : vector<16xf32> to vector<16xi32>
      %gather3A_639 = tpu.vector_load_idx %arg10[%convert_element_type3A_638] : memref<4096xf32, #tpu.memory_space<vmem>>[vector<16xi32>], vector<16xf32>,
      %mul3A_640 = arith.mulf %add3A_627, %gather3A_639 : vector<16xf32>
      %get3A_641 = arith.index_cast %add3A_620 : i32 to index
      %get3A_642 = arith.constant 0 : index
      %get3A_643 = tpu.vector_load %arg8[%get3A_641, %get3A_642] {strides = array<i32>} : memref<800x16xf32, #tpu.memory_space<vmem>>, vector<16xf32>,
      %add3A_644 = arith.addf %mul3A_640, %get3A_643 : vector<16xf32>
      %mul3A_645 = arith.constant 2 : i32
      %mul3A_646 = arith.muli %mul3A_645, %scan3A_166 : i32
      %add3A_647 = arith.constant 1 : i32
      %add3A_648 = arith.addi %mul3A_646, %add3A_647 : i32
      %swap3A_649 = arith.index_cast %add3A_648 : i32 to index
      %swap3A_650 = arith.constant 80 : index
      %swap3A_651 = tpu.vector_load %arg9[%swap3A_649, %swap3A_650] {strides = array<i32>} : memref<100x128xf32, #tpu.memory_space<vmem>>, vector<16xf32>,
      tpu.vector_store %arg9[%swap3A_649, %swap3A_650], %add3A_644 {strides = array<i32>} : memref<100x128xf32, #tpu.memory_space<vmem>>, vector<16xf32>,
      %mul3A_652 = arith.constant 16 : i32
      %mul3A_653 = arith.muli %scan3A_166, %mul3A_652 : i32
      %add3A_654 = arith.constant 14 : i32
      %add3A_655 = arith.addi %mul3A_653, %add3A_654 : i32
      %get3A_656 = arith.index_cast %add3A_655 : i32 to index
      %get3A_657 = arith.constant 0 : index
      %get3A_658 = tpu.vector_load %arg6[%get3A_656, %get3A_657] {strides = array<i32>} : memref<800x32xf32, #tpu.memory_space<vmem>>, vector<16xf32>,
      %get3A_659 = arith.index_cast %add3A_655 : i32 to index
      %get3A_660 = arith.constant 0 : index
      %get3A_661 = tpu.vector_load %arg7[%get3A_659, %get3A_660] {strides = array<i32>} : memref<800x32xf32, #tpu.memory_space<vmem>>, vector<16xf32>,
      %add3A_662 = arith.addf %get3A_658, %get3A_661 : vector<16xf32>
      %get3A_663 = arith.index_cast %add3A_655 : i32 to index
      %get3A_664 = arith.constant 16 : index
      %get3A_665 = tpu.vector_load %arg6[%get3A_663, %get3A_664] {strides = array<i32>} : memref<800x32xf32, #tpu.memory_space<vmem>>, vector<16xf32>,
      %get3A_666 = arith.index_cast %add3A_655 : i32 to index
      %get3A_667 = arith.constant 16 : index
      %get3A_668 = tpu.vector_load %arg7[%get3A_666, %get3A_667] {strides = array<i32>} : memref<800x32xf32, #tpu.memory_space<vmem>>, vector<16xf32>,
      %add3A_669 = arith.addf %get3A_665, %get3A_668 : vector<16xf32>
      %min3A_670 = arith.constant 4.095000e+03 : f32
      %min3A_671 = vector.broadcast %min3A_670 : f32 to vector<16xf32>
      %min3A_672 = arith.minimumf %add3A_669, %min3A_671 : vector<16xf32>
      %convert_element_type3A_673 = arith.fptosi %min3A_672 : vector<16xf32> to vector<16xi32>
      %gather3A_674 = tpu.vector_load_idx %arg10[%convert_element_type3A_673] : memref<4096xf32, #tpu.memory_space<vmem>>[vector<16xi32>], vector<16xf32>,
      %mul3A_675 = arith.mulf %add3A_662, %gather3A_674 : vector<16xf32>
      %get3A_676 = arith.index_cast %add3A_655 : i32 to index
      %get3A_677 = arith.constant 0 : index
      %get3A_678 = tpu.vector_load %arg8[%get3A_676, %get3A_677] {strides = array<i32>} : memref<800x16xf32, #tpu.memory_space<vmem>>, vector<16xf32>,
      %add3A_679 = arith.addf %mul3A_675, %get3A_678 : vector<16xf32>
      %mul3A_680 = arith.constant 2 : i32
      %mul3A_681 = arith.muli %mul3A_680, %scan3A_166 : i32
      %add3A_682 = arith.constant 1 : i32
      %add3A_683 = arith.addi %mul3A_681, %add3A_682 : i32
      %swap3A_684 = arith.index_cast %add3A_683 : i32 to index
      %swap3A_685 = arith.constant 96 : index
      %swap3A_686 = tpu.vector_load %arg9[%swap3A_684, %swap3A_685] {strides = array<i32>} : memref<100x128xf32, #tpu.memory_space<vmem>>, vector<16xf32>,
      tpu.vector_store %arg9[%swap3A_684, %swap3A_685], %add3A_679 {strides = array<i32>} : memref<100x128xf32, #tpu.memory_space<vmem>>, vector<16xf32>,
      %mul3A_687 = arith.constant 16 : i32
      %mul3A_688 = arith.muli %scan3A_166, %mul3A_687 : i32
      %add3A_689 = arith.constant 15 : i32
      %add3A_690 = arith.addi %mul3A_688, %add3A_689 : i32
      %get3A_691 = arith.index_cast %add3A_690 : i32 to index
      %get3A_692 = arith.constant 0 : index
      %get3A_693 = tpu.vector_load %arg6[%get3A_691, %get3A_692] {strides = array<i32>} : memref<800x32xf32, #tpu.memory_space<vmem>>, vector<16xf32>,
      %get3A_694 = arith.index_cast %add3A_690 : i32 to index
      %get3A_695 = arith.constant 0 : index
      %get3A_696 = tpu.vector_load %arg7[%get3A_694, %get3A_695] {strides = array<i32>} : memref<800x32xf32, #tpu.memory_space<vmem>>, vector<16xf32>,
      %add3A_697 = arith.addf %get3A_693, %get3A_696 : vector<16xf32>
      %get3A_698 = arith.index_cast %add3A_690 : i32 to index
      %get3A_699 = arith.constant 16 : index
      %get3A_700 = tpu.vector_load %arg6[%get3A_698, %get3A_699] {strides = array<i32>} : memref<800x32xf32, #tpu.memory_space<vmem>>, vector<16xf32>,
      %get3A_701 = arith.index_cast %add3A_690 : i32 to index
      %get3A_702 = arith.constant 16 : index
      %get3A_703 = tpu.vector_load %arg7[%get3A_701, %get3A_702] {strides = array<i32>} : memref<800x32xf32, #tpu.memory_space<vmem>>, vector<16xf32>,
      %add3A_704 = arith.addf %get3A_700, %get3A_703 : vector<16xf32>
      %min3A_705 = arith.constant 4.095000e+03 : f32
      %min3A_706 = vector.broadcast %min3A_705 : f32 to vector<16xf32>
      %min3A_707 = arith.minimumf %add3A_704, %min3A_706 : vector<16xf32>
      %convert_element_type3A_708 = arith.fptosi %min3A_707 : vector<16xf32> to vector<16xi32>
      %gather3A_709 = tpu.vector_load_idx %arg10[%convert_element_type3A_708] : memref<4096xf32, #tpu.memory_space<vmem>>[vector<16xi32>], vector<16xf32>,
      %mul3A_710 = arith.mulf %add3A_697, %gather3A_709 : vector<16xf32>
      %get3A_711 = arith.index_cast %add3A_690 : i32 to index
      %get3A_712 = arith.constant 0 : index
      %get3A_713 = tpu.vector_load %arg8[%get3A_711, %get3A_712] {strides = array<i32>} : memref<800x16xf32, #tpu.memory_space<vmem>>, vector<16xf32>,
      %add3A_714 = arith.addf %mul3A_710, %get3A_713 : vector<16xf32>
      %mul3A_715 = arith.constant 2 : i32
      %mul3A_716 = arith.muli %mul3A_715, %scan3A_166 : i32
      %add3A_717 = arith.constant 1 : i32
      %add3A_718 = arith.addi %mul3A_716, %add3A_717 : i32
      %swap3A_719 = arith.index_cast %add3A_718 : i32 to index
      %swap3A_720 = arith.constant 112 : index
      %swap3A_721 = tpu.vector_load %arg9[%swap3A_719, %swap3A_720] {strides = array<i32>} : memref<100x128xf32, #tpu.memory_space<vmem>>, vector<16xf32>,
      tpu.vector_store %arg9[%swap3A_719, %swap3A_720], %add3A_714 {strides = array<i32>} : memref<100x128xf32, #tpu.memory_space<vmem>>, vector<16xf32>,
    }
    %scan3A_163 = arith.constant 25 : i32
    %mul3A_164 = arith.constant 100 : i32
    %mul3A_165 = arith.muli %add3A, %mul3A_164 : i32
    "tpu.region"() ({
      %run_scoped3A = tpu.sem_alloc : memref<!tpu.dma_semaphore, #tpu.memory_space<semaphore_mem>>
      %dma_start3A_166 = arith.constant 0 : i32
      %dma_start3A_167 = tpu.memref_slice %arg5[%mul3A_165, %dma_start3A_166] : memref<3200x128xf32, #tpu.memory_space<hbm>> -> memref<100x128xf32, #tpu.memory_space<hbm>>
      %dma_start3A_168 = arith.constant 0 : i32
      %dma_start3A_169 = tpu.memref_slice %arg5[%mul3A_165, %dma_start3A_168] : memref<3200x128xf32, #tpu.memory_space<hbm>> -> memref<100x128xf32, #tpu.memory_space<hbm>>
      tpu.enqueue_dma source(%arg9 : memref<100x128xf32, #tpu.memory_space<vmem>>) target(%dma_start3A_169 : memref<100x128xf32, #tpu.memory_space<hbm>>) target_semaphore(%run_scoped3A : memref<!tpu.dma_semaphore, #tpu.memory_space<semaphore_mem>>)
      %dma_wait3A_170 = arith.constant 0 : i32
      %dma_wait3A_171 = tpu.memref_slice %arg5[%mul3A_165, %dma_wait3A_170] : memref<3200x128xf32, #tpu.memory_space<hbm>> -> memref<100x128xf32, #tpu.memory_space<hbm>>
      %dma_wait3A_172 = arith.constant 0 : i32
      %dma_wait3A_173 = tpu.memref_slice %arg5[%mul3A_165, %dma_wait3A_172] : memref<3200x128xf32, #tpu.memory_space<hbm>> -> memref<100x128xf32, #tpu.memory_space<hbm>>
      tpu.wait_dma2 semaphore(%run_scoped3A : memref<!tpu.dma_semaphore, #tpu.memory_space<semaphore_mem>>) src(%arg9 : memref<100x128xf32, #tpu.memory_space<vmem>>) dst(%dma_wait3A_173 : memref<100x128xf32, #tpu.memory_space<hbm>>)
      tpu.yield
    }) : () -> ()
    return
  }
}

#map = affine_map<(d0, d1) -> (0, 0)>
#map1 = affine_map<(d0, d1) -> (0, 0, 0)>
module attributes {stable_mosaic.version = 14 : i64} {
  func.func @_sc_body(%arg0: i32, %arg1: i32, %arg2: memref<25600x32xf32, #tpu.memory_space<hbm>>, %arg3: memref<3200x128xi32, #tpu.memory_space<hbm>>, %arg4: memref<3200x128xi32, #tpu.memory_space<hbm>>, %arg5: memref<3200x128xf32, #tpu.memory_space<hbm>>, %arg6: memref<2x25600x32xf32, #tpu.memory_space<hbm>>, %arg7: memref<100x128xi32, #tpu.memory_space<vmem>>, %arg8: memref<100x128xi32, #tpu.memory_space<vmem>>, %arg9: memref<100x128xf32, #tpu.memory_space<vmem>>, %arg10: memref<4x128x32xf32, #tpu.memory_space<vmem>>, %arg11: memref<128x32xf32, #tpu.memory_space<vmem>>, %arg12: memref<100x32xf32, #tpu.memory_space<vmem>>, %arg13: memref<25600x32xf32, #tpu.memory_space<vmem_shared>>, %arg14: memref<!tpu.dma_semaphore, #tpu.memory_space<semaphore_mem>>) attributes {dimension_semantics = [#tpu.dimension_semantics<core_parallel>, #tpu.dimension_semantics<subcore_parallel>], iteration_bounds = array<i64: 2, 16>, scalar_prefetch = 0 : i64, scratch_operands = 8 : i64, tpu.core_type = #tpu.core_type<sc_vector_subcore>, window_params = [{transform_indices = #map}, {transform_indices = #map}, {transform_indices = #map}, {transform_indices = #map}, {transform_indices = #map1}]} {
    %mul3A = arith.constant 16 : i32
    %mul3A_0 = arith.muli %arg0, %mul3A : i32
    %add3A = arith.addi %mul3A_0, %arg1 : i32
    %mul3A_1 = arith.constant 100 : i32
    %mul3A_2 = arith.muli %add3A, %mul3A_1 : i32
    "tpu.region"() ({
      %run_scoped3A = tpu.sem_alloc : memref<!tpu.dma_semaphore, #tpu.memory_space<semaphore_mem>>
      %dma_start3A_97 = arith.constant 0 : i32
      %dma_start3A_98 = tpu.memref_slice %arg3[%mul3A_2, %dma_start3A_97] : memref<3200x128xi32, #tpu.memory_space<hbm>> -> memref<100x128xi32, #tpu.memory_space<hbm>>
      %dma_start3A_99 = arith.constant 0 : i32
      %dma_start3A_100 = tpu.memref_slice %arg3[%mul3A_2, %dma_start3A_99] : memref<3200x128xi32, #tpu.memory_space<hbm>> -> memref<100x128xi32, #tpu.memory_space<hbm>>
      tpu.enqueue_dma source(%dma_start3A_100 : memref<100x128xi32, #tpu.memory_space<hbm>>) target(%arg7 : memref<100x128xi32, #tpu.memory_space<vmem>>) target_semaphore(%run_scoped3A : memref<!tpu.dma_semaphore, #tpu.memory_space<semaphore_mem>>)
      %dma_wait3A = arith.constant 0 : i32
      %dma_wait3A_101 = tpu.memref_slice %arg3[%mul3A_2, %dma_wait3A] : memref<3200x128xi32, #tpu.memory_space<hbm>> -> memref<100x128xi32, #tpu.memory_space<hbm>>
      %dma_wait3A_102 = arith.constant 0 : i32
      %dma_wait3A_103 = tpu.memref_slice %arg3[%mul3A_2, %dma_wait3A_102] : memref<3200x128xi32, #tpu.memory_space<hbm>> -> memref<100x128xi32, #tpu.memory_space<hbm>>
      tpu.wait_dma2 semaphore(%run_scoped3A : memref<!tpu.dma_semaphore, #tpu.memory_space<semaphore_mem>>) src(%dma_wait3A_103 : memref<100x128xi32, #tpu.memory_space<hbm>>) dst(%arg7 : memref<100x128xi32, #tpu.memory_space<vmem>>)
      tpu.yield
    }) : () -> ()
    %mul3A_3 = arith.constant 100 : i32
    %mul3A_4 = arith.muli %add3A, %mul3A_3 : i32
    "tpu.region"() ({
      %run_scoped3A = tpu.sem_alloc : memref<!tpu.dma_semaphore, #tpu.memory_space<semaphore_mem>>
      %dma_start3A_97 = arith.constant 0 : i32
      %dma_start3A_98 = tpu.memref_slice %arg4[%mul3A_4, %dma_start3A_97] : memref<3200x128xi32, #tpu.memory_space<hbm>> -> memref<100x128xi32, #tpu.memory_space<hbm>>
      %dma_start3A_99 = arith.constant 0 : i32
      %dma_start3A_100 = tpu.memref_slice %arg4[%mul3A_4, %dma_start3A_99] : memref<3200x128xi32, #tpu.memory_space<hbm>> -> memref<100x128xi32, #tpu.memory_space<hbm>>
      tpu.enqueue_dma source(%dma_start3A_100 : memref<100x128xi32, #tpu.memory_space<hbm>>) target(%arg8 : memref<100x128xi32, #tpu.memory_space<vmem>>) target_semaphore(%run_scoped3A : memref<!tpu.dma_semaphore, #tpu.memory_space<semaphore_mem>>)
      %dma_wait3A = arith.constant 0 : i32
      %dma_wait3A_101 = tpu.memref_slice %arg4[%mul3A_4, %dma_wait3A] : memref<3200x128xi32, #tpu.memory_space<hbm>> -> memref<100x128xi32, #tpu.memory_space<hbm>>
      %dma_wait3A_102 = arith.constant 0 : i32
      %dma_wait3A_103 = tpu.memref_slice %arg4[%mul3A_4, %dma_wait3A_102] : memref<3200x128xi32, #tpu.memory_space<hbm>> -> memref<100x128xi32, #tpu.memory_space<hbm>>
      tpu.wait_dma2 semaphore(%run_scoped3A : memref<!tpu.dma_semaphore, #tpu.memory_space<semaphore_mem>>) src(%dma_wait3A_103 : memref<100x128xi32, #tpu.memory_space<hbm>>) dst(%arg8 : memref<100x128xi32, #tpu.memory_space<vmem>>)
      tpu.yield
    }) : () -> ()
    %mul3A_5 = arith.constant 100 : i32
    %mul3A_6 = arith.muli %add3A, %mul3A_5 : i32
    "tpu.region"() ({
      %run_scoped3A = tpu.sem_alloc : memref<!tpu.dma_semaphore, #tpu.memory_space<semaphore_mem>>
      %dma_start3A_97 = arith.constant 0 : i32
      %dma_start3A_98 = tpu.memref_slice %arg5[%mul3A_6, %dma_start3A_97] : memref<3200x128xf32, #tpu.memory_space<hbm>> -> memref<100x128xf32, #tpu.memory_space<hbm>>
      %dma_start3A_99 = arith.constant 0 : i32
      %dma_start3A_100 = tpu.memref_slice %arg5[%mul3A_6, %dma_start3A_99] : memref<3200x128xf32, #tpu.memory_space<hbm>> -> memref<100x128xf32, #tpu.memory_space<hbm>>
      tpu.enqueue_dma source(%dma_start3A_100 : memref<100x128xf32, #tpu.memory_space<hbm>>) target(%arg9 : memref<100x128xf32, #tpu.memory_space<vmem>>) target_semaphore(%run_scoped3A : memref<!tpu.dma_semaphore, #tpu.memory_space<semaphore_mem>>)
      %dma_wait3A = arith.constant 0 : i32
      %dma_wait3A_101 = tpu.memref_slice %arg5[%mul3A_6, %dma_wait3A] : memref<3200x128xf32, #tpu.memory_space<hbm>> -> memref<100x128xf32, #tpu.memory_space<hbm>>
      %dma_wait3A_102 = arith.constant 0 : i32
      %dma_wait3A_103 = tpu.memref_slice %arg5[%mul3A_6, %dma_wait3A_102] : memref<3200x128xf32, #tpu.memory_space<hbm>> -> memref<100x128xf32, #tpu.memory_space<hbm>>
      tpu.wait_dma2 semaphore(%run_scoped3A : memref<!tpu.dma_semaphore, #tpu.memory_space<semaphore_mem>>) src(%dma_wait3A_103 : memref<100x128xf32, #tpu.memory_space<hbm>>) dst(%arg9 : memref<100x128xf32, #tpu.memory_space<vmem>>)
      tpu.yield
    }) : () -> ()
    %broadcast_in_dim3A = arith.constant 0.000000e+00 : f32
    %broadcast_in_dim3A_7 = vector.broadcast %broadcast_in_dim3A : f32 to vector<16xf32>
    %scan3A = arith.constant 0 : i32
    %scan3A_8 = arith.constant 0 : i32
    %scan3A_9 = arith.constant 100 : i32
    %scan3A_10 = arith.addi %scan3A_8, %scan3A_9 : i32
    %scan3A_11 = arith.constant 1 : i32
    scf.for %scan3A_97 = %scan3A_8 to %scan3A_10 step %scan3A_11  : i32 {
      %swap3A = arith.index_cast %scan3A_97 : i32 to index
      %swap3A_98 = arith.constant 0 : index
      %swap3A_99 = tpu.vector_load %arg12[%swap3A, %swap3A_98] {strides = array<i32>} : memref<100x32xf32, #tpu.memory_space<vmem>>, vector<1x16xf32>,
      %swap3A_100 = vector.shape_cast %swap3A_99 : vector<1x16xf32> to vector<16xf32>
      %swap3A_101 = vector.shape_cast %broadcast_in_dim3A_7 : vector<16xf32> to vector<1x16xf32>
      tpu.vector_store %arg12[%swap3A, %swap3A_98], %swap3A_101 {strides = array<i32>} : memref<100x32xf32, #tpu.memory_space<vmem>>, vector<1x16xf32>,
      %swap3A_102 = arith.index_cast %scan3A_97 : i32 to index
      %swap3A_103 = arith.constant 16 : index
      %swap3A_104 = tpu.vector_load %arg12[%swap3A_102, %swap3A_103] {strides = array<i32>} : memref<100x32xf32, #tpu.memory_space<vmem>>, vector<1x16xf32>,
      %swap3A_105 = vector.shape_cast %swap3A_104 : vector<1x16xf32> to vector<16xf32>
      %swap3A_106 = vector.shape_cast %broadcast_in_dim3A_7 : vector<16xf32> to vector<1x16xf32>
      tpu.vector_store %arg12[%swap3A_102, %swap3A_103], %swap3A_106 {strides = array<i32>} : memref<100x32xf32, #tpu.memory_space<vmem>>, vector<1x16xf32>,
    }
    %scan3A_12 = arith.constant 100 : i32
    %mul3A_13 = arith.constant 1600 : i32
    %mul3A_14 = arith.muli %arg1, %mul3A_13 : i32
    %add3A_15 = arith.constant 0 : i32
    %add3A_16 = arith.addi %mul3A_14, %add3A_15 : i32
    "tpu.region"() ({
      %run_scoped3A = tpu.sem_alloc : memref<!tpu.dma_semaphore, #tpu.memory_space<semaphore_mem>>
      %dma_start3A_97 = arith.constant 0 : i32
      %dma_start3A_98 = tpu.memref_slice %arg13[%add3A_16, %dma_start3A_97] : memref<25600x32xf32, #tpu.memory_space<vmem_shared>> -> memref<100x32xf32, #tpu.memory_space<vmem_shared>>
      %dma_start3A_99 = arith.constant 0 : i32
      %dma_start3A_100 = tpu.memref_slice %arg13[%add3A_16, %dma_start3A_99] : memref<25600x32xf32, #tpu.memory_space<vmem_shared>> -> memref<100x32xf32, #tpu.memory_space<vmem_shared>>
      tpu.enqueue_dma source(%arg12 : memref<100x32xf32, #tpu.memory_space<vmem>>) target(%dma_start3A_100 : memref<100x32xf32, #tpu.memory_space<vmem_shared>>) target_semaphore(%run_scoped3A : memref<!tpu.dma_semaphore, #tpu.memory_space<semaphore_mem>>)
      %dma_wait3A = arith.constant 0 : i32
      %dma_wait3A_101 = tpu.memref_slice %arg13[%add3A_16, %dma_wait3A] : memref<25600x32xf32, #tpu.memory_space<vmem_shared>> -> memref<100x32xf32, #tpu.memory_space<vmem_shared>>
      %dma_wait3A_102 = arith.constant 0 : i32
      %dma_wait3A_103 = tpu.memref_slice %arg13[%add3A_16, %dma_wait3A_102] : memref<25600x32xf32, #tpu.memory_space<vmem_shared>> -> memref<100x32xf32, #tpu.memory_space<vmem_shared>>
      tpu.wait_dma2 semaphore(%run_scoped3A : memref<!tpu.dma_semaphore, #tpu.memory_space<semaphore_mem>>) src(%arg12 : memref<100x32xf32, #tpu.memory_space<vmem>>) dst(%dma_wait3A_103 : memref<100x32xf32, #tpu.memory_space<vmem_shared>>)
      tpu.yield
    }) : () -> ()
    %add3A_17 = arith.constant 100 : i32
    %add3A_18 = arith.addi %mul3A_14, %add3A_17 : i32
    "tpu.region"() ({
      %run_scoped3A = tpu.sem_alloc : memref<!tpu.dma_semaphore, #tpu.memory_space<semaphore_mem>>
      %dma_start3A_97 = arith.constant 0 : i32
      %dma_start3A_98 = tpu.memref_slice %arg13[%add3A_18, %dma_start3A_97] : memref<25600x32xf32, #tpu.memory_space<vmem_shared>> -> memref<100x32xf32, #tpu.memory_space<vmem_shared>>
      %dma_start3A_99 = arith.constant 0 : i32
      %dma_start3A_100 = tpu.memref_slice %arg13[%add3A_18, %dma_start3A_99] : memref<25600x32xf32, #tpu.memory_space<vmem_shared>> -> memref<100x32xf32, #tpu.memory_space<vmem_shared>>
      tpu.enqueue_dma source(%arg12 : memref<100x32xf32, #tpu.memory_space<vmem>>) target(%dma_start3A_100 : memref<100x32xf32, #tpu.memory_space<vmem_shared>>) target_semaphore(%run_scoped3A : memref<!tpu.dma_semaphore, #tpu.memory_space<semaphore_mem>>)
      %dma_wait3A = arith.constant 0 : i32
      %dma_wait3A_101 = tpu.memref_slice %arg13[%add3A_18, %dma_wait3A] : memref<25600x32xf32, #tpu.memory_space<vmem_shared>> -> memref<100x32xf32, #tpu.memory_space<vmem_shared>>
      %dma_wait3A_102 = arith.constant 0 : i32
      %dma_wait3A_103 = tpu.memref_slice %arg13[%add3A_18, %dma_wait3A_102] : memref<25600x32xf32, #tpu.memory_space<vmem_shared>> -> memref<100x32xf32, #tpu.memory_space<vmem_shared>>
      tpu.wait_dma2 semaphore(%run_scoped3A : memref<!tpu.dma_semaphore, #tpu.memory_space<semaphore_mem>>) src(%arg12 : memref<100x32xf32, #tpu.memory_space<vmem>>) dst(%dma_wait3A_103 : memref<100x32xf32, #tpu.memory_space<vmem_shared>>)
      tpu.yield
    }) : () -> ()
    %add3A_19 = arith.constant 200 : i32
    %add3A_20 = arith.addi %mul3A_14, %add3A_19 : i32
    "tpu.region"() ({
      %run_scoped3A = tpu.sem_alloc : memref<!tpu.dma_semaphore, #tpu.memory_space<semaphore_mem>>
      %dma_start3A_97 = arith.constant 0 : i32
      %dma_start3A_98 = tpu.memref_slice %arg13[%add3A_20, %dma_start3A_97] : memref<25600x32xf32, #tpu.memory_space<vmem_shared>> -> memref<100x32xf32, #tpu.memory_space<vmem_shared>>
      %dma_start3A_99 = arith.constant 0 : i32
      %dma_start3A_100 = tpu.memref_slice %arg13[%add3A_20, %dma_start3A_99] : memref<25600x32xf32, #tpu.memory_space<vmem_shared>> -> memref<100x32xf32, #tpu.memory_space<vmem_shared>>
      tpu.enqueue_dma source(%arg12 : memref<100x32xf32, #tpu.memory_space<vmem>>) target(%dma_start3A_100 : memref<100x32xf32, #tpu.memory_space<vmem_shared>>) target_semaphore(%run_scoped3A : memref<!tpu.dma_semaphore, #tpu.memory_space<semaphore_mem>>)
      %dma_wait3A = arith.constant 0 : i32
      %dma_wait3A_101 = tpu.memref_slice %arg13[%add3A_20, %dma_wait3A] : memref<25600x32xf32, #tpu.memory_space<vmem_shared>> -> memref<100x32xf32, #tpu.memory_space<vmem_shared>>
      %dma_wait3A_102 = arith.constant 0 : i32
      %dma_wait3A_103 = tpu.memref_slice %arg13[%add3A_20, %dma_wait3A_102] : memref<25600x32xf32, #tpu.memory_space<vmem_shared>> -> memref<100x32xf32, #tpu.memory_space<vmem_shared>>
      tpu.wait_dma2 semaphore(%run_scoped3A : memref<!tpu.dma_semaphore, #tpu.memory_space<semaphore_mem>>) src(%arg12 : memref<100x32xf32, #tpu.memory_space<vmem>>) dst(%dma_wait3A_103 : memref<100x32xf32, #tpu.memory_space<vmem_shared>>)
      tpu.yield
    }) : () -> ()
    %add3A_21 = arith.constant 300 : i32
    %add3A_22 = arith.addi %mul3A_14, %add3A_21 : i32
    "tpu.region"() ({
      %run_scoped3A = tpu.sem_alloc : memref<!tpu.dma_semaphore, #tpu.memory_space<semaphore_mem>>
      %dma_start3A_97 = arith.constant 0 : i32
      %dma_start3A_98 = tpu.memref_slice %arg13[%add3A_22, %dma_start3A_97] : memref<25600x32xf32, #tpu.memory_space<vmem_shared>> -> memref<100x32xf32, #tpu.memory_space<vmem_shared>>
      %dma_start3A_99 = arith.constant 0 : i32
      %dma_start3A_100 = tpu.memref_slice %arg13[%add3A_22, %dma_start3A_99] : memref<25600x32xf32, #tpu.memory_space<vmem_shared>> -> memref<100x32xf32, #tpu.memory_space<vmem_shared>>
      tpu.enqueue_dma source(%arg12 : memref<100x32xf32, #tpu.memory_space<vmem>>) target(%dma_start3A_100 : memref<100x32xf32, #tpu.memory_space<vmem_shared>>) target_semaphore(%run_scoped3A : memref<!tpu.dma_semaphore, #tpu.memory_space<semaphore_mem>>)
      %dma_wait3A = arith.constant 0 : i32
      %dma_wait3A_101 = tpu.memref_slice %arg13[%add3A_22, %dma_wait3A] : memref<25600x32xf32, #tpu.memory_space<vmem_shared>> -> memref<100x32xf32, #tpu.memory_space<vmem_shared>>
      %dma_wait3A_102 = arith.constant 0 : i32
      %dma_wait3A_103 = tpu.memref_slice %arg13[%add3A_22, %dma_wait3A_102] : memref<25600x32xf32, #tpu.memory_space<vmem_shared>> -> memref<100x32xf32, #tpu.memory_space<vmem_shared>>
      tpu.wait_dma2 semaphore(%run_scoped3A : memref<!tpu.dma_semaphore, #tpu.memory_space<semaphore_mem>>) src(%arg12 : memref<100x32xf32, #tpu.memory_space<vmem>>) dst(%dma_wait3A_103 : memref<100x32xf32, #tpu.memory_space<vmem_shared>>)
      tpu.yield
    }) : () -> ()
    %add3A_23 = arith.constant 400 : i32
    %add3A_24 = arith.addi %mul3A_14, %add3A_23 : i32
    "tpu.region"() ({
      %run_scoped3A = tpu.sem_alloc : memref<!tpu.dma_semaphore, #tpu.memory_space<semaphore_mem>>
      %dma_start3A_97 = arith.constant 0 : i32
      %dma_start3A_98 = tpu.memref_slice %arg13[%add3A_24, %dma_start3A_97] : memref<25600x32xf32, #tpu.memory_space<vmem_shared>> -> memref<100x32xf32, #tpu.memory_space<vmem_shared>>
      %dma_start3A_99 = arith.constant 0 : i32
      %dma_start3A_100 = tpu.memref_slice %arg13[%add3A_24, %dma_start3A_99] : memref<25600x32xf32, #tpu.memory_space<vmem_shared>> -> memref<100x32xf32, #tpu.memory_space<vmem_shared>>
      tpu.enqueue_dma source(%arg12 : memref<100x32xf32, #tpu.memory_space<vmem>>) target(%dma_start3A_100 : memref<100x32xf32, #tpu.memory_space<vmem_shared>>) target_semaphore(%run_scoped3A : memref<!tpu.dma_semaphore, #tpu.memory_space<semaphore_mem>>)
      %dma_wait3A = arith.constant 0 : i32
      %dma_wait3A_101 = tpu.memref_slice %arg13[%add3A_24, %dma_wait3A] : memref<25600x32xf32, #tpu.memory_space<vmem_shared>> -> memref<100x32xf32, #tpu.memory_space<vmem_shared>>
      %dma_wait3A_102 = arith.constant 0 : i32
      %dma_wait3A_103 = tpu.memref_slice %arg13[%add3A_24, %dma_wait3A_102] : memref<25600x32xf32, #tpu.memory_space<vmem_shared>> -> memref<100x32xf32, #tpu.memory_space<vmem_shared>>
      tpu.wait_dma2 semaphore(%run_scoped3A : memref<!tpu.dma_semaphore, #tpu.memory_space<semaphore_mem>>) src(%arg12 : memref<100x32xf32, #tpu.memory_space<vmem>>) dst(%dma_wait3A_103 : memref<100x32xf32, #tpu.memory_space<vmem_shared>>)
      tpu.yield
    }) : () -> ()
    %add3A_25 = arith.constant 500 : i32
    %add3A_26 = arith.addi %mul3A_14, %add3A_25 : i32
    "tpu.region"() ({
      %run_scoped3A = tpu.sem_alloc : memref<!tpu.dma_semaphore, #tpu.memory_space<semaphore_mem>>
      %dma_start3A_97 = arith.constant 0 : i32
      %dma_start3A_98 = tpu.memref_slice %arg13[%add3A_26, %dma_start3A_97] : memref<25600x32xf32, #tpu.memory_space<vmem_shared>> -> memref<100x32xf32, #tpu.memory_space<vmem_shared>>
      %dma_start3A_99 = arith.constant 0 : i32
      %dma_start3A_100 = tpu.memref_slice %arg13[%add3A_26, %dma_start3A_99] : memref<25600x32xf32, #tpu.memory_space<vmem_shared>> -> memref<100x32xf32, #tpu.memory_space<vmem_shared>>
      tpu.enqueue_dma source(%arg12 : memref<100x32xf32, #tpu.memory_space<vmem>>) target(%dma_start3A_100 : memref<100x32xf32, #tpu.memory_space<vmem_shared>>) target_semaphore(%run_scoped3A : memref<!tpu.dma_semaphore, #tpu.memory_space<semaphore_mem>>)
      %dma_wait3A = arith.constant 0 : i32
      %dma_wait3A_101 = tpu.memref_slice %arg13[%add3A_26, %dma_wait3A] : memref<25600x32xf32, #tpu.memory_space<vmem_shared>> -> memref<100x32xf32, #tpu.memory_space<vmem_shared>>
      %dma_wait3A_102 = arith.constant 0 : i32
      %dma_wait3A_103 = tpu.memref_slice %arg13[%add3A_26, %dma_wait3A_102] : memref<25600x32xf32, #tpu.memory_space<vmem_shared>> -> memref<100x32xf32, #tpu.memory_space<vmem_shared>>
      tpu.wait_dma2 semaphore(%run_scoped3A : memref<!tpu.dma_semaphore, #tpu.memory_space<semaphore_mem>>) src(%arg12 : memref<100x32xf32, #tpu.memory_space<vmem>>) dst(%dma_wait3A_103 : memref<100x32xf32, #tpu.memory_space<vmem_shared>>)
      tpu.yield
    }) : () -> ()
    %add3A_27 = arith.constant 600 : i32
    %add3A_28 = arith.addi %mul3A_14, %add3A_27 : i32
    "tpu.region"() ({
      %run_scoped3A = tpu.sem_alloc : memref<!tpu.dma_semaphore, #tpu.memory_space<semaphore_mem>>
      %dma_start3A_97 = arith.constant 0 : i32
      %dma_start3A_98 = tpu.memref_slice %arg13[%add3A_28, %dma_start3A_97] : memref<25600x32xf32, #tpu.memory_space<vmem_shared>> -> memref<100x32xf32, #tpu.memory_space<vmem_shared>>
      %dma_start3A_99 = arith.constant 0 : i32
      %dma_start3A_100 = tpu.memref_slice %arg13[%add3A_28, %dma_start3A_99] : memref<25600x32xf32, #tpu.memory_space<vmem_shared>> -> memref<100x32xf32, #tpu.memory_space<vmem_shared>>
      tpu.enqueue_dma source(%arg12 : memref<100x32xf32, #tpu.memory_space<vmem>>) target(%dma_start3A_100 : memref<100x32xf32, #tpu.memory_space<vmem_shared>>) target_semaphore(%run_scoped3A : memref<!tpu.dma_semaphore, #tpu.memory_space<semaphore_mem>>)
      %dma_wait3A = arith.constant 0 : i32
      %dma_wait3A_101 = tpu.memref_slice %arg13[%add3A_28, %dma_wait3A] : memref<25600x32xf32, #tpu.memory_space<vmem_shared>> -> memref<100x32xf32, #tpu.memory_space<vmem_shared>>
      %dma_wait3A_102 = arith.constant 0 : i32
      %dma_wait3A_103 = tpu.memref_slice %arg13[%add3A_28, %dma_wait3A_102] : memref<25600x32xf32, #tpu.memory_space<vmem_shared>> -> memref<100x32xf32, #tpu.memory_space<vmem_shared>>
      tpu.wait_dma2 semaphore(%run_scoped3A : memref<!tpu.dma_semaphore, #tpu.memory_space<semaphore_mem>>) src(%arg12 : memref<100x32xf32, #tpu.memory_space<vmem>>) dst(%dma_wait3A_103 : memref<100x32xf32, #tpu.memory_space<vmem_shared>>)
      tpu.yield
    }) : () -> ()
    %add3A_29 = arith.constant 700 : i32
    %add3A_30 = arith.addi %mul3A_14, %add3A_29 : i32
    "tpu.region"() ({
      %run_scoped3A = tpu.sem_alloc : memref<!tpu.dma_semaphore, #tpu.memory_space<semaphore_mem>>
      %dma_start3A_97 = arith.constant 0 : i32
      %dma_start3A_98 = tpu.memref_slice %arg13[%add3A_30, %dma_start3A_97] : memref<25600x32xf32, #tpu.memory_space<vmem_shared>> -> memref<100x32xf32, #tpu.memory_space<vmem_shared>>
      %dma_start3A_99 = arith.constant 0 : i32
      %dma_start3A_100 = tpu.memref_slice %arg13[%add3A_30, %dma_start3A_99] : memref<25600x32xf32, #tpu.memory_space<vmem_shared>> -> memref<100x32xf32, #tpu.memory_space<vmem_shared>>
      tpu.enqueue_dma source(%arg12 : memref<100x32xf32, #tpu.memory_space<vmem>>) target(%dma_start3A_100 : memref<100x32xf32, #tpu.memory_space<vmem_shared>>) target_semaphore(%run_scoped3A : memref<!tpu.dma_semaphore, #tpu.memory_space<semaphore_mem>>)
      %dma_wait3A = arith.constant 0 : i32
      %dma_wait3A_101 = tpu.memref_slice %arg13[%add3A_30, %dma_wait3A] : memref<25600x32xf32, #tpu.memory_space<vmem_shared>> -> memref<100x32xf32, #tpu.memory_space<vmem_shared>>
      %dma_wait3A_102 = arith.constant 0 : i32
      %dma_wait3A_103 = tpu.memref_slice %arg13[%add3A_30, %dma_wait3A_102] : memref<25600x32xf32, #tpu.memory_space<vmem_shared>> -> memref<100x32xf32, #tpu.memory_space<vmem_shared>>
      tpu.wait_dma2 semaphore(%run_scoped3A : memref<!tpu.dma_semaphore, #tpu.memory_space<semaphore_mem>>) src(%arg12 : memref<100x32xf32, #tpu.memory_space<vmem>>) dst(%dma_wait3A_103 : memref<100x32xf32, #tpu.memory_space<vmem_shared>>)
      tpu.yield
    }) : () -> ()
    %add3A_31 = arith.constant 800 : i32
    %add3A_32 = arith.addi %mul3A_14, %add3A_31 : i32
    "tpu.region"() ({
      %run_scoped3A = tpu.sem_alloc : memref<!tpu.dma_semaphore, #tpu.memory_space<semaphore_mem>>
      %dma_start3A_97 = arith.constant 0 : i32
      %dma_start3A_98 = tpu.memref_slice %arg13[%add3A_32, %dma_start3A_97] : memref<25600x32xf32, #tpu.memory_space<vmem_shared>> -> memref<100x32xf32, #tpu.memory_space<vmem_shared>>
      %dma_start3A_99 = arith.constant 0 : i32
      %dma_start3A_100 = tpu.memref_slice %arg13[%add3A_32, %dma_start3A_99] : memref<25600x32xf32, #tpu.memory_space<vmem_shared>> -> memref<100x32xf32, #tpu.memory_space<vmem_shared>>
      tpu.enqueue_dma source(%arg12 : memref<100x32xf32, #tpu.memory_space<vmem>>) target(%dma_start3A_100 : memref<100x32xf32, #tpu.memory_space<vmem_shared>>) target_semaphore(%run_scoped3A : memref<!tpu.dma_semaphore, #tpu.memory_space<semaphore_mem>>)
      %dma_wait3A = arith.constant 0 : i32
      %dma_wait3A_101 = tpu.memref_slice %arg13[%add3A_32, %dma_wait3A] : memref<25600x32xf32, #tpu.memory_space<vmem_shared>> -> memref<100x32xf32, #tpu.memory_space<vmem_shared>>
      %dma_wait3A_102 = arith.constant 0 : i32
      %dma_wait3A_103 = tpu.memref_slice %arg13[%add3A_32, %dma_wait3A_102] : memref<25600x32xf32, #tpu.memory_space<vmem_shared>> -> memref<100x32xf32, #tpu.memory_space<vmem_shared>>
      tpu.wait_dma2 semaphore(%run_scoped3A : memref<!tpu.dma_semaphore, #tpu.memory_space<semaphore_mem>>) src(%arg12 : memref<100x32xf32, #tpu.memory_space<vmem>>) dst(%dma_wait3A_103 : memref<100x32xf32, #tpu.memory_space<vmem_shared>>)
      tpu.yield
    }) : () -> ()
    %add3A_33 = arith.constant 900 : i32
    %add3A_34 = arith.addi %mul3A_14, %add3A_33 : i32
    "tpu.region"() ({
      %run_scoped3A = tpu.sem_alloc : memref<!tpu.dma_semaphore, #tpu.memory_space<semaphore_mem>>
      %dma_start3A_97 = arith.constant 0 : i32
      %dma_start3A_98 = tpu.memref_slice %arg13[%add3A_34, %dma_start3A_97] : memref<25600x32xf32, #tpu.memory_space<vmem_shared>> -> memref<100x32xf32, #tpu.memory_space<vmem_shared>>
      %dma_start3A_99 = arith.constant 0 : i32
      %dma_start3A_100 = tpu.memref_slice %arg13[%add3A_34, %dma_start3A_99] : memref<25600x32xf32, #tpu.memory_space<vmem_shared>> -> memref<100x32xf32, #tpu.memory_space<vmem_shared>>
      tpu.enqueue_dma source(%arg12 : memref<100x32xf32, #tpu.memory_space<vmem>>) target(%dma_start3A_100 : memref<100x32xf32, #tpu.memory_space<vmem_shared>>) target_semaphore(%run_scoped3A : memref<!tpu.dma_semaphore, #tpu.memory_space<semaphore_mem>>)
      %dma_wait3A = arith.constant 0 : i32
      %dma_wait3A_101 = tpu.memref_slice %arg13[%add3A_34, %dma_wait3A] : memref<25600x32xf32, #tpu.memory_space<vmem_shared>> -> memref<100x32xf32, #tpu.memory_space<vmem_shared>>
      %dma_wait3A_102 = arith.constant 0 : i32
      %dma_wait3A_103 = tpu.memref_slice %arg13[%add3A_34, %dma_wait3A_102] : memref<25600x32xf32, #tpu.memory_space<vmem_shared>> -> memref<100x32xf32, #tpu.memory_space<vmem_shared>>
      tpu.wait_dma2 semaphore(%run_scoped3A : memref<!tpu.dma_semaphore, #tpu.memory_space<semaphore_mem>>) src(%arg12 : memref<100x32xf32, #tpu.memory_space<vmem>>) dst(%dma_wait3A_103 : memref<100x32xf32, #tpu.memory_space<vmem_shared>>)
      tpu.yield
    }) : () -> ()
    %add3A_35 = arith.constant 1000 : i32
    %add3A_36 = arith.addi %mul3A_14, %add3A_35 : i32
    "tpu.region"() ({
      %run_scoped3A = tpu.sem_alloc : memref<!tpu.dma_semaphore, #tpu.memory_space<semaphore_mem>>
      %dma_start3A_97 = arith.constant 0 : i32
      %dma_start3A_98 = tpu.memref_slice %arg13[%add3A_36, %dma_start3A_97] : memref<25600x32xf32, #tpu.memory_space<vmem_shared>> -> memref<100x32xf32, #tpu.memory_space<vmem_shared>>
      %dma_start3A_99 = arith.constant 0 : i32
      %dma_start3A_100 = tpu.memref_slice %arg13[%add3A_36, %dma_start3A_99] : memref<25600x32xf32, #tpu.memory_space<vmem_shared>> -> memref<100x32xf32, #tpu.memory_space<vmem_shared>>
      tpu.enqueue_dma source(%arg12 : memref<100x32xf32, #tpu.memory_space<vmem>>) target(%dma_start3A_100 : memref<100x32xf32, #tpu.memory_space<vmem_shared>>) target_semaphore(%run_scoped3A : memref<!tpu.dma_semaphore, #tpu.memory_space<semaphore_mem>>)
      %dma_wait3A = arith.constant 0 : i32
      %dma_wait3A_101 = tpu.memref_slice %arg13[%add3A_36, %dma_wait3A] : memref<25600x32xf32, #tpu.memory_space<vmem_shared>> -> memref<100x32xf32, #tpu.memory_space<vmem_shared>>
      %dma_wait3A_102 = arith.constant 0 : i32
      %dma_wait3A_103 = tpu.memref_slice %arg13[%add3A_36, %dma_wait3A_102] : memref<25600x32xf32, #tpu.memory_space<vmem_shared>> -> memref<100x32xf32, #tpu.memory_space<vmem_shared>>
      tpu.wait_dma2 semaphore(%run_scoped3A : memref<!tpu.dma_semaphore, #tpu.memory_space<semaphore_mem>>) src(%arg12 : memref<100x32xf32, #tpu.memory_space<vmem>>) dst(%dma_wait3A_103 : memref<100x32xf32, #tpu.memory_space<vmem_shared>>)
      tpu.yield
    }) : () -> ()
    %add3A_37 = arith.constant 1100 : i32
    %add3A_38 = arith.addi %mul3A_14, %add3A_37 : i32
    "tpu.region"() ({
      %run_scoped3A = tpu.sem_alloc : memref<!tpu.dma_semaphore, #tpu.memory_space<semaphore_mem>>
      %dma_start3A_97 = arith.constant 0 : i32
      %dma_start3A_98 = tpu.memref_slice %arg13[%add3A_38, %dma_start3A_97] : memref<25600x32xf32, #tpu.memory_space<vmem_shared>> -> memref<100x32xf32, #tpu.memory_space<vmem_shared>>
      %dma_start3A_99 = arith.constant 0 : i32
      %dma_start3A_100 = tpu.memref_slice %arg13[%add3A_38, %dma_start3A_99] : memref<25600x32xf32, #tpu.memory_space<vmem_shared>> -> memref<100x32xf32, #tpu.memory_space<vmem_shared>>
      tpu.enqueue_dma source(%arg12 : memref<100x32xf32, #tpu.memory_space<vmem>>) target(%dma_start3A_100 : memref<100x32xf32, #tpu.memory_space<vmem_shared>>) target_semaphore(%run_scoped3A : memref<!tpu.dma_semaphore, #tpu.memory_space<semaphore_mem>>)
      %dma_wait3A = arith.constant 0 : i32
      %dma_wait3A_101 = tpu.memref_slice %arg13[%add3A_38, %dma_wait3A] : memref<25600x32xf32, #tpu.memory_space<vmem_shared>> -> memref<100x32xf32, #tpu.memory_space<vmem_shared>>
      %dma_wait3A_102 = arith.constant 0 : i32
      %dma_wait3A_103 = tpu.memref_slice %arg13[%add3A_38, %dma_wait3A_102] : memref<25600x32xf32, #tpu.memory_space<vmem_shared>> -> memref<100x32xf32, #tpu.memory_space<vmem_shared>>
      tpu.wait_dma2 semaphore(%run_scoped3A : memref<!tpu.dma_semaphore, #tpu.memory_space<semaphore_mem>>) src(%arg12 : memref<100x32xf32, #tpu.memory_space<vmem>>) dst(%dma_wait3A_103 : memref<100x32xf32, #tpu.memory_space<vmem_shared>>)
      tpu.yield
    }) : () -> ()
    %add3A_39 = arith.constant 1200 : i32
    %add3A_40 = arith.addi %mul3A_14, %add3A_39 : i32
    "tpu.region"() ({
      %run_scoped3A = tpu.sem_alloc : memref<!tpu.dma_semaphore, #tpu.memory_space<semaphore_mem>>
      %dma_start3A_97 = arith.constant 0 : i32
      %dma_start3A_98 = tpu.memref_slice %arg13[%add3A_40, %dma_start3A_97] : memref<25600x32xf32, #tpu.memory_space<vmem_shared>> -> memref<100x32xf32, #tpu.memory_space<vmem_shared>>
      %dma_start3A_99 = arith.constant 0 : i32
      %dma_start3A_100 = tpu.memref_slice %arg13[%add3A_40, %dma_start3A_99] : memref<25600x32xf32, #tpu.memory_space<vmem_shared>> -> memref<100x32xf32, #tpu.memory_space<vmem_shared>>
      tpu.enqueue_dma source(%arg12 : memref<100x32xf32, #tpu.memory_space<vmem>>) target(%dma_start3A_100 : memref<100x32xf32, #tpu.memory_space<vmem_shared>>) target_semaphore(%run_scoped3A : memref<!tpu.dma_semaphore, #tpu.memory_space<semaphore_mem>>)
      %dma_wait3A = arith.constant 0 : i32
      %dma_wait3A_101 = tpu.memref_slice %arg13[%add3A_40, %dma_wait3A] : memref<25600x32xf32, #tpu.memory_space<vmem_shared>> -> memref<100x32xf32, #tpu.memory_space<vmem_shared>>
      %dma_wait3A_102 = arith.constant 0 : i32
      %dma_wait3A_103 = tpu.memref_slice %arg13[%add3A_40, %dma_wait3A_102] : memref<25600x32xf32, #tpu.memory_space<vmem_shared>> -> memref<100x32xf32, #tpu.memory_space<vmem_shared>>
      tpu.wait_dma2 semaphore(%run_scoped3A : memref<!tpu.dma_semaphore, #tpu.memory_space<semaphore_mem>>) src(%arg12 : memref<100x32xf32, #tpu.memory_space<vmem>>) dst(%dma_wait3A_103 : memref<100x32xf32, #tpu.memory_space<vmem_shared>>)
      tpu.yield
    }) : () -> ()
    %add3A_41 = arith.constant 1300 : i32
    %add3A_42 = arith.addi %mul3A_14, %add3A_41 : i32
    "tpu.region"() ({
      %run_scoped3A = tpu.sem_alloc : memref<!tpu.dma_semaphore, #tpu.memory_space<semaphore_mem>>
      %dma_start3A_97 = arith.constant 0 : i32
      %dma_start3A_98 = tpu.memref_slice %arg13[%add3A_42, %dma_start3A_97] : memref<25600x32xf32, #tpu.memory_space<vmem_shared>> -> memref<100x32xf32, #tpu.memory_space<vmem_shared>>
      %dma_start3A_99 = arith.constant 0 : i32
      %dma_start3A_100 = tpu.memref_slice %arg13[%add3A_42, %dma_start3A_99] : memref<25600x32xf32, #tpu.memory_space<vmem_shared>> -> memref<100x32xf32, #tpu.memory_space<vmem_shared>>
      tpu.enqueue_dma source(%arg12 : memref<100x32xf32, #tpu.memory_space<vmem>>) target(%dma_start3A_100 : memref<100x32xf32, #tpu.memory_space<vmem_shared>>) target_semaphore(%run_scoped3A : memref<!tpu.dma_semaphore, #tpu.memory_space<semaphore_mem>>)
      %dma_wait3A = arith.constant 0 : i32
      %dma_wait3A_101 = tpu.memref_slice %arg13[%add3A_42, %dma_wait3A] : memref<25600x32xf32, #tpu.memory_space<vmem_shared>> -> memref<100x32xf32, #tpu.memory_space<vmem_shared>>
      %dma_wait3A_102 = arith.constant 0 : i32
      %dma_wait3A_103 = tpu.memref_slice %arg13[%add3A_42, %dma_wait3A_102] : memref<25600x32xf32, #tpu.memory_space<vmem_shared>> -> memref<100x32xf32, #tpu.memory_space<vmem_shared>>
      tpu.wait_dma2 semaphore(%run_scoped3A : memref<!tpu.dma_semaphore, #tpu.memory_space<semaphore_mem>>) src(%arg12 : memref<100x32xf32, #tpu.memory_space<vmem>>) dst(%dma_wait3A_103 : memref<100x32xf32, #tpu.memory_space<vmem_shared>>)
      tpu.yield
    }) : () -> ()
    %add3A_43 = arith.constant 1400 : i32
    %add3A_44 = arith.addi %mul3A_14, %add3A_43 : i32
    "tpu.region"() ({
      %run_scoped3A = tpu.sem_alloc : memref<!tpu.dma_semaphore, #tpu.memory_space<semaphore_mem>>
      %dma_start3A_97 = arith.constant 0 : i32
      %dma_start3A_98 = tpu.memref_slice %arg13[%add3A_44, %dma_start3A_97] : memref<25600x32xf32, #tpu.memory_space<vmem_shared>> -> memref<100x32xf32, #tpu.memory_space<vmem_shared>>
      %dma_start3A_99 = arith.constant 0 : i32
      %dma_start3A_100 = tpu.memref_slice %arg13[%add3A_44, %dma_start3A_99] : memref<25600x32xf32, #tpu.memory_space<vmem_shared>> -> memref<100x32xf32, #tpu.memory_space<vmem_shared>>
      tpu.enqueue_dma source(%arg12 : memref<100x32xf32, #tpu.memory_space<vmem>>) target(%dma_start3A_100 : memref<100x32xf32, #tpu.memory_space<vmem_shared>>) target_semaphore(%run_scoped3A : memref<!tpu.dma_semaphore, #tpu.memory_space<semaphore_mem>>)
      %dma_wait3A = arith.constant 0 : i32
      %dma_wait3A_101 = tpu.memref_slice %arg13[%add3A_44, %dma_wait3A] : memref<25600x32xf32, #tpu.memory_space<vmem_shared>> -> memref<100x32xf32, #tpu.memory_space<vmem_shared>>
      %dma_wait3A_102 = arith.constant 0 : i32
      %dma_wait3A_103 = tpu.memref_slice %arg13[%add3A_44, %dma_wait3A_102] : memref<25600x32xf32, #tpu.memory_space<vmem_shared>> -> memref<100x32xf32, #tpu.memory_space<vmem_shared>>
      tpu.wait_dma2 semaphore(%run_scoped3A : memref<!tpu.dma_semaphore, #tpu.memory_space<semaphore_mem>>) src(%arg12 : memref<100x32xf32, #tpu.memory_space<vmem>>) dst(%dma_wait3A_103 : memref<100x32xf32, #tpu.memory_space<vmem_shared>>)
      tpu.yield
    }) : () -> ()
    %add3A_45 = arith.constant 1500 : i32
    %add3A_46 = arith.addi %mul3A_14, %add3A_45 : i32
    "tpu.region"() ({
      %run_scoped3A = tpu.sem_alloc : memref<!tpu.dma_semaphore, #tpu.memory_space<semaphore_mem>>
      %dma_start3A_97 = arith.constant 0 : i32
      %dma_start3A_98 = tpu.memref_slice %arg13[%add3A_46, %dma_start3A_97] : memref<25600x32xf32, #tpu.memory_space<vmem_shared>> -> memref<100x32xf32, #tpu.memory_space<vmem_shared>>
      %dma_start3A_99 = arith.constant 0 : i32
      %dma_start3A_100 = tpu.memref_slice %arg13[%add3A_46, %dma_start3A_99] : memref<25600x32xf32, #tpu.memory_space<vmem_shared>> -> memref<100x32xf32, #tpu.memory_space<vmem_shared>>
      tpu.enqueue_dma source(%arg12 : memref<100x32xf32, #tpu.memory_space<vmem>>) target(%dma_start3A_100 : memref<100x32xf32, #tpu.memory_space<vmem_shared>>) target_semaphore(%run_scoped3A : memref<!tpu.dma_semaphore, #tpu.memory_space<semaphore_mem>>)
      %dma_wait3A = arith.constant 0 : i32
      %dma_wait3A_101 = tpu.memref_slice %arg13[%add3A_46, %dma_wait3A] : memref<25600x32xf32, #tpu.memory_space<vmem_shared>> -> memref<100x32xf32, #tpu.memory_space<vmem_shared>>
      %dma_wait3A_102 = arith.constant 0 : i32
      %dma_wait3A_103 = tpu.memref_slice %arg13[%add3A_46, %dma_wait3A_102] : memref<25600x32xf32, #tpu.memory_space<vmem_shared>> -> memref<100x32xf32, #tpu.memory_space<vmem_shared>>
      tpu.wait_dma2 semaphore(%run_scoped3A : memref<!tpu.dma_semaphore, #tpu.memory_space<semaphore_mem>>) src(%arg12 : memref<100x32xf32, #tpu.memory_space<vmem>>) dst(%dma_wait3A_103 : memref<100x32xf32, #tpu.memory_space<vmem_shared>>)
      tpu.yield
    }) : () -> ()
    %broadcast_in_dim3A_47 = arith.constant 1.000000e+00 : f32
    %broadcast_in_dim3A_48 = vector.broadcast %broadcast_in_dim3A_47 : f32 to vector<16xf32>
    %scan3A_49 = arith.constant 0 : i32
    %scan3A_50 = arith.constant 0 : i32
    %scan3A_51 = arith.constant 128 : i32
    %scan3A_52 = arith.addi %scan3A_50, %scan3A_51 : i32
    %scan3A_53 = arith.constant 1 : i32
    scf.for %scan3A_97 = %scan3A_50 to %scan3A_52 step %scan3A_53  : i32 {
      %swap3A = arith.index_cast %scan3A_97 : i32 to index
      %swap3A_98 = arith.constant 16 : index
      %swap3A_99 = tpu.vector_load %arg11[%swap3A, %swap3A_98] {strides = array<i32>} : memref<128x32xf32, #tpu.memory_space<vmem>>, vector<1x16xf32>,
      %swap3A_100 = vector.shape_cast %swap3A_99 : vector<1x16xf32> to vector<16xf32>
      %swap3A_101 = vector.shape_cast %broadcast_in_dim3A_48 : vector<16xf32> to vector<1x16xf32>
      tpu.vector_store %arg11[%swap3A, %swap3A_98], %swap3A_101 {strides = array<i32>} : memref<128x32xf32, #tpu.memory_space<vmem>>, vector<1x16xf32>,
    }
    %scan3A_54 = arith.constant 128 : i32
    %barrier3A = arith.constant 0 : index
    tpu.barrier barrier_id(%barrier3A)
    %dma_start3A = arith.constant 0 : i32
    %dma_start3A_55 = arith.constant 0 : i32
    %dma_start3A_56 = arith.constant 0 : i32
    %dma_start3A_57 = arith.constant 0 : i32
    %dma_start3A_58 = tpu.memref_slice %arg10[%dma_start3A_55, %dma_start3A_56, %dma_start3A_57] : memref<4x128x32xf32, #tpu.memory_space<vmem>> -> memref<1x128x32xf32, #tpu.memory_space<vmem>>
    %dma_start3A_59 = tpu.memref_squeeze %dma_start3A_58 : memref<1x128x32xf32, #tpu.memory_space<vmem>> -> memref<128x32xf32, #tpu.memory_space<vmem>>
    %dma_start3A_60 = arith.constant 0 : i32
    %dma_start3A_61 = tpu.memref_slice %arg7[%dma_start3A, %dma_start3A_60] : memref<100x128xi32, #tpu.memory_space<vmem>> -> memref<1x128xi32, #tpu.memory_space<vmem>>
    %dma_start3A_62 = tpu.memref_squeeze %dma_start3A_61 : memref<1x128xi32, #tpu.memory_space<vmem>> -> memref<128xi32, #tpu.memory_space<vmem>>
    %dma_start3A_63 = arith.constant 0 : i32
    %dma_start3A_64 = arith.constant 0 : i32
    %dma_start3A_65 = tpu.memref_slice %arg2[%dma_start3A_63, %dma_start3A_64] : memref<25600x32xf32, #tpu.memory_space<hbm>> -> memref<25600x32xf32, #tpu.memory_space<hbm>>
    tpu.enqueue_indirect_dma source(%dma_start3A_65 : memref<25600x32xf32, #tpu.memory_space<hbm>>) target(%dma_start3A_59 : memref<128x32xf32, #tpu.memory_space<vmem>>) offsets(%dma_start3A_62 : memref<128xi32, #tpu.memory_space<vmem>>) semaphore(%arg14 : memref<!tpu.dma_semaphore, #tpu.memory_space<semaphore_mem>>)
    %dma_start3A_66 = arith.constant 1 : i32
    %dma_start3A_67 = arith.constant 1 : i32
    %dma_start3A_68 = arith.constant 0 : i32
    %dma_start3A_69 = arith.constant 0 : i32
    %dma_start3A_70 = tpu.memref_slice %arg10[%dma_start3A_67, %dma_start3A_68, %dma_start3A_69] : memref<4x128x32xf32, #tpu.memory_space<vmem>> -> memref<1x128x32xf32, #tpu.memory_space<vmem>>
    %dma_start3A_71 = tpu.memref_squeeze %dma_start3A_70 : memref<1x128x32xf32, #tpu.memory_space<vmem>> -> memref<128x32xf32, #tpu.memory_space<vmem>>
    %dma_start3A_72 = arith.constant 0 : i32
    %dma_start3A_73 = tpu.memref_slice %arg7[%dma_start3A_66, %dma_start3A_72] : memref<100x128xi32, #tpu.memory_space<vmem>> -> memref<1x128xi32, #tpu.memory_space<vmem>>
    %dma_start3A_74 = tpu.memref_squeeze %dma_start3A_73 : memref<1x128xi32, #tpu.memory_space<vmem>> -> memref<128xi32, #tpu.memory_space<vmem>>
    %dma_start3A_75 = arith.constant 0 : i32
    %dma_start3A_76 = arith.constant 0 : i32
    %dma_start3A_77 = tpu.memref_slice %arg2[%dma_start3A_75, %dma_start3A_76] : memref<25600x32xf32, #tpu.memory_space<hbm>> -> memref<25600x32xf32, #tpu.memory_space<hbm>>
    tpu.enqueue_indirect_dma source(%dma_start3A_77 : memref<25600x32xf32, #tpu.memory_space<hbm>>) target(%dma_start3A_71 : memref<128x32xf32, #tpu.memory_space<vmem>>) offsets(%dma_start3A_74 : memref<128xi32, #tpu.memory_space<vmem>>) semaphore(%arg14 : memref<!tpu.dma_semaphore, #tpu.memory_space<semaphore_mem>>)
    %dma_start3A_78 = arith.constant 2 : i32
    %dma_start3A_79 = arith.constant 2 : i32
    %dma_start3A_80 = arith.constant 0 : i32
    %dma_start3A_81 = arith.constant 0 : i32
    %dma_start3A_82 = tpu.memref_slice %arg10[%dma_start3A_79, %dma_start3A_80, %dma_start3A_81] : memref<4x128x32xf32, #tpu.memory_space<vmem>> -> memref<1x128x32xf32, #tpu.memory_space<vmem>>
    %dma_start3A_83 = tpu.memref_squeeze %dma_start3A_82 : memref<1x128x32xf32, #tpu.memory_space<vmem>> -> memref<128x32xf32, #tpu.memory_space<vmem>>
    %dma_start3A_84 = arith.constant 0 : i32
    %dma_start3A_85 = tpu.memref_slice %arg7[%dma_start3A_78, %dma_start3A_84] : memref<100x128xi32, #tpu.memory_space<vmem>> -> memref<1x128xi32, #tpu.memory_space<vmem>>
    %dma_start3A_86 = tpu.memref_squeeze %dma_start3A_85 : memref<1x128xi32, #tpu.memory_space<vmem>> -> memref<128xi32, #tpu.memory_space<vmem>>
    %dma_start3A_87 = arith.constant 0 : i32
    %dma_start3A_88 = arith.constant 0 : i32
    %dma_start3A_89 = tpu.memref_slice %arg2[%dma_start3A_87, %dma_start3A_88] : memref<25600x32xf32, #tpu.memory_space<hbm>> -> memref<25600x32xf32, #tpu.memory_space<hbm>>
    tpu.enqueue_indirect_dma source(%dma_start3A_89 : memref<25600x32xf32, #tpu.memory_space<hbm>>) target(%dma_start3A_83 : memref<128x32xf32, #tpu.memory_space<vmem>>) offsets(%dma_start3A_86 : memref<128xi32, #tpu.memory_space<vmem>>) semaphore(%arg14 : memref<!tpu.dma_semaphore, #tpu.memory_space<semaphore_mem>>)
    %scan3A_90 = arith.constant 0 : i32
    %scan3A_91 = arith.constant 0 : i32
    %scan3A_92 = arith.constant 25 : i32
    %scan3A_93 = arith.addi %scan3A_91, %scan3A_92 : i32
    %scan3A_94 = arith.constant 1 : i32
    scf.for %scan3A_97 = %scan3A_91 to %scan3A_93 step %scan3A_94  : i32 {
      %mul3A_98 = arith.constant 4 : i32
      %mul3A_99 = arith.muli %scan3A_97, %mul3A_98 : i32
      %add3A_100 = arith.constant 0 : i32
      %add3A_101 = arith.addi %mul3A_99, %add3A_100 : i32
      %add3A_102 = arith.constant 4 : i32
      %add3A_103 = arith.addi %add3A_101, %add3A_102 : i32
      %sub3A = arith.constant 1 : i32
      %sub3A_104 = arith.subi %add3A_103, %sub3A : i32
      %lt3A = arith.constant 100 : i32
      %lt3A_105 = arith.cmpi slt, %sub3A_104, %lt3A : i32
      %convert_element_type3A = arith.extui %lt3A_105 : i1 to i32
      %cond3A = arith.constant 0 : i32
      %cond3A_106 = arith.cmpi ne, %convert_element_type3A, %cond3A : i32
      scf.if %cond3A_106 {
        %dma_start3A_213 = arith.constant 3 : i32
        %dma_start3A_214 = arith.constant 0 : i32
        %dma_start3A_215 = arith.constant 0 : i32
        %dma_start3A_216 = tpu.memref_slice %arg10[%dma_start3A_213, %dma_start3A_214, %dma_start3A_215] : memref<4x128x32xf32, #tpu.memory_space<vmem>> -> memref<1x128x32xf32, #tpu.memory_space<vmem>>
        %dma_start3A_217 = tpu.memref_squeeze %dma_start3A_216 : memref<1x128x32xf32, #tpu.memory_space<vmem>> -> memref<128x32xf32, #tpu.memory_space<vmem>>
        %dma_start3A_218 = arith.constant 0 : i32
        %dma_start3A_219 = tpu.memref_slice %arg7[%sub3A_104, %dma_start3A_218] : memref<100x128xi32, #tpu.memory_space<vmem>> -> memref<1x128xi32, #tpu.memory_space<vmem>>
        %dma_start3A_220 = tpu.memref_squeeze %dma_start3A_219 : memref<1x128xi32, #tpu.memory_space<vmem>> -> memref<128xi32, #tpu.memory_space<vmem>>
        %dma_start3A_221 = arith.constant 0 : i32
        %dma_start3A_222 = arith.constant 0 : i32
        %dma_start3A_223 = tpu.memref_slice %arg2[%dma_start3A_221, %dma_start3A_222] : memref<25600x32xf32, #tpu.memory_space<hbm>> -> memref<25600x32xf32, #tpu.memory_space<hbm>>
        tpu.enqueue_indirect_dma source(%dma_start3A_223 : memref<25600x32xf32, #tpu.memory_space<hbm>>) target(%dma_start3A_217 : memref<128x32xf32, #tpu.memory_space<vmem>>) offsets(%dma_start3A_220 : memref<128xi32, #tpu.memory_space<vmem>>) semaphore(%arg14 : memref<!tpu.dma_semaphore, #tpu.memory_space<semaphore_mem>>)
      } else {
      }
      %dma_wait3A = arith.constant 0 : i32
      %dma_wait3A_107 = arith.constant 0 : i32
      %dma_wait3A_108 = arith.constant 0 : i32
      %dma_wait3A_109 = tpu.memref_slice %arg10[%dma_wait3A, %dma_wait3A_107, %dma_wait3A_108] : memref<4x128x32xf32, #tpu.memory_space<vmem>> -> memref<1x128x32xf32, #tpu.memory_space<vmem>>
      %dma_wait3A_110 = tpu.memref_squeeze %dma_wait3A_109 : memref<1x128x32xf32, #tpu.memory_space<vmem>> -> memref<128x32xf32, #tpu.memory_space<vmem>>
      %dma_wait3A_111 = arith.constant 0 : i32
      %dma_wait3A_112 = tpu.memref_slice %arg7[%add3A_101, %dma_wait3A_111] : memref<100x128xi32, #tpu.memory_space<vmem>> -> memref<1x128xi32, #tpu.memory_space<vmem>>
      %dma_wait3A_113 = tpu.memref_squeeze %dma_wait3A_112 : memref<1x128xi32, #tpu.memory_space<vmem>> -> memref<128xi32, #tpu.memory_space<vmem>>
      %dma_wait3A_114 = arith.constant 0 : i32
      %dma_wait3A_115 = arith.constant 0 : i32
      %dma_wait3A_116 = tpu.memref_slice %arg2[%dma_wait3A_114, %dma_wait3A_115] : memref<25600x32xf32, #tpu.memory_space<hbm>> -> memref<25600x32xf32, #tpu.memory_space<hbm>>
      tpu.wait_indirect_dma semaphore(%arg14 : memref<!tpu.dma_semaphore, #tpu.memory_space<semaphore_mem>>) src(%dma_wait3A_116 : memref<25600x32xf32, #tpu.memory_space<hbm>>) dst(%dma_wait3A_110 : memref<128x32xf32, #tpu.memory_space<vmem>>)
      %scan3A_117 = arith.constant 0 : i32
      %scan3A_118 = arith.constant 0 : i32
      %scan3A_119 = arith.constant 8 : i32
      %scan3A_120 = arith.addi %scan3A_118, %scan3A_119 : i32
      %scan3A_121 = arith.constant 1 : i32
      scf.for %scan3A_213 = %scan3A_118 to %scan3A_120 step %scan3A_121  : i32 {
        %mul3A_214 = arith.constant 16 : i32
        %mul3A_215 = arith.muli %scan3A_213, %mul3A_214 : i32
        %get3A = arith.index_cast %add3A_101 : i32 to index
        %get3A_216 = arith.index_cast %mul3A_215 : i32 to index
        %get3A_217 = tpu.vector_load %arg9[%get3A, %get3A_216] {strides = array<i32>} : memref<100x128xf32, #tpu.memory_space<vmem>>, vector<1x16xf32>,
        %get3A_218 = vector.shape_cast %get3A_217 : vector<1x16xf32> to vector<16xf32>
        %add3A_219 = arith.constant 0 : i32
        %add3A_220 = arith.addi %mul3A_215, %add3A_219 : i32
        %get3A_221 = arith.constant 0 : i32
        %get3A_222 = arith.index_cast %get3A_221 : i32 to index
        %get3A_223 = arith.index_cast %add3A_220 : i32 to index
        %get3A_224 = arith.constant 0 : index
        %get3A_225 = tpu.vector_load %arg10[%get3A_222, %get3A_223, %get3A_224] {strides = array<i32>} : memref<4x128x32xf32, #tpu.memory_space<vmem>>, vector<1x1x16xf32>,
        %get3A_226 = vector.shape_cast %get3A_225 : vector<1x1x16xf32> to vector<16xf32>
        %get3A_227 = arith.constant 0 : i32
        %get3A_228 = arith.index_cast %get3A_227 : i32 to index
        %get3A_229 = arith.index_cast %add3A_220 : i32 to index
        %get3A_230 = arith.constant 16 : index
        %get3A_231 = tpu.vector_load %arg10[%get3A_228, %get3A_229, %get3A_230] {strides = array<i32>} : memref<4x128x32xf32, #tpu.memory_space<vmem>>, vector<1x1x16xf32>,
        %get3A_232 = vector.shape_cast %get3A_231 : vector<1x1x16xf32> to vector<16xf32>
        %slice3A = vector.extract_strided_slice %get3A_218 {offsets = [0], sizes = [1], strides = [1]} : vector<16xf32> to vector<1xf32>
        %squeeze3A = vector.extract %slice3A[0] : f32 from vector<1xf32>
        %mul3A_233 = vector.broadcast %squeeze3A : f32 to vector<16xf32>
        %mul3A_234 = arith.mulf %get3A_226, %mul3A_233 : vector<16xf32>
        %add3A_235 = arith.addf %mul3A_234, %get3A_232 : vector<16xf32>
        %swap3A = arith.index_cast %add3A_220 : i32 to index
        %swap3A_236 = arith.constant 0 : index
        %swap3A_237 = tpu.vector_load %arg11[%swap3A, %swap3A_236] {strides = array<i32>} : memref<128x32xf32, #tpu.memory_space<vmem>>, vector<1x16xf32>,
        %swap3A_238 = vector.shape_cast %swap3A_237 : vector<1x16xf32> to vector<16xf32>
        %swap3A_239 = vector.shape_cast %add3A_235 : vector<16xf32> to vector<1x16xf32>
        tpu.vector_store %arg11[%swap3A, %swap3A_236], %swap3A_239 {strides = array<i32>} : memref<128x32xf32, #tpu.memory_space<vmem>>, vector<1x16xf32>,
        %add3A_240 = arith.constant 1 : i32
        %add3A_241 = arith.addi %mul3A_215, %add3A_240 : i32
        %get3A_242 = arith.constant 0 : i32
        %get3A_243 = arith.index_cast %get3A_242 : i32 to index
        %get3A_244 = arith.index_cast %add3A_241 : i32 to index
        %get3A_245 = arith.constant 0 : index
        %get3A_246 = tpu.vector_load %arg10[%get3A_243, %get3A_244, %get3A_245] {strides = array<i32>} : memref<4x128x32xf32, #tpu.memory_space<vmem>>, vector<1x1x16xf32>,
        %get3A_247 = vector.shape_cast %get3A_246 : vector<1x1x16xf32> to vector<16xf32>
        %get3A_248 = arith.constant 0 : i32
        %get3A_249 = arith.index_cast %get3A_248 : i32 to index
        %get3A_250 = arith.index_cast %add3A_241 : i32 to index
        %get3A_251 = arith.constant 16 : index
        %get3A_252 = tpu.vector_load %arg10[%get3A_249, %get3A_250, %get3A_251] {strides = array<i32>} : memref<4x128x32xf32, #tpu.memory_space<vmem>>, vector<1x1x16xf32>,
        %get3A_253 = vector.shape_cast %get3A_252 : vector<1x1x16xf32> to vector<16xf32>
        %slice3A_254 = vector.extract_strided_slice %get3A_218 {offsets = [1], sizes = [1], strides = [1]} : vector<16xf32> to vector<1xf32>
        %squeeze3A_255 = vector.extract %slice3A_254[0] : f32 from vector<1xf32>
        %mul3A_256 = vector.broadcast %squeeze3A_255 : f32 to vector<16xf32>
        %mul3A_257 = arith.mulf %get3A_247, %mul3A_256 : vector<16xf32>
        %add3A_258 = arith.addf %mul3A_257, %get3A_253 : vector<16xf32>
        %swap3A_259 = arith.index_cast %add3A_241 : i32 to index
        %swap3A_260 = arith.constant 0 : index
        %swap3A_261 = tpu.vector_load %arg11[%swap3A_259, %swap3A_260] {strides = array<i32>} : memref<128x32xf32, #tpu.memory_space<vmem>>, vector<1x16xf32>,
        %swap3A_262 = vector.shape_cast %swap3A_261 : vector<1x16xf32> to vector<16xf32>
        %swap3A_263 = vector.shape_cast %add3A_258 : vector<16xf32> to vector<1x16xf32>
        tpu.vector_store %arg11[%swap3A_259, %swap3A_260], %swap3A_263 {strides = array<i32>} : memref<128x32xf32, #tpu.memory_space<vmem>>, vector<1x16xf32>,
        %add3A_264 = arith.constant 2 : i32
        %add3A_265 = arith.addi %mul3A_215, %add3A_264 : i32
        %get3A_266 = arith.constant 0 : i32
        %get3A_267 = arith.index_cast %get3A_266 : i32 to index
        %get3A_268 = arith.index_cast %add3A_265 : i32 to index
        %get3A_269 = arith.constant 0 : index
        %get3A_270 = tpu.vector_load %arg10[%get3A_267, %get3A_268, %get3A_269] {strides = array<i32>} : memref<4x128x32xf32, #tpu.memory_space<vmem>>, vector<1x1x16xf32>,
        %get3A_271 = vector.shape_cast %get3A_270 : vector<1x1x16xf32> to vector<16xf32>
        %get3A_272 = arith.constant 0 : i32
        %get3A_273 = arith.index_cast %get3A_272 : i32 to index
        %get3A_274 = arith.index_cast %add3A_265 : i32 to index
        %get3A_275 = arith.constant 16 : index
        %get3A_276 = tpu.vector_load %arg10[%get3A_273, %get3A_274, %get3A_275] {strides = array<i32>} : memref<4x128x32xf32, #tpu.memory_space<vmem>>, vector<1x1x16xf32>,
        %get3A_277 = vector.shape_cast %get3A_276 : vector<1x1x16xf32> to vector<16xf32>
        %slice3A_278 = vector.extract_strided_slice %get3A_218 {offsets = [2], sizes = [1], strides = [1]} : vector<16xf32> to vector<1xf32>
        %squeeze3A_279 = vector.extract %slice3A_278[0] : f32 from vector<1xf32>
        %mul3A_280 = vector.broadcast %squeeze3A_279 : f32 to vector<16xf32>
        %mul3A_281 = arith.mulf %get3A_271, %mul3A_280 : vector<16xf32>
        %add3A_282 = arith.addf %mul3A_281, %get3A_277 : vector<16xf32>
        %swap3A_283 = arith.index_cast %add3A_265 : i32 to index
        %swap3A_284 = arith.constant 0 : index
        %swap3A_285 = tpu.vector_load %arg11[%swap3A_283, %swap3A_284] {strides = array<i32>} : memref<128x32xf32, #tpu.memory_space<vmem>>, vector<1x16xf32>,
        %swap3A_286 = vector.shape_cast %swap3A_285 : vector<1x16xf32> to vector<16xf32>
        %swap3A_287 = vector.shape_cast %add3A_282 : vector<16xf32> to vector<1x16xf32>
        tpu.vector_store %arg11[%swap3A_283, %swap3A_284], %swap3A_287 {strides = array<i32>} : memref<128x32xf32, #tpu.memory_space<vmem>>, vector<1x16xf32>,
        %add3A_288 = arith.constant 3 : i32
        %add3A_289 = arith.addi %mul3A_215, %add3A_288 : i32
        %get3A_290 = arith.constant 0 : i32
        %get3A_291 = arith.index_cast %get3A_290 : i32 to index
        %get3A_292 = arith.index_cast %add3A_289 : i32 to index
        %get3A_293 = arith.constant 0 : index
        %get3A_294 = tpu.vector_load %arg10[%get3A_291, %get3A_292, %get3A_293] {strides = array<i32>} : memref<4x128x32xf32, #tpu.memory_space<vmem>>, vector<1x1x16xf32>,
        %get3A_295 = vector.shape_cast %get3A_294 : vector<1x1x16xf32> to vector<16xf32>
        %get3A_296 = arith.constant 0 : i32
        %get3A_297 = arith.index_cast %get3A_296 : i32 to index
        %get3A_298 = arith.index_cast %add3A_289 : i32 to index
        %get3A_299 = arith.constant 16 : index
        %get3A_300 = tpu.vector_load %arg10[%get3A_297, %get3A_298, %get3A_299] {strides = array<i32>} : memref<4x128x32xf32, #tpu.memory_space<vmem>>, vector<1x1x16xf32>,
        %get3A_301 = vector.shape_cast %get3A_300 : vector<1x1x16xf32> to vector<16xf32>
        %slice3A_302 = vector.extract_strided_slice %get3A_218 {offsets = [3], sizes = [1], strides = [1]} : vector<16xf32> to vector<1xf32>
        %squeeze3A_303 = vector.extract %slice3A_302[0] : f32 from vector<1xf32>
        %mul3A_304 = vector.broadcast %squeeze3A_303 : f32 to vector<16xf32>
        %mul3A_305 = arith.mulf %get3A_295, %mul3A_304 : vector<16xf32>
        %add3A_306 = arith.addf %mul3A_305, %get3A_301 : vector<16xf32>
        %swap3A_307 = arith.index_cast %add3A_289 : i32 to index
        %swap3A_308 = arith.constant 0 : index
        %swap3A_309 = tpu.vector_load %arg11[%swap3A_307, %swap3A_308] {strides = array<i32>} : memref<128x32xf32, #tpu.memory_space<vmem>>, vector<1x16xf32>,
        %swap3A_310 = vector.shape_cast %swap3A_309 : vector<1x16xf32> to vector<16xf32>
        %swap3A_311 = vector.shape_cast %add3A_306 : vector<16xf32> to vector<1x16xf32>
        tpu.vector_store %arg11[%swap3A_307, %swap3A_308], %swap3A_311 {strides = array<i32>} : memref<128x32xf32, #tpu.memory_space<vmem>>, vector<1x16xf32>,
        %add3A_312 = arith.constant 4 : i32
        %add3A_313 = arith.addi %mul3A_215, %add3A_312 : i32
        %get3A_314 = arith.constant 0 : i32
        %get3A_315 = arith.index_cast %get3A_314 : i32 to index
        %get3A_316 = arith.index_cast %add3A_313 : i32 to index
        %get3A_317 = arith.constant 0 : index
        %get3A_318 = tpu.vector_load %arg10[%get3A_315, %get3A_316, %get3A_317] {strides = array<i32>} : memref<4x128x32xf32, #tpu.memory_space<vmem>>, vector<1x1x16xf32>,
        %get3A_319 = vector.shape_cast %get3A_318 : vector<1x1x16xf32> to vector<16xf32>
        %get3A_320 = arith.constant 0 : i32
        %get3A_321 = arith.index_cast %get3A_320 : i32 to index
        %get3A_322 = arith.index_cast %add3A_313 : i32 to index
        %get3A_323 = arith.constant 16 : index
        %get3A_324 = tpu.vector_load %arg10[%get3A_321, %get3A_322, %get3A_323] {strides = array<i32>} : memref<4x128x32xf32, #tpu.memory_space<vmem>>, vector<1x1x16xf32>,
        %get3A_325 = vector.shape_cast %get3A_324 : vector<1x1x16xf32> to vector<16xf32>
        %slice3A_326 = vector.extract_strided_slice %get3A_218 {offsets = [4], sizes = [1], strides = [1]} : vector<16xf32> to vector<1xf32>
        %squeeze3A_327 = vector.extract %slice3A_326[0] : f32 from vector<1xf32>
        %mul3A_328 = vector.broadcast %squeeze3A_327 : f32 to vector<16xf32>
        %mul3A_329 = arith.mulf %get3A_319, %mul3A_328 : vector<16xf32>
        %add3A_330 = arith.addf %mul3A_329, %get3A_325 : vector<16xf32>
        %swap3A_331 = arith.index_cast %add3A_313 : i32 to index
        %swap3A_332 = arith.constant 0 : index
        %swap3A_333 = tpu.vector_load %arg11[%swap3A_331, %swap3A_332] {strides = array<i32>} : memref<128x32xf32, #tpu.memory_space<vmem>>, vector<1x16xf32>,
        %swap3A_334 = vector.shape_cast %swap3A_333 : vector<1x16xf32> to vector<16xf32>
        %swap3A_335 = vector.shape_cast %add3A_330 : vector<16xf32> to vector<1x16xf32>
        tpu.vector_store %arg11[%swap3A_331, %swap3A_332], %swap3A_335 {strides = array<i32>} : memref<128x32xf32, #tpu.memory_space<vmem>>, vector<1x16xf32>,
        %add3A_336 = arith.constant 5 : i32
        %add3A_337 = arith.addi %mul3A_215, %add3A_336 : i32
        %get3A_338 = arith.constant 0 : i32
        %get3A_339 = arith.index_cast %get3A_338 : i32 to index
        %get3A_340 = arith.index_cast %add3A_337 : i32 to index
        %get3A_341 = arith.constant 0 : index
        %get3A_342 = tpu.vector_load %arg10[%get3A_339, %get3A_340, %get3A_341] {strides = array<i32>} : memref<4x128x32xf32, #tpu.memory_space<vmem>>, vector<1x1x16xf32>,
        %get3A_343 = vector.shape_cast %get3A_342 : vector<1x1x16xf32> to vector<16xf32>
        %get3A_344 = arith.constant 0 : i32
        %get3A_345 = arith.index_cast %get3A_344 : i32 to index
        %get3A_346 = arith.index_cast %add3A_337 : i32 to index
        %get3A_347 = arith.constant 16 : index
        %get3A_348 = tpu.vector_load %arg10[%get3A_345, %get3A_346, %get3A_347] {strides = array<i32>} : memref<4x128x32xf32, #tpu.memory_space<vmem>>, vector<1x1x16xf32>,
        %get3A_349 = vector.shape_cast %get3A_348 : vector<1x1x16xf32> to vector<16xf32>
        %slice3A_350 = vector.extract_strided_slice %get3A_218 {offsets = [5], sizes = [1], strides = [1]} : vector<16xf32> to vector<1xf32>
        %squeeze3A_351 = vector.extract %slice3A_350[0] : f32 from vector<1xf32>
        %mul3A_352 = vector.broadcast %squeeze3A_351 : f32 to vector<16xf32>
        %mul3A_353 = arith.mulf %get3A_343, %mul3A_352 : vector<16xf32>
        %add3A_354 = arith.addf %mul3A_353, %get3A_349 : vector<16xf32>
        %swap3A_355 = arith.index_cast %add3A_337 : i32 to index
        %swap3A_356 = arith.constant 0 : index
        %swap3A_357 = tpu.vector_load %arg11[%swap3A_355, %swap3A_356] {strides = array<i32>} : memref<128x32xf32, #tpu.memory_space<vmem>>, vector<1x16xf32>,
        %swap3A_358 = vector.shape_cast %swap3A_357 : vector<1x16xf32> to vector<16xf32>
        %swap3A_359 = vector.shape_cast %add3A_354 : vector<16xf32> to vector<1x16xf32>
        tpu.vector_store %arg11[%swap3A_355, %swap3A_356], %swap3A_359 {strides = array<i32>} : memref<128x32xf32, #tpu.memory_space<vmem>>, vector<1x16xf32>,
        %add3A_360 = arith.constant 6 : i32
        %add3A_361 = arith.addi %mul3A_215, %add3A_360 : i32
        %get3A_362 = arith.constant 0 : i32
        %get3A_363 = arith.index_cast %get3A_362 : i32 to index
        %get3A_364 = arith.index_cast %add3A_361 : i32 to index
        %get3A_365 = arith.constant 0 : index
        %get3A_366 = tpu.vector_load %arg10[%get3A_363, %get3A_364, %get3A_365] {strides = array<i32>} : memref<4x128x32xf32, #tpu.memory_space<vmem>>, vector<1x1x16xf32>,
        %get3A_367 = vector.shape_cast %get3A_366 : vector<1x1x16xf32> to vector<16xf32>
        %get3A_368 = arith.constant 0 : i32
        %get3A_369 = arith.index_cast %get3A_368 : i32 to index
        %get3A_370 = arith.index_cast %add3A_361 : i32 to index
        %get3A_371 = arith.constant 16 : index
        %get3A_372 = tpu.vector_load %arg10[%get3A_369, %get3A_370, %get3A_371] {strides = array<i32>} : memref<4x128x32xf32, #tpu.memory_space<vmem>>, vector<1x1x16xf32>,
        %get3A_373 = vector.shape_cast %get3A_372 : vector<1x1x16xf32> to vector<16xf32>
        %slice3A_374 = vector.extract_strided_slice %get3A_218 {offsets = [6], sizes = [1], strides = [1]} : vector<16xf32> to vector<1xf32>
        %squeeze3A_375 = vector.extract %slice3A_374[0] : f32 from vector<1xf32>
        %mul3A_376 = vector.broadcast %squeeze3A_375 : f32 to vector<16xf32>
        %mul3A_377 = arith.mulf %get3A_367, %mul3A_376 : vector<16xf32>
        %add3A_378 = arith.addf %mul3A_377, %get3A_373 : vector<16xf32>
        %swap3A_379 = arith.index_cast %add3A_361 : i32 to index
        %swap3A_380 = arith.constant 0 : index
        %swap3A_381 = tpu.vector_load %arg11[%swap3A_379, %swap3A_380] {strides = array<i32>} : memref<128x32xf32, #tpu.memory_space<vmem>>, vector<1x16xf32>,
        %swap3A_382 = vector.shape_cast %swap3A_381 : vector<1x16xf32> to vector<16xf32>
        %swap3A_383 = vector.shape_cast %add3A_378 : vector<16xf32> to vector<1x16xf32>
        tpu.vector_store %arg11[%swap3A_379, %swap3A_380], %swap3A_383 {strides = array<i32>} : memref<128x32xf32, #tpu.memory_space<vmem>>, vector<1x16xf32>,
        %add3A_384 = arith.constant 7 : i32
        %add3A_385 = arith.addi %mul3A_215, %add3A_384 : i32
        %get3A_386 = arith.constant 0 : i32
        %get3A_387 = arith.index_cast %get3A_386 : i32 to index
        %get3A_388 = arith.index_cast %add3A_385 : i32 to index
        %get3A_389 = arith.constant 0 : index
        %get3A_390 = tpu.vector_load %arg10[%get3A_387, %get3A_388, %get3A_389] {strides = array<i32>} : memref<4x128x32xf32, #tpu.memory_space<vmem>>, vector<1x1x16xf32>,
        %get3A_391 = vector.shape_cast %get3A_390 : vector<1x1x16xf32> to vector<16xf32>
        %get3A_392 = arith.constant 0 : i32
        %get3A_393 = arith.index_cast %get3A_392 : i32 to index
        %get3A_394 = arith.index_cast %add3A_385 : i32 to index
        %get3A_395 = arith.constant 16 : index
        %get3A_396 = tpu.vector_load %arg10[%get3A_393, %get3A_394, %get3A_395] {strides = array<i32>} : memref<4x128x32xf32, #tpu.memory_space<vmem>>, vector<1x1x16xf32>,
        %get3A_397 = vector.shape_cast %get3A_396 : vector<1x1x16xf32> to vector<16xf32>
        %slice3A_398 = vector.extract_strided_slice %get3A_218 {offsets = [7], sizes = [1], strides = [1]} : vector<16xf32> to vector<1xf32>
        %squeeze3A_399 = vector.extract %slice3A_398[0] : f32 from vector<1xf32>
        %mul3A_400 = vector.broadcast %squeeze3A_399 : f32 to vector<16xf32>
        %mul3A_401 = arith.mulf %get3A_391, %mul3A_400 : vector<16xf32>
        %add3A_402 = arith.addf %mul3A_401, %get3A_397 : vector<16xf32>
        %swap3A_403 = arith.index_cast %add3A_385 : i32 to index
        %swap3A_404 = arith.constant 0 : index
        %swap3A_405 = tpu.vector_load %arg11[%swap3A_403, %swap3A_404] {strides = array<i32>} : memref<128x32xf32, #tpu.memory_space<vmem>>, vector<1x16xf32>,
        %swap3A_406 = vector.shape_cast %swap3A_405 : vector<1x16xf32> to vector<16xf32>
        %swap3A_407 = vector.shape_cast %add3A_402 : vector<16xf32> to vector<1x16xf32>
        tpu.vector_store %arg11[%swap3A_403, %swap3A_404], %swap3A_407 {strides = array<i32>} : memref<128x32xf32, #tpu.memory_space<vmem>>, vector<1x16xf32>,
        %add3A_408 = arith.constant 8 : i32
        %add3A_409 = arith.addi %mul3A_215, %add3A_408 : i32
        %get3A_410 = arith.constant 0 : i32
        %get3A_411 = arith.index_cast %get3A_410 : i32 to index
        %get3A_412 = arith.index_cast %add3A_409 : i32 to index
        %get3A_413 = arith.constant 0 : index
        %get3A_414 = tpu.vector_load %arg10[%get3A_411, %get3A_412, %get3A_413] {strides = array<i32>} : memref<4x128x32xf32, #tpu.memory_space<vmem>>, vector<1x1x16xf32>,
        %get3A_415 = vector.shape_cast %get3A_414 : vector<1x1x16xf32> to vector<16xf32>
        %get3A_416 = arith.constant 0 : i32
        %get3A_417 = arith.index_cast %get3A_416 : i32 to index
        %get3A_418 = arith.index_cast %add3A_409 : i32 to index
        %get3A_419 = arith.constant 16 : index
        %get3A_420 = tpu.vector_load %arg10[%get3A_417, %get3A_418, %get3A_419] {strides = array<i32>} : memref<4x128x32xf32, #tpu.memory_space<vmem>>, vector<1x1x16xf32>,
        %get3A_421 = vector.shape_cast %get3A_420 : vector<1x1x16xf32> to vector<16xf32>
        %slice3A_422 = vector.extract_strided_slice %get3A_218 {offsets = [8], sizes = [1], strides = [1]} : vector<16xf32> to vector<1xf32>
        %squeeze3A_423 = vector.extract %slice3A_422[0] : f32 from vector<1xf32>
        %mul3A_424 = vector.broadcast %squeeze3A_423 : f32 to vector<16xf32>
        %mul3A_425 = arith.mulf %get3A_415, %mul3A_424 : vector<16xf32>
        %add3A_426 = arith.addf %mul3A_425, %get3A_421 : vector<16xf32>
        %swap3A_427 = arith.index_cast %add3A_409 : i32 to index
        %swap3A_428 = arith.constant 0 : index
        %swap3A_429 = tpu.vector_load %arg11[%swap3A_427, %swap3A_428] {strides = array<i32>} : memref<128x32xf32, #tpu.memory_space<vmem>>, vector<1x16xf32>,
        %swap3A_430 = vector.shape_cast %swap3A_429 : vector<1x16xf32> to vector<16xf32>
        %swap3A_431 = vector.shape_cast %add3A_426 : vector<16xf32> to vector<1x16xf32>
        tpu.vector_store %arg11[%swap3A_427, %swap3A_428], %swap3A_431 {strides = array<i32>} : memref<128x32xf32, #tpu.memory_space<vmem>>, vector<1x16xf32>,
        %add3A_432 = arith.constant 9 : i32
        %add3A_433 = arith.addi %mul3A_215, %add3A_432 : i32
        %get3A_434 = arith.constant 0 : i32
        %get3A_435 = arith.index_cast %get3A_434 : i32 to index
        %get3A_436 = arith.index_cast %add3A_433 : i32 to index
        %get3A_437 = arith.constant 0 : index
        %get3A_438 = tpu.vector_load %arg10[%get3A_435, %get3A_436, %get3A_437] {strides = array<i32>} : memref<4x128x32xf32, #tpu.memory_space<vmem>>, vector<1x1x16xf32>,
        %get3A_439 = vector.shape_cast %get3A_438 : vector<1x1x16xf32> to vector<16xf32>
        %get3A_440 = arith.constant 0 : i32
        %get3A_441 = arith.index_cast %get3A_440 : i32 to index
        %get3A_442 = arith.index_cast %add3A_433 : i32 to index
        %get3A_443 = arith.constant 16 : index
        %get3A_444 = tpu.vector_load %arg10[%get3A_441, %get3A_442, %get3A_443] {strides = array<i32>} : memref<4x128x32xf32, #tpu.memory_space<vmem>>, vector<1x1x16xf32>,
        %get3A_445 = vector.shape_cast %get3A_444 : vector<1x1x16xf32> to vector<16xf32>
        %slice3A_446 = vector.extract_strided_slice %get3A_218 {offsets = [9], sizes = [1], strides = [1]} : vector<16xf32> to vector<1xf32>
        %squeeze3A_447 = vector.extract %slice3A_446[0] : f32 from vector<1xf32>
        %mul3A_448 = vector.broadcast %squeeze3A_447 : f32 to vector<16xf32>
        %mul3A_449 = arith.mulf %get3A_439, %mul3A_448 : vector<16xf32>
        %add3A_450 = arith.addf %mul3A_449, %get3A_445 : vector<16xf32>
        %swap3A_451 = arith.index_cast %add3A_433 : i32 to index
        %swap3A_452 = arith.constant 0 : index
        %swap3A_453 = tpu.vector_load %arg11[%swap3A_451, %swap3A_452] {strides = array<i32>} : memref<128x32xf32, #tpu.memory_space<vmem>>, vector<1x16xf32>,
        %swap3A_454 = vector.shape_cast %swap3A_453 : vector<1x16xf32> to vector<16xf32>
        %swap3A_455 = vector.shape_cast %add3A_450 : vector<16xf32> to vector<1x16xf32>
        tpu.vector_store %arg11[%swap3A_451, %swap3A_452], %swap3A_455 {strides = array<i32>} : memref<128x32xf32, #tpu.memory_space<vmem>>, vector<1x16xf32>,
        %add3A_456 = arith.constant 10 : i32
        %add3A_457 = arith.addi %mul3A_215, %add3A_456 : i32
        %get3A_458 = arith.constant 0 : i32
        %get3A_459 = arith.index_cast %get3A_458 : i32 to index
        %get3A_460 = arith.index_cast %add3A_457 : i32 to index
        %get3A_461 = arith.constant 0 : index
        %get3A_462 = tpu.vector_load %arg10[%get3A_459, %get3A_460, %get3A_461] {strides = array<i32>} : memref<4x128x32xf32, #tpu.memory_space<vmem>>, vector<1x1x16xf32>,
        %get3A_463 = vector.shape_cast %get3A_462 : vector<1x1x16xf32> to vector<16xf32>
        %get3A_464 = arith.constant 0 : i32
        %get3A_465 = arith.index_cast %get3A_464 : i32 to index
        %get3A_466 = arith.index_cast %add3A_457 : i32 to index
        %get3A_467 = arith.constant 16 : index
        %get3A_468 = tpu.vector_load %arg10[%get3A_465, %get3A_466, %get3A_467] {strides = array<i32>} : memref<4x128x32xf32, #tpu.memory_space<vmem>>, vector<1x1x16xf32>,
        %get3A_469 = vector.shape_cast %get3A_468 : vector<1x1x16xf32> to vector<16xf32>
        %slice3A_470 = vector.extract_strided_slice %get3A_218 {offsets = [10], sizes = [1], strides = [1]} : vector<16xf32> to vector<1xf32>
        %squeeze3A_471 = vector.extract %slice3A_470[0] : f32 from vector<1xf32>
        %mul3A_472 = vector.broadcast %squeeze3A_471 : f32 to vector<16xf32>
        %mul3A_473 = arith.mulf %get3A_463, %mul3A_472 : vector<16xf32>
        %add3A_474 = arith.addf %mul3A_473, %get3A_469 : vector<16xf32>
        %swap3A_475 = arith.index_cast %add3A_457 : i32 to index
        %swap3A_476 = arith.constant 0 : index
        %swap3A_477 = tpu.vector_load %arg11[%swap3A_475, %swap3A_476] {strides = array<i32>} : memref<128x32xf32, #tpu.memory_space<vmem>>, vector<1x16xf32>,
        %swap3A_478 = vector.shape_cast %swap3A_477 : vector<1x16xf32> to vector<16xf32>
        %swap3A_479 = vector.shape_cast %add3A_474 : vector<16xf32> to vector<1x16xf32>
        tpu.vector_store %arg11[%swap3A_475, %swap3A_476], %swap3A_479 {strides = array<i32>} : memref<128x32xf32, #tpu.memory_space<vmem>>, vector<1x16xf32>,
        %add3A_480 = arith.constant 11 : i32
        %add3A_481 = arith.addi %mul3A_215, %add3A_480 : i32
        %get3A_482 = arith.constant 0 : i32
        %get3A_483 = arith.index_cast %get3A_482 : i32 to index
        %get3A_484 = arith.index_cast %add3A_481 : i32 to index
        %get3A_485 = arith.constant 0 : index
        %get3A_486 = tpu.vector_load %arg10[%get3A_483, %get3A_484, %get3A_485] {strides = array<i32>} : memref<4x128x32xf32, #tpu.memory_space<vmem>>, vector<1x1x16xf32>,
        %get3A_487 = vector.shape_cast %get3A_486 : vector<1x1x16xf32> to vector<16xf32>
        %get3A_488 = arith.constant 0 : i32
        %get3A_489 = arith.index_cast %get3A_488 : i32 to index
        %get3A_490 = arith.index_cast %add3A_481 : i32 to index
        %get3A_491 = arith.constant 16 : index
        %get3A_492 = tpu.vector_load %arg10[%get3A_489, %get3A_490, %get3A_491] {strides = array<i32>} : memref<4x128x32xf32, #tpu.memory_space<vmem>>, vector<1x1x16xf32>,
        %get3A_493 = vector.shape_cast %get3A_492 : vector<1x1x16xf32> to vector<16xf32>
        %slice3A_494 = vector.extract_strided_slice %get3A_218 {offsets = [11], sizes = [1], strides = [1]} : vector<16xf32> to vector<1xf32>
        %squeeze3A_495 = vector.extract %slice3A_494[0] : f32 from vector<1xf32>
        %mul3A_496 = vector.broadcast %squeeze3A_495 : f32 to vector<16xf32>
        %mul3A_497 = arith.mulf %get3A_487, %mul3A_496 : vector<16xf32>
        %add3A_498 = arith.addf %mul3A_497, %get3A_493 : vector<16xf32>
        %swap3A_499 = arith.index_cast %add3A_481 : i32 to index
        %swap3A_500 = arith.constant 0 : index
        %swap3A_501 = tpu.vector_load %arg11[%swap3A_499, %swap3A_500] {strides = array<i32>} : memref<128x32xf32, #tpu.memory_space<vmem>>, vector<1x16xf32>,
        %swap3A_502 = vector.shape_cast %swap3A_501 : vector<1x16xf32> to vector<16xf32>
        %swap3A_503 = vector.shape_cast %add3A_498 : vector<16xf32> to vector<1x16xf32>
        tpu.vector_store %arg11[%swap3A_499, %swap3A_500], %swap3A_503 {strides = array<i32>} : memref<128x32xf32, #tpu.memory_space<vmem>>, vector<1x16xf32>,
        %add3A_504 = arith.constant 12 : i32
        %add3A_505 = arith.addi %mul3A_215, %add3A_504 : i32
        %get3A_506 = arith.constant 0 : i32
        %get3A_507 = arith.index_cast %get3A_506 : i32 to index
        %get3A_508 = arith.index_cast %add3A_505 : i32 to index
        %get3A_509 = arith.constant 0 : index
        %get3A_510 = tpu.vector_load %arg10[%get3A_507, %get3A_508, %get3A_509] {strides = array<i32>} : memref<4x128x32xf32, #tpu.memory_space<vmem>>, vector<1x1x16xf32>,
        %get3A_511 = vector.shape_cast %get3A_510 : vector<1x1x16xf32> to vector<16xf32>
        %get3A_512 = arith.constant 0 : i32
        %get3A_513 = arith.index_cast %get3A_512 : i32 to index
        %get3A_514 = arith.index_cast %add3A_505 : i32 to index
        %get3A_515 = arith.constant 16 : index
        %get3A_516 = tpu.vector_load %arg10[%get3A_513, %get3A_514, %get3A_515] {strides = array<i32>} : memref<4x128x32xf32, #tpu.memory_space<vmem>>, vector<1x1x16xf32>,
        %get3A_517 = vector.shape_cast %get3A_516 : vector<1x1x16xf32> to vector<16xf32>
        %slice3A_518 = vector.extract_strided_slice %get3A_218 {offsets = [12], sizes = [1], strides = [1]} : vector<16xf32> to vector<1xf32>
        %squeeze3A_519 = vector.extract %slice3A_518[0] : f32 from vector<1xf32>
        %mul3A_520 = vector.broadcast %squeeze3A_519 : f32 to vector<16xf32>
        %mul3A_521 = arith.mulf %get3A_511, %mul3A_520 : vector<16xf32>
        %add3A_522 = arith.addf %mul3A_521, %get3A_517 : vector<16xf32>
        %swap3A_523 = arith.index_cast %add3A_505 : i32 to index
        %swap3A_524 = arith.constant 0 : index
        %swap3A_525 = tpu.vector_load %arg11[%swap3A_523, %swap3A_524] {strides = array<i32>} : memref<128x32xf32, #tpu.memory_space<vmem>>, vector<1x16xf32>,
        %swap3A_526 = vector.shape_cast %swap3A_525 : vector<1x16xf32> to vector<16xf32>
        %swap3A_527 = vector.shape_cast %add3A_522 : vector<16xf32> to vector<1x16xf32>
        tpu.vector_store %arg11[%swap3A_523, %swap3A_524], %swap3A_527 {strides = array<i32>} : memref<128x32xf32, #tpu.memory_space<vmem>>, vector<1x16xf32>,
        %add3A_528 = arith.constant 13 : i32
        %add3A_529 = arith.addi %mul3A_215, %add3A_528 : i32
        %get3A_530 = arith.constant 0 : i32
        %get3A_531 = arith.index_cast %get3A_530 : i32 to index
        %get3A_532 = arith.index_cast %add3A_529 : i32 to index
        %get3A_533 = arith.constant 0 : index
        %get3A_534 = tpu.vector_load %arg10[%get3A_531, %get3A_532, %get3A_533] {strides = array<i32>} : memref<4x128x32xf32, #tpu.memory_space<vmem>>, vector<1x1x16xf32>,
        %get3A_535 = vector.shape_cast %get3A_534 : vector<1x1x16xf32> to vector<16xf32>
        %get3A_536 = arith.constant 0 : i32
        %get3A_537 = arith.index_cast %get3A_536 : i32 to index
        %get3A_538 = arith.index_cast %add3A_529 : i32 to index
        %get3A_539 = arith.constant 16 : index
        %get3A_540 = tpu.vector_load %arg10[%get3A_537, %get3A_538, %get3A_539] {strides = array<i32>} : memref<4x128x32xf32, #tpu.memory_space<vmem>>, vector<1x1x16xf32>,
        %get3A_541 = vector.shape_cast %get3A_540 : vector<1x1x16xf32> to vector<16xf32>
        %slice3A_542 = vector.extract_strided_slice %get3A_218 {offsets = [13], sizes = [1], strides = [1]} : vector<16xf32> to vector<1xf32>
        %squeeze3A_543 = vector.extract %slice3A_542[0] : f32 from vector<1xf32>
        %mul3A_544 = vector.broadcast %squeeze3A_543 : f32 to vector<16xf32>
        %mul3A_545 = arith.mulf %get3A_535, %mul3A_544 : vector<16xf32>
        %add3A_546 = arith.addf %mul3A_545, %get3A_541 : vector<16xf32>
        %swap3A_547 = arith.index_cast %add3A_529 : i32 to index
        %swap3A_548 = arith.constant 0 : index
        %swap3A_549 = tpu.vector_load %arg11[%swap3A_547, %swap3A_548] {strides = array<i32>} : memref<128x32xf32, #tpu.memory_space<vmem>>, vector<1x16xf32>,
        %swap3A_550 = vector.shape_cast %swap3A_549 : vector<1x16xf32> to vector<16xf32>
        %swap3A_551 = vector.shape_cast %add3A_546 : vector<16xf32> to vector<1x16xf32>
        tpu.vector_store %arg11[%swap3A_547, %swap3A_548], %swap3A_551 {strides = array<i32>} : memref<128x32xf32, #tpu.memory_space<vmem>>, vector<1x16xf32>,
        %add3A_552 = arith.constant 14 : i32
        %add3A_553 = arith.addi %mul3A_215, %add3A_552 : i32
        %get3A_554 = arith.constant 0 : i32
        %get3A_555 = arith.index_cast %get3A_554 : i32 to index
        %get3A_556 = arith.index_cast %add3A_553 : i32 to index
        %get3A_557 = arith.constant 0 : index
        %get3A_558 = tpu.vector_load %arg10[%get3A_555, %get3A_556, %get3A_557] {strides = array<i32>} : memref<4x128x32xf32, #tpu.memory_space<vmem>>, vector<1x1x16xf32>,
        %get3A_559 = vector.shape_cast %get3A_558 : vector<1x1x16xf32> to vector<16xf32>
        %get3A_560 = arith.constant 0 : i32
        %get3A_561 = arith.index_cast %get3A_560 : i32 to index
        %get3A_562 = arith.index_cast %add3A_553 : i32 to index
        %get3A_563 = arith.constant 16 : index
        %get3A_564 = tpu.vector_load %arg10[%get3A_561, %get3A_562, %get3A_563] {strides = array<i32>} : memref<4x128x32xf32, #tpu.memory_space<vmem>>, vector<1x1x16xf32>,
        %get3A_565 = vector.shape_cast %get3A_564 : vector<1x1x16xf32> to vector<16xf32>
        %slice3A_566 = vector.extract_strided_slice %get3A_218 {offsets = [14], sizes = [1], strides = [1]} : vector<16xf32> to vector<1xf32>
        %squeeze3A_567 = vector.extract %slice3A_566[0] : f32 from vector<1xf32>
        %mul3A_568 = vector.broadcast %squeeze3A_567 : f32 to vector<16xf32>
        %mul3A_569 = arith.mulf %get3A_559, %mul3A_568 : vector<16xf32>
        %add3A_570 = arith.addf %mul3A_569, %get3A_565 : vector<16xf32>
        %swap3A_571 = arith.index_cast %add3A_553 : i32 to index
        %swap3A_572 = arith.constant 0 : index
        %swap3A_573 = tpu.vector_load %arg11[%swap3A_571, %swap3A_572] {strides = array<i32>} : memref<128x32xf32, #tpu.memory_space<vmem>>, vector<1x16xf32>,
        %swap3A_574 = vector.shape_cast %swap3A_573 : vector<1x16xf32> to vector<16xf32>
        %swap3A_575 = vector.shape_cast %add3A_570 : vector<16xf32> to vector<1x16xf32>
        tpu.vector_store %arg11[%swap3A_571, %swap3A_572], %swap3A_575 {strides = array<i32>} : memref<128x32xf32, #tpu.memory_space<vmem>>, vector<1x16xf32>,
        %add3A_576 = arith.constant 15 : i32
        %add3A_577 = arith.addi %mul3A_215, %add3A_576 : i32
        %get3A_578 = arith.constant 0 : i32
        %get3A_579 = arith.index_cast %get3A_578 : i32 to index
        %get3A_580 = arith.index_cast %add3A_577 : i32 to index
        %get3A_581 = arith.constant 0 : index
        %get3A_582 = tpu.vector_load %arg10[%get3A_579, %get3A_580, %get3A_581] {strides = array<i32>} : memref<4x128x32xf32, #tpu.memory_space<vmem>>, vector<1x1x16xf32>,
        %get3A_583 = vector.shape_cast %get3A_582 : vector<1x1x16xf32> to vector<16xf32>
        %get3A_584 = arith.constant 0 : i32
        %get3A_585 = arith.index_cast %get3A_584 : i32 to index
        %get3A_586 = arith.index_cast %add3A_577 : i32 to index
        %get3A_587 = arith.constant 16 : index
        %get3A_588 = tpu.vector_load %arg10[%get3A_585, %get3A_586, %get3A_587] {strides = array<i32>} : memref<4x128x32xf32, #tpu.memory_space<vmem>>, vector<1x1x16xf32>,
        %get3A_589 = vector.shape_cast %get3A_588 : vector<1x1x16xf32> to vector<16xf32>
        %slice3A_590 = vector.extract_strided_slice %get3A_218 {offsets = [15], sizes = [1], strides = [1]} : vector<16xf32> to vector<1xf32>
        %squeeze3A_591 = vector.extract %slice3A_590[0] : f32 from vector<1xf32>
        %mul3A_592 = vector.broadcast %squeeze3A_591 : f32 to vector<16xf32>
        %mul3A_593 = arith.mulf %get3A_583, %mul3A_592 : vector<16xf32>
        %add3A_594 = arith.addf %mul3A_593, %get3A_589 : vector<16xf32>
        %swap3A_595 = arith.index_cast %add3A_577 : i32 to index
        %swap3A_596 = arith.constant 0 : index
        %swap3A_597 = tpu.vector_load %arg11[%swap3A_595, %swap3A_596] {strides = array<i32>} : memref<128x32xf32, #tpu.memory_space<vmem>>, vector<1x16xf32>,
        %swap3A_598 = vector.shape_cast %swap3A_597 : vector<1x16xf32> to vector<16xf32>
        %swap3A_599 = vector.shape_cast %add3A_594 : vector<16xf32> to vector<1x16xf32>
        tpu.vector_store %arg11[%swap3A_595, %swap3A_596], %swap3A_599 {strides = array<i32>} : memref<128x32xf32, #tpu.memory_space<vmem>>, vector<1x16xf32>,
      }
      %scan3A_122 = arith.constant 8 : i32
      "tpu.region"() ({
        %run_scoped3A = tpu.sem_alloc : memref<!tpu.dma_semaphore, #tpu.memory_space<semaphore_mem>>
        %dma_start3A_213 = arith.constant 0 : i32
        %dma_start3A_214 = tpu.memref_slice %arg8[%add3A_101, %dma_start3A_213] : memref<100x128xi32, #tpu.memory_space<vmem>> -> memref<1x128xi32, #tpu.memory_space<vmem>>
        %dma_start3A_215 = tpu.memref_squeeze %dma_start3A_214 : memref<1x128xi32, #tpu.memory_space<vmem>> -> memref<128xi32, #tpu.memory_space<vmem>>
        %dma_start3A_216 = arith.constant 0 : i32
        %dma_start3A_217 = arith.constant 0 : i32
        %dma_start3A_218 = tpu.memref_slice %arg13[%dma_start3A_216, %dma_start3A_217] : memref<25600x32xf32, #tpu.memory_space<vmem_shared>> -> memref<25600x32xf32, #tpu.memory_space<vmem_shared>>
        tpu.enqueue_indirect_dma source(%arg11 : memref<128x32xf32, #tpu.memory_space<vmem>>) target(%dma_start3A_218 : memref<25600x32xf32, #tpu.memory_space<vmem_shared>>) offsets(%dma_start3A_215 : memref<128xi32, #tpu.memory_space<vmem>>) semaphore(%run_scoped3A : memref<!tpu.dma_semaphore, #tpu.memory_space<semaphore_mem>>) {add = true}
        %dma_wait3A_219 = arith.constant 0 : i32
        %dma_wait3A_220 = tpu.memref_slice %arg8[%add3A_101, %dma_wait3A_219] : memref<100x128xi32, #tpu.memory_space<vmem>> -> memref<1x128xi32, #tpu.memory_space<vmem>>
        %dma_wait3A_221 = tpu.memref_squeeze %dma_wait3A_220 : memref<1x128xi32, #tpu.memory_space<vmem>> -> memref<128xi32, #tpu.memory_space<vmem>>
        %dma_wait3A_222 = arith.constant 0 : i32
        %dma_wait3A_223 = arith.constant 0 : i32
        %dma_wait3A_224 = tpu.memref_slice %arg13[%dma_wait3A_222, %dma_wait3A_223] : memref<25600x32xf32, #tpu.memory_space<vmem_shared>> -> memref<25600x32xf32, #tpu.memory_space<vmem_shared>>
        tpu.wait_indirect_dma semaphore(%run_scoped3A : memref<!tpu.dma_semaphore, #tpu.memory_space<semaphore_mem>>) src(%arg11 : memref<128x32xf32, #tpu.memory_space<vmem>>) dst(%dma_wait3A_224 : memref<25600x32xf32, #tpu.memory_space<vmem_shared>>)
        tpu.yield
      }) : () -> ()
      %mul3A_123 = arith.constant 4 : i32
      %mul3A_124 = arith.muli %scan3A_97, %mul3A_123 : i32
      %add3A_125 = arith.constant 1 : i32
      %add3A_126 = arith.addi %mul3A_124, %add3A_125 : i32
      %add3A_127 = arith.constant 4 : i32
      %add3A_128 = arith.addi %add3A_126, %add3A_127 : i32
      %sub3A_129 = arith.constant 1 : i32
      %sub3A_130 = arith.subi %add3A_128, %sub3A_129 : i32
      %lt3A_131 = arith.constant 100 : i32
      %lt3A_132 = arith.cmpi slt, %sub3A_130, %lt3A_131 : i32
      %convert_element_type3A_133 = arith.extui %lt3A_132 : i1 to i32
      %cond3A_134 = arith.constant 0 : i32
      %cond3A_135 = arith.cmpi ne, %convert_element_type3A_133, %cond3A_134 : i32
      scf.if %cond3A_135 {
        %dma_start3A_213 = arith.constant 0 : i32
        %dma_start3A_214 = arith.constant 0 : i32
        %dma_start3A_215 = arith.constant 0 : i32
        %dma_start3A_216 = tpu.memref_slice %arg10[%dma_start3A_213, %dma_start3A_214, %dma_start3A_215] : memref<4x128x32xf32, #tpu.memory_space<vmem>> -> memref<1x128x32xf32, #tpu.memory_space<vmem>>
        %dma_start3A_217 = tpu.memref_squeeze %dma_start3A_216 : memref<1x128x32xf32, #tpu.memory_space<vmem>> -> memref<128x32xf32, #tpu.memory_space<vmem>>
        %dma_start3A_218 = arith.constant 0 : i32
        %dma_start3A_219 = tpu.memref_slice %arg7[%sub3A_130, %dma_start3A_218] : memref<100x128xi32, #tpu.memory_space<vmem>> -> memref<1x128xi32, #tpu.memory_space<vmem>>
        %dma_start3A_220 = tpu.memref_squeeze %dma_start3A_219 : memref<1x128xi32, #tpu.memory_space<vmem>> -> memref<128xi32, #tpu.memory_space<vmem>>
        %dma_start3A_221 = arith.constant 0 : i32
        %dma_start3A_222 = arith.constant 0 : i32
        %dma_start3A_223 = tpu.memref_slice %arg2[%dma_start3A_221, %dma_start3A_222] : memref<25600x32xf32, #tpu.memory_space<hbm>> -> memref<25600x32xf32, #tpu.memory_space<hbm>>
        tpu.enqueue_indirect_dma source(%dma_start3A_223 : memref<25600x32xf32, #tpu.memory_space<hbm>>) target(%dma_start3A_217 : memref<128x32xf32, #tpu.memory_space<vmem>>) offsets(%dma_start3A_220 : memref<128xi32, #tpu.memory_space<vmem>>) semaphore(%arg14 : memref<!tpu.dma_semaphore, #tpu.memory_space<semaphore_mem>>)
      } else {
      }
      %dma_wait3A_136 = arith.constant 1 : i32
      %dma_wait3A_137 = arith.constant 0 : i32
      %dma_wait3A_138 = arith.constant 0 : i32
      %dma_wait3A_139 = tpu.memref_slice %arg10[%dma_wait3A_136, %dma_wait3A_137, %dma_wait3A_138] : memref<4x128x32xf32, #tpu.memory_space<vmem>> -> memref<1x128x32xf32, #tpu.memory_space<vmem>>
      %dma_wait3A_140 = tpu.memref_squeeze %dma_wait3A_139 : memref<1x128x32xf32, #tpu.memory_space<vmem>> -> memref<128x32xf32, #tpu.memory_space<vmem>>
      %dma_wait3A_141 = arith.constant 0 : i32
      %dma_wait3A_142 = tpu.memref_slice %arg7[%add3A_126, %dma_wait3A_141] : memref<100x128xi32, #tpu.memory_space<vmem>> -> memref<1x128xi32, #tpu.memory_space<vmem>>
      %dma_wait3A_143 = tpu.memref_squeeze %dma_wait3A_142 : memref<1x128xi32, #tpu.memory_space<vmem>> -> memref<128xi32, #tpu.memory_space<vmem>>
      %dma_wait3A_144 = arith.constant 0 : i32
      %dma_wait3A_145 = arith.constant 0 : i32
      %dma_wait3A_146 = tpu.memref_slice %arg2[%dma_wait3A_144, %dma_wait3A_145] : memref<25600x32xf32, #tpu.memory_space<hbm>> -> memref<25600x32xf32, #tpu.memory_space<hbm>>
      tpu.wait_indirect_dma semaphore(%arg14 : memref<!tpu.dma_semaphore, #tpu.memory_space<semaphore_mem>>) src(%dma_wait3A_146 : memref<25600x32xf32, #tpu.memory_space<hbm>>) dst(%dma_wait3A_140 : memref<128x32xf32, #tpu.memory_space<vmem>>)
      %scan3A_147 = arith.constant 0 : i32
      %scan3A_148 = arith.constant 0 : i32
      %scan3A_149 = arith.constant 8 : i32
      %scan3A_150 = arith.addi %scan3A_148, %scan3A_149 : i32
      %scan3A_151 = arith.constant 1 : i32
      scf.for %scan3A_213 = %scan3A_148 to %scan3A_150 step %scan3A_151  : i32 {
        %mul3A_214 = arith.constant 16 : i32
        %mul3A_215 = arith.muli %scan3A_213, %mul3A_214 : i32
        %get3A = arith.index_cast %add3A_126 : i32 to index
        %get3A_216 = arith.index_cast %mul3A_215 : i32 to index
        %get3A_217 = tpu.vector_load %arg9[%get3A, %get3A_216] {strides = array<i32>} : memref<100x128xf32, #tpu.memory_space<vmem>>, vector<1x16xf32>,
        %get3A_218 = vector.shape_cast %get3A_217 : vector<1x16xf32> to vector<16xf32>
        %add3A_219 = arith.constant 0 : i32
        %add3A_220 = arith.addi %mul3A_215, %add3A_219 : i32
        %get3A_221 = arith.constant 1 : i32
        %get3A_222 = arith.index_cast %get3A_221 : i32 to index
        %get3A_223 = arith.index_cast %add3A_220 : i32 to index
        %get3A_224 = arith.constant 0 : index
        %get3A_225 = tpu.vector_load %arg10[%get3A_222, %get3A_223, %get3A_224] {strides = array<i32>} : memref<4x128x32xf32, #tpu.memory_space<vmem>>, vector<1x1x16xf32>,
        %get3A_226 = vector.shape_cast %get3A_225 : vector<1x1x16xf32> to vector<16xf32>
        %get3A_227 = arith.constant 1 : i32
        %get3A_228 = arith.index_cast %get3A_227 : i32 to index
        %get3A_229 = arith.index_cast %add3A_220 : i32 to index
        %get3A_230 = arith.constant 16 : index
        %get3A_231 = tpu.vector_load %arg10[%get3A_228, %get3A_229, %get3A_230] {strides = array<i32>} : memref<4x128x32xf32, #tpu.memory_space<vmem>>, vector<1x1x16xf32>,
        %get3A_232 = vector.shape_cast %get3A_231 : vector<1x1x16xf32> to vector<16xf32>
        %slice3A = vector.extract_strided_slice %get3A_218 {offsets = [0], sizes = [1], strides = [1]} : vector<16xf32> to vector<1xf32>
        %squeeze3A = vector.extract %slice3A[0] : f32 from vector<1xf32>
        %mul3A_233 = vector.broadcast %squeeze3A : f32 to vector<16xf32>
        %mul3A_234 = arith.mulf %get3A_226, %mul3A_233 : vector<16xf32>
        %add3A_235 = arith.addf %mul3A_234, %get3A_232 : vector<16xf32>
        %swap3A = arith.index_cast %add3A_220 : i32 to index
        %swap3A_236 = arith.constant 0 : index
        %swap3A_237 = tpu.vector_load %arg11[%swap3A, %swap3A_236] {strides = array<i32>} : memref<128x32xf32, #tpu.memory_space<vmem>>, vector<1x16xf32>,
        %swap3A_238 = vector.shape_cast %swap3A_237 : vector<1x16xf32> to vector<16xf32>
        %swap3A_239 = vector.shape_cast %add3A_235 : vector<16xf32> to vector<1x16xf32>
        tpu.vector_store %arg11[%swap3A, %swap3A_236], %swap3A_239 {strides = array<i32>} : memref<128x32xf32, #tpu.memory_space<vmem>>, vector<1x16xf32>,
        %add3A_240 = arith.constant 1 : i32
        %add3A_241 = arith.addi %mul3A_215, %add3A_240 : i32
        %get3A_242 = arith.constant 1 : i32
        %get3A_243 = arith.index_cast %get3A_242 : i32 to index
        %get3A_244 = arith.index_cast %add3A_241 : i32 to index
        %get3A_245 = arith.constant 0 : index
        %get3A_246 = tpu.vector_load %arg10[%get3A_243, %get3A_244, %get3A_245] {strides = array<i32>} : memref<4x128x32xf32, #tpu.memory_space<vmem>>, vector<1x1x16xf32>,
        %get3A_247 = vector.shape_cast %get3A_246 : vector<1x1x16xf32> to vector<16xf32>
        %get3A_248 = arith.constant 1 : i32
        %get3A_249 = arith.index_cast %get3A_248 : i32 to index
        %get3A_250 = arith.index_cast %add3A_241 : i32 to index
        %get3A_251 = arith.constant 16 : index
        %get3A_252 = tpu.vector_load %arg10[%get3A_249, %get3A_250, %get3A_251] {strides = array<i32>} : memref<4x128x32xf32, #tpu.memory_space<vmem>>, vector<1x1x16xf32>,
        %get3A_253 = vector.shape_cast %get3A_252 : vector<1x1x16xf32> to vector<16xf32>
        %slice3A_254 = vector.extract_strided_slice %get3A_218 {offsets = [1], sizes = [1], strides = [1]} : vector<16xf32> to vector<1xf32>
        %squeeze3A_255 = vector.extract %slice3A_254[0] : f32 from vector<1xf32>
        %mul3A_256 = vector.broadcast %squeeze3A_255 : f32 to vector<16xf32>
        %mul3A_257 = arith.mulf %get3A_247, %mul3A_256 : vector<16xf32>
        %add3A_258 = arith.addf %mul3A_257, %get3A_253 : vector<16xf32>
        %swap3A_259 = arith.index_cast %add3A_241 : i32 to index
        %swap3A_260 = arith.constant 0 : index
        %swap3A_261 = tpu.vector_load %arg11[%swap3A_259, %swap3A_260] {strides = array<i32>} : memref<128x32xf32, #tpu.memory_space<vmem>>, vector<1x16xf32>,
        %swap3A_262 = vector.shape_cast %swap3A_261 : vector<1x16xf32> to vector<16xf32>
        %swap3A_263 = vector.shape_cast %add3A_258 : vector<16xf32> to vector<1x16xf32>
        tpu.vector_store %arg11[%swap3A_259, %swap3A_260], %swap3A_263 {strides = array<i32>} : memref<128x32xf32, #tpu.memory_space<vmem>>, vector<1x16xf32>,
        %add3A_264 = arith.constant 2 : i32
        %add3A_265 = arith.addi %mul3A_215, %add3A_264 : i32
        %get3A_266 = arith.constant 1 : i32
        %get3A_267 = arith.index_cast %get3A_266 : i32 to index
        %get3A_268 = arith.index_cast %add3A_265 : i32 to index
        %get3A_269 = arith.constant 0 : index
        %get3A_270 = tpu.vector_load %arg10[%get3A_267, %get3A_268, %get3A_269] {strides = array<i32>} : memref<4x128x32xf32, #tpu.memory_space<vmem>>, vector<1x1x16xf32>,
        %get3A_271 = vector.shape_cast %get3A_270 : vector<1x1x16xf32> to vector<16xf32>
        %get3A_272 = arith.constant 1 : i32
        %get3A_273 = arith.index_cast %get3A_272 : i32 to index
        %get3A_274 = arith.index_cast %add3A_265 : i32 to index
        %get3A_275 = arith.constant 16 : index
        %get3A_276 = tpu.vector_load %arg10[%get3A_273, %get3A_274, %get3A_275] {strides = array<i32>} : memref<4x128x32xf32, #tpu.memory_space<vmem>>, vector<1x1x16xf32>,
        %get3A_277 = vector.shape_cast %get3A_276 : vector<1x1x16xf32> to vector<16xf32>
        %slice3A_278 = vector.extract_strided_slice %get3A_218 {offsets = [2], sizes = [1], strides = [1]} : vector<16xf32> to vector<1xf32>
        %squeeze3A_279 = vector.extract %slice3A_278[0] : f32 from vector<1xf32>
        %mul3A_280 = vector.broadcast %squeeze3A_279 : f32 to vector<16xf32>
        %mul3A_281 = arith.mulf %get3A_271, %mul3A_280 : vector<16xf32>
        %add3A_282 = arith.addf %mul3A_281, %get3A_277 : vector<16xf32>
        %swap3A_283 = arith.index_cast %add3A_265 : i32 to index
        %swap3A_284 = arith.constant 0 : index
        %swap3A_285 = tpu.vector_load %arg11[%swap3A_283, %swap3A_284] {strides = array<i32>} : memref<128x32xf32, #tpu.memory_space<vmem>>, vector<1x16xf32>,
        %swap3A_286 = vector.shape_cast %swap3A_285 : vector<1x16xf32> to vector<16xf32>
        %swap3A_287 = vector.shape_cast %add3A_282 : vector<16xf32> to vector<1x16xf32>
        tpu.vector_store %arg11[%swap3A_283, %swap3A_284], %swap3A_287 {strides = array<i32>} : memref<128x32xf32, #tpu.memory_space<vmem>>, vector<1x16xf32>,
        %add3A_288 = arith.constant 3 : i32
        %add3A_289 = arith.addi %mul3A_215, %add3A_288 : i32
        %get3A_290 = arith.constant 1 : i32
        %get3A_291 = arith.index_cast %get3A_290 : i32 to index
        %get3A_292 = arith.index_cast %add3A_289 : i32 to index
        %get3A_293 = arith.constant 0 : index
        %get3A_294 = tpu.vector_load %arg10[%get3A_291, %get3A_292, %get3A_293] {strides = array<i32>} : memref<4x128x32xf32, #tpu.memory_space<vmem>>, vector<1x1x16xf32>,
        %get3A_295 = vector.shape_cast %get3A_294 : vector<1x1x16xf32> to vector<16xf32>
        %get3A_296 = arith.constant 1 : i32
        %get3A_297 = arith.index_cast %get3A_296 : i32 to index
        %get3A_298 = arith.index_cast %add3A_289 : i32 to index
        %get3A_299 = arith.constant 16 : index
        %get3A_300 = tpu.vector_load %arg10[%get3A_297, %get3A_298, %get3A_299] {strides = array<i32>} : memref<4x128x32xf32, #tpu.memory_space<vmem>>, vector<1x1x16xf32>,
        %get3A_301 = vector.shape_cast %get3A_300 : vector<1x1x16xf32> to vector<16xf32>
        %slice3A_302 = vector.extract_strided_slice %get3A_218 {offsets = [3], sizes = [1], strides = [1]} : vector<16xf32> to vector<1xf32>
        %squeeze3A_303 = vector.extract %slice3A_302[0] : f32 from vector<1xf32>
        %mul3A_304 = vector.broadcast %squeeze3A_303 : f32 to vector<16xf32>
        %mul3A_305 = arith.mulf %get3A_295, %mul3A_304 : vector<16xf32>
        %add3A_306 = arith.addf %mul3A_305, %get3A_301 : vector<16xf32>
        %swap3A_307 = arith.index_cast %add3A_289 : i32 to index
        %swap3A_308 = arith.constant 0 : index
        %swap3A_309 = tpu.vector_load %arg11[%swap3A_307, %swap3A_308] {strides = array<i32>} : memref<128x32xf32, #tpu.memory_space<vmem>>, vector<1x16xf32>,
        %swap3A_310 = vector.shape_cast %swap3A_309 : vector<1x16xf32> to vector<16xf32>
        %swap3A_311 = vector.shape_cast %add3A_306 : vector<16xf32> to vector<1x16xf32>
        tpu.vector_store %arg11[%swap3A_307, %swap3A_308], %swap3A_311 {strides = array<i32>} : memref<128x32xf32, #tpu.memory_space<vmem>>, vector<1x16xf32>,
        %add3A_312 = arith.constant 4 : i32
        %add3A_313 = arith.addi %mul3A_215, %add3A_312 : i32
        %get3A_314 = arith.constant 1 : i32
        %get3A_315 = arith.index_cast %get3A_314 : i32 to index
        %get3A_316 = arith.index_cast %add3A_313 : i32 to index
        %get3A_317 = arith.constant 0 : index
        %get3A_318 = tpu.vector_load %arg10[%get3A_315, %get3A_316, %get3A_317] {strides = array<i32>} : memref<4x128x32xf32, #tpu.memory_space<vmem>>, vector<1x1x16xf32>,
        %get3A_319 = vector.shape_cast %get3A_318 : vector<1x1x16xf32> to vector<16xf32>
        %get3A_320 = arith.constant 1 : i32
        %get3A_321 = arith.index_cast %get3A_320 : i32 to index
        %get3A_322 = arith.index_cast %add3A_313 : i32 to index
        %get3A_323 = arith.constant 16 : index
        %get3A_324 = tpu.vector_load %arg10[%get3A_321, %get3A_322, %get3A_323] {strides = array<i32>} : memref<4x128x32xf32, #tpu.memory_space<vmem>>, vector<1x1x16xf32>,
        %get3A_325 = vector.shape_cast %get3A_324 : vector<1x1x16xf32> to vector<16xf32>
        %slice3A_326 = vector.extract_strided_slice %get3A_218 {offsets = [4], sizes = [1], strides = [1]} : vector<16xf32> to vector<1xf32>
        %squeeze3A_327 = vector.extract %slice3A_326[0] : f32 from vector<1xf32>
        %mul3A_328 = vector.broadcast %squeeze3A_327 : f32 to vector<16xf32>
        %mul3A_329 = arith.mulf %get3A_319, %mul3A_328 : vector<16xf32>
        %add3A_330 = arith.addf %mul3A_329, %get3A_325 : vector<16xf32>
        %swap3A_331 = arith.index_cast %add3A_313 : i32 to index
        %swap3A_332 = arith.constant 0 : index
        %swap3A_333 = tpu.vector_load %arg11[%swap3A_331, %swap3A_332] {strides = array<i32>} : memref<128x32xf32, #tpu.memory_space<vmem>>, vector<1x16xf32>,
        %swap3A_334 = vector.shape_cast %swap3A_333 : vector<1x16xf32> to vector<16xf32>
        %swap3A_335 = vector.shape_cast %add3A_330 : vector<16xf32> to vector<1x16xf32>
        tpu.vector_store %arg11[%swap3A_331, %swap3A_332], %swap3A_335 {strides = array<i32>} : memref<128x32xf32, #tpu.memory_space<vmem>>, vector<1x16xf32>,
        %add3A_336 = arith.constant 5 : i32
        %add3A_337 = arith.addi %mul3A_215, %add3A_336 : i32
        %get3A_338 = arith.constant 1 : i32
        %get3A_339 = arith.index_cast %get3A_338 : i32 to index
        %get3A_340 = arith.index_cast %add3A_337 : i32 to index
        %get3A_341 = arith.constant 0 : index
        %get3A_342 = tpu.vector_load %arg10[%get3A_339, %get3A_340, %get3A_341] {strides = array<i32>} : memref<4x128x32xf32, #tpu.memory_space<vmem>>, vector<1x1x16xf32>,
        %get3A_343 = vector.shape_cast %get3A_342 : vector<1x1x16xf32> to vector<16xf32>
        %get3A_344 = arith.constant 1 : i32
        %get3A_345 = arith.index_cast %get3A_344 : i32 to index
        %get3A_346 = arith.index_cast %add3A_337 : i32 to index
        %get3A_347 = arith.constant 16 : index
        %get3A_348 = tpu.vector_load %arg10[%get3A_345, %get3A_346, %get3A_347] {strides = array<i32>} : memref<4x128x32xf32, #tpu.memory_space<vmem>>, vector<1x1x16xf32>,
        %get3A_349 = vector.shape_cast %get3A_348 : vector<1x1x16xf32> to vector<16xf32>
        %slice3A_350 = vector.extract_strided_slice %get3A_218 {offsets = [5], sizes = [1], strides = [1]} : vector<16xf32> to vector<1xf32>
        %squeeze3A_351 = vector.extract %slice3A_350[0] : f32 from vector<1xf32>
        %mul3A_352 = vector.broadcast %squeeze3A_351 : f32 to vector<16xf32>
        %mul3A_353 = arith.mulf %get3A_343, %mul3A_352 : vector<16xf32>
        %add3A_354 = arith.addf %mul3A_353, %get3A_349 : vector<16xf32>
        %swap3A_355 = arith.index_cast %add3A_337 : i32 to index
        %swap3A_356 = arith.constant 0 : index
        %swap3A_357 = tpu.vector_load %arg11[%swap3A_355, %swap3A_356] {strides = array<i32>} : memref<128x32xf32, #tpu.memory_space<vmem>>, vector<1x16xf32>,
        %swap3A_358 = vector.shape_cast %swap3A_357 : vector<1x16xf32> to vector<16xf32>
        %swap3A_359 = vector.shape_cast %add3A_354 : vector<16xf32> to vector<1x16xf32>
        tpu.vector_store %arg11[%swap3A_355, %swap3A_356], %swap3A_359 {strides = array<i32>} : memref<128x32xf32, #tpu.memory_space<vmem>>, vector<1x16xf32>,
        %add3A_360 = arith.constant 6 : i32
        %add3A_361 = arith.addi %mul3A_215, %add3A_360 : i32
        %get3A_362 = arith.constant 1 : i32
        %get3A_363 = arith.index_cast %get3A_362 : i32 to index
        %get3A_364 = arith.index_cast %add3A_361 : i32 to index
        %get3A_365 = arith.constant 0 : index
        %get3A_366 = tpu.vector_load %arg10[%get3A_363, %get3A_364, %get3A_365] {strides = array<i32>} : memref<4x128x32xf32, #tpu.memory_space<vmem>>, vector<1x1x16xf32>,
        %get3A_367 = vector.shape_cast %get3A_366 : vector<1x1x16xf32> to vector<16xf32>
        %get3A_368 = arith.constant 1 : i32
        %get3A_369 = arith.index_cast %get3A_368 : i32 to index
        %get3A_370 = arith.index_cast %add3A_361 : i32 to index
        %get3A_371 = arith.constant 16 : index
        %get3A_372 = tpu.vector_load %arg10[%get3A_369, %get3A_370, %get3A_371] {strides = array<i32>} : memref<4x128x32xf32, #tpu.memory_space<vmem>>, vector<1x1x16xf32>,
        %get3A_373 = vector.shape_cast %get3A_372 : vector<1x1x16xf32> to vector<16xf32>
        %slice3A_374 = vector.extract_strided_slice %get3A_218 {offsets = [6], sizes = [1], strides = [1]} : vector<16xf32> to vector<1xf32>
        %squeeze3A_375 = vector.extract %slice3A_374[0] : f32 from vector<1xf32>
        %mul3A_376 = vector.broadcast %squeeze3A_375 : f32 to vector<16xf32>
        %mul3A_377 = arith.mulf %get3A_367, %mul3A_376 : vector<16xf32>
        %add3A_378 = arith.addf %mul3A_377, %get3A_373 : vector<16xf32>
        %swap3A_379 = arith.index_cast %add3A_361 : i32 to index
        %swap3A_380 = arith.constant 0 : index
        %swap3A_381 = tpu.vector_load %arg11[%swap3A_379, %swap3A_380] {strides = array<i32>} : memref<128x32xf32, #tpu.memory_space<vmem>>, vector<1x16xf32>,
        %swap3A_382 = vector.shape_cast %swap3A_381 : vector<1x16xf32> to vector<16xf32>
        %swap3A_383 = vector.shape_cast %add3A_378 : vector<16xf32> to vector<1x16xf32>
        tpu.vector_store %arg11[%swap3A_379, %swap3A_380], %swap3A_383 {strides = array<i32>} : memref<128x32xf32, #tpu.memory_space<vmem>>, vector<1x16xf32>,
        %add3A_384 = arith.constant 7 : i32
        %add3A_385 = arith.addi %mul3A_215, %add3A_384 : i32
        %get3A_386 = arith.constant 1 : i32
        %get3A_387 = arith.index_cast %get3A_386 : i32 to index
        %get3A_388 = arith.index_cast %add3A_385 : i32 to index
        %get3A_389 = arith.constant 0 : index
        %get3A_390 = tpu.vector_load %arg10[%get3A_387, %get3A_388, %get3A_389] {strides = array<i32>} : memref<4x128x32xf32, #tpu.memory_space<vmem>>, vector<1x1x16xf32>,
        %get3A_391 = vector.shape_cast %get3A_390 : vector<1x1x16xf32> to vector<16xf32>
        %get3A_392 = arith.constant 1 : i32
        %get3A_393 = arith.index_cast %get3A_392 : i32 to index
        %get3A_394 = arith.index_cast %add3A_385 : i32 to index
        %get3A_395 = arith.constant 16 : index
        %get3A_396 = tpu.vector_load %arg10[%get3A_393, %get3A_394, %get3A_395] {strides = array<i32>} : memref<4x128x32xf32, #tpu.memory_space<vmem>>, vector<1x1x16xf32>,
        %get3A_397 = vector.shape_cast %get3A_396 : vector<1x1x16xf32> to vector<16xf32>
        %slice3A_398 = vector.extract_strided_slice %get3A_218 {offsets = [7], sizes = [1], strides = [1]} : vector<16xf32> to vector<1xf32>
        %squeeze3A_399 = vector.extract %slice3A_398[0] : f32 from vector<1xf32>
        %mul3A_400 = vector.broadcast %squeeze3A_399 : f32 to vector<16xf32>
        %mul3A_401 = arith.mulf %get3A_391, %mul3A_400 : vector<16xf32>
        %add3A_402 = arith.addf %mul3A_401, %get3A_397 : vector<16xf32>
        %swap3A_403 = arith.index_cast %add3A_385 : i32 to index
        %swap3A_404 = arith.constant 0 : index
        %swap3A_405 = tpu.vector_load %arg11[%swap3A_403, %swap3A_404] {strides = array<i32>} : memref<128x32xf32, #tpu.memory_space<vmem>>, vector<1x16xf32>,
        %swap3A_406 = vector.shape_cast %swap3A_405 : vector<1x16xf32> to vector<16xf32>
        %swap3A_407 = vector.shape_cast %add3A_402 : vector<16xf32> to vector<1x16xf32>
        tpu.vector_store %arg11[%swap3A_403, %swap3A_404], %swap3A_407 {strides = array<i32>} : memref<128x32xf32, #tpu.memory_space<vmem>>, vector<1x16xf32>,
        %add3A_408 = arith.constant 8 : i32
        %add3A_409 = arith.addi %mul3A_215, %add3A_408 : i32
        %get3A_410 = arith.constant 1 : i32
        %get3A_411 = arith.index_cast %get3A_410 : i32 to index
        %get3A_412 = arith.index_cast %add3A_409 : i32 to index
        %get3A_413 = arith.constant 0 : index
        %get3A_414 = tpu.vector_load %arg10[%get3A_411, %get3A_412, %get3A_413] {strides = array<i32>} : memref<4x128x32xf32, #tpu.memory_space<vmem>>, vector<1x1x16xf32>,
        %get3A_415 = vector.shape_cast %get3A_414 : vector<1x1x16xf32> to vector<16xf32>
        %get3A_416 = arith.constant 1 : i32
        %get3A_417 = arith.index_cast %get3A_416 : i32 to index
        %get3A_418 = arith.index_cast %add3A_409 : i32 to index
        %get3A_419 = arith.constant 16 : index
        %get3A_420 = tpu.vector_load %arg10[%get3A_417, %get3A_418, %get3A_419] {strides = array<i32>} : memref<4x128x32xf32, #tpu.memory_space<vmem>>, vector<1x1x16xf32>,
        %get3A_421 = vector.shape_cast %get3A_420 : vector<1x1x16xf32> to vector<16xf32>
        %slice3A_422 = vector.extract_strided_slice %get3A_218 {offsets = [8], sizes = [1], strides = [1]} : vector<16xf32> to vector<1xf32>
        %squeeze3A_423 = vector.extract %slice3A_422[0] : f32 from vector<1xf32>
        %mul3A_424 = vector.broadcast %squeeze3A_423 : f32 to vector<16xf32>
        %mul3A_425 = arith.mulf %get3A_415, %mul3A_424 : vector<16xf32>
        %add3A_426 = arith.addf %mul3A_425, %get3A_421 : vector<16xf32>
        %swap3A_427 = arith.index_cast %add3A_409 : i32 to index
        %swap3A_428 = arith.constant 0 : index
        %swap3A_429 = tpu.vector_load %arg11[%swap3A_427, %swap3A_428] {strides = array<i32>} : memref<128x32xf32, #tpu.memory_space<vmem>>, vector<1x16xf32>,
        %swap3A_430 = vector.shape_cast %swap3A_429 : vector<1x16xf32> to vector<16xf32>
        %swap3A_431 = vector.shape_cast %add3A_426 : vector<16xf32> to vector<1x16xf32>
        tpu.vector_store %arg11[%swap3A_427, %swap3A_428], %swap3A_431 {strides = array<i32>} : memref<128x32xf32, #tpu.memory_space<vmem>>, vector<1x16xf32>,
        %add3A_432 = arith.constant 9 : i32
        %add3A_433 = arith.addi %mul3A_215, %add3A_432 : i32
        %get3A_434 = arith.constant 1 : i32
        %get3A_435 = arith.index_cast %get3A_434 : i32 to index
        %get3A_436 = arith.index_cast %add3A_433 : i32 to index
        %get3A_437 = arith.constant 0 : index
        %get3A_438 = tpu.vector_load %arg10[%get3A_435, %get3A_436, %get3A_437] {strides = array<i32>} : memref<4x128x32xf32, #tpu.memory_space<vmem>>, vector<1x1x16xf32>,
        %get3A_439 = vector.shape_cast %get3A_438 : vector<1x1x16xf32> to vector<16xf32>
        %get3A_440 = arith.constant 1 : i32
        %get3A_441 = arith.index_cast %get3A_440 : i32 to index
        %get3A_442 = arith.index_cast %add3A_433 : i32 to index
        %get3A_443 = arith.constant 16 : index
        %get3A_444 = tpu.vector_load %arg10[%get3A_441, %get3A_442, %get3A_443] {strides = array<i32>} : memref<4x128x32xf32, #tpu.memory_space<vmem>>, vector<1x1x16xf32>,
        %get3A_445 = vector.shape_cast %get3A_444 : vector<1x1x16xf32> to vector<16xf32>
        %slice3A_446 = vector.extract_strided_slice %get3A_218 {offsets = [9], sizes = [1], strides = [1]} : vector<16xf32> to vector<1xf32>
        %squeeze3A_447 = vector.extract %slice3A_446[0] : f32 from vector<1xf32>
        %mul3A_448 = vector.broadcast %squeeze3A_447 : f32 to vector<16xf32>
        %mul3A_449 = arith.mulf %get3A_439, %mul3A_448 : vector<16xf32>
        %add3A_450 = arith.addf %mul3A_449, %get3A_445 : vector<16xf32>
        %swap3A_451 = arith.index_cast %add3A_433 : i32 to index
        %swap3A_452 = arith.constant 0 : index
        %swap3A_453 = tpu.vector_load %arg11[%swap3A_451, %swap3A_452] {strides = array<i32>} : memref<128x32xf32, #tpu.memory_space<vmem>>, vector<1x16xf32>,
        %swap3A_454 = vector.shape_cast %swap3A_453 : vector<1x16xf32> to vector<16xf32>
        %swap3A_455 = vector.shape_cast %add3A_450 : vector<16xf32> to vector<1x16xf32>
        tpu.vector_store %arg11[%swap3A_451, %swap3A_452], %swap3A_455 {strides = array<i32>} : memref<128x32xf32, #tpu.memory_space<vmem>>, vector<1x16xf32>,
        %add3A_456 = arith.constant 10 : i32
        %add3A_457 = arith.addi %mul3A_215, %add3A_456 : i32
        %get3A_458 = arith.constant 1 : i32
        %get3A_459 = arith.index_cast %get3A_458 : i32 to index
        %get3A_460 = arith.index_cast %add3A_457 : i32 to index
        %get3A_461 = arith.constant 0 : index
        %get3A_462 = tpu.vector_load %arg10[%get3A_459, %get3A_460, %get3A_461] {strides = array<i32>} : memref<4x128x32xf32, #tpu.memory_space<vmem>>, vector<1x1x16xf32>,
        %get3A_463 = vector.shape_cast %get3A_462 : vector<1x1x16xf32> to vector<16xf32>
        %get3A_464 = arith.constant 1 : i32
        %get3A_465 = arith.index_cast %get3A_464 : i32 to index
        %get3A_466 = arith.index_cast %add3A_457 : i32 to index
        %get3A_467 = arith.constant 16 : index
        %get3A_468 = tpu.vector_load %arg10[%get3A_465, %get3A_466, %get3A_467] {strides = array<i32>} : memref<4x128x32xf32, #tpu.memory_space<vmem>>, vector<1x1x16xf32>,
        %get3A_469 = vector.shape_cast %get3A_468 : vector<1x1x16xf32> to vector<16xf32>
        %slice3A_470 = vector.extract_strided_slice %get3A_218 {offsets = [10], sizes = [1], strides = [1]} : vector<16xf32> to vector<1xf32>
        %squeeze3A_471 = vector.extract %slice3A_470[0] : f32 from vector<1xf32>
        %mul3A_472 = vector.broadcast %squeeze3A_471 : f32 to vector<16xf32>
        %mul3A_473 = arith.mulf %get3A_463, %mul3A_472 : vector<16xf32>
        %add3A_474 = arith.addf %mul3A_473, %get3A_469 : vector<16xf32>
        %swap3A_475 = arith.index_cast %add3A_457 : i32 to index
        %swap3A_476 = arith.constant 0 : index
        %swap3A_477 = tpu.vector_load %arg11[%swap3A_475, %swap3A_476] {strides = array<i32>} : memref<128x32xf32, #tpu.memory_space<vmem>>, vector<1x16xf32>,
        %swap3A_478 = vector.shape_cast %swap3A_477 : vector<1x16xf32> to vector<16xf32>
        %swap3A_479 = vector.shape_cast %add3A_474 : vector<16xf32> to vector<1x16xf32>
        tpu.vector_store %arg11[%swap3A_475, %swap3A_476], %swap3A_479 {strides = array<i32>} : memref<128x32xf32, #tpu.memory_space<vmem>>, vector<1x16xf32>,
        %add3A_480 = arith.constant 11 : i32
        %add3A_481 = arith.addi %mul3A_215, %add3A_480 : i32
        %get3A_482 = arith.constant 1 : i32
        %get3A_483 = arith.index_cast %get3A_482 : i32 to index
        %get3A_484 = arith.index_cast %add3A_481 : i32 to index
        %get3A_485 = arith.constant 0 : index
        %get3A_486 = tpu.vector_load %arg10[%get3A_483, %get3A_484, %get3A_485] {strides = array<i32>} : memref<4x128x32xf32, #tpu.memory_space<vmem>>, vector<1x1x16xf32>,
        %get3A_487 = vector.shape_cast %get3A_486 : vector<1x1x16xf32> to vector<16xf32>
        %get3A_488 = arith.constant 1 : i32
        %get3A_489 = arith.index_cast %get3A_488 : i32 to index
        %get3A_490 = arith.index_cast %add3A_481 : i32 to index
        %get3A_491 = arith.constant 16 : index
        %get3A_492 = tpu.vector_load %arg10[%get3A_489, %get3A_490, %get3A_491] {strides = array<i32>} : memref<4x128x32xf32, #tpu.memory_space<vmem>>, vector<1x1x16xf32>,
        %get3A_493 = vector.shape_cast %get3A_492 : vector<1x1x16xf32> to vector<16xf32>
        %slice3A_494 = vector.extract_strided_slice %get3A_218 {offsets = [11], sizes = [1], strides = [1]} : vector<16xf32> to vector<1xf32>
        %squeeze3A_495 = vector.extract %slice3A_494[0] : f32 from vector<1xf32>
        %mul3A_496 = vector.broadcast %squeeze3A_495 : f32 to vector<16xf32>
        %mul3A_497 = arith.mulf %get3A_487, %mul3A_496 : vector<16xf32>
        %add3A_498 = arith.addf %mul3A_497, %get3A_493 : vector<16xf32>
        %swap3A_499 = arith.index_cast %add3A_481 : i32 to index
        %swap3A_500 = arith.constant 0 : index
        %swap3A_501 = tpu.vector_load %arg11[%swap3A_499, %swap3A_500] {strides = array<i32>} : memref<128x32xf32, #tpu.memory_space<vmem>>, vector<1x16xf32>,
        %swap3A_502 = vector.shape_cast %swap3A_501 : vector<1x16xf32> to vector<16xf32>
        %swap3A_503 = vector.shape_cast %add3A_498 : vector<16xf32> to vector<1x16xf32>
        tpu.vector_store %arg11[%swap3A_499, %swap3A_500], %swap3A_503 {strides = array<i32>} : memref<128x32xf32, #tpu.memory_space<vmem>>, vector<1x16xf32>,
        %add3A_504 = arith.constant 12 : i32
        %add3A_505 = arith.addi %mul3A_215, %add3A_504 : i32
        %get3A_506 = arith.constant 1 : i32
        %get3A_507 = arith.index_cast %get3A_506 : i32 to index
        %get3A_508 = arith.index_cast %add3A_505 : i32 to index
        %get3A_509 = arith.constant 0 : index
        %get3A_510 = tpu.vector_load %arg10[%get3A_507, %get3A_508, %get3A_509] {strides = array<i32>} : memref<4x128x32xf32, #tpu.memory_space<vmem>>, vector<1x1x16xf32>,
        %get3A_511 = vector.shape_cast %get3A_510 : vector<1x1x16xf32> to vector<16xf32>
        %get3A_512 = arith.constant 1 : i32
        %get3A_513 = arith.index_cast %get3A_512 : i32 to index
        %get3A_514 = arith.index_cast %add3A_505 : i32 to index
        %get3A_515 = arith.constant 16 : index
        %get3A_516 = tpu.vector_load %arg10[%get3A_513, %get3A_514, %get3A_515] {strides = array<i32>} : memref<4x128x32xf32, #tpu.memory_space<vmem>>, vector<1x1x16xf32>,
        %get3A_517 = vector.shape_cast %get3A_516 : vector<1x1x16xf32> to vector<16xf32>
        %slice3A_518 = vector.extract_strided_slice %get3A_218 {offsets = [12], sizes = [1], strides = [1]} : vector<16xf32> to vector<1xf32>
        %squeeze3A_519 = vector.extract %slice3A_518[0] : f32 from vector<1xf32>
        %mul3A_520 = vector.broadcast %squeeze3A_519 : f32 to vector<16xf32>
        %mul3A_521 = arith.mulf %get3A_511, %mul3A_520 : vector<16xf32>
        %add3A_522 = arith.addf %mul3A_521, %get3A_517 : vector<16xf32>
        %swap3A_523 = arith.index_cast %add3A_505 : i32 to index
        %swap3A_524 = arith.constant 0 : index
        %swap3A_525 = tpu.vector_load %arg11[%swap3A_523, %swap3A_524] {strides = array<i32>} : memref<128x32xf32, #tpu.memory_space<vmem>>, vector<1x16xf32>,
        %swap3A_526 = vector.shape_cast %swap3A_525 : vector<1x16xf32> to vector<16xf32>
        %swap3A_527 = vector.shape_cast %add3A_522 : vector<16xf32> to vector<1x16xf32>
        tpu.vector_store %arg11[%swap3A_523, %swap3A_524], %swap3A_527 {strides = array<i32>} : memref<128x32xf32, #tpu.memory_space<vmem>>, vector<1x16xf32>,
        %add3A_528 = arith.constant 13 : i32
        %add3A_529 = arith.addi %mul3A_215, %add3A_528 : i32
        %get3A_530 = arith.constant 1 : i32
        %get3A_531 = arith.index_cast %get3A_530 : i32 to index
        %get3A_532 = arith.index_cast %add3A_529 : i32 to index
        %get3A_533 = arith.constant 0 : index
        %get3A_534 = tpu.vector_load %arg10[%get3A_531, %get3A_532, %get3A_533] {strides = array<i32>} : memref<4x128x32xf32, #tpu.memory_space<vmem>>, vector<1x1x16xf32>,
        %get3A_535 = vector.shape_cast %get3A_534 : vector<1x1x16xf32> to vector<16xf32>
        %get3A_536 = arith.constant 1 : i32
        %get3A_537 = arith.index_cast %get3A_536 : i32 to index
        %get3A_538 = arith.index_cast %add3A_529 : i32 to index
        %get3A_539 = arith.constant 16 : index
        %get3A_540 = tpu.vector_load %arg10[%get3A_537, %get3A_538, %get3A_539] {strides = array<i32>} : memref<4x128x32xf32, #tpu.memory_space<vmem>>, vector<1x1x16xf32>,
        %get3A_541 = vector.shape_cast %get3A_540 : vector<1x1x16xf32> to vector<16xf32>
        %slice3A_542 = vector.extract_strided_slice %get3A_218 {offsets = [13], sizes = [1], strides = [1]} : vector<16xf32> to vector<1xf32>
        %squeeze3A_543 = vector.extract %slice3A_542[0] : f32 from vector<1xf32>
        %mul3A_544 = vector.broadcast %squeeze3A_543 : f32 to vector<16xf32>
        %mul3A_545 = arith.mulf %get3A_535, %mul3A_544 : vector<16xf32>
        %add3A_546 = arith.addf %mul3A_545, %get3A_541 : vector<16xf32>
        %swap3A_547 = arith.index_cast %add3A_529 : i32 to index
        %swap3A_548 = arith.constant 0 : index
        %swap3A_549 = tpu.vector_load %arg11[%swap3A_547, %swap3A_548] {strides = array<i32>} : memref<128x32xf32, #tpu.memory_space<vmem>>, vector<1x16xf32>,
        %swap3A_550 = vector.shape_cast %swap3A_549 : vector<1x16xf32> to vector<16xf32>
        %swap3A_551 = vector.shape_cast %add3A_546 : vector<16xf32> to vector<1x16xf32>
        tpu.vector_store %arg11[%swap3A_547, %swap3A_548], %swap3A_551 {strides = array<i32>} : memref<128x32xf32, #tpu.memory_space<vmem>>, vector<1x16xf32>,
        %add3A_552 = arith.constant 14 : i32
        %add3A_553 = arith.addi %mul3A_215, %add3A_552 : i32
        %get3A_554 = arith.constant 1 : i32
        %get3A_555 = arith.index_cast %get3A_554 : i32 to index
        %get3A_556 = arith.index_cast %add3A_553 : i32 to index
        %get3A_557 = arith.constant 0 : index
        %get3A_558 = tpu.vector_load %arg10[%get3A_555, %get3A_556, %get3A_557] {strides = array<i32>} : memref<4x128x32xf32, #tpu.memory_space<vmem>>, vector<1x1x16xf32>,
        %get3A_559 = vector.shape_cast %get3A_558 : vector<1x1x16xf32> to vector<16xf32>
        %get3A_560 = arith.constant 1 : i32
        %get3A_561 = arith.index_cast %get3A_560 : i32 to index
        %get3A_562 = arith.index_cast %add3A_553 : i32 to index
        %get3A_563 = arith.constant 16 : index
        %get3A_564 = tpu.vector_load %arg10[%get3A_561, %get3A_562, %get3A_563] {strides = array<i32>} : memref<4x128x32xf32, #tpu.memory_space<vmem>>, vector<1x1x16xf32>,
        %get3A_565 = vector.shape_cast %get3A_564 : vector<1x1x16xf32> to vector<16xf32>
        %slice3A_566 = vector.extract_strided_slice %get3A_218 {offsets = [14], sizes = [1], strides = [1]} : vector<16xf32> to vector<1xf32>
        %squeeze3A_567 = vector.extract %slice3A_566[0] : f32 from vector<1xf32>
        %mul3A_568 = vector.broadcast %squeeze3A_567 : f32 to vector<16xf32>
        %mul3A_569 = arith.mulf %get3A_559, %mul3A_568 : vector<16xf32>
        %add3A_570 = arith.addf %mul3A_569, %get3A_565 : vector<16xf32>
        %swap3A_571 = arith.index_cast %add3A_553 : i32 to index
        %swap3A_572 = arith.constant 0 : index
        %swap3A_573 = tpu.vector_load %arg11[%swap3A_571, %swap3A_572] {strides = array<i32>} : memref<128x32xf32, #tpu.memory_space<vmem>>, vector<1x16xf32>,
        %swap3A_574 = vector.shape_cast %swap3A_573 : vector<1x16xf32> to vector<16xf32>
        %swap3A_575 = vector.shape_cast %add3A_570 : vector<16xf32> to vector<1x16xf32>
        tpu.vector_store %arg11[%swap3A_571, %swap3A_572], %swap3A_575 {strides = array<i32>} : memref<128x32xf32, #tpu.memory_space<vmem>>, vector<1x16xf32>,
        %add3A_576 = arith.constant 15 : i32
        %add3A_577 = arith.addi %mul3A_215, %add3A_576 : i32
        %get3A_578 = arith.constant 1 : i32
        %get3A_579 = arith.index_cast %get3A_578 : i32 to index
        %get3A_580 = arith.index_cast %add3A_577 : i32 to index
        %get3A_581 = arith.constant 0 : index
        %get3A_582 = tpu.vector_load %arg10[%get3A_579, %get3A_580, %get3A_581] {strides = array<i32>} : memref<4x128x32xf32, #tpu.memory_space<vmem>>, vector<1x1x16xf32>,
        %get3A_583 = vector.shape_cast %get3A_582 : vector<1x1x16xf32> to vector<16xf32>
        %get3A_584 = arith.constant 1 : i32
        %get3A_585 = arith.index_cast %get3A_584 : i32 to index
        %get3A_586 = arith.index_cast %add3A_577 : i32 to index
        %get3A_587 = arith.constant 16 : index
        %get3A_588 = tpu.vector_load %arg10[%get3A_585, %get3A_586, %get3A_587] {strides = array<i32>} : memref<4x128x32xf32, #tpu.memory_space<vmem>>, vector<1x1x16xf32>,
        %get3A_589 = vector.shape_cast %get3A_588 : vector<1x1x16xf32> to vector<16xf32>
        %slice3A_590 = vector.extract_strided_slice %get3A_218 {offsets = [15], sizes = [1], strides = [1]} : vector<16xf32> to vector<1xf32>
        %squeeze3A_591 = vector.extract %slice3A_590[0] : f32 from vector<1xf32>
        %mul3A_592 = vector.broadcast %squeeze3A_591 : f32 to vector<16xf32>
        %mul3A_593 = arith.mulf %get3A_583, %mul3A_592 : vector<16xf32>
        %add3A_594 = arith.addf %mul3A_593, %get3A_589 : vector<16xf32>
        %swap3A_595 = arith.index_cast %add3A_577 : i32 to index
        %swap3A_596 = arith.constant 0 : index
        %swap3A_597 = tpu.vector_load %arg11[%swap3A_595, %swap3A_596] {strides = array<i32>} : memref<128x32xf32, #tpu.memory_space<vmem>>, vector<1x16xf32>,
        %swap3A_598 = vector.shape_cast %swap3A_597 : vector<1x16xf32> to vector<16xf32>
        %swap3A_599 = vector.shape_cast %add3A_594 : vector<16xf32> to vector<1x16xf32>
        tpu.vector_store %arg11[%swap3A_595, %swap3A_596], %swap3A_599 {strides = array<i32>} : memref<128x32xf32, #tpu.memory_space<vmem>>, vector<1x16xf32>,
      }
      %scan3A_152 = arith.constant 8 : i32
      "tpu.region"() ({
        %run_scoped3A = tpu.sem_alloc : memref<!tpu.dma_semaphore, #tpu.memory_space<semaphore_mem>>
        %dma_start3A_213 = arith.constant 0 : i32
        %dma_start3A_214 = tpu.memref_slice %arg8[%add3A_126, %dma_start3A_213] : memref<100x128xi32, #tpu.memory_space<vmem>> -> memref<1x128xi32, #tpu.memory_space<vmem>>
        %dma_start3A_215 = tpu.memref_squeeze %dma_start3A_214 : memref<1x128xi32, #tpu.memory_space<vmem>> -> memref<128xi32, #tpu.memory_space<vmem>>
        %dma_start3A_216 = arith.constant 0 : i32
        %dma_start3A_217 = arith.constant 0 : i32
        %dma_start3A_218 = tpu.memref_slice %arg13[%dma_start3A_216, %dma_start3A_217] : memref<25600x32xf32, #tpu.memory_space<vmem_shared>> -> memref<25600x32xf32, #tpu.memory_space<vmem_shared>>
        tpu.enqueue_indirect_dma source(%arg11 : memref<128x32xf32, #tpu.memory_space<vmem>>) target(%dma_start3A_218 : memref<25600x32xf32, #tpu.memory_space<vmem_shared>>) offsets(%dma_start3A_215 : memref<128xi32, #tpu.memory_space<vmem>>) semaphore(%run_scoped3A : memref<!tpu.dma_semaphore, #tpu.memory_space<semaphore_mem>>) {add = true}
        %dma_wait3A_219 = arith.constant 0 : i32
        %dma_wait3A_220 = tpu.memref_slice %arg8[%add3A_126, %dma_wait3A_219] : memref<100x128xi32, #tpu.memory_space<vmem>> -> memref<1x128xi32, #tpu.memory_space<vmem>>
        %dma_wait3A_221 = tpu.memref_squeeze %dma_wait3A_220 : memref<1x128xi32, #tpu.memory_space<vmem>> -> memref<128xi32, #tpu.memory_space<vmem>>
        %dma_wait3A_222 = arith.constant 0 : i32
        %dma_wait3A_223 = arith.constant 0 : i32
        %dma_wait3A_224 = tpu.memref_slice %arg13[%dma_wait3A_222, %dma_wait3A_223] : memref<25600x32xf32, #tpu.memory_space<vmem_shared>> -> memref<25600x32xf32, #tpu.memory_space<vmem_shared>>
        tpu.wait_indirect_dma semaphore(%run_scoped3A : memref<!tpu.dma_semaphore, #tpu.memory_space<semaphore_mem>>) src(%arg11 : memref<128x32xf32, #tpu.memory_space<vmem>>) dst(%dma_wait3A_224 : memref<25600x32xf32, #tpu.memory_space<vmem_shared>>)
        tpu.yield
      }) : () -> ()
      %mul3A_153 = arith.constant 4 : i32
      %mul3A_154 = arith.muli %scan3A_97, %mul3A_153 : i32
      %add3A_155 = arith.constant 2 : i32
      %add3A_156 = arith.addi %mul3A_154, %add3A_155 : i32
      %add3A_157 = arith.constant 4 : i32
      %add3A_158 = arith.addi %add3A_156, %add3A_157 : i32
      %sub3A_159 = arith.constant 1 : i32
      %sub3A_160 = arith.subi %add3A_158, %sub3A_159 : i32
      %lt3A_161 = arith.constant 100 : i32
      %lt3A_162 = arith.cmpi slt, %sub3A_160, %lt3A_161 : i32
      %convert_element_type3A_163 = arith.extui %lt3A_162 : i1 to i32
      %cond3A_164 = arith.constant 0 : i32
      %cond3A_165 = arith.cmpi ne, %convert_element_type3A_163, %cond3A_164 : i32
      scf.if %cond3A_165 {
        %dma_start3A_213 = arith.constant 1 : i32
        %dma_start3A_214 = arith.constant 0 : i32
        %dma_start3A_215 = arith.constant 0 : i32
        %dma_start3A_216 = tpu.memref_slice %arg10[%dma_start3A_213, %dma_start3A_214, %dma_start3A_215] : memref<4x128x32xf32, #tpu.memory_space<vmem>> -> memref<1x128x32xf32, #tpu.memory_space<vmem>>
        %dma_start3A_217 = tpu.memref_squeeze %dma_start3A_216 : memref<1x128x32xf32, #tpu.memory_space<vmem>> -> memref<128x32xf32, #tpu.memory_space<vmem>>
        %dma_start3A_218 = arith.constant 0 : i32
        %dma_start3A_219 = tpu.memref_slice %arg7[%sub3A_160, %dma_start3A_218] : memref<100x128xi32, #tpu.memory_space<vmem>> -> memref<1x128xi32, #tpu.memory_space<vmem>>
        %dma_start3A_220 = tpu.memref_squeeze %dma_start3A_219 : memref<1x128xi32, #tpu.memory_space<vmem>> -> memref<128xi32, #tpu.memory_space<vmem>>
        %dma_start3A_221 = arith.constant 0 : i32
        %dma_start3A_222 = arith.constant 0 : i32
        %dma_start3A_223 = tpu.memref_slice %arg2[%dma_start3A_221, %dma_start3A_222] : memref<25600x32xf32, #tpu.memory_space<hbm>> -> memref<25600x32xf32, #tpu.memory_space<hbm>>
        tpu.enqueue_indirect_dma source(%dma_start3A_223 : memref<25600x32xf32, #tpu.memory_space<hbm>>) target(%dma_start3A_217 : memref<128x32xf32, #tpu.memory_space<vmem>>) offsets(%dma_start3A_220 : memref<128xi32, #tpu.memory_space<vmem>>) semaphore(%arg14 : memref<!tpu.dma_semaphore, #tpu.memory_space<semaphore_mem>>)
      } else {
      }
      %dma_wait3A_166 = arith.constant 2 : i32
      %dma_wait3A_167 = arith.constant 0 : i32
      %dma_wait3A_168 = arith.constant 0 : i32
      %dma_wait3A_169 = tpu.memref_slice %arg10[%dma_wait3A_166, %dma_wait3A_167, %dma_wait3A_168] : memref<4x128x32xf32, #tpu.memory_space<vmem>> -> memref<1x128x32xf32, #tpu.memory_space<vmem>>
      %dma_wait3A_170 = tpu.memref_squeeze %dma_wait3A_169 : memref<1x128x32xf32, #tpu.memory_space<vmem>> -> memref<128x32xf32, #tpu.memory_space<vmem>>
      %dma_wait3A_171 = arith.constant 0 : i32
      %dma_wait3A_172 = tpu.memref_slice %arg7[%add3A_156, %dma_wait3A_171] : memref<100x128xi32, #tpu.memory_space<vmem>> -> memref<1x128xi32, #tpu.memory_space<vmem>>
      %dma_wait3A_173 = tpu.memref_squeeze %dma_wait3A_172 : memref<1x128xi32, #tpu.memory_space<vmem>> -> memref<128xi32, #tpu.memory_space<vmem>>
      %dma_wait3A_174 = arith.constant 0 : i32
      %dma_wait3A_175 = arith.constant 0 : i32
      %dma_wait3A_176 = tpu.memref_slice %arg2[%dma_wait3A_174, %dma_wait3A_175] : memref<25600x32xf32, #tpu.memory_space<hbm>> -> memref<25600x32xf32, #tpu.memory_space<hbm>>
      tpu.wait_indirect_dma semaphore(%arg14 : memref<!tpu.dma_semaphore, #tpu.memory_space<semaphore_mem>>) src(%dma_wait3A_176 : memref<25600x32xf32, #tpu.memory_space<hbm>>) dst(%dma_wait3A_170 : memref<128x32xf32, #tpu.memory_space<vmem>>)
      %scan3A_177 = arith.constant 0 : i32
      %scan3A_178 = arith.constant 0 : i32
      %scan3A_179 = arith.constant 8 : i32
      %scan3A_180 = arith.addi %scan3A_178, %scan3A_179 : i32
      %scan3A_181 = arith.constant 1 : i32
      scf.for %scan3A_213 = %scan3A_178 to %scan3A_180 step %scan3A_181  : i32 {
        %mul3A_214 = arith.constant 16 : i32
        %mul3A_215 = arith.muli %scan3A_213, %mul3A_214 : i32
        %get3A = arith.index_cast %add3A_156 : i32 to index
        %get3A_216 = arith.index_cast %mul3A_215 : i32 to index
        %get3A_217 = tpu.vector_load %arg9[%get3A, %get3A_216] {strides = array<i32>} : memref<100x128xf32, #tpu.memory_space<vmem>>, vector<1x16xf32>,
        %get3A_218 = vector.shape_cast %get3A_217 : vector<1x16xf32> to vector<16xf32>
        %add3A_219 = arith.constant 0 : i32
        %add3A_220 = arith.addi %mul3A_215, %add3A_219 : i32
        %get3A_221 = arith.constant 2 : i32
        %get3A_222 = arith.index_cast %get3A_221 : i32 to index
        %get3A_223 = arith.index_cast %add3A_220 : i32 to index
        %get3A_224 = arith.constant 0 : index
        %get3A_225 = tpu.vector_load %arg10[%get3A_222, %get3A_223, %get3A_224] {strides = array<i32>} : memref<4x128x32xf32, #tpu.memory_space<vmem>>, vector<1x1x16xf32>,
        %get3A_226 = vector.shape_cast %get3A_225 : vector<1x1x16xf32> to vector<16xf32>
        %get3A_227 = arith.constant 2 : i32
        %get3A_228 = arith.index_cast %get3A_227 : i32 to index
        %get3A_229 = arith.index_cast %add3A_220 : i32 to index
        %get3A_230 = arith.constant 16 : index
        %get3A_231 = tpu.vector_load %arg10[%get3A_228, %get3A_229, %get3A_230] {strides = array<i32>} : memref<4x128x32xf32, #tpu.memory_space<vmem>>, vector<1x1x16xf32>,
        %get3A_232 = vector.shape_cast %get3A_231 : vector<1x1x16xf32> to vector<16xf32>
        %slice3A = vector.extract_strided_slice %get3A_218 {offsets = [0], sizes = [1], strides = [1]} : vector<16xf32> to vector<1xf32>
        %squeeze3A = vector.extract %slice3A[0] : f32 from vector<1xf32>
        %mul3A_233 = vector.broadcast %squeeze3A : f32 to vector<16xf32>
        %mul3A_234 = arith.mulf %get3A_226, %mul3A_233 : vector<16xf32>
        %add3A_235 = arith.addf %mul3A_234, %get3A_232 : vector<16xf32>
        %swap3A = arith.index_cast %add3A_220 : i32 to index
        %swap3A_236 = arith.constant 0 : index
        %swap3A_237 = tpu.vector_load %arg11[%swap3A, %swap3A_236] {strides = array<i32>} : memref<128x32xf32, #tpu.memory_space<vmem>>, vector<1x16xf32>,
        %swap3A_238 = vector.shape_cast %swap3A_237 : vector<1x16xf32> to vector<16xf32>
        %swap3A_239 = vector.shape_cast %add3A_235 : vector<16xf32> to vector<1x16xf32>
        tpu.vector_store %arg11[%swap3A, %swap3A_236], %swap3A_239 {strides = array<i32>} : memref<128x32xf32, #tpu.memory_space<vmem>>, vector<1x16xf32>,
        %add3A_240 = arith.constant 1 : i32
        %add3A_241 = arith.addi %mul3A_215, %add3A_240 : i32
        %get3A_242 = arith.constant 2 : i32
        %get3A_243 = arith.index_cast %get3A_242 : i32 to index
        %get3A_244 = arith.index_cast %add3A_241 : i32 to index
        %get3A_245 = arith.constant 0 : index
        %get3A_246 = tpu.vector_load %arg10[%get3A_243, %get3A_244, %get3A_245] {strides = array<i32>} : memref<4x128x32xf32, #tpu.memory_space<vmem>>, vector<1x1x16xf32>,
        %get3A_247 = vector.shape_cast %get3A_246 : vector<1x1x16xf32> to vector<16xf32>
        %get3A_248 = arith.constant 2 : i32
        %get3A_249 = arith.index_cast %get3A_248 : i32 to index
        %get3A_250 = arith.index_cast %add3A_241 : i32 to index
        %get3A_251 = arith.constant 16 : index
        %get3A_252 = tpu.vector_load %arg10[%get3A_249, %get3A_250, %get3A_251] {strides = array<i32>} : memref<4x128x32xf32, #tpu.memory_space<vmem>>, vector<1x1x16xf32>,
        %get3A_253 = vector.shape_cast %get3A_252 : vector<1x1x16xf32> to vector<16xf32>
        %slice3A_254 = vector.extract_strided_slice %get3A_218 {offsets = [1], sizes = [1], strides = [1]} : vector<16xf32> to vector<1xf32>
        %squeeze3A_255 = vector.extract %slice3A_254[0] : f32 from vector<1xf32>
        %mul3A_256 = vector.broadcast %squeeze3A_255 : f32 to vector<16xf32>
        %mul3A_257 = arith.mulf %get3A_247, %mul3A_256 : vector<16xf32>
        %add3A_258 = arith.addf %mul3A_257, %get3A_253 : vector<16xf32>
        %swap3A_259 = arith.index_cast %add3A_241 : i32 to index
        %swap3A_260 = arith.constant 0 : index
        %swap3A_261 = tpu.vector_load %arg11[%swap3A_259, %swap3A_260] {strides = array<i32>} : memref<128x32xf32, #tpu.memory_space<vmem>>, vector<1x16xf32>,
        %swap3A_262 = vector.shape_cast %swap3A_261 : vector<1x16xf32> to vector<16xf32>
        %swap3A_263 = vector.shape_cast %add3A_258 : vector<16xf32> to vector<1x16xf32>
        tpu.vector_store %arg11[%swap3A_259, %swap3A_260], %swap3A_263 {strides = array<i32>} : memref<128x32xf32, #tpu.memory_space<vmem>>, vector<1x16xf32>,
        %add3A_264 = arith.constant 2 : i32
        %add3A_265 = arith.addi %mul3A_215, %add3A_264 : i32
        %get3A_266 = arith.constant 2 : i32
        %get3A_267 = arith.index_cast %get3A_266 : i32 to index
        %get3A_268 = arith.index_cast %add3A_265 : i32 to index
        %get3A_269 = arith.constant 0 : index
        %get3A_270 = tpu.vector_load %arg10[%get3A_267, %get3A_268, %get3A_269] {strides = array<i32>} : memref<4x128x32xf32, #tpu.memory_space<vmem>>, vector<1x1x16xf32>,
        %get3A_271 = vector.shape_cast %get3A_270 : vector<1x1x16xf32> to vector<16xf32>
        %get3A_272 = arith.constant 2 : i32
        %get3A_273 = arith.index_cast %get3A_272 : i32 to index
        %get3A_274 = arith.index_cast %add3A_265 : i32 to index
        %get3A_275 = arith.constant 16 : index
        %get3A_276 = tpu.vector_load %arg10[%get3A_273, %get3A_274, %get3A_275] {strides = array<i32>} : memref<4x128x32xf32, #tpu.memory_space<vmem>>, vector<1x1x16xf32>,
        %get3A_277 = vector.shape_cast %get3A_276 : vector<1x1x16xf32> to vector<16xf32>
        %slice3A_278 = vector.extract_strided_slice %get3A_218 {offsets = [2], sizes = [1], strides = [1]} : vector<16xf32> to vector<1xf32>
        %squeeze3A_279 = vector.extract %slice3A_278[0] : f32 from vector<1xf32>
        %mul3A_280 = vector.broadcast %squeeze3A_279 : f32 to vector<16xf32>
        %mul3A_281 = arith.mulf %get3A_271, %mul3A_280 : vector<16xf32>
        %add3A_282 = arith.addf %mul3A_281, %get3A_277 : vector<16xf32>
        %swap3A_283 = arith.index_cast %add3A_265 : i32 to index
        %swap3A_284 = arith.constant 0 : index
        %swap3A_285 = tpu.vector_load %arg11[%swap3A_283, %swap3A_284] {strides = array<i32>} : memref<128x32xf32, #tpu.memory_space<vmem>>, vector<1x16xf32>,
        %swap3A_286 = vector.shape_cast %swap3A_285 : vector<1x16xf32> to vector<16xf32>
        %swap3A_287 = vector.shape_cast %add3A_282 : vector<16xf32> to vector<1x16xf32>
        tpu.vector_store %arg11[%swap3A_283, %swap3A_284], %swap3A_287 {strides = array<i32>} : memref<128x32xf32, #tpu.memory_space<vmem>>, vector<1x16xf32>,
        %add3A_288 = arith.constant 3 : i32
        %add3A_289 = arith.addi %mul3A_215, %add3A_288 : i32
        %get3A_290 = arith.constant 2 : i32
        %get3A_291 = arith.index_cast %get3A_290 : i32 to index
        %get3A_292 = arith.index_cast %add3A_289 : i32 to index
        %get3A_293 = arith.constant 0 : index
        %get3A_294 = tpu.vector_load %arg10[%get3A_291, %get3A_292, %get3A_293] {strides = array<i32>} : memref<4x128x32xf32, #tpu.memory_space<vmem>>, vector<1x1x16xf32>,
        %get3A_295 = vector.shape_cast %get3A_294 : vector<1x1x16xf32> to vector<16xf32>
        %get3A_296 = arith.constant 2 : i32
        %get3A_297 = arith.index_cast %get3A_296 : i32 to index
        %get3A_298 = arith.index_cast %add3A_289 : i32 to index
        %get3A_299 = arith.constant 16 : index
        %get3A_300 = tpu.vector_load %arg10[%get3A_297, %get3A_298, %get3A_299] {strides = array<i32>} : memref<4x128x32xf32, #tpu.memory_space<vmem>>, vector<1x1x16xf32>,
        %get3A_301 = vector.shape_cast %get3A_300 : vector<1x1x16xf32> to vector<16xf32>
        %slice3A_302 = vector.extract_strided_slice %get3A_218 {offsets = [3], sizes = [1], strides = [1]} : vector<16xf32> to vector<1xf32>
        %squeeze3A_303 = vector.extract %slice3A_302[0] : f32 from vector<1xf32>
        %mul3A_304 = vector.broadcast %squeeze3A_303 : f32 to vector<16xf32>
        %mul3A_305 = arith.mulf %get3A_295, %mul3A_304 : vector<16xf32>
        %add3A_306 = arith.addf %mul3A_305, %get3A_301 : vector<16xf32>
        %swap3A_307 = arith.index_cast %add3A_289 : i32 to index
        %swap3A_308 = arith.constant 0 : index
        %swap3A_309 = tpu.vector_load %arg11[%swap3A_307, %swap3A_308] {strides = array<i32>} : memref<128x32xf32, #tpu.memory_space<vmem>>, vector<1x16xf32>,
        %swap3A_310 = vector.shape_cast %swap3A_309 : vector<1x16xf32> to vector<16xf32>
        %swap3A_311 = vector.shape_cast %add3A_306 : vector<16xf32> to vector<1x16xf32>
        tpu.vector_store %arg11[%swap3A_307, %swap3A_308], %swap3A_311 {strides = array<i32>} : memref<128x32xf32, #tpu.memory_space<vmem>>, vector<1x16xf32>,
        %add3A_312 = arith.constant 4 : i32
        %add3A_313 = arith.addi %mul3A_215, %add3A_312 : i32
        %get3A_314 = arith.constant 2 : i32
        %get3A_315 = arith.index_cast %get3A_314 : i32 to index
        %get3A_316 = arith.index_cast %add3A_313 : i32 to index
        %get3A_317 = arith.constant 0 : index
        %get3A_318 = tpu.vector_load %arg10[%get3A_315, %get3A_316, %get3A_317] {strides = array<i32>} : memref<4x128x32xf32, #tpu.memory_space<vmem>>, vector<1x1x16xf32>,
        %get3A_319 = vector.shape_cast %get3A_318 : vector<1x1x16xf32> to vector<16xf32>
        %get3A_320 = arith.constant 2 : i32
        %get3A_321 = arith.index_cast %get3A_320 : i32 to index
        %get3A_322 = arith.index_cast %add3A_313 : i32 to index
        %get3A_323 = arith.constant 16 : index
        %get3A_324 = tpu.vector_load %arg10[%get3A_321, %get3A_322, %get3A_323] {strides = array<i32>} : memref<4x128x32xf32, #tpu.memory_space<vmem>>, vector<1x1x16xf32>,
        %get3A_325 = vector.shape_cast %get3A_324 : vector<1x1x16xf32> to vector<16xf32>
        %slice3A_326 = vector.extract_strided_slice %get3A_218 {offsets = [4], sizes = [1], strides = [1]} : vector<16xf32> to vector<1xf32>
        %squeeze3A_327 = vector.extract %slice3A_326[0] : f32 from vector<1xf32>
        %mul3A_328 = vector.broadcast %squeeze3A_327 : f32 to vector<16xf32>
        %mul3A_329 = arith.mulf %get3A_319, %mul3A_328 : vector<16xf32>
        %add3A_330 = arith.addf %mul3A_329, %get3A_325 : vector<16xf32>
        %swap3A_331 = arith.index_cast %add3A_313 : i32 to index
        %swap3A_332 = arith.constant 0 : index
        %swap3A_333 = tpu.vector_load %arg11[%swap3A_331, %swap3A_332] {strides = array<i32>} : memref<128x32xf32, #tpu.memory_space<vmem>>, vector<1x16xf32>,
        %swap3A_334 = vector.shape_cast %swap3A_333 : vector<1x16xf32> to vector<16xf32>
        %swap3A_335 = vector.shape_cast %add3A_330 : vector<16xf32> to vector<1x16xf32>
        tpu.vector_store %arg11[%swap3A_331, %swap3A_332], %swap3A_335 {strides = array<i32>} : memref<128x32xf32, #tpu.memory_space<vmem>>, vector<1x16xf32>,
        %add3A_336 = arith.constant 5 : i32
        %add3A_337 = arith.addi %mul3A_215, %add3A_336 : i32
        %get3A_338 = arith.constant 2 : i32
        %get3A_339 = arith.index_cast %get3A_338 : i32 to index
        %get3A_340 = arith.index_cast %add3A_337 : i32 to index
        %get3A_341 = arith.constant 0 : index
        %get3A_342 = tpu.vector_load %arg10[%get3A_339, %get3A_340, %get3A_341] {strides = array<i32>} : memref<4x128x32xf32, #tpu.memory_space<vmem>>, vector<1x1x16xf32>,
        %get3A_343 = vector.shape_cast %get3A_342 : vector<1x1x16xf32> to vector<16xf32>
        %get3A_344 = arith.constant 2 : i32
        %get3A_345 = arith.index_cast %get3A_344 : i32 to index
        %get3A_346 = arith.index_cast %add3A_337 : i32 to index
        %get3A_347 = arith.constant 16 : index
        %get3A_348 = tpu.vector_load %arg10[%get3A_345, %get3A_346, %get3A_347] {strides = array<i32>} : memref<4x128x32xf32, #tpu.memory_space<vmem>>, vector<1x1x16xf32>,
        %get3A_349 = vector.shape_cast %get3A_348 : vector<1x1x16xf32> to vector<16xf32>
        %slice3A_350 = vector.extract_strided_slice %get3A_218 {offsets = [5], sizes = [1], strides = [1]} : vector<16xf32> to vector<1xf32>
        %squeeze3A_351 = vector.extract %slice3A_350[0] : f32 from vector<1xf32>
        %mul3A_352 = vector.broadcast %squeeze3A_351 : f32 to vector<16xf32>
        %mul3A_353 = arith.mulf %get3A_343, %mul3A_352 : vector<16xf32>
        %add3A_354 = arith.addf %mul3A_353, %get3A_349 : vector<16xf32>
        %swap3A_355 = arith.index_cast %add3A_337 : i32 to index
        %swap3A_356 = arith.constant 0 : index
        %swap3A_357 = tpu.vector_load %arg11[%swap3A_355, %swap3A_356] {strides = array<i32>} : memref<128x32xf32, #tpu.memory_space<vmem>>, vector<1x16xf32>,
        %swap3A_358 = vector.shape_cast %swap3A_357 : vector<1x16xf32> to vector<16xf32>
        %swap3A_359 = vector.shape_cast %add3A_354 : vector<16xf32> to vector<1x16xf32>
        tpu.vector_store %arg11[%swap3A_355, %swap3A_356], %swap3A_359 {strides = array<i32>} : memref<128x32xf32, #tpu.memory_space<vmem>>, vector<1x16xf32>,
        %add3A_360 = arith.constant 6 : i32
        %add3A_361 = arith.addi %mul3A_215, %add3A_360 : i32
        %get3A_362 = arith.constant 2 : i32
        %get3A_363 = arith.index_cast %get3A_362 : i32 to index
        %get3A_364 = arith.index_cast %add3A_361 : i32 to index
        %get3A_365 = arith.constant 0 : index
        %get3A_366 = tpu.vector_load %arg10[%get3A_363, %get3A_364, %get3A_365] {strides = array<i32>} : memref<4x128x32xf32, #tpu.memory_space<vmem>>, vector<1x1x16xf32>,
        %get3A_367 = vector.shape_cast %get3A_366 : vector<1x1x16xf32> to vector<16xf32>
        %get3A_368 = arith.constant 2 : i32
        %get3A_369 = arith.index_cast %get3A_368 : i32 to index
        %get3A_370 = arith.index_cast %add3A_361 : i32 to index
        %get3A_371 = arith.constant 16 : index
        %get3A_372 = tpu.vector_load %arg10[%get3A_369, %get3A_370, %get3A_371] {strides = array<i32>} : memref<4x128x32xf32, #tpu.memory_space<vmem>>, vector<1x1x16xf32>,
        %get3A_373 = vector.shape_cast %get3A_372 : vector<1x1x16xf32> to vector<16xf32>
        %slice3A_374 = vector.extract_strided_slice %get3A_218 {offsets = [6], sizes = [1], strides = [1]} : vector<16xf32> to vector<1xf32>
        %squeeze3A_375 = vector.extract %slice3A_374[0] : f32 from vector<1xf32>
        %mul3A_376 = vector.broadcast %squeeze3A_375 : f32 to vector<16xf32>
        %mul3A_377 = arith.mulf %get3A_367, %mul3A_376 : vector<16xf32>
        %add3A_378 = arith.addf %mul3A_377, %get3A_373 : vector<16xf32>
        %swap3A_379 = arith.index_cast %add3A_361 : i32 to index
        %swap3A_380 = arith.constant 0 : index
        %swap3A_381 = tpu.vector_load %arg11[%swap3A_379, %swap3A_380] {strides = array<i32>} : memref<128x32xf32, #tpu.memory_space<vmem>>, vector<1x16xf32>,
        %swap3A_382 = vector.shape_cast %swap3A_381 : vector<1x16xf32> to vector<16xf32>
        %swap3A_383 = vector.shape_cast %add3A_378 : vector<16xf32> to vector<1x16xf32>
        tpu.vector_store %arg11[%swap3A_379, %swap3A_380], %swap3A_383 {strides = array<i32>} : memref<128x32xf32, #tpu.memory_space<vmem>>, vector<1x16xf32>,
        %add3A_384 = arith.constant 7 : i32
        %add3A_385 = arith.addi %mul3A_215, %add3A_384 : i32
        %get3A_386 = arith.constant 2 : i32
        %get3A_387 = arith.index_cast %get3A_386 : i32 to index
        %get3A_388 = arith.index_cast %add3A_385 : i32 to index
        %get3A_389 = arith.constant 0 : index
        %get3A_390 = tpu.vector_load %arg10[%get3A_387, %get3A_388, %get3A_389] {strides = array<i32>} : memref<4x128x32xf32, #tpu.memory_space<vmem>>, vector<1x1x16xf32>,
        %get3A_391 = vector.shape_cast %get3A_390 : vector<1x1x16xf32> to vector<16xf32>
        %get3A_392 = arith.constant 2 : i32
        %get3A_393 = arith.index_cast %get3A_392 : i32 to index
        %get3A_394 = arith.index_cast %add3A_385 : i32 to index
        %get3A_395 = arith.constant 16 : index
        %get3A_396 = tpu.vector_load %arg10[%get3A_393, %get3A_394, %get3A_395] {strides = array<i32>} : memref<4x128x32xf32, #tpu.memory_space<vmem>>, vector<1x1x16xf32>,
        %get3A_397 = vector.shape_cast %get3A_396 : vector<1x1x16xf32> to vector<16xf32>
        %slice3A_398 = vector.extract_strided_slice %get3A_218 {offsets = [7], sizes = [1], strides = [1]} : vector<16xf32> to vector<1xf32>
        %squeeze3A_399 = vector.extract %slice3A_398[0] : f32 from vector<1xf32>
        %mul3A_400 = vector.broadcast %squeeze3A_399 : f32 to vector<16xf32>
        %mul3A_401 = arith.mulf %get3A_391, %mul3A_400 : vector<16xf32>
        %add3A_402 = arith.addf %mul3A_401, %get3A_397 : vector<16xf32>
        %swap3A_403 = arith.index_cast %add3A_385 : i32 to index
        %swap3A_404 = arith.constant 0 : index
        %swap3A_405 = tpu.vector_load %arg11[%swap3A_403, %swap3A_404] {strides = array<i32>} : memref<128x32xf32, #tpu.memory_space<vmem>>, vector<1x16xf32>,
        %swap3A_406 = vector.shape_cast %swap3A_405 : vector<1x16xf32> to vector<16xf32>
        %swap3A_407 = vector.shape_cast %add3A_402 : vector<16xf32> to vector<1x16xf32>
        tpu.vector_store %arg11[%swap3A_403, %swap3A_404], %swap3A_407 {strides = array<i32>} : memref<128x32xf32, #tpu.memory_space<vmem>>, vector<1x16xf32>,
        %add3A_408 = arith.constant 8 : i32
        %add3A_409 = arith.addi %mul3A_215, %add3A_408 : i32
        %get3A_410 = arith.constant 2 : i32
        %get3A_411 = arith.index_cast %get3A_410 : i32 to index
        %get3A_412 = arith.index_cast %add3A_409 : i32 to index
        %get3A_413 = arith.constant 0 : index
        %get3A_414 = tpu.vector_load %arg10[%get3A_411, %get3A_412, %get3A_413] {strides = array<i32>} : memref<4x128x32xf32, #tpu.memory_space<vmem>>, vector<1x1x16xf32>,
        %get3A_415 = vector.shape_cast %get3A_414 : vector<1x1x16xf32> to vector<16xf32>
        %get3A_416 = arith.constant 2 : i32
        %get3A_417 = arith.index_cast %get3A_416 : i32 to index
        %get3A_418 = arith.index_cast %add3A_409 : i32 to index
        %get3A_419 = arith.constant 16 : index
        %get3A_420 = tpu.vector_load %arg10[%get3A_417, %get3A_418, %get3A_419] {strides = array<i32>} : memref<4x128x32xf32, #tpu.memory_space<vmem>>, vector<1x1x16xf32>,
        %get3A_421 = vector.shape_cast %get3A_420 : vector<1x1x16xf32> to vector<16xf32>
        %slice3A_422 = vector.extract_strided_slice %get3A_218 {offsets = [8], sizes = [1], strides = [1]} : vector<16xf32> to vector<1xf32>
        %squeeze3A_423 = vector.extract %slice3A_422[0] : f32 from vector<1xf32>
        %mul3A_424 = vector.broadcast %squeeze3A_423 : f32 to vector<16xf32>
        %mul3A_425 = arith.mulf %get3A_415, %mul3A_424 : vector<16xf32>
        %add3A_426 = arith.addf %mul3A_425, %get3A_421 : vector<16xf32>
        %swap3A_427 = arith.index_cast %add3A_409 : i32 to index
        %swap3A_428 = arith.constant 0 : index
        %swap3A_429 = tpu.vector_load %arg11[%swap3A_427, %swap3A_428] {strides = array<i32>} : memref<128x32xf32, #tpu.memory_space<vmem>>, vector<1x16xf32>,
        %swap3A_430 = vector.shape_cast %swap3A_429 : vector<1x16xf32> to vector<16xf32>
        %swap3A_431 = vector.shape_cast %add3A_426 : vector<16xf32> to vector<1x16xf32>
        tpu.vector_store %arg11[%swap3A_427, %swap3A_428], %swap3A_431 {strides = array<i32>} : memref<128x32xf32, #tpu.memory_space<vmem>>, vector<1x16xf32>,
        %add3A_432 = arith.constant 9 : i32
        %add3A_433 = arith.addi %mul3A_215, %add3A_432 : i32
        %get3A_434 = arith.constant 2 : i32
        %get3A_435 = arith.index_cast %get3A_434 : i32 to index
        %get3A_436 = arith.index_cast %add3A_433 : i32 to index
        %get3A_437 = arith.constant 0 : index
        %get3A_438 = tpu.vector_load %arg10[%get3A_435, %get3A_436, %get3A_437] {strides = array<i32>} : memref<4x128x32xf32, #tpu.memory_space<vmem>>, vector<1x1x16xf32>,
        %get3A_439 = vector.shape_cast %get3A_438 : vector<1x1x16xf32> to vector<16xf32>
        %get3A_440 = arith.constant 2 : i32
        %get3A_441 = arith.index_cast %get3A_440 : i32 to index
        %get3A_442 = arith.index_cast %add3A_433 : i32 to index
        %get3A_443 = arith.constant 16 : index
        %get3A_444 = tpu.vector_load %arg10[%get3A_441, %get3A_442, %get3A_443] {strides = array<i32>} : memref<4x128x32xf32, #tpu.memory_space<vmem>>, vector<1x1x16xf32>,
        %get3A_445 = vector.shape_cast %get3A_444 : vector<1x1x16xf32> to vector<16xf32>
        %slice3A_446 = vector.extract_strided_slice %get3A_218 {offsets = [9], sizes = [1], strides = [1]} : vector<16xf32> to vector<1xf32>
        %squeeze3A_447 = vector.extract %slice3A_446[0] : f32 from vector<1xf32>
        %mul3A_448 = vector.broadcast %squeeze3A_447 : f32 to vector<16xf32>
        %mul3A_449 = arith.mulf %get3A_439, %mul3A_448 : vector<16xf32>
        %add3A_450 = arith.addf %mul3A_449, %get3A_445 : vector<16xf32>
        %swap3A_451 = arith.index_cast %add3A_433 : i32 to index
        %swap3A_452 = arith.constant 0 : index
        %swap3A_453 = tpu.vector_load %arg11[%swap3A_451, %swap3A_452] {strides = array<i32>} : memref<128x32xf32, #tpu.memory_space<vmem>>, vector<1x16xf32>,
        %swap3A_454 = vector.shape_cast %swap3A_453 : vector<1x16xf32> to vector<16xf32>
        %swap3A_455 = vector.shape_cast %add3A_450 : vector<16xf32> to vector<1x16xf32>
        tpu.vector_store %arg11[%swap3A_451, %swap3A_452], %swap3A_455 {strides = array<i32>} : memref<128x32xf32, #tpu.memory_space<vmem>>, vector<1x16xf32>,
        %add3A_456 = arith.constant 10 : i32
        %add3A_457 = arith.addi %mul3A_215, %add3A_456 : i32
        %get3A_458 = arith.constant 2 : i32
        %get3A_459 = arith.index_cast %get3A_458 : i32 to index
        %get3A_460 = arith.index_cast %add3A_457 : i32 to index
        %get3A_461 = arith.constant 0 : index
        %get3A_462 = tpu.vector_load %arg10[%get3A_459, %get3A_460, %get3A_461] {strides = array<i32>} : memref<4x128x32xf32, #tpu.memory_space<vmem>>, vector<1x1x16xf32>,
        %get3A_463 = vector.shape_cast %get3A_462 : vector<1x1x16xf32> to vector<16xf32>
        %get3A_464 = arith.constant 2 : i32
        %get3A_465 = arith.index_cast %get3A_464 : i32 to index
        %get3A_466 = arith.index_cast %add3A_457 : i32 to index
        %get3A_467 = arith.constant 16 : index
        %get3A_468 = tpu.vector_load %arg10[%get3A_465, %get3A_466, %get3A_467] {strides = array<i32>} : memref<4x128x32xf32, #tpu.memory_space<vmem>>, vector<1x1x16xf32>,
        %get3A_469 = vector.shape_cast %get3A_468 : vector<1x1x16xf32> to vector<16xf32>
        %slice3A_470 = vector.extract_strided_slice %get3A_218 {offsets = [10], sizes = [1], strides = [1]} : vector<16xf32> to vector<1xf32>
        %squeeze3A_471 = vector.extract %slice3A_470[0] : f32 from vector<1xf32>
        %mul3A_472 = vector.broadcast %squeeze3A_471 : f32 to vector<16xf32>
        %mul3A_473 = arith.mulf %get3A_463, %mul3A_472 : vector<16xf32>
        %add3A_474 = arith.addf %mul3A_473, %get3A_469 : vector<16xf32>
        %swap3A_475 = arith.index_cast %add3A_457 : i32 to index
        %swap3A_476 = arith.constant 0 : index
        %swap3A_477 = tpu.vector_load %arg11[%swap3A_475, %swap3A_476] {strides = array<i32>} : memref<128x32xf32, #tpu.memory_space<vmem>>, vector<1x16xf32>,
        %swap3A_478 = vector.shape_cast %swap3A_477 : vector<1x16xf32> to vector<16xf32>
        %swap3A_479 = vector.shape_cast %add3A_474 : vector<16xf32> to vector<1x16xf32>
        tpu.vector_store %arg11[%swap3A_475, %swap3A_476], %swap3A_479 {strides = array<i32>} : memref<128x32xf32, #tpu.memory_space<vmem>>, vector<1x16xf32>,
        %add3A_480 = arith.constant 11 : i32
        %add3A_481 = arith.addi %mul3A_215, %add3A_480 : i32
        %get3A_482 = arith.constant 2 : i32
        %get3A_483 = arith.index_cast %get3A_482 : i32 to index
        %get3A_484 = arith.index_cast %add3A_481 : i32 to index
        %get3A_485 = arith.constant 0 : index
        %get3A_486 = tpu.vector_load %arg10[%get3A_483, %get3A_484, %get3A_485] {strides = array<i32>} : memref<4x128x32xf32, #tpu.memory_space<vmem>>, vector<1x1x16xf32>,
        %get3A_487 = vector.shape_cast %get3A_486 : vector<1x1x16xf32> to vector<16xf32>
        %get3A_488 = arith.constant 2 : i32
        %get3A_489 = arith.index_cast %get3A_488 : i32 to index
        %get3A_490 = arith.index_cast %add3A_481 : i32 to index
        %get3A_491 = arith.constant 16 : index
        %get3A_492 = tpu.vector_load %arg10[%get3A_489, %get3A_490, %get3A_491] {strides = array<i32>} : memref<4x128x32xf32, #tpu.memory_space<vmem>>, vector<1x1x16xf32>,
        %get3A_493 = vector.shape_cast %get3A_492 : vector<1x1x16xf32> to vector<16xf32>
        %slice3A_494 = vector.extract_strided_slice %get3A_218 {offsets = [11], sizes = [1], strides = [1]} : vector<16xf32> to vector<1xf32>
        %squeeze3A_495 = vector.extract %slice3A_494[0] : f32 from vector<1xf32>
        %mul3A_496 = vector.broadcast %squeeze3A_495 : f32 to vector<16xf32>
        %mul3A_497 = arith.mulf %get3A_487, %mul3A_496 : vector<16xf32>
        %add3A_498 = arith.addf %mul3A_497, %get3A_493 : vector<16xf32>
        %swap3A_499 = arith.index_cast %add3A_481 : i32 to index
        %swap3A_500 = arith.constant 0 : index
        %swap3A_501 = tpu.vector_load %arg11[%swap3A_499, %swap3A_500] {strides = array<i32>} : memref<128x32xf32, #tpu.memory_space<vmem>>, vector<1x16xf32>,
        %swap3A_502 = vector.shape_cast %swap3A_501 : vector<1x16xf32> to vector<16xf32>
        %swap3A_503 = vector.shape_cast %add3A_498 : vector<16xf32> to vector<1x16xf32>
        tpu.vector_store %arg11[%swap3A_499, %swap3A_500], %swap3A_503 {strides = array<i32>} : memref<128x32xf32, #tpu.memory_space<vmem>>, vector<1x16xf32>,
        %add3A_504 = arith.constant 12 : i32
        %add3A_505 = arith.addi %mul3A_215, %add3A_504 : i32
        %get3A_506 = arith.constant 2 : i32
        %get3A_507 = arith.index_cast %get3A_506 : i32 to index
        %get3A_508 = arith.index_cast %add3A_505 : i32 to index
        %get3A_509 = arith.constant 0 : index
        %get3A_510 = tpu.vector_load %arg10[%get3A_507, %get3A_508, %get3A_509] {strides = array<i32>} : memref<4x128x32xf32, #tpu.memory_space<vmem>>, vector<1x1x16xf32>,
        %get3A_511 = vector.shape_cast %get3A_510 : vector<1x1x16xf32> to vector<16xf32>
        %get3A_512 = arith.constant 2 : i32
        %get3A_513 = arith.index_cast %get3A_512 : i32 to index
        %get3A_514 = arith.index_cast %add3A_505 : i32 to index
        %get3A_515 = arith.constant 16 : index
        %get3A_516 = tpu.vector_load %arg10[%get3A_513, %get3A_514, %get3A_515] {strides = array<i32>} : memref<4x128x32xf32, #tpu.memory_space<vmem>>, vector<1x1x16xf32>,
        %get3A_517 = vector.shape_cast %get3A_516 : vector<1x1x16xf32> to vector<16xf32>
        %slice3A_518 = vector.extract_strided_slice %get3A_218 {offsets = [12], sizes = [1], strides = [1]} : vector<16xf32> to vector<1xf32>
        %squeeze3A_519 = vector.extract %slice3A_518[0] : f32 from vector<1xf32>
        %mul3A_520 = vector.broadcast %squeeze3A_519 : f32 to vector<16xf32>
        %mul3A_521 = arith.mulf %get3A_511, %mul3A_520 : vector<16xf32>
        %add3A_522 = arith.addf %mul3A_521, %get3A_517 : vector<16xf32>
        %swap3A_523 = arith.index_cast %add3A_505 : i32 to index
        %swap3A_524 = arith.constant 0 : index
        %swap3A_525 = tpu.vector_load %arg11[%swap3A_523, %swap3A_524] {strides = array<i32>} : memref<128x32xf32, #tpu.memory_space<vmem>>, vector<1x16xf32>,
        %swap3A_526 = vector.shape_cast %swap3A_525 : vector<1x16xf32> to vector<16xf32>
        %swap3A_527 = vector.shape_cast %add3A_522 : vector<16xf32> to vector<1x16xf32>
        tpu.vector_store %arg11[%swap3A_523, %swap3A_524], %swap3A_527 {strides = array<i32>} : memref<128x32xf32, #tpu.memory_space<vmem>>, vector<1x16xf32>,
        %add3A_528 = arith.constant 13 : i32
        %add3A_529 = arith.addi %mul3A_215, %add3A_528 : i32
        %get3A_530 = arith.constant 2 : i32
        %get3A_531 = arith.index_cast %get3A_530 : i32 to index
        %get3A_532 = arith.index_cast %add3A_529 : i32 to index
        %get3A_533 = arith.constant 0 : index
        %get3A_534 = tpu.vector_load %arg10[%get3A_531, %get3A_532, %get3A_533] {strides = array<i32>} : memref<4x128x32xf32, #tpu.memory_space<vmem>>, vector<1x1x16xf32>,
        %get3A_535 = vector.shape_cast %get3A_534 : vector<1x1x16xf32> to vector<16xf32>
        %get3A_536 = arith.constant 2 : i32
        %get3A_537 = arith.index_cast %get3A_536 : i32 to index
        %get3A_538 = arith.index_cast %add3A_529 : i32 to index
        %get3A_539 = arith.constant 16 : index
        %get3A_540 = tpu.vector_load %arg10[%get3A_537, %get3A_538, %get3A_539] {strides = array<i32>} : memref<4x128x32xf32, #tpu.memory_space<vmem>>, vector<1x1x16xf32>,
        %get3A_541 = vector.shape_cast %get3A_540 : vector<1x1x16xf32> to vector<16xf32>
        %slice3A_542 = vector.extract_strided_slice %get3A_218 {offsets = [13], sizes = [1], strides = [1]} : vector<16xf32> to vector<1xf32>
        %squeeze3A_543 = vector.extract %slice3A_542[0] : f32 from vector<1xf32>
        %mul3A_544 = vector.broadcast %squeeze3A_543 : f32 to vector<16xf32>
        %mul3A_545 = arith.mulf %get3A_535, %mul3A_544 : vector<16xf32>
        %add3A_546 = arith.addf %mul3A_545, %get3A_541 : vector<16xf32>
        %swap3A_547 = arith.index_cast %add3A_529 : i32 to index
        %swap3A_548 = arith.constant 0 : index
        %swap3A_549 = tpu.vector_load %arg11[%swap3A_547, %swap3A_548] {strides = array<i32>} : memref<128x32xf32, #tpu.memory_space<vmem>>, vector<1x16xf32>,
        %swap3A_550 = vector.shape_cast %swap3A_549 : vector<1x16xf32> to vector<16xf32>
        %swap3A_551 = vector.shape_cast %add3A_546 : vector<16xf32> to vector<1x16xf32>
        tpu.vector_store %arg11[%swap3A_547, %swap3A_548], %swap3A_551 {strides = array<i32>} : memref<128x32xf32, #tpu.memory_space<vmem>>, vector<1x16xf32>,
        %add3A_552 = arith.constant 14 : i32
        %add3A_553 = arith.addi %mul3A_215, %add3A_552 : i32
        %get3A_554 = arith.constant 2 : i32
        %get3A_555 = arith.index_cast %get3A_554 : i32 to index
        %get3A_556 = arith.index_cast %add3A_553 : i32 to index
        %get3A_557 = arith.constant 0 : index
        %get3A_558 = tpu.vector_load %arg10[%get3A_555, %get3A_556, %get3A_557] {strides = array<i32>} : memref<4x128x32xf32, #tpu.memory_space<vmem>>, vector<1x1x16xf32>,
        %get3A_559 = vector.shape_cast %get3A_558 : vector<1x1x16xf32> to vector<16xf32>
        %get3A_560 = arith.constant 2 : i32
        %get3A_561 = arith.index_cast %get3A_560 : i32 to index
        %get3A_562 = arith.index_cast %add3A_553 : i32 to index
        %get3A_563 = arith.constant 16 : index
        %get3A_564 = tpu.vector_load %arg10[%get3A_561, %get3A_562, %get3A_563] {strides = array<i32>} : memref<4x128x32xf32, #tpu.memory_space<vmem>>, vector<1x1x16xf32>,
        %get3A_565 = vector.shape_cast %get3A_564 : vector<1x1x16xf32> to vector<16xf32>
        %slice3A_566 = vector.extract_strided_slice %get3A_218 {offsets = [14], sizes = [1], strides = [1]} : vector<16xf32> to vector<1xf32>
        %squeeze3A_567 = vector.extract %slice3A_566[0] : f32 from vector<1xf32>
        %mul3A_568 = vector.broadcast %squeeze3A_567 : f32 to vector<16xf32>
        %mul3A_569 = arith.mulf %get3A_559, %mul3A_568 : vector<16xf32>
        %add3A_570 = arith.addf %mul3A_569, %get3A_565 : vector<16xf32>
        %swap3A_571 = arith.index_cast %add3A_553 : i32 to index
        %swap3A_572 = arith.constant 0 : index
        %swap3A_573 = tpu.vector_load %arg11[%swap3A_571, %swap3A_572] {strides = array<i32>} : memref<128x32xf32, #tpu.memory_space<vmem>>, vector<1x16xf32>,
        %swap3A_574 = vector.shape_cast %swap3A_573 : vector<1x16xf32> to vector<16xf32>
        %swap3A_575 = vector.shape_cast %add3A_570 : vector<16xf32> to vector<1x16xf32>
        tpu.vector_store %arg11[%swap3A_571, %swap3A_572], %swap3A_575 {strides = array<i32>} : memref<128x32xf32, #tpu.memory_space<vmem>>, vector<1x16xf32>,
        %add3A_576 = arith.constant 15 : i32
        %add3A_577 = arith.addi %mul3A_215, %add3A_576 : i32
        %get3A_578 = arith.constant 2 : i32
        %get3A_579 = arith.index_cast %get3A_578 : i32 to index
        %get3A_580 = arith.index_cast %add3A_577 : i32 to index
        %get3A_581 = arith.constant 0 : index
        %get3A_582 = tpu.vector_load %arg10[%get3A_579, %get3A_580, %get3A_581] {strides = array<i32>} : memref<4x128x32xf32, #tpu.memory_space<vmem>>, vector<1x1x16xf32>,
        %get3A_583 = vector.shape_cast %get3A_582 : vector<1x1x16xf32> to vector<16xf32>
        %get3A_584 = arith.constant 2 : i32
        %get3A_585 = arith.index_cast %get3A_584 : i32 to index
        %get3A_586 = arith.index_cast %add3A_577 : i32 to index
        %get3A_587 = arith.constant 16 : index
        %get3A_588 = tpu.vector_load %arg10[%get3A_585, %get3A_586, %get3A_587] {strides = array<i32>} : memref<4x128x32xf32, #tpu.memory_space<vmem>>, vector<1x1x16xf32>,
        %get3A_589 = vector.shape_cast %get3A_588 : vector<1x1x16xf32> to vector<16xf32>
        %slice3A_590 = vector.extract_strided_slice %get3A_218 {offsets = [15], sizes = [1], strides = [1]} : vector<16xf32> to vector<1xf32>
        %squeeze3A_591 = vector.extract %slice3A_590[0] : f32 from vector<1xf32>
        %mul3A_592 = vector.broadcast %squeeze3A_591 : f32 to vector<16xf32>
        %mul3A_593 = arith.mulf %get3A_583, %mul3A_592 : vector<16xf32>
        %add3A_594 = arith.addf %mul3A_593, %get3A_589 : vector<16xf32>
        %swap3A_595 = arith.index_cast %add3A_577 : i32 to index
        %swap3A_596 = arith.constant 0 : index
        %swap3A_597 = tpu.vector_load %arg11[%swap3A_595, %swap3A_596] {strides = array<i32>} : memref<128x32xf32, #tpu.memory_space<vmem>>, vector<1x16xf32>,
        %swap3A_598 = vector.shape_cast %swap3A_597 : vector<1x16xf32> to vector<16xf32>
        %swap3A_599 = vector.shape_cast %add3A_594 : vector<16xf32> to vector<1x16xf32>
        tpu.vector_store %arg11[%swap3A_595, %swap3A_596], %swap3A_599 {strides = array<i32>} : memref<128x32xf32, #tpu.memory_space<vmem>>, vector<1x16xf32>,
      }
      %scan3A_182 = arith.constant 8 : i32
      "tpu.region"() ({
        %run_scoped3A = tpu.sem_alloc : memref<!tpu.dma_semaphore, #tpu.memory_space<semaphore_mem>>
        %dma_start3A_213 = arith.constant 0 : i32
        %dma_start3A_214 = tpu.memref_slice %arg8[%add3A_156, %dma_start3A_213] : memref<100x128xi32, #tpu.memory_space<vmem>> -> memref<1x128xi32, #tpu.memory_space<vmem>>
        %dma_start3A_215 = tpu.memref_squeeze %dma_start3A_214 : memref<1x128xi32, #tpu.memory_space<vmem>> -> memref<128xi32, #tpu.memory_space<vmem>>
        %dma_start3A_216 = arith.constant 0 : i32
        %dma_start3A_217 = arith.constant 0 : i32
        %dma_start3A_218 = tpu.memref_slice %arg13[%dma_start3A_216, %dma_start3A_217] : memref<25600x32xf32, #tpu.memory_space<vmem_shared>> -> memref<25600x32xf32, #tpu.memory_space<vmem_shared>>
        tpu.enqueue_indirect_dma source(%arg11 : memref<128x32xf32, #tpu.memory_space<vmem>>) target(%dma_start3A_218 : memref<25600x32xf32, #tpu.memory_space<vmem_shared>>) offsets(%dma_start3A_215 : memref<128xi32, #tpu.memory_space<vmem>>) semaphore(%run_scoped3A : memref<!tpu.dma_semaphore, #tpu.memory_space<semaphore_mem>>) {add = true}
        %dma_wait3A_219 = arith.constant 0 : i32
        %dma_wait3A_220 = tpu.memref_slice %arg8[%add3A_156, %dma_wait3A_219] : memref<100x128xi32, #tpu.memory_space<vmem>> -> memref<1x128xi32, #tpu.memory_space<vmem>>
        %dma_wait3A_221 = tpu.memref_squeeze %dma_wait3A_220 : memref<1x128xi32, #tpu.memory_space<vmem>> -> memref<128xi32, #tpu.memory_space<vmem>>
        %dma_wait3A_222 = arith.constant 0 : i32
        %dma_wait3A_223 = arith.constant 0 : i32
        %dma_wait3A_224 = tpu.memref_slice %arg13[%dma_wait3A_222, %dma_wait3A_223] : memref<25600x32xf32, #tpu.memory_space<vmem_shared>> -> memref<25600x32xf32, #tpu.memory_space<vmem_shared>>
        tpu.wait_indirect_dma semaphore(%run_scoped3A : memref<!tpu.dma_semaphore, #tpu.memory_space<semaphore_mem>>) src(%arg11 : memref<128x32xf32, #tpu.memory_space<vmem>>) dst(%dma_wait3A_224 : memref<25600x32xf32, #tpu.memory_space<vmem_shared>>)
        tpu.yield
      }) : () -> ()
      %mul3A_183 = arith.constant 4 : i32
      %mul3A_184 = arith.muli %scan3A_97, %mul3A_183 : i32
      %add3A_185 = arith.constant 3 : i32
      %add3A_186 = arith.addi %mul3A_184, %add3A_185 : i32
      %add3A_187 = arith.constant 4 : i32
      %add3A_188 = arith.addi %add3A_186, %add3A_187 : i32
      %sub3A_189 = arith.constant 1 : i32
      %sub3A_190 = arith.subi %add3A_188, %sub3A_189 : i32
      %lt3A_191 = arith.constant 100 : i32
      %lt3A_192 = arith.cmpi slt, %sub3A_190, %lt3A_191 : i32
      %convert_element_type3A_193 = arith.extui %lt3A_192 : i1 to i32
      %cond3A_194 = arith.constant 0 : i32
      %cond3A_195 = arith.cmpi ne, %convert_element_type3A_193, %cond3A_194 : i32
      scf.if %cond3A_195 {
        %dma_start3A_213 = arith.constant 2 : i32
        %dma_start3A_214 = arith.constant 0 : i32
        %dma_start3A_215 = arith.constant 0 : i32
        %dma_start3A_216 = tpu.memref_slice %arg10[%dma_start3A_213, %dma_start3A_214, %dma_start3A_215] : memref<4x128x32xf32, #tpu.memory_space<vmem>> -> memref<1x128x32xf32, #tpu.memory_space<vmem>>
        %dma_start3A_217 = tpu.memref_squeeze %dma_start3A_216 : memref<1x128x32xf32, #tpu.memory_space<vmem>> -> memref<128x32xf32, #tpu.memory_space<vmem>>
        %dma_start3A_218 = arith.constant 0 : i32
        %dma_start3A_219 = tpu.memref_slice %arg7[%sub3A_190, %dma_start3A_218] : memref<100x128xi32, #tpu.memory_space<vmem>> -> memref<1x128xi32, #tpu.memory_space<vmem>>
        %dma_start3A_220 = tpu.memref_squeeze %dma_start3A_219 : memref<1x128xi32, #tpu.memory_space<vmem>> -> memref<128xi32, #tpu.memory_space<vmem>>
        %dma_start3A_221 = arith.constant 0 : i32
        %dma_start3A_222 = arith.constant 0 : i32
        %dma_start3A_223 = tpu.memref_slice %arg2[%dma_start3A_221, %dma_start3A_222] : memref<25600x32xf32, #tpu.memory_space<hbm>> -> memref<25600x32xf32, #tpu.memory_space<hbm>>
        tpu.enqueue_indirect_dma source(%dma_start3A_223 : memref<25600x32xf32, #tpu.memory_space<hbm>>) target(%dma_start3A_217 : memref<128x32xf32, #tpu.memory_space<vmem>>) offsets(%dma_start3A_220 : memref<128xi32, #tpu.memory_space<vmem>>) semaphore(%arg14 : memref<!tpu.dma_semaphore, #tpu.memory_space<semaphore_mem>>)
      } else {
      }
      %dma_wait3A_196 = arith.constant 3 : i32
      %dma_wait3A_197 = arith.constant 0 : i32
      %dma_wait3A_198 = arith.constant 0 : i32
      %dma_wait3A_199 = tpu.memref_slice %arg10[%dma_wait3A_196, %dma_wait3A_197, %dma_wait3A_198] : memref<4x128x32xf32, #tpu.memory_space<vmem>> -> memref<1x128x32xf32, #tpu.memory_space<vmem>>
      %dma_wait3A_200 = tpu.memref_squeeze %dma_wait3A_199 : memref<1x128x32xf32, #tpu.memory_space<vmem>> -> memref<128x32xf32, #tpu.memory_space<vmem>>
      %dma_wait3A_201 = arith.constant 0 : i32
      %dma_wait3A_202 = tpu.memref_slice %arg7[%add3A_186, %dma_wait3A_201] : memref<100x128xi32, #tpu.memory_space<vmem>> -> memref<1x128xi32, #tpu.memory_space<vmem>>
      %dma_wait3A_203 = tpu.memref_squeeze %dma_wait3A_202 : memref<1x128xi32, #tpu.memory_space<vmem>> -> memref<128xi32, #tpu.memory_space<vmem>>
      %dma_wait3A_204 = arith.constant 0 : i32
      %dma_wait3A_205 = arith.constant 0 : i32
      %dma_wait3A_206 = tpu.memref_slice %arg2[%dma_wait3A_204, %dma_wait3A_205] : memref<25600x32xf32, #tpu.memory_space<hbm>> -> memref<25600x32xf32, #tpu.memory_space<hbm>>
      tpu.wait_indirect_dma semaphore(%arg14 : memref<!tpu.dma_semaphore, #tpu.memory_space<semaphore_mem>>) src(%dma_wait3A_206 : memref<25600x32xf32, #tpu.memory_space<hbm>>) dst(%dma_wait3A_200 : memref<128x32xf32, #tpu.memory_space<vmem>>)
      %scan3A_207 = arith.constant 0 : i32
      %scan3A_208 = arith.constant 0 : i32
      %scan3A_209 = arith.constant 8 : i32
      %scan3A_210 = arith.addi %scan3A_208, %scan3A_209 : i32
      %scan3A_211 = arith.constant 1 : i32
      scf.for %scan3A_213 = %scan3A_208 to %scan3A_210 step %scan3A_211  : i32 {
        %mul3A_214 = arith.constant 16 : i32
        %mul3A_215 = arith.muli %scan3A_213, %mul3A_214 : i32
        %get3A = arith.index_cast %add3A_186 : i32 to index
        %get3A_216 = arith.index_cast %mul3A_215 : i32 to index
        %get3A_217 = tpu.vector_load %arg9[%get3A, %get3A_216] {strides = array<i32>} : memref<100x128xf32, #tpu.memory_space<vmem>>, vector<1x16xf32>,
        %get3A_218 = vector.shape_cast %get3A_217 : vector<1x16xf32> to vector<16xf32>
        %add3A_219 = arith.constant 0 : i32
        %add3A_220 = arith.addi %mul3A_215, %add3A_219 : i32
        %get3A_221 = arith.constant 3 : i32
        %get3A_222 = arith.index_cast %get3A_221 : i32 to index
        %get3A_223 = arith.index_cast %add3A_220 : i32 to index
        %get3A_224 = arith.constant 0 : index
        %get3A_225 = tpu.vector_load %arg10[%get3A_222, %get3A_223, %get3A_224] {strides = array<i32>} : memref<4x128x32xf32, #tpu.memory_space<vmem>>, vector<1x1x16xf32>,
        %get3A_226 = vector.shape_cast %get3A_225 : vector<1x1x16xf32> to vector<16xf32>
        %get3A_227 = arith.constant 3 : i32
        %get3A_228 = arith.index_cast %get3A_227 : i32 to index
        %get3A_229 = arith.index_cast %add3A_220 : i32 to index
        %get3A_230 = arith.constant 16 : index
        %get3A_231 = tpu.vector_load %arg10[%get3A_228, %get3A_229, %get3A_230] {strides = array<i32>} : memref<4x128x32xf32, #tpu.memory_space<vmem>>, vector<1x1x16xf32>,
        %get3A_232 = vector.shape_cast %get3A_231 : vector<1x1x16xf32> to vector<16xf32>
        %slice3A = vector.extract_strided_slice %get3A_218 {offsets = [0], sizes = [1], strides = [1]} : vector<16xf32> to vector<1xf32>
        %squeeze3A = vector.extract %slice3A[0] : f32 from vector<1xf32>
        %mul3A_233 = vector.broadcast %squeeze3A : f32 to vector<16xf32>
        %mul3A_234 = arith.mulf %get3A_226, %mul3A_233 : vector<16xf32>
        %add3A_235 = arith.addf %mul3A_234, %get3A_232 : vector<16xf32>
        %swap3A = arith.index_cast %add3A_220 : i32 to index
        %swap3A_236 = arith.constant 0 : index
        %swap3A_237 = tpu.vector_load %arg11[%swap3A, %swap3A_236] {strides = array<i32>} : memref<128x32xf32, #tpu.memory_space<vmem>>, vector<1x16xf32>,
        %swap3A_238 = vector.shape_cast %swap3A_237 : vector<1x16xf32> to vector<16xf32>
        %swap3A_239 = vector.shape_cast %add3A_235 : vector<16xf32> to vector<1x16xf32>
        tpu.vector_store %arg11[%swap3A, %swap3A_236], %swap3A_239 {strides = array<i32>} : memref<128x32xf32, #tpu.memory_space<vmem>>, vector<1x16xf32>,
        %add3A_240 = arith.constant 1 : i32
        %add3A_241 = arith.addi %mul3A_215, %add3A_240 : i32
        %get3A_242 = arith.constant 3 : i32
        %get3A_243 = arith.index_cast %get3A_242 : i32 to index
        %get3A_244 = arith.index_cast %add3A_241 : i32 to index
        %get3A_245 = arith.constant 0 : index
        %get3A_246 = tpu.vector_load %arg10[%get3A_243, %get3A_244, %get3A_245] {strides = array<i32>} : memref<4x128x32xf32, #tpu.memory_space<vmem>>, vector<1x1x16xf32>,
        %get3A_247 = vector.shape_cast %get3A_246 : vector<1x1x16xf32> to vector<16xf32>
        %get3A_248 = arith.constant 3 : i32
        %get3A_249 = arith.index_cast %get3A_248 : i32 to index
        %get3A_250 = arith.index_cast %add3A_241 : i32 to index
        %get3A_251 = arith.constant 16 : index
        %get3A_252 = tpu.vector_load %arg10[%get3A_249, %get3A_250, %get3A_251] {strides = array<i32>} : memref<4x128x32xf32, #tpu.memory_space<vmem>>, vector<1x1x16xf32>,
        %get3A_253 = vector.shape_cast %get3A_252 : vector<1x1x16xf32> to vector<16xf32>
        %slice3A_254 = vector.extract_strided_slice %get3A_218 {offsets = [1], sizes = [1], strides = [1]} : vector<16xf32> to vector<1xf32>
        %squeeze3A_255 = vector.extract %slice3A_254[0] : f32 from vector<1xf32>
        %mul3A_256 = vector.broadcast %squeeze3A_255 : f32 to vector<16xf32>
        %mul3A_257 = arith.mulf %get3A_247, %mul3A_256 : vector<16xf32>
        %add3A_258 = arith.addf %mul3A_257, %get3A_253 : vector<16xf32>
        %swap3A_259 = arith.index_cast %add3A_241 : i32 to index
        %swap3A_260 = arith.constant 0 : index
        %swap3A_261 = tpu.vector_load %arg11[%swap3A_259, %swap3A_260] {strides = array<i32>} : memref<128x32xf32, #tpu.memory_space<vmem>>, vector<1x16xf32>,
        %swap3A_262 = vector.shape_cast %swap3A_261 : vector<1x16xf32> to vector<16xf32>
        %swap3A_263 = vector.shape_cast %add3A_258 : vector<16xf32> to vector<1x16xf32>
        tpu.vector_store %arg11[%swap3A_259, %swap3A_260], %swap3A_263 {strides = array<i32>} : memref<128x32xf32, #tpu.memory_space<vmem>>, vector<1x16xf32>,
        %add3A_264 = arith.constant 2 : i32
        %add3A_265 = arith.addi %mul3A_215, %add3A_264 : i32
        %get3A_266 = arith.constant 3 : i32
        %get3A_267 = arith.index_cast %get3A_266 : i32 to index
        %get3A_268 = arith.index_cast %add3A_265 : i32 to index
        %get3A_269 = arith.constant 0 : index
        %get3A_270 = tpu.vector_load %arg10[%get3A_267, %get3A_268, %get3A_269] {strides = array<i32>} : memref<4x128x32xf32, #tpu.memory_space<vmem>>, vector<1x1x16xf32>,
        %get3A_271 = vector.shape_cast %get3A_270 : vector<1x1x16xf32> to vector<16xf32>
        %get3A_272 = arith.constant 3 : i32
        %get3A_273 = arith.index_cast %get3A_272 : i32 to index
        %get3A_274 = arith.index_cast %add3A_265 : i32 to index
        %get3A_275 = arith.constant 16 : index
        %get3A_276 = tpu.vector_load %arg10[%get3A_273, %get3A_274, %get3A_275] {strides = array<i32>} : memref<4x128x32xf32, #tpu.memory_space<vmem>>, vector<1x1x16xf32>,
        %get3A_277 = vector.shape_cast %get3A_276 : vector<1x1x16xf32> to vector<16xf32>
        %slice3A_278 = vector.extract_strided_slice %get3A_218 {offsets = [2], sizes = [1], strides = [1]} : vector<16xf32> to vector<1xf32>
        %squeeze3A_279 = vector.extract %slice3A_278[0] : f32 from vector<1xf32>
        %mul3A_280 = vector.broadcast %squeeze3A_279 : f32 to vector<16xf32>
        %mul3A_281 = arith.mulf %get3A_271, %mul3A_280 : vector<16xf32>
        %add3A_282 = arith.addf %mul3A_281, %get3A_277 : vector<16xf32>
        %swap3A_283 = arith.index_cast %add3A_265 : i32 to index
        %swap3A_284 = arith.constant 0 : index
        %swap3A_285 = tpu.vector_load %arg11[%swap3A_283, %swap3A_284] {strides = array<i32>} : memref<128x32xf32, #tpu.memory_space<vmem>>, vector<1x16xf32>,
        %swap3A_286 = vector.shape_cast %swap3A_285 : vector<1x16xf32> to vector<16xf32>
        %swap3A_287 = vector.shape_cast %add3A_282 : vector<16xf32> to vector<1x16xf32>
        tpu.vector_store %arg11[%swap3A_283, %swap3A_284], %swap3A_287 {strides = array<i32>} : memref<128x32xf32, #tpu.memory_space<vmem>>, vector<1x16xf32>,
        %add3A_288 = arith.constant 3 : i32
        %add3A_289 = arith.addi %mul3A_215, %add3A_288 : i32
        %get3A_290 = arith.constant 3 : i32
        %get3A_291 = arith.index_cast %get3A_290 : i32 to index
        %get3A_292 = arith.index_cast %add3A_289 : i32 to index
        %get3A_293 = arith.constant 0 : index
        %get3A_294 = tpu.vector_load %arg10[%get3A_291, %get3A_292, %get3A_293] {strides = array<i32>} : memref<4x128x32xf32, #tpu.memory_space<vmem>>, vector<1x1x16xf32>,
        %get3A_295 = vector.shape_cast %get3A_294 : vector<1x1x16xf32> to vector<16xf32>
        %get3A_296 = arith.constant 3 : i32
        %get3A_297 = arith.index_cast %get3A_296 : i32 to index
        %get3A_298 = arith.index_cast %add3A_289 : i32 to index
        %get3A_299 = arith.constant 16 : index
        %get3A_300 = tpu.vector_load %arg10[%get3A_297, %get3A_298, %get3A_299] {strides = array<i32>} : memref<4x128x32xf32, #tpu.memory_space<vmem>>, vector<1x1x16xf32>,
        %get3A_301 = vector.shape_cast %get3A_300 : vector<1x1x16xf32> to vector<16xf32>
        %slice3A_302 = vector.extract_strided_slice %get3A_218 {offsets = [3], sizes = [1], strides = [1]} : vector<16xf32> to vector<1xf32>
        %squeeze3A_303 = vector.extract %slice3A_302[0] : f32 from vector<1xf32>
        %mul3A_304 = vector.broadcast %squeeze3A_303 : f32 to vector<16xf32>
        %mul3A_305 = arith.mulf %get3A_295, %mul3A_304 : vector<16xf32>
        %add3A_306 = arith.addf %mul3A_305, %get3A_301 : vector<16xf32>
        %swap3A_307 = arith.index_cast %add3A_289 : i32 to index
        %swap3A_308 = arith.constant 0 : index
        %swap3A_309 = tpu.vector_load %arg11[%swap3A_307, %swap3A_308] {strides = array<i32>} : memref<128x32xf32, #tpu.memory_space<vmem>>, vector<1x16xf32>,
        %swap3A_310 = vector.shape_cast %swap3A_309 : vector<1x16xf32> to vector<16xf32>
        %swap3A_311 = vector.shape_cast %add3A_306 : vector<16xf32> to vector<1x16xf32>
        tpu.vector_store %arg11[%swap3A_307, %swap3A_308], %swap3A_311 {strides = array<i32>} : memref<128x32xf32, #tpu.memory_space<vmem>>, vector<1x16xf32>,
        %add3A_312 = arith.constant 4 : i32
        %add3A_313 = arith.addi %mul3A_215, %add3A_312 : i32
        %get3A_314 = arith.constant 3 : i32
        %get3A_315 = arith.index_cast %get3A_314 : i32 to index
        %get3A_316 = arith.index_cast %add3A_313 : i32 to index
        %get3A_317 = arith.constant 0 : index
        %get3A_318 = tpu.vector_load %arg10[%get3A_315, %get3A_316, %get3A_317] {strides = array<i32>} : memref<4x128x32xf32, #tpu.memory_space<vmem>>, vector<1x1x16xf32>,
        %get3A_319 = vector.shape_cast %get3A_318 : vector<1x1x16xf32> to vector<16xf32>
        %get3A_320 = arith.constant 3 : i32
        %get3A_321 = arith.index_cast %get3A_320 : i32 to index
        %get3A_322 = arith.index_cast %add3A_313 : i32 to index
        %get3A_323 = arith.constant 16 : index
        %get3A_324 = tpu.vector_load %arg10[%get3A_321, %get3A_322, %get3A_323] {strides = array<i32>} : memref<4x128x32xf32, #tpu.memory_space<vmem>>, vector<1x1x16xf32>,
        %get3A_325 = vector.shape_cast %get3A_324 : vector<1x1x16xf32> to vector<16xf32>
        %slice3A_326 = vector.extract_strided_slice %get3A_218 {offsets = [4], sizes = [1], strides = [1]} : vector<16xf32> to vector<1xf32>
        %squeeze3A_327 = vector.extract %slice3A_326[0] : f32 from vector<1xf32>
        %mul3A_328 = vector.broadcast %squeeze3A_327 : f32 to vector<16xf32>
        %mul3A_329 = arith.mulf %get3A_319, %mul3A_328 : vector<16xf32>
        %add3A_330 = arith.addf %mul3A_329, %get3A_325 : vector<16xf32>
        %swap3A_331 = arith.index_cast %add3A_313 : i32 to index
        %swap3A_332 = arith.constant 0 : index
        %swap3A_333 = tpu.vector_load %arg11[%swap3A_331, %swap3A_332] {strides = array<i32>} : memref<128x32xf32, #tpu.memory_space<vmem>>, vector<1x16xf32>,
        %swap3A_334 = vector.shape_cast %swap3A_333 : vector<1x16xf32> to vector<16xf32>
        %swap3A_335 = vector.shape_cast %add3A_330 : vector<16xf32> to vector<1x16xf32>
        tpu.vector_store %arg11[%swap3A_331, %swap3A_332], %swap3A_335 {strides = array<i32>} : memref<128x32xf32, #tpu.memory_space<vmem>>, vector<1x16xf32>,
        %add3A_336 = arith.constant 5 : i32
        %add3A_337 = arith.addi %mul3A_215, %add3A_336 : i32
        %get3A_338 = arith.constant 3 : i32
        %get3A_339 = arith.index_cast %get3A_338 : i32 to index
        %get3A_340 = arith.index_cast %add3A_337 : i32 to index
        %get3A_341 = arith.constant 0 : index
        %get3A_342 = tpu.vector_load %arg10[%get3A_339, %get3A_340, %get3A_341] {strides = array<i32>} : memref<4x128x32xf32, #tpu.memory_space<vmem>>, vector<1x1x16xf32>,
        %get3A_343 = vector.shape_cast %get3A_342 : vector<1x1x16xf32> to vector<16xf32>
        %get3A_344 = arith.constant 3 : i32
        %get3A_345 = arith.index_cast %get3A_344 : i32 to index
        %get3A_346 = arith.index_cast %add3A_337 : i32 to index
        %get3A_347 = arith.constant 16 : index
        %get3A_348 = tpu.vector_load %arg10[%get3A_345, %get3A_346, %get3A_347] {strides = array<i32>} : memref<4x128x32xf32, #tpu.memory_space<vmem>>, vector<1x1x16xf32>,
        %get3A_349 = vector.shape_cast %get3A_348 : vector<1x1x16xf32> to vector<16xf32>
        %slice3A_350 = vector.extract_strided_slice %get3A_218 {offsets = [5], sizes = [1], strides = [1]} : vector<16xf32> to vector<1xf32>
        %squeeze3A_351 = vector.extract %slice3A_350[0] : f32 from vector<1xf32>
        %mul3A_352 = vector.broadcast %squeeze3A_351 : f32 to vector<16xf32>
        %mul3A_353 = arith.mulf %get3A_343, %mul3A_352 : vector<16xf32>
        %add3A_354 = arith.addf %mul3A_353, %get3A_349 : vector<16xf32>
        %swap3A_355 = arith.index_cast %add3A_337 : i32 to index
        %swap3A_356 = arith.constant 0 : index
        %swap3A_357 = tpu.vector_load %arg11[%swap3A_355, %swap3A_356] {strides = array<i32>} : memref<128x32xf32, #tpu.memory_space<vmem>>, vector<1x16xf32>,
        %swap3A_358 = vector.shape_cast %swap3A_357 : vector<1x16xf32> to vector<16xf32>
        %swap3A_359 = vector.shape_cast %add3A_354 : vector<16xf32> to vector<1x16xf32>
        tpu.vector_store %arg11[%swap3A_355, %swap3A_356], %swap3A_359 {strides = array<i32>} : memref<128x32xf32, #tpu.memory_space<vmem>>, vector<1x16xf32>,
        %add3A_360 = arith.constant 6 : i32
        %add3A_361 = arith.addi %mul3A_215, %add3A_360 : i32
        %get3A_362 = arith.constant 3 : i32
        %get3A_363 = arith.index_cast %get3A_362 : i32 to index
        %get3A_364 = arith.index_cast %add3A_361 : i32 to index
        %get3A_365 = arith.constant 0 : index
        %get3A_366 = tpu.vector_load %arg10[%get3A_363, %get3A_364, %get3A_365] {strides = array<i32>} : memref<4x128x32xf32, #tpu.memory_space<vmem>>, vector<1x1x16xf32>,
        %get3A_367 = vector.shape_cast %get3A_366 : vector<1x1x16xf32> to vector<16xf32>
        %get3A_368 = arith.constant 3 : i32
        %get3A_369 = arith.index_cast %get3A_368 : i32 to index
        %get3A_370 = arith.index_cast %add3A_361 : i32 to index
        %get3A_371 = arith.constant 16 : index
        %get3A_372 = tpu.vector_load %arg10[%get3A_369, %get3A_370, %get3A_371] {strides = array<i32>} : memref<4x128x32xf32, #tpu.memory_space<vmem>>, vector<1x1x16xf32>,
        %get3A_373 = vector.shape_cast %get3A_372 : vector<1x1x16xf32> to vector<16xf32>
        %slice3A_374 = vector.extract_strided_slice %get3A_218 {offsets = [6], sizes = [1], strides = [1]} : vector<16xf32> to vector<1xf32>
        %squeeze3A_375 = vector.extract %slice3A_374[0] : f32 from vector<1xf32>
        %mul3A_376 = vector.broadcast %squeeze3A_375 : f32 to vector<16xf32>
        %mul3A_377 = arith.mulf %get3A_367, %mul3A_376 : vector<16xf32>
        %add3A_378 = arith.addf %mul3A_377, %get3A_373 : vector<16xf32>
        %swap3A_379 = arith.index_cast %add3A_361 : i32 to index
        %swap3A_380 = arith.constant 0 : index
        %swap3A_381 = tpu.vector_load %arg11[%swap3A_379, %swap3A_380] {strides = array<i32>} : memref<128x32xf32, #tpu.memory_space<vmem>>, vector<1x16xf32>,
        %swap3A_382 = vector.shape_cast %swap3A_381 : vector<1x16xf32> to vector<16xf32>
        %swap3A_383 = vector.shape_cast %add3A_378 : vector<16xf32> to vector<1x16xf32>
        tpu.vector_store %arg11[%swap3A_379, %swap3A_380], %swap3A_383 {strides = array<i32>} : memref<128x32xf32, #tpu.memory_space<vmem>>, vector<1x16xf32>,
        %add3A_384 = arith.constant 7 : i32
        %add3A_385 = arith.addi %mul3A_215, %add3A_384 : i32
        %get3A_386 = arith.constant 3 : i32
        %get3A_387 = arith.index_cast %get3A_386 : i32 to index
        %get3A_388 = arith.index_cast %add3A_385 : i32 to index
        %get3A_389 = arith.constant 0 : index
        %get3A_390 = tpu.vector_load %arg10[%get3A_387, %get3A_388, %get3A_389] {strides = array<i32>} : memref<4x128x32xf32, #tpu.memory_space<vmem>>, vector<1x1x16xf32>,
        %get3A_391 = vector.shape_cast %get3A_390 : vector<1x1x16xf32> to vector<16xf32>
        %get3A_392 = arith.constant 3 : i32
        %get3A_393 = arith.index_cast %get3A_392 : i32 to index
        %get3A_394 = arith.index_cast %add3A_385 : i32 to index
        %get3A_395 = arith.constant 16 : index
        %get3A_396 = tpu.vector_load %arg10[%get3A_393, %get3A_394, %get3A_395] {strides = array<i32>} : memref<4x128x32xf32, #tpu.memory_space<vmem>>, vector<1x1x16xf32>,
        %get3A_397 = vector.shape_cast %get3A_396 : vector<1x1x16xf32> to vector<16xf32>
        %slice3A_398 = vector.extract_strided_slice %get3A_218 {offsets = [7], sizes = [1], strides = [1]} : vector<16xf32> to vector<1xf32>
        %squeeze3A_399 = vector.extract %slice3A_398[0] : f32 from vector<1xf32>
        %mul3A_400 = vector.broadcast %squeeze3A_399 : f32 to vector<16xf32>
        %mul3A_401 = arith.mulf %get3A_391, %mul3A_400 : vector<16xf32>
        %add3A_402 = arith.addf %mul3A_401, %get3A_397 : vector<16xf32>
        %swap3A_403 = arith.index_cast %add3A_385 : i32 to index
        %swap3A_404 = arith.constant 0 : index
        %swap3A_405 = tpu.vector_load %arg11[%swap3A_403, %swap3A_404] {strides = array<i32>} : memref<128x32xf32, #tpu.memory_space<vmem>>, vector<1x16xf32>,
        %swap3A_406 = vector.shape_cast %swap3A_405 : vector<1x16xf32> to vector<16xf32>
        %swap3A_407 = vector.shape_cast %add3A_402 : vector<16xf32> to vector<1x16xf32>
        tpu.vector_store %arg11[%swap3A_403, %swap3A_404], %swap3A_407 {strides = array<i32>} : memref<128x32xf32, #tpu.memory_space<vmem>>, vector<1x16xf32>,
        %add3A_408 = arith.constant 8 : i32
        %add3A_409 = arith.addi %mul3A_215, %add3A_408 : i32
        %get3A_410 = arith.constant 3 : i32
        %get3A_411 = arith.index_cast %get3A_410 : i32 to index
        %get3A_412 = arith.index_cast %add3A_409 : i32 to index
        %get3A_413 = arith.constant 0 : index
        %get3A_414 = tpu.vector_load %arg10[%get3A_411, %get3A_412, %get3A_413] {strides = array<i32>} : memref<4x128x32xf32, #tpu.memory_space<vmem>>, vector<1x1x16xf32>,
        %get3A_415 = vector.shape_cast %get3A_414 : vector<1x1x16xf32> to vector<16xf32>
        %get3A_416 = arith.constant 3 : i32
        %get3A_417 = arith.index_cast %get3A_416 : i32 to index
        %get3A_418 = arith.index_cast %add3A_409 : i32 to index
        %get3A_419 = arith.constant 16 : index
        %get3A_420 = tpu.vector_load %arg10[%get3A_417, %get3A_418, %get3A_419] {strides = array<i32>} : memref<4x128x32xf32, #tpu.memory_space<vmem>>, vector<1x1x16xf32>,
        %get3A_421 = vector.shape_cast %get3A_420 : vector<1x1x16xf32> to vector<16xf32>
        %slice3A_422 = vector.extract_strided_slice %get3A_218 {offsets = [8], sizes = [1], strides = [1]} : vector<16xf32> to vector<1xf32>
        %squeeze3A_423 = vector.extract %slice3A_422[0] : f32 from vector<1xf32>
        %mul3A_424 = vector.broadcast %squeeze3A_423 : f32 to vector<16xf32>
        %mul3A_425 = arith.mulf %get3A_415, %mul3A_424 : vector<16xf32>
        %add3A_426 = arith.addf %mul3A_425, %get3A_421 : vector<16xf32>
        %swap3A_427 = arith.index_cast %add3A_409 : i32 to index
        %swap3A_428 = arith.constant 0 : index
        %swap3A_429 = tpu.vector_load %arg11[%swap3A_427, %swap3A_428] {strides = array<i32>} : memref<128x32xf32, #tpu.memory_space<vmem>>, vector<1x16xf32>,
        %swap3A_430 = vector.shape_cast %swap3A_429 : vector<1x16xf32> to vector<16xf32>
        %swap3A_431 = vector.shape_cast %add3A_426 : vector<16xf32> to vector<1x16xf32>
        tpu.vector_store %arg11[%swap3A_427, %swap3A_428], %swap3A_431 {strides = array<i32>} : memref<128x32xf32, #tpu.memory_space<vmem>>, vector<1x16xf32>,
        %add3A_432 = arith.constant 9 : i32
        %add3A_433 = arith.addi %mul3A_215, %add3A_432 : i32
        %get3A_434 = arith.constant 3 : i32
        %get3A_435 = arith.index_cast %get3A_434 : i32 to index
        %get3A_436 = arith.index_cast %add3A_433 : i32 to index
        %get3A_437 = arith.constant 0 : index
        %get3A_438 = tpu.vector_load %arg10[%get3A_435, %get3A_436, %get3A_437] {strides = array<i32>} : memref<4x128x32xf32, #tpu.memory_space<vmem>>, vector<1x1x16xf32>,
        %get3A_439 = vector.shape_cast %get3A_438 : vector<1x1x16xf32> to vector<16xf32>
        %get3A_440 = arith.constant 3 : i32
        %get3A_441 = arith.index_cast %get3A_440 : i32 to index
        %get3A_442 = arith.index_cast %add3A_433 : i32 to index
        %get3A_443 = arith.constant 16 : index
        %get3A_444 = tpu.vector_load %arg10[%get3A_441, %get3A_442, %get3A_443] {strides = array<i32>} : memref<4x128x32xf32, #tpu.memory_space<vmem>>, vector<1x1x16xf32>,
        %get3A_445 = vector.shape_cast %get3A_444 : vector<1x1x16xf32> to vector<16xf32>
        %slice3A_446 = vector.extract_strided_slice %get3A_218 {offsets = [9], sizes = [1], strides = [1]} : vector<16xf32> to vector<1xf32>
        %squeeze3A_447 = vector.extract %slice3A_446[0] : f32 from vector<1xf32>
        %mul3A_448 = vector.broadcast %squeeze3A_447 : f32 to vector<16xf32>
        %mul3A_449 = arith.mulf %get3A_439, %mul3A_448 : vector<16xf32>
        %add3A_450 = arith.addf %mul3A_449, %get3A_445 : vector<16xf32>
        %swap3A_451 = arith.index_cast %add3A_433 : i32 to index
        %swap3A_452 = arith.constant 0 : index
        %swap3A_453 = tpu.vector_load %arg11[%swap3A_451, %swap3A_452] {strides = array<i32>} : memref<128x32xf32, #tpu.memory_space<vmem>>, vector<1x16xf32>,
        %swap3A_454 = vector.shape_cast %swap3A_453 : vector<1x16xf32> to vector<16xf32>
        %swap3A_455 = vector.shape_cast %add3A_450 : vector<16xf32> to vector<1x16xf32>
        tpu.vector_store %arg11[%swap3A_451, %swap3A_452], %swap3A_455 {strides = array<i32>} : memref<128x32xf32, #tpu.memory_space<vmem>>, vector<1x16xf32>,
        %add3A_456 = arith.constant 10 : i32
        %add3A_457 = arith.addi %mul3A_215, %add3A_456 : i32
        %get3A_458 = arith.constant 3 : i32
        %get3A_459 = arith.index_cast %get3A_458 : i32 to index
        %get3A_460 = arith.index_cast %add3A_457 : i32 to index
        %get3A_461 = arith.constant 0 : index
        %get3A_462 = tpu.vector_load %arg10[%get3A_459, %get3A_460, %get3A_461] {strides = array<i32>} : memref<4x128x32xf32, #tpu.memory_space<vmem>>, vector<1x1x16xf32>,
        %get3A_463 = vector.shape_cast %get3A_462 : vector<1x1x16xf32> to vector<16xf32>
        %get3A_464 = arith.constant 3 : i32
        %get3A_465 = arith.index_cast %get3A_464 : i32 to index
        %get3A_466 = arith.index_cast %add3A_457 : i32 to index
        %get3A_467 = arith.constant 16 : index
        %get3A_468 = tpu.vector_load %arg10[%get3A_465, %get3A_466, %get3A_467] {strides = array<i32>} : memref<4x128x32xf32, #tpu.memory_space<vmem>>, vector<1x1x16xf32>,
        %get3A_469 = vector.shape_cast %get3A_468 : vector<1x1x16xf32> to vector<16xf32>
        %slice3A_470 = vector.extract_strided_slice %get3A_218 {offsets = [10], sizes = [1], strides = [1]} : vector<16xf32> to vector<1xf32>
        %squeeze3A_471 = vector.extract %slice3A_470[0] : f32 from vector<1xf32>
        %mul3A_472 = vector.broadcast %squeeze3A_471 : f32 to vector<16xf32>
        %mul3A_473 = arith.mulf %get3A_463, %mul3A_472 : vector<16xf32>
        %add3A_474 = arith.addf %mul3A_473, %get3A_469 : vector<16xf32>
        %swap3A_475 = arith.index_cast %add3A_457 : i32 to index
        %swap3A_476 = arith.constant 0 : index
        %swap3A_477 = tpu.vector_load %arg11[%swap3A_475, %swap3A_476] {strides = array<i32>} : memref<128x32xf32, #tpu.memory_space<vmem>>, vector<1x16xf32>,
        %swap3A_478 = vector.shape_cast %swap3A_477 : vector<1x16xf32> to vector<16xf32>
        %swap3A_479 = vector.shape_cast %add3A_474 : vector<16xf32> to vector<1x16xf32>
        tpu.vector_store %arg11[%swap3A_475, %swap3A_476], %swap3A_479 {strides = array<i32>} : memref<128x32xf32, #tpu.memory_space<vmem>>, vector<1x16xf32>,
        %add3A_480 = arith.constant 11 : i32
        %add3A_481 = arith.addi %mul3A_215, %add3A_480 : i32
        %get3A_482 = arith.constant 3 : i32
        %get3A_483 = arith.index_cast %get3A_482 : i32 to index
        %get3A_484 = arith.index_cast %add3A_481 : i32 to index
        %get3A_485 = arith.constant 0 : index
        %get3A_486 = tpu.vector_load %arg10[%get3A_483, %get3A_484, %get3A_485] {strides = array<i32>} : memref<4x128x32xf32, #tpu.memory_space<vmem>>, vector<1x1x16xf32>,
        %get3A_487 = vector.shape_cast %get3A_486 : vector<1x1x16xf32> to vector<16xf32>
        %get3A_488 = arith.constant 3 : i32
        %get3A_489 = arith.index_cast %get3A_488 : i32 to index
        %get3A_490 = arith.index_cast %add3A_481 : i32 to index
        %get3A_491 = arith.constant 16 : index
        %get3A_492 = tpu.vector_load %arg10[%get3A_489, %get3A_490, %get3A_491] {strides = array<i32>} : memref<4x128x32xf32, #tpu.memory_space<vmem>>, vector<1x1x16xf32>,
        %get3A_493 = vector.shape_cast %get3A_492 : vector<1x1x16xf32> to vector<16xf32>
        %slice3A_494 = vector.extract_strided_slice %get3A_218 {offsets = [11], sizes = [1], strides = [1]} : vector<16xf32> to vector<1xf32>
        %squeeze3A_495 = vector.extract %slice3A_494[0] : f32 from vector<1xf32>
        %mul3A_496 = vector.broadcast %squeeze3A_495 : f32 to vector<16xf32>
        %mul3A_497 = arith.mulf %get3A_487, %mul3A_496 : vector<16xf32>
        %add3A_498 = arith.addf %mul3A_497, %get3A_493 : vector<16xf32>
        %swap3A_499 = arith.index_cast %add3A_481 : i32 to index
        %swap3A_500 = arith.constant 0 : index
        %swap3A_501 = tpu.vector_load %arg11[%swap3A_499, %swap3A_500] {strides = array<i32>} : memref<128x32xf32, #tpu.memory_space<vmem>>, vector<1x16xf32>,
        %swap3A_502 = vector.shape_cast %swap3A_501 : vector<1x16xf32> to vector<16xf32>
        %swap3A_503 = vector.shape_cast %add3A_498 : vector<16xf32> to vector<1x16xf32>
        tpu.vector_store %arg11[%swap3A_499, %swap3A_500], %swap3A_503 {strides = array<i32>} : memref<128x32xf32, #tpu.memory_space<vmem>>, vector<1x16xf32>,
        %add3A_504 = arith.constant 12 : i32
        %add3A_505 = arith.addi %mul3A_215, %add3A_504 : i32
        %get3A_506 = arith.constant 3 : i32
        %get3A_507 = arith.index_cast %get3A_506 : i32 to index
        %get3A_508 = arith.index_cast %add3A_505 : i32 to index
        %get3A_509 = arith.constant 0 : index
        %get3A_510 = tpu.vector_load %arg10[%get3A_507, %get3A_508, %get3A_509] {strides = array<i32>} : memref<4x128x32xf32, #tpu.memory_space<vmem>>, vector<1x1x16xf32>,
        %get3A_511 = vector.shape_cast %get3A_510 : vector<1x1x16xf32> to vector<16xf32>
        %get3A_512 = arith.constant 3 : i32
        %get3A_513 = arith.index_cast %get3A_512 : i32 to index
        %get3A_514 = arith.index_cast %add3A_505 : i32 to index
        %get3A_515 = arith.constant 16 : index
        %get3A_516 = tpu.vector_load %arg10[%get3A_513, %get3A_514, %get3A_515] {strides = array<i32>} : memref<4x128x32xf32, #tpu.memory_space<vmem>>, vector<1x1x16xf32>,
        %get3A_517 = vector.shape_cast %get3A_516 : vector<1x1x16xf32> to vector<16xf32>
        %slice3A_518 = vector.extract_strided_slice %get3A_218 {offsets = [12], sizes = [1], strides = [1]} : vector<16xf32> to vector<1xf32>
        %squeeze3A_519 = vector.extract %slice3A_518[0] : f32 from vector<1xf32>
        %mul3A_520 = vector.broadcast %squeeze3A_519 : f32 to vector<16xf32>
        %mul3A_521 = arith.mulf %get3A_511, %mul3A_520 : vector<16xf32>
        %add3A_522 = arith.addf %mul3A_521, %get3A_517 : vector<16xf32>
        %swap3A_523 = arith.index_cast %add3A_505 : i32 to index
        %swap3A_524 = arith.constant 0 : index
        %swap3A_525 = tpu.vector_load %arg11[%swap3A_523, %swap3A_524] {strides = array<i32>} : memref<128x32xf32, #tpu.memory_space<vmem>>, vector<1x16xf32>,
        %swap3A_526 = vector.shape_cast %swap3A_525 : vector<1x16xf32> to vector<16xf32>
        %swap3A_527 = vector.shape_cast %add3A_522 : vector<16xf32> to vector<1x16xf32>
        tpu.vector_store %arg11[%swap3A_523, %swap3A_524], %swap3A_527 {strides = array<i32>} : memref<128x32xf32, #tpu.memory_space<vmem>>, vector<1x16xf32>,
        %add3A_528 = arith.constant 13 : i32
        %add3A_529 = arith.addi %mul3A_215, %add3A_528 : i32
        %get3A_530 = arith.constant 3 : i32
        %get3A_531 = arith.index_cast %get3A_530 : i32 to index
        %get3A_532 = arith.index_cast %add3A_529 : i32 to index
        %get3A_533 = arith.constant 0 : index
        %get3A_534 = tpu.vector_load %arg10[%get3A_531, %get3A_532, %get3A_533] {strides = array<i32>} : memref<4x128x32xf32, #tpu.memory_space<vmem>>, vector<1x1x16xf32>,
        %get3A_535 = vector.shape_cast %get3A_534 : vector<1x1x16xf32> to vector<16xf32>
        %get3A_536 = arith.constant 3 : i32
        %get3A_537 = arith.index_cast %get3A_536 : i32 to index
        %get3A_538 = arith.index_cast %add3A_529 : i32 to index
        %get3A_539 = arith.constant 16 : index
        %get3A_540 = tpu.vector_load %arg10[%get3A_537, %get3A_538, %get3A_539] {strides = array<i32>} : memref<4x128x32xf32, #tpu.memory_space<vmem>>, vector<1x1x16xf32>,
        %get3A_541 = vector.shape_cast %get3A_540 : vector<1x1x16xf32> to vector<16xf32>
        %slice3A_542 = vector.extract_strided_slice %get3A_218 {offsets = [13], sizes = [1], strides = [1]} : vector<16xf32> to vector<1xf32>
        %squeeze3A_543 = vector.extract %slice3A_542[0] : f32 from vector<1xf32>
        %mul3A_544 = vector.broadcast %squeeze3A_543 : f32 to vector<16xf32>
        %mul3A_545 = arith.mulf %get3A_535, %mul3A_544 : vector<16xf32>
        %add3A_546 = arith.addf %mul3A_545, %get3A_541 : vector<16xf32>
        %swap3A_547 = arith.index_cast %add3A_529 : i32 to index
        %swap3A_548 = arith.constant 0 : index
        %swap3A_549 = tpu.vector_load %arg11[%swap3A_547, %swap3A_548] {strides = array<i32>} : memref<128x32xf32, #tpu.memory_space<vmem>>, vector<1x16xf32>,
        %swap3A_550 = vector.shape_cast %swap3A_549 : vector<1x16xf32> to vector<16xf32>
        %swap3A_551 = vector.shape_cast %add3A_546 : vector<16xf32> to vector<1x16xf32>
        tpu.vector_store %arg11[%swap3A_547, %swap3A_548], %swap3A_551 {strides = array<i32>} : memref<128x32xf32, #tpu.memory_space<vmem>>, vector<1x16xf32>,
        %add3A_552 = arith.constant 14 : i32
        %add3A_553 = arith.addi %mul3A_215, %add3A_552 : i32
        %get3A_554 = arith.constant 3 : i32
        %get3A_555 = arith.index_cast %get3A_554 : i32 to index
        %get3A_556 = arith.index_cast %add3A_553 : i32 to index
        %get3A_557 = arith.constant 0 : index
        %get3A_558 = tpu.vector_load %arg10[%get3A_555, %get3A_556, %get3A_557] {strides = array<i32>} : memref<4x128x32xf32, #tpu.memory_space<vmem>>, vector<1x1x16xf32>,
        %get3A_559 = vector.shape_cast %get3A_558 : vector<1x1x16xf32> to vector<16xf32>
        %get3A_560 = arith.constant 3 : i32
        %get3A_561 = arith.index_cast %get3A_560 : i32 to index
        %get3A_562 = arith.index_cast %add3A_553 : i32 to index
        %get3A_563 = arith.constant 16 : index
        %get3A_564 = tpu.vector_load %arg10[%get3A_561, %get3A_562, %get3A_563] {strides = array<i32>} : memref<4x128x32xf32, #tpu.memory_space<vmem>>, vector<1x1x16xf32>,
        %get3A_565 = vector.shape_cast %get3A_564 : vector<1x1x16xf32> to vector<16xf32>
        %slice3A_566 = vector.extract_strided_slice %get3A_218 {offsets = [14], sizes = [1], strides = [1]} : vector<16xf32> to vector<1xf32>
        %squeeze3A_567 = vector.extract %slice3A_566[0] : f32 from vector<1xf32>
        %mul3A_568 = vector.broadcast %squeeze3A_567 : f32 to vector<16xf32>
        %mul3A_569 = arith.mulf %get3A_559, %mul3A_568 : vector<16xf32>
        %add3A_570 = arith.addf %mul3A_569, %get3A_565 : vector<16xf32>
        %swap3A_571 = arith.index_cast %add3A_553 : i32 to index
        %swap3A_572 = arith.constant 0 : index
        %swap3A_573 = tpu.vector_load %arg11[%swap3A_571, %swap3A_572] {strides = array<i32>} : memref<128x32xf32, #tpu.memory_space<vmem>>, vector<1x16xf32>,
        %swap3A_574 = vector.shape_cast %swap3A_573 : vector<1x16xf32> to vector<16xf32>
        %swap3A_575 = vector.shape_cast %add3A_570 : vector<16xf32> to vector<1x16xf32>
        tpu.vector_store %arg11[%swap3A_571, %swap3A_572], %swap3A_575 {strides = array<i32>} : memref<128x32xf32, #tpu.memory_space<vmem>>, vector<1x16xf32>,
        %add3A_576 = arith.constant 15 : i32
        %add3A_577 = arith.addi %mul3A_215, %add3A_576 : i32
        %get3A_578 = arith.constant 3 : i32
        %get3A_579 = arith.index_cast %get3A_578 : i32 to index
        %get3A_580 = arith.index_cast %add3A_577 : i32 to index
        %get3A_581 = arith.constant 0 : index
        %get3A_582 = tpu.vector_load %arg10[%get3A_579, %get3A_580, %get3A_581] {strides = array<i32>} : memref<4x128x32xf32, #tpu.memory_space<vmem>>, vector<1x1x16xf32>,
        %get3A_583 = vector.shape_cast %get3A_582 : vector<1x1x16xf32> to vector<16xf32>
        %get3A_584 = arith.constant 3 : i32
        %get3A_585 = arith.index_cast %get3A_584 : i32 to index
        %get3A_586 = arith.index_cast %add3A_577 : i32 to index
        %get3A_587 = arith.constant 16 : index
        %get3A_588 = tpu.vector_load %arg10[%get3A_585, %get3A_586, %get3A_587] {strides = array<i32>} : memref<4x128x32xf32, #tpu.memory_space<vmem>>, vector<1x1x16xf32>,
        %get3A_589 = vector.shape_cast %get3A_588 : vector<1x1x16xf32> to vector<16xf32>
        %slice3A_590 = vector.extract_strided_slice %get3A_218 {offsets = [15], sizes = [1], strides = [1]} : vector<16xf32> to vector<1xf32>
        %squeeze3A_591 = vector.extract %slice3A_590[0] : f32 from vector<1xf32>
        %mul3A_592 = vector.broadcast %squeeze3A_591 : f32 to vector<16xf32>
        %mul3A_593 = arith.mulf %get3A_583, %mul3A_592 : vector<16xf32>
        %add3A_594 = arith.addf %mul3A_593, %get3A_589 : vector<16xf32>
        %swap3A_595 = arith.index_cast %add3A_577 : i32 to index
        %swap3A_596 = arith.constant 0 : index
        %swap3A_597 = tpu.vector_load %arg11[%swap3A_595, %swap3A_596] {strides = array<i32>} : memref<128x32xf32, #tpu.memory_space<vmem>>, vector<1x16xf32>,
        %swap3A_598 = vector.shape_cast %swap3A_597 : vector<1x16xf32> to vector<16xf32>
        %swap3A_599 = vector.shape_cast %add3A_594 : vector<16xf32> to vector<1x16xf32>
        tpu.vector_store %arg11[%swap3A_595, %swap3A_596], %swap3A_599 {strides = array<i32>} : memref<128x32xf32, #tpu.memory_space<vmem>>, vector<1x16xf32>,
      }
      %scan3A_212 = arith.constant 8 : i32
      "tpu.region"() ({
        %run_scoped3A = tpu.sem_alloc : memref<!tpu.dma_semaphore, #tpu.memory_space<semaphore_mem>>
        %dma_start3A_213 = arith.constant 0 : i32
        %dma_start3A_214 = tpu.memref_slice %arg8[%add3A_186, %dma_start3A_213] : memref<100x128xi32, #tpu.memory_space<vmem>> -> memref<1x128xi32, #tpu.memory_space<vmem>>
        %dma_start3A_215 = tpu.memref_squeeze %dma_start3A_214 : memref<1x128xi32, #tpu.memory_space<vmem>> -> memref<128xi32, #tpu.memory_space<vmem>>
        %dma_start3A_216 = arith.constant 0 : i32
        %dma_start3A_217 = arith.constant 0 : i32
        %dma_start3A_218 = tpu.memref_slice %arg13[%dma_start3A_216, %dma_start3A_217] : memref<25600x32xf32, #tpu.memory_space<vmem_shared>> -> memref<25600x32xf32, #tpu.memory_space<vmem_shared>>
        tpu.enqueue_indirect_dma source(%arg11 : memref<128x32xf32, #tpu.memory_space<vmem>>) target(%dma_start3A_218 : memref<25600x32xf32, #tpu.memory_space<vmem_shared>>) offsets(%dma_start3A_215 : memref<128xi32, #tpu.memory_space<vmem>>) semaphore(%run_scoped3A : memref<!tpu.dma_semaphore, #tpu.memory_space<semaphore_mem>>) {add = true}
        %dma_wait3A_219 = arith.constant 0 : i32
        %dma_wait3A_220 = tpu.memref_slice %arg8[%add3A_186, %dma_wait3A_219] : memref<100x128xi32, #tpu.memory_space<vmem>> -> memref<1x128xi32, #tpu.memory_space<vmem>>
        %dma_wait3A_221 = tpu.memref_squeeze %dma_wait3A_220 : memref<1x128xi32, #tpu.memory_space<vmem>> -> memref<128xi32, #tpu.memory_space<vmem>>
        %dma_wait3A_222 = arith.constant 0 : i32
        %dma_wait3A_223 = arith.constant 0 : i32
        %dma_wait3A_224 = tpu.memref_slice %arg13[%dma_wait3A_222, %dma_wait3A_223] : memref<25600x32xf32, #tpu.memory_space<vmem_shared>> -> memref<25600x32xf32, #tpu.memory_space<vmem_shared>>
        tpu.wait_indirect_dma semaphore(%run_scoped3A : memref<!tpu.dma_semaphore, #tpu.memory_space<semaphore_mem>>) src(%arg11 : memref<128x32xf32, #tpu.memory_space<vmem>>) dst(%dma_wait3A_224 : memref<25600x32xf32, #tpu.memory_space<vmem_shared>>)
        tpu.yield
      }) : () -> ()
    }
    %scan3A_95 = arith.constant 25 : i32
    %barrier3A_96 = arith.constant 0 : index
    tpu.barrier barrier_id(%barrier3A_96)
    "tpu.region"() ({
      %run_scoped3A = tpu.sem_alloc : memref<!tpu.dma_semaphore, #tpu.memory_space<semaphore_mem>>
      %dma_start3A_97 = arith.constant 0 : i32
      %dma_start3A_98 = tpu.memref_slice %arg6[%arg0, %mul3A_14, %dma_start3A_97] : memref<2x25600x32xf32, #tpu.memory_space<hbm>> -> memref<1x1600x32xf32, #tpu.memory_space<hbm>>
      %dma_start3A_99 = tpu.memref_squeeze %dma_start3A_98 : memref<1x1600x32xf32, #tpu.memory_space<hbm>> -> memref<1600x32xf32, #tpu.memory_space<hbm>>
      %dma_start3A_100 = arith.constant 0 : i32
      %dma_start3A_101 = tpu.memref_slice %arg13[%mul3A_14, %dma_start3A_100] : memref<25600x32xf32, #tpu.memory_space<vmem_shared>> -> memref<1600x32xf32, #tpu.memory_space<vmem_shared>>
      tpu.enqueue_dma source(%dma_start3A_101 : memref<1600x32xf32, #tpu.memory_space<vmem_shared>>) target(%dma_start3A_99 : memref<1600x32xf32, #tpu.memory_space<hbm>>) target_semaphore(%run_scoped3A : memref<!tpu.dma_semaphore, #tpu.memory_space<semaphore_mem>>)
      %dma_wait3A = arith.constant 0 : i32
      %dma_wait3A_102 = tpu.memref_slice %arg6[%arg0, %mul3A_14, %dma_wait3A] : memref<2x25600x32xf32, #tpu.memory_space<hbm>> -> memref<1x1600x32xf32, #tpu.memory_space<hbm>>
      %dma_wait3A_103 = tpu.memref_squeeze %dma_wait3A_102 : memref<1x1600x32xf32, #tpu.memory_space<hbm>> -> memref<1600x32xf32, #tpu.memory_space<hbm>>
      %dma_wait3A_104 = arith.constant 0 : i32
      %dma_wait3A_105 = tpu.memref_slice %arg13[%mul3A_14, %dma_wait3A_104] : memref<25600x32xf32, #tpu.memory_space<vmem_shared>> -> memref<1600x32xf32, #tpu.memory_space<vmem_shared>>
      tpu.wait_dma2 semaphore(%run_scoped3A : memref<!tpu.dma_semaphore, #tpu.memory_space<semaphore_mem>>) src(%dma_wait3A_105 : memref<1600x32xf32, #tpu.memory_space<vmem_shared>>) dst(%dma_wait3A_103 : memref<1600x32xf32, #tpu.memory_space<hbm>>)
      tpu.yield
    }) : () -> ()
    return
  }
}

module attributes {stable_mosaic.version = 14 : i64} {
  func.func @_node_body(%arg0: memref<25600x1xf32, #tpu.memory_space<vmem>>, %arg1: memref<1x16xf32, #tpu.memory_space<vmem>>, %arg2: memref<1x16xf32, #tpu.memory_space<vmem>>, %arg3: memref<16x32xf32, #tpu.memory_space<vmem>>, %arg4: memref<16x16xf32, #tpu.memory_space<vmem>>, %arg5: memref<1x16xf32, #tpu.memory_space<vmem>>, %arg6: memref<25600x32xf32, #tpu.memory_space<vmem>>, %arg7: memref<25600x16xf32, #tpu.memory_space<vmem>>) attributes {dimension_semantics = [], scalar_prefetch = 0 : i64, scratch_operands = 0 : i64, tpu.core_type = #tpu.core_type<tc>} {
    %get3A = arith.constant 0 : index
    %get3A_0 = arith.constant 0 : index
    %get3A_1 = vector.load %arg0[%get3A, %get3A_0] : memref<25600x1xf32, #tpu.memory_space<vmem>>, vector<25600x1xf32>
    %get3A_2 = arith.constant 0 : index
    %get3A_3 = arith.constant 0 : index
    %get3A_4 = vector.load %arg1[%get3A_2, %get3A_3] : memref<1x16xf32, #tpu.memory_space<vmem>>, vector<1x16xf32>
    %mul3A = vector.broadcast %get3A_1 : vector<25600x1xf32> to vector<25600x16xf32>
    %mul3A_5 = vector.broadcast %get3A_4 : vector<1x16xf32> to vector<25600x16xf32>
    %mul3A_6 = arith.mulf %mul3A, %mul3A_5 : vector<25600x16xf32>
    %get3A_7 = arith.constant 0 : index
    %get3A_8 = arith.constant 0 : index
    %get3A_9 = vector.load %arg2[%get3A_7, %get3A_8] : memref<1x16xf32, #tpu.memory_space<vmem>>, vector<1x16xf32>
    %add3A = vector.broadcast %get3A_9 : vector<1x16xf32> to vector<25600x16xf32>
    %add3A_10 = arith.addf %mul3A_6, %add3A : vector<25600x16xf32>
    %max3A = arith.constant 0.000000e+00 : f32
    %max3A_11 = vector.broadcast %max3A : f32 to vector<25600x16xf32>
    %max3A_12 = arith.maximumf %add3A_10, %max3A_11 : vector<25600x16xf32>
    %get3A_13 = arith.constant 0 : index
    %get3A_14 = arith.constant 0 : index
    %get3A_15 = vector.load %arg3[%get3A_13, %get3A_14] : memref<16x32xf32, #tpu.memory_space<vmem>>, vector<16x32xf32>
    %dot_general3A = arith.constant dense<0.000000e+00> : vector<25600x32xf32>
    %dot_general3A_16 = tpu.matmul %max3A_12, %get3A_15, %dot_general3A {dimension_numbers = #tpu.dot_dimension_numbers<[1], [0], [0], [1], [0, 0, 1, 1], [], []>, transpose_lhs_hint = false} : vector<25600x16xf32>, vector<16x32xf32>, vector<25600x32xf32> -> vector<25600x32xf32>
    %swap3A = arith.constant 0 : index
    %swap3A_17 = arith.constant 0 : index
    %swap3A_18 = vector.load %arg6[%swap3A, %swap3A_17] : memref<25600x32xf32, #tpu.memory_space<vmem>>, vector<25600x32xf32>
    tpu.vector_store %arg6[%swap3A, %swap3A_17], %dot_general3A_16 {strides = array<i32>} : memref<25600x32xf32, #tpu.memory_space<vmem>>, vector<25600x32xf32>,
    %get3A_19 = arith.constant 0 : index
    %get3A_20 = arith.constant 0 : index
    %get3A_21 = vector.load %arg4[%get3A_19, %get3A_20] : memref<16x16xf32, #tpu.memory_space<vmem>>, vector<16x16xf32>
    %dot_general3A_22 = arith.constant dense<0.000000e+00> : vector<25600x16xf32>
    %dot_general3A_23 = tpu.matmul %max3A_12, %get3A_21, %dot_general3A_22 {dimension_numbers = #tpu.dot_dimension_numbers<[1], [0], [0], [1], [0, 0, 1, 1], [], []>, transpose_lhs_hint = false} : vector<25600x16xf32>, vector<16x16xf32>, vector<25600x16xf32> -> vector<25600x16xf32>
    %get3A_24 = arith.constant 0 : index
    %get3A_25 = arith.constant 0 : index
    %get3A_26 = vector.load %arg5[%get3A_24, %get3A_25] : memref<1x16xf32, #tpu.memory_space<vmem>>, vector<1x16xf32>
    %add3A_27 = vector.broadcast %get3A_26 : vector<1x16xf32> to vector<25600x16xf32>
    %add3A_28 = arith.addf %dot_general3A_23, %add3A_27 : vector<25600x16xf32>
    %swap3A_29 = arith.constant 0 : index
    %swap3A_30 = arith.constant 0 : index
    %swap3A_31 = vector.load %arg7[%swap3A_29, %swap3A_30] : memref<25600x16xf32, #tpu.memory_space<vmem>>, vector<25600x16xf32>
    tpu.vector_store %arg7[%swap3A_29, %swap3A_30], %add3A_28 {strides = array<i32>} : memref<25600x16xf32, #tpu.memory_space<vmem>>, vector<25600x16xf32>,
    return
  }
}

</mosaic_0001>

<sc_bundles>
// kernel: kernel.5.cloned.1.call-start
scs
__scs_entry_jumppad:
0x0: {  	(pc) =	sbr.rel $0x88, $3  }
0x1: {  	(tag) =	ssettag $0x0;
	lr =	simm.s32 $0x1  }
0x2: {  	[smem:$0x3F98] =	sst lr;
	_ =	strace $0xD0000000  }
0x3: {  	_ = 	snop  }
0x4: {  	_ = 	snop  }
0x5: {  	_ = 	snop  }
0x6: {  	_ = 	snop  }
0x7: {  	_ = 	snop  }
__scs_overlays_trampoline_lowered:
0x8: {  	[smem:$0x3FA7] =	sst s0  }
0x9: {  	[smem:$0x3FA8] =	sst s1  }
0xa: {  	[smem:$0x3FA9] =	sst s2  }
0xb: {  	[smem:$0x3FAA] =	sst s3  }
0xc: {  	[smem:$0x3FAB] =	sst s4  }
0xd: {  	[smem:$0x3FAC] =	sst s5  }
0xe: {  	[smem:$0x3FAD] =	sst s6  }
0xf: {  	[smem:$0x3FAE] =	sst s7  }
0x10: {  	[smem:$0x3FAF] =	sst s8  }
0x11: {  	[smem:$0x3FB0] =	sst s9;
	s0 =	simm.s32 @!p0 $0x0  }
0x12: {  	s1 =	sld [smem:$0x3F96];
	s0 =	simm.s32 @p0 $0x1  }
0x13: {  	[smem:$0x3FB1] =	sst s0;
	s0 =	simm.s32 @!p1 $0x0  }
0x14: {  	s2 =	sld [smem:$0x3F95];
	s0 =	simm.s32 @p1 $0x1  }
0x15: {  	[smem:$0x3FB2] =	sst s0;
	s0 =	simm.s32 @!p2 $0x0  }
0x16: {  	s3 =	sld [smem:$0x3FDB];
	s0 =	simm.s32 @p2 $0x1  }
0x17: {  	s4 =	simm.s32 $0x1BF5;
	[smem:$0x3FB4] =	sst s0  }
0x18: {  	s0 =	sld [smem:$0x3F97];
	_ =	swait.ge [sflag:s4], $0x0  }
0x19: {  	s7 =	sld [smem:$0x3F98]  }
0x1a: {  	s8 =	sadd.s32 $0xFFFFE003, lr  }
0x1b: {  	s9 =	sadd.s32 $0xFFFFFEF7, lr;
	s5 =	simm.s32 $0xFFFFFFFF;
	p2 =	slt.u32 s8, $0xFFFFF086  }
0x1c: {  	p1 =	slt.u32 s9, $0xF7A;
	s5 =	simm.s32 @!p2 $0x0  }
0x1d: {  	s5 =	simm.s32 @p1 $0x1;
	p0 =	seq.s32 s7, s2  }
0x1e: {  	s7 =	smul.u32 @!p0 $0xF7A, s2;
	p2 =	seq.s32 @!p0 s5, $0x0  }
0x1f: {  	s9 =	smul.u32 $0xF7A, s1;
	s8 =	simm.s32 @!p0 $0x1BF5;
	p2 =	por !p2, p0  }
0x20: {  	[sflag:s8] =	ssyncset.s32 @!p0 $0xFFFFF086;
	s6 =	sadd.s32 @!p0 s3, s7;
	s7 =	simm.s32 @!p0 $0x108  }
0x21: {  	s3 =	sadd.s32 s3, s9;
	s6 =	sadd.s32 @!p0 $0x88, s6;
	s7 =	simm.s32 @p2 $0x1082  }
0x22: {  	[simem:s7], [sflag:s8] =	dma.local @!p0 [hbm:s6], $0xF7A  }
0x23: {  	s9 =	sor.u32 $0xD0000000, s2;
	s6 =	simm.s32 $0x108;
	_ =	swait.ge @!p0 [sflag:s8], $0x0  }
0x24: {  	s3 =	sadd.s32 $0x88, s3;
	s6 =	simm.s32 @!p1 $0x1082;
	[sflag:s4] =	ssyncset.s32 $0xFFFFF086  }
0x25: {  	[simem:s6], [sflag:s4] =	dma.local [hbm:s3], $0xF7A  }
0x26: {  	[smem:$0x3F98] =	sst s1;
	(tag) =	ssettag s2;
	_ =	strace s9  }
0x27: {  	s1 =	sld [smem:$0x3FA8]  }
0x28: {  	s2 =	sld [smem:$0x3FA9]  }
0x29: {  	s4 =	sld [smem:$0x3FAB]  }
0x2a: {  	p0 =	seq.s32 s5, $0x0;
	s5 =	sld [smem:$0x3FAC]  }
0x2b: {  	s6 =	sld [smem:$0x3FAD]  }
0x2c: {  	s7 =	sld [smem:$0x3FAE]  }
0x2d: {  	s3 =	simm.s32 $0x108;
	s8 =	sld [smem:$0x3FAF]  }
0x2e: {  	s3 =	simm.s32 @!p0 $0x1082;
	s9 =	sld [smem:$0x3FB0]  }
0x2f: {  	lr =	sadd.s32 s0, s3;
	s0 =	sld [smem:$0x3FA7]  }
0x30: {  	s3 =	sld [smem:$0x3FAA]  }
0x31: {  	[smem:$0x3FB3] =	sst s10  }
0x32: {  	s10 =	sld [smem:$0x3FB1];
	_ =	sdelay $0x3  }
0x33: {  	p0 =	seq.s32 s10, $0x1;
	s10 =	sld [smem:$0x3FB3];
	_ =	sdelay $0x3  }
0x34: {  	[smem:$0x3FB3] =	sst s10  }
0x35: {  	s10 =	sld [smem:$0x3FB2];
	_ =	sdelay $0x3  }
0x36: {  	p1 =	seq.s32 s10, $0x1;
	s10 =	sld [smem:$0x3FB3];
	_ =	sdelay $0x3  }
0x37: {  	[smem:$0x3FB3] =	sst s10  }
0x38: {  	s10 =	sld [smem:$0x3FB4]  }
0x39: {  	_ = 	snop;
	(pc) =	sbr.ind lr, $3  }
0x3a: {  	_ = 	snop  }
0x3b: {  	_ = 	snop  }
0x3c: {  	p2 =	seq.s32 s10, $0x1;
	s10 =	sld [smem:$0x3FB3]  }
0x3d: {  	_ =	shalt  }
0x3e: {  	_ =	shalt  }
0x3f: {  	_ =	shalt  }
0x40: {  	_ =	shalt  }
0x41: {  	_ =	shalt  }
0x42: {  	_ =	shalt  }
0x43: {  	_ =	shalt  }
0x44: {  	_ =	shalt  }
0x45: {  	_ =	shalt  }
0x46: {  	_ =	shalt  }
0x47: {  	_ =	shalt  }
0x48: {  	_ =	shalt  }
0x49: {  	_ =	shalt  }
0x4a: {  	_ =	shalt  }
0x4b: {  	_ =	shalt  }
0x4c: {  	_ =	shalt  }
0x4d: {  	_ =	shalt  }
0x4e: {  	_ =	shalt  }
0x4f: {  	_ =	shalt  }
0x50: {  	_ =	shalt  }
0x51: {  	_ =	shalt  }
0x52: {  	_ =	shalt  }
0x53: {  	_ =	shalt  }
0x54: {  	_ =	shalt  }
0x55: {  	_ =	shalt  }
0x56: {  	_ =	shalt  }
0x57: {  	_ =	shalt  }
0x58: {  	_ =	shalt  }
0x59: {  	_ =	shalt  }
0x5a: {  	_ =	shalt  }
0x5b: {  	_ =	shalt  }
0x5c: {  	_ =	shalt  }
0x5d: {  	_ =	shalt  }
0x5e: {  	_ =	shalt  }
0x5f: {  	_ =	shalt  }
0x60: {  	_ =	shalt  }
0x61: {  	_ =	shalt  }
0x62: {  	_ =	shalt  }
0x63: {  	_ =	shalt  }
0x64: {  	_ =	shalt  }
0x65: {  	_ =	shalt  }
0x66: {  	_ =	shalt  }
0x67: {  	_ =	shalt  }
0x68: {  	_ =	shalt  }
0x69: {  	_ =	shalt  }
0x6a: {  	_ =	shalt  }
0x6b: {  	_ =	shalt  }
0x6c: {  	_ =	shalt  }
0x6d: {  	_ =	shalt  }
0x6e: {  	_ =	shalt  }
0x6f: {  	_ =	shalt  }
0x70: {  	_ =	shalt  }
0x71: {  	_ =	shalt  }
0x72: {  	_ =	shalt  }
0x73: {  	_ =	shalt  }
0x74: {  	_ =	shalt  }
0x75: {  	_ =	shalt  }
0x76: {  	_ =	shalt  }
0x77: {  	_ =	shalt  }
0x78: {  	_ =	shalt  }
0x79: {  	_ =	shalt  }
0x7a: {  	_ =	shalt  }
0x7b: {  	_ =	shalt  }
0x7c: {  	_ =	shalt  }
0x7d: {  	_ =	shalt  }
0x7e: {  	_ =	shalt  }
0x7f: {  	_ =	shalt  }
0x80: {  	_ =	shalt  }
0x81: {  	_ =	shalt  }
0x82: {  	_ =	shalt  }
0x83: {  	_ =	shalt  }
0x84: {  	_ =	shalt  }
0x85: {  	_ =	shalt  }
0x86: {  	_ =	shalt  }
0x87: {  	_ =	shalt  }
.Lfunc_end0:
.L_simem_size_0:
called_computation_lowered:
.L_overlay_start_0:
0x88: {  	s2 =	sld [smem:$0x3FD9]  }
0x89: {  	s3 =	sld [smem:$0x3FFE];
	_ =	sdelay $0x1  }
0x8a: {  	s1 =	srdreg.scid  }
0x8b: {  	s0 =	sand.u32 $0x1, s1  }
0x8c: {  	s17 =	sshll.u32 s0, $0xA;
	s2 =	sadd.s32 s3, s2  }
0x8d: {  	s2 =	sadd.s32 s2, s17  }
0x8e: {  	[smem:$0x3FBF] =	sst s2  }
0x8f: {  	_ = 	snop  }
0x90: {  	s2 =	sld [smem:$0x3FC7]  }
0x91: {  	s18 =	sld [smem:$0x3FD0];
	(tm) =	ssettm $0x1  }
0x92: {  	s4 =	sld [smem:$0x3FFB];
	_ =	sdelay $0x3  }
0x93: {  	_ =	strace s4  }
0x94: {  	s4 =	sld [smem:$0x3FFC];
	_ =	sdelay $0x3  }
0x95: {  	_ =	strace s4  }
0x96: {  	s4 =	sld [smem:$0x3FFD];
	_ =	sdelay $0x3  }
0x97: {  	_ =	strace s4  }
0x98: {  	_ =	strace $0x8FFFFFFF  }
0x99: {  	s19 =	sld [smem:$0x3FDB];
	_ =	sdelay $0x1  }
0x9a: {  	s5 =	simm.s32 $_scs_section_size  }
0x9b: {  	s6 =	simm.s32 $_size__tile_overlayer_lowered;
	s7 =	simm.s32 $_tile_overlayer_lowered  }
0x9c: {  	s22 =	simm.s32 $0x1BFF;
	s21 =	sshll.u32 s7, $0x1;
	s4 =	sadd.s32 s5, s19  }
0x9d: {  	s8 =	simm.s32 $0x0;
	s20 =	sshll.u32 s6, $0x1;
	s6 =	sadd.s32 s21, s4  }
0x9e: {  	[timem:s8], [sflag:s22] =	dma.local [hbm:s6], s20  }
0x9f: {  	_ =	swait.ge [sflag:s22], s20  }
0xa0: {  	s5 =	ssub.s32 $0x0, s20;
	[sflag:s22] =	ssyncset.done $0x0  }
0xa1: {  	[sflag:s22] =	ssyncadd.s32 s5;
	_ =	sdelay $0x1  }
0xa2: {  	s23 =	simm.s32 $0x1B8B  }
0xa3: {  	_ =	swait.ge [sflag:s23], $0x1  }
0xa4: {  	[sflag:s23] =	ssyncset.done $0x0  }
0xa5: {  	s25 =	simm.s32 $0x1B8E;
	s24 =	sld [smem:$0x3FFE];
	[sflag:s23] =	ssyncadd.s32 $0xFFFFFFFF  }
0xa6: {  	s26 =	simm.s32 $execute0_lowered;
	[smem:$0x3FD2] =	sst s25  }
0xa7: {  	s6 =	sshll.u32 s26, $0x1;
	_ =	strace $0x80000046;
	[dreg:$0x1] =	wrdreg $0xFFFFFFFF  }
0xa8: {  	s28 =	simm.s32 $_size_execute0_lowered;
	s4 =	sadd.s32 s4, s6;
	[dreg:$0x0] =	wrdreg $0x0  }
0xa9: {  	s6 =	sshll.u32 s28, $0x1;
	[dreg:$0x2] =	wrdreg s4  }
0xaa: {  	[dreg:$0x3] =	wrdreg s6  }
0xab: {  	[dreg:$0x4] =	wrdreg $0xC0  }
0xac: {  	_ =	task [dreg:s8], $0x5FFFF  }
0xad: {  	[dreg:$0x1] =	wrdreg $0xFFFFFFFF  }
0xae: {  	[dreg:$0x0] =	wrdreg $0x60  }
0xaf: {  	[dreg:$0x2] =	wrdreg s24  }
0xb0: {  	[dreg:$0x3] =	wrdreg s18  }
0xb1: {  	[dreg:$0x4] =	wrdreg s2  }
0xb2: {  	[dreg:$0x5] =	wrdreg $0xF2800  }
0xb3: {  	[dreg:$0x6] =	wrdreg $0x9  }
0xb4: {  	_ =	task.clear_ibuf [dreg:s8], $0x7FFFF;
	_ =	strace $0x90000046  }
0xb5: {  	s29 =	simm.s32 $0x9;
	_ =	strace $0x80000048  }
0xb6: {  	_ =	swait.ge [sflag:s29], $0x1  }
0xb7: {  	[sflag:s29] =	ssyncadd.s32 $0xFFFFFFFF  }
0xb8: {  	_ =	strace $0x90000048  }
0xb9: {  	_ =	sfence  }
0xba: {  	s30 =	sld [smem:$0x0];
	_ =	sdelay $0x2  }
0xbb: {  	s31 =	sshll.u32 s1, $0xD;
	s1 =	sshrl.u32 s1, $0x2  }
0xbc: {  	s3 =	sand.u32 $0x4000, s31;
	s1 =	sadd.s32 s1, s30  }
0xbd: {  	s0 =	sor.u32 s3, s0;
	s1 =	sshll.u32 s1, $0x11  }
0xbe: {  	s0 =	sor.u32 s1, s0  }
0xbf: {  	s0 =	sadd.s32 $0x8F2B, s0  }
0xc0: {  	[sflag:s0] =	ssyncadd.remote.s32 $0x1  }
0xc1: {  	_ =	sfence.sel $0xFFFF  }
0xc2: {  	[dreg:$0x0] =	wrdreg $0xFFFFFFFF;
	(pc) =	sbr.abs _section_cstart, $3  }
0xc3: {  	[dreg:$0x1] =	wrdreg $0xFFFFFFFF  }
0xc4: {  	_ =	task.clear_ibuf [dreg:s8], $0x2FFFF;
	_ =	strace $0x9FFFFFFF  }
0xc5: {  	(tm) =	ssettm $0x7FFFFFFF  }
tec
execute0_lowered:
.L_overlay_start_1:
0x0: {  	(tag) =	ssettag $0x1  }
0x1: {  	s4 =	srdreg.scid  }
0x2: {  	s0 =	rddreg [dreg:$0x0];
	s11 =	stileid.u32;
	s6 =	sand.u32 $0x1, s4  }
0x3: {  	s1 =	rddreg [dreg:$0x1];
	s7 =	smul.u32 $0xC800, s11;
	s8 =	sshll.u32 s6, $0x4  }
0x4: {  	s5 =	rddreg [dreg:$0x2];
	s8 =	sor.u32 s11, s8;
	s11 =	smul.u32 $0x32000, s11  }
0x5: {  	s2 =	rddreg [dreg:$0x3];
	s3 =	simm.s32 $0x0;
	s8 =	smul.u32 $0x640, s8  }
0x6: {  	s30 =	simm.s32 $0xE600;
	s31 =	simm.s32 $0x80;
	[smem:$0x7FF] =	sst s3  }
0x7: {  	_ =	strace $0x80000047;
	s16 =	sshrl.u32 s11, $0x2;
	s1 =	sadd.s32 s1, s8  }
0x8: {  	s12 =	sadd.s32 s8, s0;
	s5 =	sadd.s32 s5, s8;
	[dreg:$0x6] =	wrdreg s1  }
0x9: {  	s15 =	sadd.s32 $0x1B600, s12;
	[dreg:$0x7] =	wrdreg s5;
	s1 =	sadd.s32 s16, s2  }
0xa: {  	s28 =	simm.s32 $0xC600;
	[dreg:$0x5] =	wrdreg s15;
	s17 =	sadd.s32 $0xC80, s1  }
0xb: {  	s29 =	simm.s32 $0x1;
	s18 =	sadd.s32 $0x1900, s1;
	[dreg:$0x8] =	wrdreg s17  }
0xc: {  	s4 =	sadd.s32 $0x2600, s0;
	s19 =	sadd.s32 $0x2580, s1;
	[dreg:$0x9] =	wrdreg s18  }
0xd: {  	s9 =	smul.u32 $0xC8000, s6;
	s20 =	sadd.s32 $0x3200, s1;
	[dreg:$0xa] =	wrdreg s19  }
0xe: {  	s6 =	ssub.s32 $0x2, s6;
	s21 =	sadd.s32 $0x3E80, s1;
	[dreg:$0xb] =	wrdreg s20  }
0xf: {  	s10 =	sshrl.u32 s6, $0x1;
	s22 =	sadd.s32 $0x4B00, s1;
	[dreg:$0xc] =	wrdreg s21  }
0x10: {  	s9 =	sadd.s32 s7, s9;
	s23 =	sadd.s32 $0x5780, s1;
	[dreg:$0xd] =	wrdreg s22  }
0x11: {  	s6 =	ssub.s32 s6, s10;
	s24 =	sadd.s32 $0x6400, s1;
	[dreg:$0xe] =	wrdreg s23  }
0x12: {  	s9 =	sshrl.u32 s9, $0x3;
	s25 =	sadd.s32 $0x7080, s1;
	[dreg:$0xf] =	wrdreg s24  }
0x13: {  	s0 =	sadd.s32 s9, s0;
	s26 =	sadd.s32 $0x7D00, s1;
	[dreg:$0x10] =	wrdreg s25  }
0x14: {  	s8 =	sadd.s32 s7, s2;
	[dreg:$0x11] =	wrdreg s26;
	s19 =	sadd.s32 $0x8980, s1  }
0x15: {  	s20 =	sadd.s32 $0x9600, s1;
	s21 =	sadd.s32 $0xA280, s1;
	s22 =	sadd.s32 $0xAF00, s1  }
0x16: {  	s23 =	sadd.s32 $0xBB80, s1;
	s24 =	sadd.s32 $0x27E00, s0;
	s25 =	smax.u32 s6, $0x1  }
0x17: {  	v0 =	vimm.f32 $0.0e+00;
	v1 =	vimm.f32 $1.000000000e+00;
	s26 =	simm.s32 $0x2;
	s0 =	simm.s32 $0xD600;
	s1 =	simm.s32 $0x0  }
.LBB2_1:
0x18: {  	s5 =	rddreg [dreg:$0x5]  }
0x19: {  	[tilespmem:s3], [sflag:$0x2] =	stream.linear.gather [hbm4b:s5+s3], $0x3200, $0x38;
	[tilespmem:$0x1BA80] =	vst v63  }
0x1a: {  	_ =	swait.ge [sflag:s26], $0x3200  }
0x1b: {  	[sflag:s26] =	ssyncset.done $0x0  }
0x1c: {  	s6 =	simm.s32 $0x3200;
	s16 =	rddreg [dreg:$0x6];
	[sflag:s26] =	ssyncadd.s32 $0xFFFFCE00  }
0x1d: {  	[tilespmem:s6], [sflag:$0x2] =	stream.linear.gather [hbm4b:s16+s3], $0x3200, $0x38;
	[tilespmem:$0x1BA80] =	vst v63  }
0x1e: {  	_ =	swait.ge [sflag:s26], $0x3200  }
0x1f: {  	[sflag:s26] =	ssyncset.done $0x0  }
0x20: {  	s18 =	simm.s32 $0x6400;
	s17 =	rddreg [dreg:$0x7];
	[sflag:s26] =	ssyncadd.s32 $0xFFFFCE00  }
0x21: {  	[tilespmem:s18], [sflag:$0x2] =	stream.linear.gather [hbm4b:s17+s3], $0x3200, $0x38;
	[tilespmem:$0x1BA80] =	vst v63  }
0x22: {  	_ =	swait.ge [sflag:s26], $0x3200  }
0x23: {  	[sflag:s26] =	ssyncset.done $0x0  }
0x24: {  	s5 =	simm.s32 $0x80;
	s6 =	simm.s32 $0x0;
	[sflag:s26] =	ssyncadd.s32 $0xFFFFCE00  }
.LBB2_2:
0x25: {  	p0 =	sne.s32 s5, $0x3180;
	[tilespmem:s6+$0xE600] =	vst v0;
	s7 =	smov.u32 s5;
	s5 =	sadd.s32 $0x80, s5  }
.Ltmp0:
0x26: {  	[tilespmem:s6+$0xE610] =	vst v0;
	(pc) =	sbr.rel @p0 .LBB2_2-.Ltmp0, $2  }
0x27: {  	_ =	sdelay $0x2  }
0x28: {  	s6 =	sshra.s32 s7, $0x2  }
0x29: {  	[tilespmem:s6+$0xE600] =	vst v0  }
0x2a: {  	[tilespmem:s6+$0xE610] =	vst v0  }
0x2b: {  	[spmem:s8] =	stream.linear.scatter [tilespmem:s30], [sflag:$0x2], $0xC80, $0x38;
	[tilespmem:$0x1BA80] =	vst v63  }
0x2c: {  	_ =	swait.ge [sflag:s26], $0xC80  }
0x2d: {  	[sflag:s26] =	ssyncset.done $0x0  }
0x2e: {  	s5 =	rddreg [dreg:$0x8];
	[sflag:s26] =	ssyncadd.s32 $0xFFFFF380  }
0x2f: {  	[spmem:s5] =	stream.linear.scatter [tilespmem:s30], [sflag:$0x2], $0xC80, $0x38;
	[tilespmem:$0x1BA80] =	vst v63  }
0x30: {  	_ =	swait.ge [sflag:s26], $0xC80  }
0x31: {  	[sflag:s26] =	ssyncset.done $0x0  }
0x32: {  	s10 =	rddreg [dreg:$0x9];
	[sflag:s26] =	ssyncadd.s32 $0xFFFFF380  }
0x33: {  	[spmem:s10] =	stream.linear.scatter [tilespmem:s30], [sflag:$0x2], $0xC80, $0x38;
	[tilespmem:$0x1BA80] =	vst v63  }
0x34: {  	_ =	swait.ge [sflag:s26], $0xC80  }
0x35: {  	[sflag:s26] =	ssyncset.done $0x0  }
0x36: {  	s11 =	rddreg [dreg:$0xa];
	[sflag:s26] =	ssyncadd.s32 $0xFFFFF380  }
0x37: {  	[spmem:s11] =	stream.linear.scatter [tilespmem:s30], [sflag:$0x2], $0xC80, $0x38;
	[tilespmem:$0x1BA80] =	vst v63  }
0x38: {  	_ =	swait.ge [sflag:s26], $0xC80  }
0x39: {  	[sflag:s26] =	ssyncset.done $0x0  }
0x3a: {  	s12 =	rddreg [dreg:$0xb];
	[sflag:s26] =	ssyncadd.s32 $0xFFFFF380  }
0x3b: {  	[spmem:s12] =	stream.linear.scatter [tilespmem:s30], [sflag:$0x2], $0xC80, $0x38;
	[tilespmem:$0x1BA80] =	vst v63  }
0x3c: {  	_ =	swait.ge [sflag:s26], $0xC80  }
0x3d: {  	[sflag:s26] =	ssyncset.done $0x0  }
0x3e: {  	s13 =	rddreg [dreg:$0xc];
	[sflag:s26] =	ssyncadd.s32 $0xFFFFF380  }
0x3f: {  	[spmem:s13] =	stream.linear.scatter [tilespmem:s30], [sflag:$0x2], $0xC80, $0x38;
	[tilespmem:$0x1BA80] =	vst v63  }
0x40: {  	_ =	swait.ge [sflag:s26], $0xC80  }
0x41: {  	[sflag:s26] =	ssyncset.done $0x0  }
0x42: {  	s14 =	rddreg [dreg:$0xd];
	[sflag:s26] =	ssyncadd.s32 $0xFFFFF380  }
0x43: {  	[spmem:s14] =	stream.linear.scatter [tilespmem:s30], [sflag:$0x2], $0xC80, $0x38;
	[tilespmem:$0x1BA80] =	vst v63  }
0x44: {  	_ =	swait.ge [sflag:s26], $0xC80  }
0x45: {  	[sflag:s26] =	ssyncset.done $0x0  }
0x46: {  	s15 =	rddreg [dreg:$0xe];
	[sflag:s26] =	ssyncadd.s32 $0xFFFFF380  }
0x47: {  	[spmem:s15] =	stream.linear.scatter [tilespmem:s30], [sflag:$0x2], $0xC80, $0x38;
	[tilespmem:$0x1BA80] =	vst v63  }
0x48: {  	_ =	swait.ge [sflag:s26], $0xC80  }
0x49: {  	[sflag:s26] =	ssyncset.done $0x0  }
0x4a: {  	s16 =	rddreg [dreg:$0xf];
	[sflag:s26] =	ssyncadd.s32 $0xFFFFF380  }
0x4b: {  	[spmem:s16] =	stream.linear.scatter [tilespmem:s30], [sflag:$0x2], $0xC80, $0x38;
	[tilespmem:$0x1BA80] =	vst v63  }
0x4c: {  	_ =	swait.ge [sflag:s26], $0xC80  }
0x4d: {  	[sflag:s26] =	ssyncset.done $0x0  }
0x4e: {  	s17 =	rddreg [dreg:$0x10];
	[sflag:s26] =	ssyncadd.s32 $0xFFFFF380  }
0x4f: {  	[spmem:s17] =	stream.linear.scatter [tilespmem:s30], [sflag:$0x2], $0xC80, $0x38;
	[tilespmem:$0x1BA80] =	vst v63  }
0x50: {  	_ =	swait.ge [sflag:s26], $0xC80  }
0x51: {  	[sflag:s26] =	ssyncset.done $0x0  }
0x52: {  	s18 =	rddreg [dreg:$0x11];
	[sflag:s26] =	ssyncadd.s32 $0xFFFFF380  }
0x53: {  	[spmem:s18] =	stream.linear.scatter [tilespmem:s30], [sflag:$0x2], $0xC80, $0x38;
	[tilespmem:$0x1BA80] =	vst v63  }
0x54: {  	_ =	swait.ge [sflag:s26], $0xC80  }
0x55: {  	[sflag:s26] =	ssyncset.done $0x0  }
0x56: {  	[sflag:s26] =	ssyncadd.s32 $0xFFFFF380  }
0x57: {  	[spmem:s19] =	stream.linear.scatter [tilespmem:s30], [sflag:$0x2], $0xC80, $0x38;
	[tilespmem:$0x1BA80] =	vst v63  }
0x58: {  	_ =	swait.ge [sflag:s26], $0xC80  }
0x59: {  	[sflag:s26] =	ssyncset.done $0x0  }
0x5a: {  	[sflag:s26] =	ssyncadd.s32 $0xFFFFF380  }
0x5b: {  	[spmem:s20] =	stream.linear.scatter [tilespmem:s30], [sflag:$0x2], $0xC80, $0x38;
	[tilespmem:$0x1BA80] =	vst v63  }
0x5c: {  	_ =	swait.ge [sflag:s26], $0xC80  }
0x5d: {  	[sflag:s26] =	ssyncset.done $0x0  }
0x5e: {  	[sflag:s26] =	ssyncadd.s32 $0xFFFFF380  }
0x5f: {  	[spmem:s21] =	stream.linear.scatter [tilespmem:s30], [sflag:$0x2], $0xC80, $0x38;
	[tilespmem:$0x1BA80] =	vst v63  }
0x60: {  	_ =	swait.ge [sflag:s26], $0xC80  }
0x61: {  	[sflag:s26] =	ssyncset.done $0x0  }
0x62: {  	[sflag:s26] =	ssyncadd.s32 $0xFFFFF380  }
0x63: {  	[spmem:s22] =	stream.linear.scatter [tilespmem:s30], [sflag:$0x2], $0xC80, $0x38;
	[tilespmem:$0x1BA80] =	vst v63  }
0x64: {  	_ =	swait.ge [sflag:s26], $0xC80  }
0x65: {  	[sflag:s26] =	ssyncset.done $0x0  }
0x66: {  	[sflag:s26] =	ssyncadd.s32 $0xFFFFF380  }
0x67: {  	[spmem:s23] =	stream.linear.scatter [tilespmem:s30], [sflag:$0x2], $0xC80, $0x38;
	[tilespmem:$0x1BA80] =	vst v63  }
0x68: {  	_ =	swait.ge [sflag:s26], $0xC80  }
0x69: {  	[sflag:s26] =	ssyncset.done $0x0  }
0x6a: {  	s6 =	simm.s32 $0x0;
	s5 =	simm.s32 $0x80;
	[sflag:s26] =	ssyncadd.s32 $0xFFFFF380  }
.LBB2_4:
0x6b: {  	p0 =	sne.s32 s5, $0x3F80;
	[tilespmem:s6+$0xD610] =	vst v1;
	s6 =	smov.u32 s5;
	s5 =	sadd.s32 $0x80, s5  }
.Ltmp1:
0x6c: {  	(pc) =	sbr.rel @p0 .LBB2_4-.Ltmp1, $2  }
0x6d: {  	_ =	sdelay $0x2  }
0x6e: {  	s6 =	sshra.s32 s6, $0x2  }
0x6f: {  	[tilespmem:s6+$0xD610] =	vst v1;
	s5 =	simm.s32 $0x0  }
0x70: {  	s16 =	simm.s32 $0x9600;
	s17 =	simm.s32 $0xA600;
	[bflag:$0x0] =	sbarrier.arrive $0xFFFF  }
0x71: {  	[tilespmem:s16], [sflag:$0x1] =	stream.indirect.gather [hbm4b:s4+s31], $0x20, s5, s31, $0xb8;
	[tilespmem:$0x1BA80] =	vst v63  }
0x72: {  	s18 =	simm.s32 $0x100;
	s7 =	simm.s32 $0xB600;
	s6 =	simm.s32 $0x6400  }
0x73: {  	[tilespmem:s17], [sflag:$0x1] =	stream.indirect.gather [hbm4b:s4+s31], $0x20, s31, s31, $0xb8;
	[tilespmem:$0x1BA80] =	vst v63  }
0x74: {  	s9 =	simm.s32 $0x6500;
	s10 =	simm.s32 $0x6580;
	s17 =	simm.s32 $0x6480  }
0x75: {  	[tilespmem:s7], [sflag:$0x1] =	stream.indirect.gather [hbm4b:s4+s31], $0x20, s18, s31, $0xb8;
	[tilespmem:$0x1BA80] =	vst v63  }
.LBB2_6:
0x76: {  	s12 =	sshll.u32 s5, $0xB  }
0x77: {  	s7 =	sor.u32 $0x600, s12  }
0x78: {  	s11 =	sshra.s32 s7, $0x2  }
0x79: {  	[tilespmem:s28], [sflag:$0x1] =	stream.indirect.gather [hbm4b:s4+s31], $0x20, s11, s31, $0xb8;
	[tilespmem:$0x1BA80] =	vst v63  }
0x7a: {  	_ =	swait.ge [sflag:s29], $0x1000  }
0x7b: {  	[sflag:s29] =	ssyncset.done $0x0  }
0x7c: {  	s13 =	simm.s32 $0x0;
	[sflag:s29] =	ssyncadd.s32 $0xFFFFF000  }
0x7d: {  	v12 =	vld [tilespmem:s13+$0x9610]  }
0x7e: {  	v14 =	vld [tilespmem:s13+$0x9630]  }
0x7f: {  	v11 =	vld [tilespmem:s13+$0x9650]  }
0x80: {  	v13 =	vld [tilespmem:s13+$0x9670]  }
0x81: {  	v10 =	vld [tilespmem:s13+$0x9690]  }
0x82: {  	v9 =	vld [tilespmem:s13+$0x96B0]  }
0x83: {  	v8 =	vld [tilespmem:s13+$0x96D0]  }
0x84: {  	v7 =	vld [tilespmem:s13+$0x96F0]  }
0x85: {  	v6 =	vld [tilespmem:s13+$0x9710]  }
0x86: {  	v5 =	vld [tilespmem:s13+$0x9730]  }
0x87: {  	v4 =	vld [tilespmem:s13+$0x9750]  }
0x88: {  	v2 =	vld [tilespmem:s13+$0x9770]  }
0x89: {  	v15 =	vld [tilespmem:s13+$0x9600]  }
0x8a: {  	s14 =	simm.s32 $0x800;
	s15 =	smov.u32 s6;
	v3 =	vld [tilespmem:s6+$0x0]  }
.LBB2_7:
0x8b: {  	p0 =	sne.s32 s14, $0x3800;
	v16 =	vld [tilespmem:s13+$0x9620]  }
0x8c: {  	v17 =	vld [tilespmem:s13+$0x9640]  }
0x8d: {  	v18 =	vld [tilespmem:s13+$0x9660]  }
0x8e: {  	v19 =	vld [tilespmem:s13+$0x9790]  }
0x8f: {  	v20 =	vbroadcast v3, $0x0;
	v21 =	vbroadcast v3, $0x1;
	v22 =	vld [tilespmem:s13+$0x97B0]  }
0x90: {  	v23 =	vbroadcast v3, $0x2;
	v24 =	vbroadcast v3, $0x3;
	v25 =	vld [tilespmem:s13+$0x9680]  }
0x91: {  	v15 =	vmul.f32 v20, v15;
	v16 =	vmul.f32 v16, v21;
	v20 =	vld [tilespmem:s13+$0x96A0]  }
0x92: {  	v17 =	vmul.f32 v17, v23;
	v18 =	vmul.f32 v18, v24;
	v21 =	vld [tilespmem:s13+$0x96C0]  }
0x93: {  	v12 =	vadd.f32 v12, v15;
	v14 =	vadd.f32 v14, v16;
	v15 =	vbroadcast v3, $0x4;
	v16 =	vld [tilespmem:s13+$0x96E0]  }
0x94: {  	v11 =	vadd.f32 v11, v17;
	v17 =	vbroadcast v3, $0x5;
	v13 =	vadd.f32 v13, v18;
	v18 =	vld [tilespmem:s13+$0x9700]  }
0x95: {  	[tilespmem:s13+$0xD600] =	vst v12;
	v12 =	vmul.f32 v25, v15;
	v15 =	vbroadcast v3, $0x6;
	v23 =	vld [tilespmem:s13+$0x9720]  }
0x96: {  	[tilespmem:s13+$0xD620] =	vst v14;
	v14 =	vmul.f32 v20, v17;
	v17 =	vbroadcast v3, $0x7;
	v20 =	vld [tilespmem:s13+$0x9740]  }
0x97: {  	[tilespmem:s13+$0xD640] =	vst v11;
	v10 =	vadd.f32 v10, v12;
	v11 =	vmul.f32 v21, v15;
	v12 =	vbroadcast v3, $0x8;
	v15 =	vld [tilespmem:s13+$0x9760]  }
0x98: {  	[tilespmem:s13+$0xD660] =	vst v13;
	v9 =	vadd.f32 v9, v14;
	v13 =	vmul.f32 v16, v17;
	v14 =	vbroadcast v3, $0x9;
	v16 =	vld [tilespmem:s13+$0x9780]  }
0x99: {  	[tilespmem:s13+$0xD680] =	vst v10;
	v8 =	vadd.f32 v8, v11;
	v10 =	vmul.f32 v18, v12;
	v11 =	vbroadcast v3, $0xA;
	v17 =	vld [tilespmem:s13+$0x97A0]  }
0x9a: {  	v12 =	vbroadcast v3, $0xB;
	[tilespmem:s13+$0xD6A0] =	vst v9;
	v7 =	vadd.f32 v7, v13;
	v9 =	vmul.f32 v23, v14;
	v13 =	vld [tilespmem:s13+$0x97C0]  }
0x9b: {  	[tilespmem:s13+$0xD6C0] =	vst v8;
	v6 =	vadd.f32 v6, v10;
	v8 =	vmul.f32 v20, v11;
	v10 =	vbroadcast v3, $0xC;
	v18 =	vld [tilespmem:s13+$0x97E0]  }
0x9c: {  	[tilespmem:s13+$0xD6E0] =	vst v7;
	v5 =	vadd.f32 v5, v9;
	v7 =	vmul.f32 v15, v12;
	v9 =	vbroadcast v3, $0xD;
	v15 =	vld [tilespmem:s13+$0x97D0]  }
0x9d: {  	s7 =	sshra.s32 s14, $0x2;
	[tilespmem:s13+$0xD700] =	vst v6;
	v4 =	vadd.f32 v4, v8;
	v6 =	vmul.f32 v16, v10;
	v8 =	vbroadcast v3, $0xE;
	v16 =	vld [tilespmem:s13+$0x97F0]  }
0x9e: {  	v3 =	vbroadcast v3, $0xF;
	v12 =	vld [tilespmem:s7+$0x9610];
	[tilespmem:s13+$0xD720] =	vst v5;
	v2 =	vadd.f32 v2, v7;
	v5 =	vmul.f32 v17, v9  }
0x9f: {  	v14 =	vld [tilespmem:s7+$0x9630];
	[tilespmem:s13+$0xD740] =	vst v4;
	v4 =	vadd.f32 v19, v6;
	v6 =	vmul.f32 v13, v8  }
0xa0: {  	v11 =	vld [tilespmem:s7+$0x9650];
	[tilespmem:s13+$0xD760] =	vst v2;
	v2 =	vadd.f32 v22, v5;
	v3 =	vmul.f32 v18, v3  }
0xa1: {  	v13 =	vld [tilespmem:s7+$0x9670];
	[tilespmem:s13+$0xD780] =	vst v4;
	v4 =	vadd.f32 v15, v6  }
0xa2: {  	v10 =	vld [tilespmem:s7+$0x9690];
	[tilespmem:s13+$0xD7A0] =	vst v2;
	v2 =	vadd.f32 v16, v3  }
0xa3: {  	v9 =	vld [tilespmem:s7+$0x96B0];
	[tilespmem:s13+$0xD7C0] =	vst v4  }
0xa4: {  	v8 =	vld [tilespmem:s7+$0x96D0];
	[tilespmem:s13+$0xD7E0] =	vst v2;
	s13 =	smov.u32 s7  }
0xa5: {  	v7 =	vld [tilespmem:s13+$0x96F0]  }
0xa6: {  	v6 =	vld [tilespmem:s13+$0x9710]  }
.Ltmp2:
0xa7: {  	v5 =	vld [tilespmem:s13+$0x9730];
	(pc) =	sbr.rel @p0 .LBB2_7-.Ltmp2, $4  }
0xa8: {  	v4 =	vld [tilespmem:s13+$0x9750]  }
0xa9: {  	v2 =	vld [tilespmem:s13+$0x9770]  }
0xaa: {  	s15 =	sadd.s32 $0x10, s15;
	v15 =	vld [tilespmem:s13+$0x9600]  }
0xab: {  	s14 =	sadd.s32 $0x800, s14;
	v3 =	vld [tilespmem:s15+$0x0]  }
0xac: {  	_ = 	snop  }
0xad: {  	v16 =	vld [tilespmem:s13+$0x9620]  }
0xae: {  	v17 =	vld [tilespmem:s13+$0x9640]  }
0xaf: {  	v18 =	vld [tilespmem:s13+$0x9660]  }
0xb0: {  	v23 =	vbroadcast v3, $0x1  }
0xb1: {  	v22 =	vld [tilespmem:s13+$0x9680];
	v20 =	vbroadcast v3, $0x0;
	v25 =	vbroadcast v3, $0x2  }
0xb2: {  	v24 =	vld [tilespmem:s13+$0x96C0];
	v61 =	vbroadcast v3, $0x3;
	v16 =	vmul.f32 v16, v23  }
0xb3: {  	v59 =	vld [tilespmem:s13+$0x96A0];
	v15 =	vmul.f32 v20, v15;
	v17 =	vmul.f32 v17, v25  }
0xb4: {  	v19 =	vld [tilespmem:s13+$0x9790];
	v62 =	vbroadcast v3, $0x4;
	v14 =	vadd.f32 v14, v16;
	v16 =	vmul.f32 v18, v61  }
0xb5: {  	v63 =	vbroadcast v3, $0x6;
	v12 =	vadd.f32 v12, v15;
	v15 =	vld [tilespmem:s13+$0x96E0];
	v11 =	vadd.f32 v11, v17  }
0xb6: {  	v21 =	vld [tilespmem:s13+$0x97B0];
	v17 =	vmul.f32 v22, v62;
	v13 =	vadd.f32 v13, v16;
	v16 =	vbroadcast v3, $0x5  }
0xb7: {  	v60 =	vld [tilespmem:s13+$0x9700];
	v18 =	vmul.f32 v24, v63;
	[tilespmem:s13+$0xD600] =	vst v12  }
0xb8: {  	v12 =	vld [tilespmem:s13+$0x9720];
	[tilespmem:s13+$0xD620] =	vst v14;
	v10 =	vadd.f32 v10, v17;
	v17 =	vbroadcast v3, $0x7;
	v16 =	vmul.f32 v59, v16  }
0xb9: {  	v14 =	vld [tilespmem:s13+$0x9740];
	[tilespmem:s13+$0xD640] =	vst v11;
	v8 =	vadd.f32 v8, v18  }
0xba: {  	v11 =	vld [tilespmem:s13+$0x9760];
	[tilespmem:s13+$0xD660] =	vst v13;
	v15 =	vmul.f32 v15, v17;
	v9 =	vadd.f32 v9, v16;
	v16 =	vbroadcast v3, $0x8  }
0xbb: {  	v13 =	vld [tilespmem:s13+$0x9780];
	[tilespmem:s13+$0xD680] =	vst v10;
	v17 =	vbroadcast v3, $0x9  }
0xbc: {  	v10 =	vld [tilespmem:s13+$0x97A0];
	[tilespmem:s13+$0xD6C0] =	vst v8;
	v8 =	vbroadcast v3, $0xA;
	v7 =	vadd.f32 v7, v15;
	v16 =	vmul.f32 v60, v16  }
0xbd: {  	v12 =	vmul.f32 v12, v17;
	v17 =	vbroadcast v3, $0xB;
	[tilespmem:s13+$0xD6A0] =	vst v9;
	v9 =	vld [tilespmem:s13+$0x97C0]  }
0xbe: {  	v15 =	vld [tilespmem:s13+$0x97E0];
	[tilespmem:s13+$0xD6E0] =	vst v7;
	v7 =	vmul.f32 v14, v8;
	v8 =	vbroadcast v3, $0xC;
	v6 =	vadd.f32 v6, v16  }
0xbf: {  	v14 =	vld [tilespmem:s13+$0x97D0];
	v5 =	vadd.f32 v5, v12;
	v11 =	vmul.f32 v11, v17;
	v12 =	vbroadcast v3, $0xD  }
0xc0: {  	v4 =	vadd.f32 v4, v7;
	v7 =	vbroadcast v3, $0xE;
	[tilespmem:s13+$0xD700] =	vst v6;
	v6 =	vmul.f32 v13, v8;
	v8 =	vld [tilespmem:s13+$0x97F0]  }
0xc1: {  	[tilespmem:s13+$0xD720] =	vst v5;
	v2 =	vadd.f32 v2, v11;
	v5 =	vmul.f32 v10, v12;
	v3 =	vbroadcast v3, $0xF  }
0xc2: {  	[tilespmem:s13+$0xD740] =	vst v4;
	v4 =	vadd.f32 v19, v6;
	v6 =	vmul.f32 v9, v7  }
0xc3: {  	[tilespmem:s13+$0xD760] =	vst v2;
	v2 =	vadd.f32 v21, v5;
	v3 =	vmul.f32 v15, v3  }
0xc4: {  	[tilespmem:s13+$0xD780] =	vst v4;
	v4 =	vadd.f32 v14, v6  }
0xc5: {  	[tilespmem:s13+$0xD7A0] =	vst v2;
	v2 =	vadd.f32 v8, v3  }
0xc6: {  	s7 =	sshra.s32 s12, $0x2;
	[tilespmem:s13+$0xD7C0] =	vst v4  }
0xc7: {  	s7 =	sadd.s32 $0x3200, s7;
	[tilespmem:s13+$0xD7E0] =	vst v2  }
0xc8: {  	[spmem:s2] =	stream.indirect.scatter.add.f32 [tilespmem:s0], [sflag:$0x2], $0x20, s7, s31, $0xb8;
	[tilespmem:$0x1BA80] =	vst v63  }
0xc9: {  	p0 =	seq.s32 s5, $0x18;
	_ =	swait.ge [sflag:s26], $0x1000  }
0xca: {  	s14 =	simm.s32 @!p0 $0x80;
	s13 =	sshra.s32 @!p0 s12, $0x2;
	[sflag:s26] =	ssyncset.done $0x0  }
0xcb: {  	s15 =	simm.s32 @!p0 $0x9600;
	s7 =	sadd.s32 @!p0 $0x200, s13;
	[sflag:s26] =	ssyncadd.s32 $0xFFFFF000  }
0xcc: {  	[tilespmem:s15], [sflag:$0x1] =	stream.indirect.gather @!p0 [hbm4b:s4+s14], $0x20, s7, s14, $0xb8;
	[tilespmem:$0x1BA80] =	vst v63  }
0xcd: {  	_ =	swait.ge [sflag:s29], $0x1000  }
0xce: {  	[sflag:s29] =	ssyncset.done $0x0  }
0xcf: {  	s14 =	simm.s32 $0x0;
	[sflag:s29] =	ssyncadd.s32 $0xFFFFF000  }
0xd0: {  	v12 =	vld [tilespmem:s14+$0xA610]  }
0xd1: {  	v14 =	vld [tilespmem:s14+$0xA630]  }
0xd2: {  	v11 =	vld [tilespmem:s14+$0xA650]  }
0xd3: {  	v13 =	vld [tilespmem:s14+$0xA670]  }
0xd4: {  	v10 =	vld [tilespmem:s14+$0xA690]  }
0xd5: {  	v9 =	vld [tilespmem:s14+$0xA6B0]  }
0xd6: {  	v8 =	vld [tilespmem:s14+$0xA6D0]  }
0xd7: {  	v7 =	vld [tilespmem:s14+$0xA6F0]  }
0xd8: {  	v6 =	vld [tilespmem:s14+$0xA710]  }
0xd9: {  	v5 =	vld [tilespmem:s14+$0xA730]  }
0xda: {  	v4 =	vld [tilespmem:s14+$0xA750]  }
0xdb: {  	v2 =	vld [tilespmem:s14+$0xA770]  }
0xdc: {  	v15 =	vld [tilespmem:s14+$0xA600]  }
0xdd: {  	s16 =	simm.s32 $0x800;
	s15 =	sor.u32 $0x200, s12;
	s7 =	smov.u32 s17;
	v3 =	vld [tilespmem:s17+$0x0]  }
.LBB2_9:
0xde: {  	p1 =	sne.s32 s16, $0x3800;
	v16 =	vld [tilespmem:s14+$0xA620]  }
0xdf: {  	v17 =	vld [tilespmem:s14+$0xA640]  }
0xe0: {  	v18 =	vld [tilespmem:s14+$0xA660]  }
0xe1: {  	v19 =	vld [tilespmem:s14+$0xA790]  }
0xe2: {  	v20 =	vbroadcast v3, $0x0;
	v21 =	vbroadcast v3, $0x1;
	v22 =	vld [tilespmem:s14+$0xA7B0]  }
0xe3: {  	v23 =	vbroadcast v3, $0x2;
	v24 =	vbroadcast v3, $0x3;
	v25 =	vld [tilespmem:s14+$0xA680]  }
0xe4: {  	v15 =	vmul.f32 v20, v15;
	v16 =	vmul.f32 v16, v21;
	v20 =	vld [tilespmem:s14+$0xA6A0]  }
0xe5: {  	v17 =	vmul.f32 v17, v23;
	v18 =	vmul.f32 v18, v24;
	v21 =	vld [tilespmem:s14+$0xA6C0]  }
0xe6: {  	v12 =	vadd.f32 v12, v15;
	v14 =	vadd.f32 v14, v16;
	v15 =	vbroadcast v3, $0x4;
	v16 =	vld [tilespmem:s14+$0xA6E0]  }
0xe7: {  	v11 =	vadd.f32 v11, v17;
	v17 =	vbroadcast v3, $0x5;
	v13 =	vadd.f32 v13, v18;
	v18 =	vld [tilespmem:s14+$0xA700]  }
0xe8: {  	[tilespmem:s14+$0xD600] =	vst v12;
	v12 =	vmul.f32 v25, v15;
	v15 =	vbroadcast v3, $0x6;
	v23 =	vld [tilespmem:s14+$0xA720]  }
0xe9: {  	[tilespmem:s14+$0xD620] =	vst v14;
	v14 =	vmul.f32 v20, v17;
	v17 =	vbroadcast v3, $0x7;
	v20 =	vld [tilespmem:s14+$0xA740]  }
0xea: {  	[tilespmem:s14+$0xD640] =	vst v11;
	v10 =	vadd.f32 v10, v12;
	v11 =	vmul.f32 v21, v15;
	v12 =	vbroadcast v3, $0x8;
	v15 =	vld [tilespmem:s14+$0xA760]  }
0xeb: {  	[tilespmem:s14+$0xD660] =	vst v13;
	v9 =	vadd.f32 v9, v14;
	v13 =	vmul.f32 v16, v17;
	v14 =	vbroadcast v3, $0x9;
	v16 =	vld [tilespmem:s14+$0xA780]  }
0xec: {  	[tilespmem:s14+$0xD680] =	vst v10;
	v8 =	vadd.f32 v8, v11;
	v10 =	vmul.f32 v18, v12;
	v11 =	vbroadcast v3, $0xA;
	v17 =	vld [tilespmem:s14+$0xA7A0]  }
0xed: {  	v12 =	vbroadcast v3, $0xB;
	[tilespmem:s14+$0xD6A0] =	vst v9;
	v7 =	vadd.f32 v7, v13;
	v9 =	vmul.f32 v23, v14;
	v13 =	vld [tilespmem:s14+$0xA7C0]  }
0xee: {  	[tilespmem:s14+$0xD6C0] =	vst v8;
	v6 =	vadd.f32 v6, v10;
	v8 =	vmul.f32 v20, v11;
	v10 =	vbroadcast v3, $0xC;
	v18 =	vld [tilespmem:s14+$0xA7E0]  }
0xef: {  	[tilespmem:s14+$0xD6E0] =	vst v7;
	v5 =	vadd.f32 v5, v9;
	v7 =	vmul.f32 v15, v12;
	v9 =	vbroadcast v3, $0xD;
	v15 =	vld [tilespmem:s14+$0xA7D0]  }
0xf0: {  	s18 =	sshra.s32 s16, $0x2;
	[tilespmem:s14+$0xD700] =	vst v6;
	v4 =	vadd.f32 v4, v8;
	v6 =	vmul.f32 v16, v10;
	v8 =	vbroadcast v3, $0xE;
	v16 =	vld [tilespmem:s14+$0xA7F0]  }
0xf1: {  	v3 =	vbroadcast v3, $0xF;
	v12 =	vld [tilespmem:s18+$0xA610];
	[tilespmem:s14+$0xD720] =	vst v5;
	v2 =	vadd.f32 v2, v7;
	v5 =	vmul.f32 v17, v9  }
0xf2: {  	v14 =	vld [tilespmem:s18+$0xA630];
	[tilespmem:s14+$0xD740] =	vst v4;
	v4 =	vadd.f32 v19, v6;
	v6 =	vmul.f32 v13, v8  }
0xf3: {  	v11 =	vld [tilespmem:s18+$0xA650];
	[tilespmem:s14+$0xD760] =	vst v2;
	v2 =	vadd.f32 v22, v5;
	v3 =	vmul.f32 v18, v3  }
0xf4: {  	v13 =	vld [tilespmem:s18+$0xA670];
	[tilespmem:s14+$0xD780] =	vst v4;
	v4 =	vadd.f32 v15, v6  }
0xf5: {  	v10 =	vld [tilespmem:s18+$0xA690];
	[tilespmem:s14+$0xD7A0] =	vst v2;
	v2 =	vadd.f32 v16, v3  }
0xf6: {  	v9 =	vld [tilespmem:s18+$0xA6B0];
	[tilespmem:s14+$0xD7C0] =	vst v4  }
0xf7: {  	v8 =	vld [tilespmem:s18+$0xA6D0];
	[tilespmem:s14+$0xD7E0] =	vst v2;
	s14 =	smov.u32 s18  }
0xf8: {  	v7 =	vld [tilespmem:s14+$0xA6F0]  }
0xf9: {  	v6 =	vld [tilespmem:s14+$0xA710]  }
.Ltmp3:
0xfa: {  	v5 =	vld [tilespmem:s14+$0xA730];
	(pc) =	sbr.rel @p1 .LBB2_9-.Ltmp3, $4  }
0xfb: {  	v4 =	vld [tilespmem:s14+$0xA750]  }
0xfc: {  	v2 =	vld [tilespmem:s14+$0xA770]  }
0xfd: {  	s7 =	sadd.s32 $0x10, s7;
	v15 =	vld [tilespmem:s14+$0xA600]  }
0xfe: {  	s16 =	sadd.s32 $0x800, s16;
	v3 =	vld [tilespmem:s7+$0x0]  }
0xff: {  	_ = 	snop  }
0x100: {  	v16 =	vld [tilespmem:s14+$0xA620]  }
0x101: {  	v17 =	vld [tilespmem:s14+$0xA640]  }
0x102: {  	v18 =	vld [tilespmem:s14+$0xA660]  }
0x103: {  	v23 =	vbroadcast v3, $0x1  }
0x104: {  	v22 =	vld [tilespmem:s14+$0xA680];
	v20 =	vbroadcast v3, $0x0;
	v25 =	vbroadcast v3, $0x2  }
0x105: {  	v24 =	vld [tilespmem:s14+$0xA6C0];
	v61 =	vbroadcast v3, $0x3;
	v16 =	vmul.f32 v16, v23  }
0x106: {  	v59 =	vld [tilespmem:s14+$0xA6A0];
	v15 =	vmul.f32 v20, v15;
	v17 =	vmul.f32 v17, v25  }
0x107: {  	v19 =	vld [tilespmem:s14+$0xA790];
	v62 =	vbroadcast v3, $0x4;
	v14 =	vadd.f32 v14, v16;
	v16 =	vmul.f32 v18, v61  }
0x108: {  	v63 =	vbroadcast v3, $0x6;
	v12 =	vadd.f32 v12, v15;
	v15 =	vld [tilespmem:s14+$0xA6E0];
	v11 =	vadd.f32 v11, v17  }
0x109: {  	v21 =	vld [tilespmem:s14+$0xA7B0];
	v17 =	vmul.f32 v22, v62;
	v13 =	vadd.f32 v13, v16;
	v16 =	vbroadcast v3, $0x5  }
0x10a: {  	v60 =	vld [tilespmem:s14+$0xA700];
	v18 =	vmul.f32 v24, v63;
	[tilespmem:s14+$0xD600] =	vst v12  }
0x10b: {  	v12 =	vld [tilespmem:s14+$0xA720];
	[tilespmem:s14+$0xD620] =	vst v14;
	v10 =	vadd.f32 v10, v17;
	v17 =	vbroadcast v3, $0x7;
	v16 =	vmul.f32 v59, v16  }
0x10c: {  	v14 =	vld [tilespmem:s14+$0xA740];
	[tilespmem:s14+$0xD640] =	vst v11;
	v8 =	vadd.f32 v8, v18  }
0x10d: {  	v11 =	vld [tilespmem:s14+$0xA760];
	[tilespmem:s14+$0xD660] =	vst v13;
	v15 =	vmul.f32 v15, v17;
	v9 =	vadd.f32 v9, v16;
	v16 =	vbroadcast v3, $0x8  }
0x10e: {  	v13 =	vld [tilespmem:s14+$0xA780];
	[tilespmem:s14+$0xD680] =	vst v10;
	v17 =	vbroadcast v3, $0x9  }
0x10f: {  	v10 =	vld [tilespmem:s14+$0xA7A0];
	[tilespmem:s14+$0xD6C0] =	vst v8;
	v8 =	vbroadcast v3, $0xA;
	v7 =	vadd.f32 v7, v15;
	v16 =	vmul.f32 v60, v16  }
0x110: {  	v12 =	vmul.f32 v12, v17;
	v17 =	vbroadcast v3, $0xB;
	[tilespmem:s14+$0xD6A0] =	vst v9;
	v9 =	vld [tilespmem:s14+$0xA7C0]  }
0x111: {  	v15 =	vld [tilespmem:s14+$0xA7E0];
	[tilespmem:s14+$0xD6E0] =	vst v7;
	v7 =	vmul.f32 v14, v8;
	v8 =	vbroadcast v3, $0xC;
	v6 =	vadd.f32 v6, v16  }
0x112: {  	v14 =	vld [tilespmem:s14+$0xA7D0];
	v5 =	vadd.f32 v5, v12;
	v11 =	vmul.f32 v11, v17;
	v12 =	vbroadcast v3, $0xD  }
0x113: {  	v4 =	vadd.f32 v4, v7;
	v7 =	vbroadcast v3, $0xE;
	[tilespmem:s14+$0xD700] =	vst v6;
	v6 =	vmul.f32 v13, v8;
	v8 =	vld [tilespmem:s14+$0xA7F0]  }
0x114: {  	[tilespmem:s14+$0xD720] =	vst v5;
	v2 =	vadd.f32 v2, v11;
	v5 =	vmul.f32 v10, v12;
	v3 =	vbroadcast v3, $0xF  }
0x115: {  	[tilespmem:s14+$0xD740] =	vst v4;
	v4 =	vadd.f32 v19, v6;
	v6 =	vmul.f32 v9, v7  }
0x116: {  	[tilespmem:s14+$0xD760] =	vst v2;
	v2 =	vadd.f32 v21, v5;
	v3 =	vmul.f32 v15, v3  }
0x117: {  	[tilespmem:s14+$0xD780] =	vst v4;
	v4 =	vadd.f32 v14, v6  }
0x118: {  	[tilespmem:s14+$0xD7A0] =	vst v2;
	v2 =	vadd.f32 v8, v3  }
0x119: {  	s7 =	sshra.s32 s15, $0x2;
	[tilespmem:s14+$0xD7C0] =	vst v4  }
0x11a: {  	s7 =	sadd.s32 $0x3200, s7;
	[tilespmem:s14+$0xD7E0] =	vst v2  }
0x11b: {  	[spmem:s2] =	stream.indirect.scatter.add.f32 [tilespmem:s0], [sflag:$0x2], $0x20, s7, s31, $0xb8;
	[tilespmem:$0x1BA80] =	vst v63  }
0x11c: {  	_ =	swait.ge [sflag:s26], $0x1000  }
0x11d: {  	s15 =	simm.s32 @!p0 $0xA600;
	[sflag:s26] =	ssyncset.done $0x0  }
0x11e: {  	s14 =	simm.s32 @!p0 $0x80;
	s7 =	sadd.s32 @!p0 $0x280, s13;
	[sflag:s26] =	ssyncadd.s32 $0xFFFFF000  }
0x11f: {  	[tilespmem:s15], [sflag:$0x1] =	stream.indirect.gather @!p0 [hbm4b:s4+s14], $0x20, s7, s14, $0xb8;
	[tilespmem:$0x1BA80] =	vst v63  }
0x120: {  	_ =	swait.ge [sflag:s29], $0x1000  }
0x121: {  	[sflag:s29] =	ssyncset.done $0x0  }
0x122: {  	s14 =	simm.s32 $0x0;
	[sflag:s29] =	ssyncadd.s32 $0xFFFFF000  }
0x123: {  	v12 =	vld [tilespmem:s14+$0xB610]  }
0x124: {  	v14 =	vld [tilespmem:s14+$0xB630]  }
0x125: {  	v11 =	vld [tilespmem:s14+$0xB650]  }
0x126: {  	v13 =	vld [tilespmem:s14+$0xB670]  }
0x127: {  	v10 =	vld [tilespmem:s14+$0xB690]  }
0x128: {  	v9 =	vld [tilespmem:s14+$0xB6B0]  }
0x129: {  	v8 =	vld [tilespmem:s14+$0xB6D0]  }
0x12a: {  	v7 =	vld [tilespmem:s14+$0xB6F0]  }
0x12b: {  	v6 =	vld [tilespmem:s14+$0xB710]  }
0x12c: {  	v5 =	vld [tilespmem:s14+$0xB730]  }
0x12d: {  	v4 =	vld [tilespmem:s14+$0xB750]  }
0x12e: {  	v2 =	vld [tilespmem:s14+$0xB770]  }
0x12f: {  	v15 =	vld [tilespmem:s14+$0xB600]  }
0x130: {  	s12 =	sor.u32 $0x400, s12;
	s15 =	simm.s32 $0x800;
	s7 =	smov.u32 s9;
	v3 =	vld [tilespmem:s9+$0x0]  }
.LBB2_11:
0x131: {  	p1 =	sne.s32 s15, $0x3800;
	v16 =	vld [tilespmem:s14+$0xB620]  }
0x132: {  	v17 =	vld [tilespmem:s14+$0xB640]  }
0x133: {  	v18 =	vld [tilespmem:s14+$0xB660]  }
0x134: {  	v19 =	vld [tilespmem:s14+$0xB790]  }
0x135: {  	v20 =	vbroadcast v3, $0x0;
	v21 =	vbroadcast v3, $0x1;
	v22 =	vld [tilespmem:s14+$0xB7B0]  }
0x136: {  	v23 =	vbroadcast v3, $0x2;
	v24 =	vbroadcast v3, $0x3;
	v25 =	vld [tilespmem:s14+$0xB680]  }
0x137: {  	v15 =	vmul.f32 v20, v15;
	v16 =	vmul.f32 v16, v21;
	v20 =	vld [tilespmem:s14+$0xB6A0]  }
0x138: {  	v17 =	vmul.f32 v17, v23;
	v18 =	vmul.f32 v18, v24;
	v21 =	vld [tilespmem:s14+$0xB6C0]  }
0x139: {  	v12 =	vadd.f32 v12, v15;
	v14 =	vadd.f32 v14, v16;
	v15 =	vbroadcast v3, $0x4;
	v16 =	vld [tilespmem:s14+$0xB6E0]  }
0x13a: {  	v11 =	vadd.f32 v11, v17;
	v17 =	vbroadcast v3, $0x5;
	v13 =	vadd.f32 v13, v18;
	v18 =	vld [tilespmem:s14+$0xB700]  }
0x13b: {  	[tilespmem:s14+$0xD600] =	vst v12;
	v12 =	vmul.f32 v25, v15;
	v15 =	vbroadcast v3, $0x6;
	v23 =	vld [tilespmem:s14+$0xB720]  }
0x13c: {  	[tilespmem:s14+$0xD620] =	vst v14;
	v14 =	vmul.f32 v20, v17;
	v17 =	vbroadcast v3, $0x7;
	v20 =	vld [tilespmem:s14+$0xB740]  }
0x13d: {  	[tilespmem:s14+$0xD640] =	vst v11;
	v10 =	vadd.f32 v10, v12;
	v11 =	vmul.f32 v21, v15;
	v12 =	vbroadcast v3, $0x8;
	v15 =	vld [tilespmem:s14+$0xB760]  }
0x13e: {  	[tilespmem:s14+$0xD660] =	vst v13;
	v9 =	vadd.f32 v9, v14;
	v13 =	vmul.f32 v16, v17;
	v14 =	vbroadcast v3, $0x9;
	v16 =	vld [tilespmem:s14+$0xB780]  }
0x13f: {  	[tilespmem:s14+$0xD680] =	vst v10;
	v8 =	vadd.f32 v8, v11;
	v10 =	vmul.f32 v18, v12;
	v11 =	vbroadcast v3, $0xA;
	v17 =	vld [tilespmem:s14+$0xB7A0]  }
0x140: {  	v12 =	vbroadcast v3, $0xB;
	[tilespmem:s14+$0xD6A0] =	vst v9;
	v7 =	vadd.f32 v7, v13;
	v9 =	vmul.f32 v23, v14;
	v13 =	vld [tilespmem:s14+$0xB7C0]  }
0x141: {  	[tilespmem:s14+$0xD6C0] =	vst v8;
	v6 =	vadd.f32 v6, v10;
	v8 =	vmul.f32 v20, v11;
	v10 =	vbroadcast v3, $0xC;
	v18 =	vld [tilespmem:s14+$0xB7E0]  }
0x142: {  	[tilespmem:s14+$0xD6E0] =	vst v7;
	v5 =	vadd.f32 v5, v9;
	v7 =	vmul.f32 v15, v12;
	v9 =	vbroadcast v3, $0xD;
	v15 =	vld [tilespmem:s14+$0xB7D0]  }
0x143: {  	s16 =	sshra.s32 s15, $0x2;
	[tilespmem:s14+$0xD700] =	vst v6;
	v4 =	vadd.f32 v4, v8;
	v6 =	vmul.f32 v16, v10;
	v8 =	vbroadcast v3, $0xE;
	v16 =	vld [tilespmem:s14+$0xB7F0]  }
0x144: {  	v3 =	vbroadcast v3, $0xF;
	v12 =	vld [tilespmem:s16+$0xB610];
	[tilespmem:s14+$0xD720] =	vst v5;
	v2 =	vadd.f32 v2, v7;
	v5 =	vmul.f32 v17, v9  }
0x145: {  	v14 =	vld [tilespmem:s16+$0xB630];
	[tilespmem:s14+$0xD740] =	vst v4;
	v4 =	vadd.f32 v19, v6;
	v6 =	vmul.f32 v13, v8  }
0x146: {  	v11 =	vld [tilespmem:s16+$0xB650];
	[tilespmem:s14+$0xD760] =	vst v2;
	v2 =	vadd.f32 v22, v5;
	v3 =	vmul.f32 v18, v3  }
0x147: {  	v13 =	vld [tilespmem:s16+$0xB670];
	[tilespmem:s14+$0xD780] =	vst v4;
	v4 =	vadd.f32 v15, v6  }
0x148: {  	v10 =	vld [tilespmem:s16+$0xB690];
	[tilespmem:s14+$0xD7A0] =	vst v2;
	v2 =	vadd.f32 v16, v3  }
0x149: {  	v9 =	vld [tilespmem:s16+$0xB6B0];
	[tilespmem:s14+$0xD7C0] =	vst v4  }
0x14a: {  	v8 =	vld [tilespmem:s16+$0xB6D0];
	[tilespmem:s14+$0xD7E0] =	vst v2;
	s14 =	smov.u32 s16  }
0x14b: {  	v7 =	vld [tilespmem:s14+$0xB6F0]  }
0x14c: {  	v6 =	vld [tilespmem:s14+$0xB710]  }
.Ltmp4:
0x14d: {  	v5 =	vld [tilespmem:s14+$0xB730];
	(pc) =	sbr.rel @p1 .LBB2_11-.Ltmp4, $4  }
0x14e: {  	v4 =	vld [tilespmem:s14+$0xB750]  }
0x14f: {  	v2 =	vld [tilespmem:s14+$0xB770]  }
0x150: {  	s7 =	sadd.s32 $0x10, s7;
	v15 =	vld [tilespmem:s14+$0xB600]  }
0x151: {  	s15 =	sadd.s32 $0x800, s15;
	v3 =	vld [tilespmem:s7+$0x0]  }
0x152: {  	_ = 	snop  }
0x153: {  	v16 =	vld [tilespmem:s14+$0xB620]  }
0x154: {  	v17 =	vld [tilespmem:s14+$0xB640]  }
0x155: {  	v18 =	vld [tilespmem:s14+$0xB660]  }
0x156: {  	v23 =	vbroadcast v3, $0x1  }
0x157: {  	v22 =	vld [tilespmem:s14+$0xB680];
	v20 =	vbroadcast v3, $0x0;
	v25 =	vbroadcast v3, $0x2  }
0x158: {  	v24 =	vld [tilespmem:s14+$0xB6C0];
	v61 =	vbroadcast v3, $0x3;
	v16 =	vmul.f32 v16, v23  }
0x159: {  	v59 =	vld [tilespmem:s14+$0xB6A0];
	v15 =	vmul.f32 v20, v15;
	v17 =	vmul.f32 v17, v25  }
0x15a: {  	v19 =	vld [tilespmem:s14+$0xB790];
	v62 =	vbroadcast v3, $0x4;
	v14 =	vadd.f32 v14, v16;
	v16 =	vmul.f32 v18, v61  }
0x15b: {  	v63 =	vbroadcast v3, $0x6;
	v12 =	vadd.f32 v12, v15;
	v15 =	vld [tilespmem:s14+$0xB6E0];
	v11 =	vadd.f32 v11, v17  }
0x15c: {  	v21 =	vld [tilespmem:s14+$0xB7B0];
	v17 =	vmul.f32 v22, v62;
	v13 =	vadd.f32 v13, v16;
	v16 =	vbroadcast v3, $0x5  }
0x15d: {  	v60 =	vld [tilespmem:s14+$0xB700];
	v18 =	vmul.f32 v24, v63;
	[tilespmem:s14+$0xD600] =	vst v12  }
0x15e: {  	v12 =	vld [tilespmem:s14+$0xB720];
	[tilespmem:s14+$0xD620] =	vst v14;
	v10 =	vadd.f32 v10, v17;
	v17 =	vbroadcast v3, $0x7;
	v16 =	vmul.f32 v59, v16  }
0x15f: {  	v14 =	vld [tilespmem:s14+$0xB740];
	[tilespmem:s14+$0xD640] =	vst v11;
	v8 =	vadd.f32 v8, v18  }
0x160: {  	v11 =	vld [tilespmem:s14+$0xB760];
	[tilespmem:s14+$0xD660] =	vst v13;
	v15 =	vmul.f32 v15, v17;
	v9 =	vadd.f32 v9, v16;
	v16 =	vbroadcast v3, $0x8  }
0x161: {  	v13 =	vld [tilespmem:s14+$0xB780];
	[tilespmem:s14+$0xD680] =	vst v10;
	v17 =	vbroadcast v3, $0x9  }
0x162: {  	v10 =	vld [tilespmem:s14+$0xB7A0];
	[tilespmem:s14+$0xD6C0] =	vst v8;
	v8 =	vbroadcast v3, $0xA;
	v7 =	vadd.f32 v7, v15;
	v16 =	vmul.f32 v60, v16  }
0x163: {  	v12 =	vmul.f32 v12, v17;
	v17 =	vbroadcast v3, $0xB;
	[tilespmem:s14+$0xD6A0] =	vst v9;
	v9 =	vld [tilespmem:s14+$0xB7C0]  }
0x164: {  	v15 =	vld [tilespmem:s14+$0xB7E0];
	[tilespmem:s14+$0xD6E0] =	vst v7;
	v7 =	vmul.f32 v14, v8;
	v8 =	vbroadcast v3, $0xC;
	v6 =	vadd.f32 v6, v16  }
0x165: {  	v14 =	vld [tilespmem:s14+$0xB7D0];
	v5 =	vadd.f32 v5, v12;
	v11 =	vmul.f32 v11, v17;
	v12 =	vbroadcast v3, $0xD  }
0x166: {  	v4 =	vadd.f32 v4, v7;
	v7 =	vbroadcast v3, $0xE;
	[tilespmem:s14+$0xD700] =	vst v6;
	v6 =	vmul.f32 v13, v8;
	v8 =	vld [tilespmem:s14+$0xB7F0]  }
0x167: {  	[tilespmem:s14+$0xD720] =	vst v5;
	v2 =	vadd.f32 v2, v11;
	v5 =	vmul.f32 v10, v12;
	v3 =	vbroadcast v3, $0xF  }
0x168: {  	[tilespmem:s14+$0xD740] =	vst v4;
	v4 =	vadd.f32 v19, v6;
	v6 =	vmul.f32 v9, v7  }
0x169: {  	[tilespmem:s14+$0xD760] =	vst v2;
	v2 =	vadd.f32 v21, v5;
	v3 =	vmul.f32 v15, v3  }
0x16a: {  	[tilespmem:s14+$0xD780] =	vst v4;
	v4 =	vadd.f32 v14, v6  }
0x16b: {  	[tilespmem:s14+$0xD7A0] =	vst v2;
	v2 =	vadd.f32 v8, v3  }
0x16c: {  	s7 =	sshra.s32 s12, $0x2;
	[tilespmem:s14+$0xD7C0] =	vst v4  }
0x16d: {  	s7 =	sadd.s32 $0x3200, s7;
	[tilespmem:s14+$0xD7E0] =	vst v2  }
0x16e: {  	[spmem:s2] =	stream.indirect.scatter.add.f32 [tilespmem:s0], [sflag:$0x2], $0x20, s7, s31, $0xb8;
	[tilespmem:$0x1BA80] =	vst v63  }
0x16f: {  	_ =	swait.ge [sflag:s26], $0x1000  }
0x170: {  	s12 =	simm.s32 @!p0 $0x80;
	[sflag:s26] =	ssyncset.done $0x0  }
0x171: {  	s7 =	sadd.s32 @!p0 $0x300, s13;
	s13 =	simm.s32 @!p0 $0xB600;
	[sflag:s26] =	ssyncadd.s32 $0xFFFFF000  }
0x172: {  	[tilespmem:s13], [sflag:$0x1] =	stream.indirect.gather @!p0 [hbm4b:s4+s12], $0x20, s7, s12, $0xb8;
	[tilespmem:$0x1BA80] =	vst v63  }
0x173: {  	_ =	swait.ge [sflag:s29], $0x1000  }
0x174: {  	[sflag:s29] =	ssyncset.done $0x0  }
0x175: {  	s12 =	simm.s32 $0x0;
	[sflag:s29] =	ssyncadd.s32 $0xFFFFF000  }
0x176: {  	v12 =	vld [tilespmem:s12+$0xC610]  }
0x177: {  	v14 =	vld [tilespmem:s12+$0xC630]  }
0x178: {  	v11 =	vld [tilespmem:s12+$0xC650]  }
0x179: {  	v13 =	vld [tilespmem:s12+$0xC670]  }
0x17a: {  	v10 =	vld [tilespmem:s12+$0xC690]  }
0x17b: {  	v9 =	vld [tilespmem:s12+$0xC6B0]  }
0x17c: {  	v8 =	vld [tilespmem:s12+$0xC6D0]  }
0x17d: {  	v7 =	vld [tilespmem:s12+$0xC6F0]  }
0x17e: {  	v6 =	vld [tilespmem:s12+$0xC710]  }
0x17f: {  	v5 =	vld [tilespmem:s12+$0xC730]  }
0x180: {  	v4 =	vld [tilespmem:s12+$0xC750]  }
0x181: {  	v2 =	vld [tilespmem:s12+$0xC770]  }
0x182: {  	v15 =	vld [tilespmem:s12+$0xC600]  }
0x183: {  	s13 =	simm.s32 $0x800;
	s7 =	smov.u32 s10;
	v3 =	vld [tilespmem:s10+$0x0]  }
.LBB2_13:
0x184: {  	p0 =	sne.s32 s13, $0x3800;
	v16 =	vld [tilespmem:s12+$0xC620]  }
0x185: {  	v17 =	vld [tilespmem:s12+$0xC640]  }
0x186: {  	v18 =	vld [tilespmem:s12+$0xC660]  }
0x187: {  	v19 =	vld [tilespmem:s12+$0xC790]  }
0x188: {  	v20 =	vbroadcast v3, $0x0;
	v21 =	vbroadcast v3, $0x1;
	v22 =	vld [tilespmem:s12+$0xC7B0]  }
0x189: {  	v23 =	vbroadcast v3, $0x2;
	v24 =	vbroadcast v3, $0x3;
	v25 =	vld [tilespmem:s12+$0xC680]  }
0x18a: {  	v15 =	vmul.f32 v20, v15;
	v16 =	vmul.f32 v16, v21;
	v20 =	vld [tilespmem:s12+$0xC6A0]  }
0x18b: {  	v17 =	vmul.f32 v17, v23;
	v18 =	vmul.f32 v18, v24;
	v21 =	vld [tilespmem:s12+$0xC6C0]  }
0x18c: {  	v12 =	vadd.f32 v12, v15;
	v14 =	vadd.f32 v14, v16;
	v15 =	vbroadcast v3, $0x4;
	v16 =	vld [tilespmem:s12+$0xC6E0]  }
0x18d: {  	v11 =	vadd.f32 v11, v17;
	v17 =	vbroadcast v3, $0x5;
	v13 =	vadd.f32 v13, v18;
	v18 =	vld [tilespmem:s12+$0xC700]  }
0x18e: {  	[tilespmem:s12+$0xD600] =	vst v12;
	v12 =	vmul.f32 v25, v15;
	v15 =	vbroadcast v3, $0x6;
	v23 =	vld [tilespmem:s12+$0xC720]  }
0x18f: {  	[tilespmem:s12+$0xD620] =	vst v14;
	v14 =	vmul.f32 v20, v17;
	v17 =	vbroadcast v3, $0x7;
	v20 =	vld [tilespmem:s12+$0xC740]  }
0x190: {  	[tilespmem:s12+$0xD640] =	vst v11;
	v10 =	vadd.f32 v10, v12;
	v11 =	vmul.f32 v21, v15;
	v12 =	vbroadcast v3, $0x8;
	v15 =	vld [tilespmem:s12+$0xC760]  }
0x191: {  	[tilespmem:s12+$0xD660] =	vst v13;
	v9 =	vadd.f32 v9, v14;
	v13 =	vmul.f32 v16, v17;
	v14 =	vbroadcast v3, $0x9;
	v16 =	vld [tilespmem:s12+$0xC780]  }
0x192: {  	[tilespmem:s12+$0xD680] =	vst v10;
	v8 =	vadd.f32 v8, v11;
	v10 =	vmul.f32 v18, v12;
	v11 =	vbroadcast v3, $0xA;
	v17 =	vld [tilespmem:s12+$0xC7A0]  }
0x193: {  	v12 =	vbroadcast v3, $0xB;
	[tilespmem:s12+$0xD6A0] =	vst v9;
	v7 =	vadd.f32 v7, v13;
	v9 =	vmul.f32 v23, v14;
	v13 =	vld [tilespmem:s12+$0xC7C0]  }
0x194: {  	[tilespmem:s12+$0xD6C0] =	vst v8;
	v6 =	vadd.f32 v6, v10;
	v8 =	vmul.f32 v20, v11;
	v10 =	vbroadcast v3, $0xC;
	v18 =	vld [tilespmem:s12+$0xC7E0]  }
0x195: {  	[tilespmem:s12+$0xD6E0] =	vst v7;
	v5 =	vadd.f32 v5, v9;
	v7 =	vmul.f32 v15, v12;
	v9 =	vbroadcast v3, $0xD;
	v15 =	vld [tilespmem:s12+$0xC7D0]  }
0x196: {  	s14 =	sshra.s32 s13, $0x2;
	[tilespmem:s12+$0xD700] =	vst v6;
	v4 =	vadd.f32 v4, v8;
	v6 =	vmul.f32 v16, v10;
	v8 =	vbroadcast v3, $0xE;
	v16 =	vld [tilespmem:s12+$0xC7F0]  }
0x197: {  	v3 =	vbroadcast v3, $0xF;
	v12 =	vld [tilespmem:s14+$0xC610];
	[tilespmem:s12+$0xD720] =	vst v5;
	v2 =	vadd.f32 v2, v7;
	v5 =	vmul.f32 v17, v9  }
0x198: {  	v14 =	vld [tilespmem:s14+$0xC630];
	[tilespmem:s12+$0xD740] =	vst v4;
	v4 =	vadd.f32 v19, v6;
	v6 =	vmul.f32 v13, v8  }
0x199: {  	v11 =	vld [tilespmem:s14+$0xC650];
	[tilespmem:s12+$0xD760] =	vst v2;
	v2 =	vadd.f32 v22, v5;
	v3 =	vmul.f32 v18, v3  }
0x19a: {  	v13 =	vld [tilespmem:s14+$0xC670];
	[tilespmem:s12+$0xD780] =	vst v4;
	v4 =	vadd.f32 v15, v6  }
0x19b: {  	v10 =	vld [tilespmem:s14+$0xC690];
	[tilespmem:s12+$0xD7A0] =	vst v2;
	v2 =	vadd.f32 v16, v3  }
0x19c: {  	v9 =	vld [tilespmem:s14+$0xC6B0];
	[tilespmem:s12+$0xD7C0] =	vst v4  }
0x19d: {  	v8 =	vld [tilespmem:s14+$0xC6D0];
	[tilespmem:s12+$0xD7E0] =	vst v2;
	s12 =	smov.u32 s14  }
0x19e: {  	v7 =	vld [tilespmem:s12+$0xC6F0]  }
0x19f: {  	v6 =	vld [tilespmem:s12+$0xC710]  }
.Ltmp5:
0x1a0: {  	v5 =	vld [tilespmem:s12+$0xC730];
	(pc) =	sbr.rel @p0 .LBB2_13-.Ltmp5, $4  }
0x1a1: {  	v4 =	vld [tilespmem:s12+$0xC750]  }
0x1a2: {  	v2 =	vld [tilespmem:s12+$0xC770]  }
0x1a3: {  	s7 =	sadd.s32 $0x10, s7;
	v15 =	vld [tilespmem:s12+$0xC600]  }
0x1a4: {  	s13 =	sadd.s32 $0x800, s13;
	v3 =	vld [tilespmem:s7+$0x0]  }
0x1a5: {  	v16 =	vld [tilespmem:s12+$0xC620]  }
0x1a6: {  	v17 =	vld [tilespmem:s12+$0xC640]  }
0x1a7: {  	v18 =	vld [tilespmem:s12+$0xC660]  }
0x1a8: {  	v19 =	vld [tilespmem:s12+$0xC790]  }
0x1a9: {  	v21 =	vld [tilespmem:s12+$0xC7B0]  }
0x1aa: {  	v22 =	vld [tilespmem:s12+$0xC680];
	v20 =	vbroadcast v3, $0x0  }
0x1ab: {  	v32 =	vld [tilespmem:s12+$0xC6A0];
	v23 =	vbroadcast v3, $0x1  }
0x1ac: {  	v24 =	vld [tilespmem:s12+$0xC6C0];
	v25 =	vbroadcast v3, $0x2;
	v15 =	vmul.f32 v20, v15  }
0x1ad: {  	v39 =	vld [tilespmem:s12+$0xC740];
	v35 =	vbroadcast v3, $0x3;
	v16 =	vmul.f32 v16, v23  }
0x1ae: {  	v44 =	vld [tilespmem:s12+$0xC780];
	v38 =	vbroadcast v3, $0x4;
	v17 =	vmul.f32 v17, v25;
	v12 =	vadd.f32 v12, v15  }
0x1af: {  	v48 =	vld [tilespmem:s12+$0xC7C0];
	v43 =	vbroadcast v3, $0x6;
	v37 =	vmul.f32 v18, v35;
	v14 =	vadd.f32 v14, v16  }
0x1b0: {  	v33 =	vld [tilespmem:s12+$0xC6E0];
	v50 =	vbroadcast v3, $0xA;
	v41 =	vmul.f32 v22, v38;
	v11 =	vadd.f32 v11, v17;
	[tilespmem:s12+$0xD600] =	vst v12  }
0x1b1: {  	v55 =	vld [tilespmem:s12+$0xC7D0];
	v54 =	vbroadcast v3, $0xC;
	v18 =	vmul.f32 v24, v43;
	v13 =	vadd.f32 v13, v37;
	[tilespmem:s12+$0xD620] =	vst v14  }
0x1b2: {  	v42 =	vld [tilespmem:s12+$0xC760];
	v58 =	vbroadcast v3, $0xE;
	v53 =	vmul.f32 v39, v50;
	v10 =	vadd.f32 v10, v41;
	[tilespmem:s12+$0xD640] =	vst v11  }
0x1b3: {  	v34 =	vld [tilespmem:s12+$0xC700];
	v40 =	vbroadcast v3, $0x5;
	v57 =	vmul.f32 v44, v54;
	v8 =	vadd.f32 v8, v18;
	[tilespmem:s12+$0xD660] =	vst v13  }
0x1b4: {  	v46 =	vld [tilespmem:s12+$0xC7A0];
	v45 =	vbroadcast v3, $0x7;
	v62 =	vmul.f32 v48, v58;
	v4 =	vadd.f32 v4, v53;
	[tilespmem:s12+$0xD680] =	vst v10  }
0x1b5: {  	v36 =	vld [tilespmem:s12+$0xC720];
	v52 =	vbroadcast v3, $0xB;
	v16 =	vmul.f32 v32, v40;
	v61 =	vadd.f32 v19, v57;
	[tilespmem:s12+$0xD6C0] =	vst v8  }
0x1b6: {  	v51 =	vld [tilespmem:s12+$0xC7E0];
	v47 =	vbroadcast v3, $0x8;
	v15 =	vmul.f32 v33, v45;
	v63 =	vadd.f32 v55, v62;
	[tilespmem:s12+$0xD740] =	vst v4  }
0x1b7: {  	v56 =	vbroadcast v3, $0xD;
	v9 =	vadd.f32 v9, v16;
	v11 =	vmul.f32 v42, v52;
	[tilespmem:s12+$0xD780] =	vst v61  }
0x1b8: {  	v59 =	vld [tilespmem:s12+$0xC7F0];
	v49 =	vbroadcast v3, $0x9;
	v16 =	vmul.f32 v34, v47;
	v7 =	vadd.f32 v7, v15;
	[tilespmem:s12+$0xD7C0] =	vst v63  }
0x1b9: {  	v3 =	vbroadcast v3, $0xF;
	v60 =	vmul.f32 v46, v56;
	[tilespmem:s12+$0xD6A0] =	vst v9;
	v2 =	vadd.f32 v2, v11  }
0x1ba: {  	v12 =	vmul.f32 v36, v49;
	v6 =	vadd.f32 v6, v16;
	[tilespmem:s12+$0xD6E0] =	vst v7  }
0x1bb: {  	v3 =	vmul.f32 v51, v3;
	[tilespmem:s12+$0xD760] =	vst v2;
	v2 =	vadd.f32 v21, v60  }
0x1bc: {  	v5 =	vadd.f32 v5, v12;
	[tilespmem:s12+$0xD700] =	vst v6  }
0x1bd: {  	s5 =	sadd.s32 $0x1, s5;
	[tilespmem:s12+$0xD7A0] =	vst v2;
	v2 =	vadd.f32 v59, v3  }
0x1be: {  	p0 =	sne.s32 s5, $0x19;
	[tilespmem:s12+$0xD720] =	vst v5  }
.Ltmp6:
0x1bf: {  	s7 =	sadd.s32 $0x3200, s11;
	[tilespmem:s12+$0xD7E0] =	vst v2;
	(pc) =	sbr.rel @p0 .LBB2_6-.Ltmp6, $4  }
0x1c0: {  	[spmem:s2] =	stream.indirect.scatter.add.f32 [tilespmem:s0], [sflag:$0x2], $0x20, s7, s31, $0xb8;
	[tilespmem:$0x1BA80] =	vst v63  }
0x1c1: {  	_ =	swait.ge [sflag:s26], $0x1000  }
0x1c2: {  	s6 =	sadd.s32 $0x200, s6;
	s17 =	sadd.s32 $0x200, s17;
	[sflag:s26] =	ssyncset.done $0x0  }
0x1c3: {  	s9 =	sadd.s32 $0x200, s9;
	s10 =	sadd.s32 $0x200, s10;
	[sflag:s26] =	ssyncadd.s32 $0xFFFFF000  }
0x1c4: {  	s5 =	stileid.u32;
	s1 =	sadd.s32 $0x1, s1  }
0x1c5: {  	[bflag:$0x0] =	sbarrier.arrive $0xFFFF;
	s5 =	sshll.u32 s5, $0x6;
	p0 =	sne.s32 s1, s25  }
.Ltmp7:
0x1c6: {  	s6 =	sshrl.u32 s8, $0x3;
	s5 =	sor.u32 $0x1C02, s5;
	(pc) =	sbr.rel @p0 .LBB2_1-.Ltmp7, $4  }
0x1c7: {  	[hbm:s24], [sflag:s5] =	dma.local [spmem:s6], $0x1900  }
0x1c8: {  	_ =	swait.ge [sflag:s26], $0x1900  }
0x1c9: {  	[sflag:s26] =	ssyncset.done $0x0  }
0x1ca: {  	[sflag:s26] =	ssyncadd.s32 $0xFFFFE700  }
0x1cb: {  	_ =	sfence.sel $0x180000  }
0x1cc: {  	[bflag:$0x0] =	sbarrier.arrive $0xFFFF  }
0x1cd: {  	_ =	strace $0x90000047  }
0x1ce: {  	s0 =	stileid.u32;
	[bflag:$0x2] =	sbarrier.arrive $0xFFFF  }
0x1cf: {  	p0 =	sne.s32 s0, $0x0;
	s0 =	rddreg [dreg:$0x4]  }
0x1d0: {  	s0 =	sadd.s32 @!p0 $0x100000, s0  }
0x1d1: {  	[sflag:s0] =	ssyncadd.tile.s32 @!p0 $0x1;
	_ =	shalt  }
.Lfunc_end2:
_tile_overlayer_lowered:
.L_overlay_start_2:
0x1d2: {  	(tag) =	ssettag $0x2  }
0x1d3: {  	s0 =	rddreg [dreg:$0x0];
	s2 =	stileid.u32  }
0x1d4: {  	s1 =	rddreg [dreg:$0x1];
	p0 =	sne.s32 s2, $0x0  }
0x1d5: {  	s3 =	rddreg [dreg:$0x2];
	[bflag:$0x3] =	sbarrier.arrive $0xFFFF;
	s2 =	simm.s32 @!p0 $0x1C02  }
0x1d6: {  	[timem:s3], [sflag:s2] =	dma.local @!p0 [hbm:s0], s1  }
0x1d7: {  	s0 =	simm.s32 @!p0 $0x2  }
0x1d8: {  	_ =	swait.ge @!p0 [sflag:s0], s1  }
0x1d9: {  	s1 =	ssub.s32 @!p0 $0x0, s1;
	[sflag:s0] =	ssyncset.done @!p0 $0x0  }
0x1da: {  	[sflag:s0] =	ssyncadd.s32 @!p0 s1  }
0x1db: {  	[bflag:$0x3] =	sbarrier.arrive $0xFFFF  }
0x1dc: {  	_ =	shalt  }

// kernel: kernel.8.cloned.1.call-start
scs
__scs_entry_jumppad:
0x0: {  	(pc) =	sbr.rel $0x88, $3  }
0x1: {  	(tag) =	ssettag $0x0;
	lr =	simm.s32 $0x1  }
0x2: {  	[smem:$0x3F98] =	sst lr;
	_ =	strace $0xD0000000  }
0x3: {  	_ = 	snop  }
0x4: {  	_ = 	snop  }
0x5: {  	_ = 	snop  }
0x6: {  	_ = 	snop  }
0x7: {  	_ = 	snop  }
__scs_overlays_trampoline_lowered:
0x8: {  	[smem:$0x3FA7] =	sst s0  }
0x9: {  	[smem:$0x3FA8] =	sst s1  }
0xa: {  	[smem:$0x3FA9] =	sst s2  }
0xb: {  	[smem:$0x3FAA] =	sst s3  }
0xc: {  	[smem:$0x3FAB] =	sst s4  }
0xd: {  	[smem:$0x3FAC] =	sst s5  }
0xe: {  	[smem:$0x3FAD] =	sst s6  }
0xf: {  	[smem:$0x3FAE] =	sst s7  }
0x10: {  	[smem:$0x3FAF] =	sst s8  }
0x11: {  	[smem:$0x3FB0] =	sst s9;
	s0 =	simm.s32 @!p0 $0x0  }
0x12: {  	s1 =	sld [smem:$0x3F96];
	s0 =	simm.s32 @p0 $0x1  }
0x13: {  	[smem:$0x3FB1] =	sst s0;
	s0 =	simm.s32 @!p1 $0x0  }
0x14: {  	s2 =	sld [smem:$0x3F95];
	s0 =	simm.s32 @p1 $0x1  }
0x15: {  	[smem:$0x3FB2] =	sst s0;
	s0 =	simm.s32 @!p2 $0x0  }
0x16: {  	s3 =	sld [smem:$0x3FDB];
	s0 =	simm.s32 @p2 $0x1  }
0x17: {  	s4 =	simm.s32 $0x1BF5;
	[smem:$0x3FB4] =	sst s0  }
0x18: {  	s0 =	sld [smem:$0x3F97];
	_ =	swait.ge [sflag:s4], $0x0  }
0x19: {  	s7 =	sld [smem:$0x3F98]  }
0x1a: {  	s8 =	sadd.s32 $0xFFFFE003, lr  }
0x1b: {  	s9 =	sadd.s32 $0xFFFFFEF7, lr;
	s5 =	simm.s32 $0xFFFFFFFF;
	p2 =	slt.u32 s8, $0xFFFFF086  }
0x1c: {  	p1 =	slt.u32 s9, $0xF7A;
	s5 =	simm.s32 @!p2 $0x0  }
0x1d: {  	s5 =	simm.s32 @p1 $0x1;
	p0 =	seq.s32 s7, s2  }
0x1e: {  	s7 =	smul.u32 @!p0 $0xF7A, s2;
	p2 =	seq.s32 @!p0 s5, $0x0  }
0x1f: {  	s9 =	smul.u32 $0xF7A, s1;
	s8 =	simm.s32 @!p0 $0x1BF5;
	p2 =	por !p2, p0  }
0x20: {  	[sflag:s8] =	ssyncset.s32 @!p0 $0xFFFFF086;
	s6 =	sadd.s32 @!p0 s3, s7;
	s7 =	simm.s32 @!p0 $0x108  }
0x21: {  	s3 =	sadd.s32 s3, s9;
	s6 =	sadd.s32 @!p0 $0x88, s6;
	s7 =	simm.s32 @p2 $0x1082  }
0x22: {  	[simem:s7], [sflag:s8] =	dma.local @!p0 [hbm:s6], $0xF7A  }
0x23: {  	s9 =	sor.u32 $0xD0000000, s2;
	s6 =	simm.s32 $0x108;
	_ =	swait.ge @!p0 [sflag:s8], $0x0  }
0x24: {  	s3 =	sadd.s32 $0x88, s3;
	s6 =	simm.s32 @!p1 $0x1082;
	[sflag:s4] =	ssyncset.s32 $0xFFFFF086  }
0x25: {  	[simem:s6], [sflag:s4] =	dma.local [hbm:s3], $0xF7A  }
0x26: {  	[smem:$0x3F98] =	sst s1;
	(tag) =	ssettag s2;
	_ =	strace s9  }
0x27: {  	s1 =	sld [smem:$0x3FA8]  }
0x28: {  	s2 =	sld [smem:$0x3FA9]  }
0x29: {  	s4 =	sld [smem:$0x3FAB]  }
0x2a: {  	p0 =	seq.s32 s5, $0x0;
	s5 =	sld [smem:$0x3FAC]  }
0x2b: {  	s6 =	sld [smem:$0x3FAD]  }
0x2c: {  	s7 =	sld [smem:$0x3FAE]  }
0x2d: {  	s3 =	simm.s32 $0x108;
	s8 =	sld [smem:$0x3FAF]  }
0x2e: {  	s3 =	simm.s32 @!p0 $0x1082;
	s9 =	sld [smem:$0x3FB0]  }
0x2f: {  	lr =	sadd.s32 s0, s3;
	s0 =	sld [smem:$0x3FA7]  }
0x30: {  	s3 =	sld [smem:$0x3FAA]  }
0x31: {  	[smem:$0x3FB3] =	sst s10  }
0x32: {  	s10 =	sld [smem:$0x3FB1];
	_ =	sdelay $0x3  }
0x33: {  	p0 =	seq.s32 s10, $0x1;
	s10 =	sld [smem:$0x3FB3];
	_ =	sdelay $0x3  }
0x34: {  	[smem:$0x3FB3] =	sst s10  }
0x35: {  	s10 =	sld [smem:$0x3FB2];
	_ =	sdelay $0x3  }
0x36: {  	p1 =	seq.s32 s10, $0x1;
	s10 =	sld [smem:$0x3FB3];
	_ =	sdelay $0x3  }
0x37: {  	[smem:$0x3FB3] =	sst s10  }
0x38: {  	s10 =	sld [smem:$0x3FB4]  }
0x39: {  	_ = 	snop;
	(pc) =	sbr.ind lr, $3  }
0x3a: {  	_ = 	snop  }
0x3b: {  	_ = 	snop  }
0x3c: {  	p2 =	seq.s32 s10, $0x1;
	s10 =	sld [smem:$0x3FB3]  }
0x3d: {  	_ =	shalt  }
0x3e: {  	_ =	shalt  }
0x3f: {  	_ =	shalt  }
0x40: {  	_ =	shalt  }
0x41: {  	_ =	shalt  }
0x42: {  	_ =	shalt  }
0x43: {  	_ =	shalt  }
0x44: {  	_ =	shalt  }
0x45: {  	_ =	shalt  }
0x46: {  	_ =	shalt  }
0x47: {  	_ =	shalt  }
0x48: {  	_ =	shalt  }
0x49: {  	_ =	shalt  }
0x4a: {  	_ =	shalt  }
0x4b: {  	_ =	shalt  }
0x4c: {  	_ =	shalt  }
0x4d: {  	_ =	shalt  }
0x4e: {  	_ =	shalt  }
0x4f: {  	_ =	shalt  }
0x50: {  	_ =	shalt  }
0x51: {  	_ =	shalt  }
0x52: {  	_ =	shalt  }
0x53: {  	_ =	shalt  }
0x54: {  	_ =	shalt  }
0x55: {  	_ =	shalt  }
0x56: {  	_ =	shalt  }
0x57: {  	_ =	shalt  }
0x58: {  	_ =	shalt  }
0x59: {  	_ =	shalt  }
0x5a: {  	_ =	shalt  }
0x5b: {  	_ =	shalt  }
0x5c: {  	_ =	shalt  }
0x5d: {  	_ =	shalt  }
0x5e: {  	_ =	shalt  }
0x5f: {  	_ =	shalt  }
0x60: {  	_ =	shalt  }
0x61: {  	_ =	shalt  }
0x62: {  	_ =	shalt  }
0x63: {  	_ =	shalt  }
0x64: {  	_ =	shalt  }
0x65: {  	_ =	shalt  }
0x66: {  	_ =	shalt  }
0x67: {  	_ =	shalt  }
0x68: {  	_ =	shalt  }
0x69: {  	_ =	shalt  }
0x6a: {  	_ =	shalt  }
0x6b: {  	_ =	shalt  }
0x6c: {  	_ =	shalt  }
0x6d: {  	_ =	shalt  }
0x6e: {  	_ =	shalt  }
0x6f: {  	_ =	shalt  }
0x70: {  	_ =	shalt  }
0x71: {  	_ =	shalt  }
0x72: {  	_ =	shalt  }
0x73: {  	_ =	shalt  }
0x74: {  	_ =	shalt  }
0x75: {  	_ =	shalt  }
0x76: {  	_ =	shalt  }
0x77: {  	_ =	shalt  }
0x78: {  	_ =	shalt  }
0x79: {  	_ =	shalt  }
0x7a: {  	_ =	shalt  }
0x7b: {  	_ =	shalt  }
0x7c: {  	_ =	shalt  }
0x7d: {  	_ =	shalt  }
0x7e: {  	_ =	shalt  }
0x7f: {  	_ =	shalt  }
0x80: {  	_ =	shalt  }
0x81: {  	_ =	shalt  }
0x82: {  	_ =	shalt  }
0x83: {  	_ =	shalt  }
0x84: {  	_ =	shalt  }
0x85: {  	_ =	shalt  }
0x86: {  	_ =	shalt  }
0x87: {  	_ =	shalt  }
.Lfunc_end0:
.L_simem_size_0:
called_computation.1_lowered:
.L_overlay_start_0:
0x88: {  	s2 =	sld [smem:$0x3FD9]  }
0x89: {  	s3 =	sld [smem:$0x3FFE];
	_ =	sdelay $0x1  }
0x8a: {  	s1 =	srdreg.scid  }
0x8b: {  	s0 =	sand.u32 $0x1, s1  }
0x8c: {  	s17 =	sshll.u32 s0, $0xA;
	s2 =	sadd.s32 s3, s2  }
0x8d: {  	s2 =	sadd.s32 s2, s17  }
0x8e: {  	[smem:$0x3FBF] =	sst s2  }
0x8f: {  	_ = 	snop  }
0x90: {  	s2 =	sld [smem:$0x3FD0];
	(tm) =	ssettm $0x1  }
0x91: {  	s18 =	sld [smem:$0x3FFB];
	_ =	sdelay $0x3  }
0x92: {  	_ =	strace s18  }
0x93: {  	s3 =	sld [smem:$0x3FFC];
	_ =	sdelay $0x3  }
0x94: {  	_ =	strace s3  }
0x95: {  	s3 =	sld [smem:$0x3FFD];
	_ =	sdelay $0x3  }
0x96: {  	_ =	strace s3  }
0x97: {  	_ =	strace $0x8FFFFFFF  }
0x98: {  	s19 =	sld [smem:$0x3FDB];
	_ =	sdelay $0x1  }
0x99: {  	s4 =	simm.s32 $_scs_section_size  }
0x9a: {  	s5 =	simm.s32 $_size__tile_overlayer_lowered;
	s6 =	simm.s32 $_tile_overlayer_lowered  }
0x9b: {  	s22 =	simm.s32 $0x1BFF;
	s21 =	sshll.u32 s6, $0x1;
	s3 =	sadd.s32 s4, s19  }
0x9c: {  	s7 =	simm.s32 $0x0;
	s20 =	sshll.u32 s5, $0x1;
	s5 =	sadd.s32 s21, s3  }
0x9d: {  	[timem:s7], [sflag:s22] =	dma.local [hbm:s5], s20  }
0x9e: {  	_ =	swait.ge [sflag:s22], s20  }
0x9f: {  	s4 =	ssub.s32 $0x0, s20;
	[sflag:s22] =	ssyncset.done $0x0  }
0xa0: {  	[sflag:s22] =	ssyncadd.s32 s4;
	_ =	sdelay $0x1  }
0xa1: {  	s23 =	simm.s32 $0x1B8B  }
0xa2: {  	_ =	swait.ge [sflag:s23], $0x1  }
0xa3: {  	[sflag:s23] =	ssyncset.done $0x0  }
0xa4: {  	s25 =	simm.s32 $0x1B8E;
	s24 =	sld [smem:$0x3FFE];
	[sflag:s23] =	ssyncadd.s32 $0xFFFFFFFF  }
0xa5: {  	s26 =	simm.s32 $execute0_lowered;
	[smem:$0x3FD2] =	sst s25  }
0xa6: {  	s5 =	sshll.u32 s26, $0x1;
	_ =	strace $0x80000049;
	[dreg:$0x1] =	wrdreg $0xFFFFFFFF  }
0xa7: {  	s28 =	simm.s32 $_size_execute0_lowered;
	s3 =	sadd.s32 s3, s5;
	[dreg:$0x0] =	wrdreg $0x0  }
0xa8: {  	s5 =	sshll.u32 s28, $0x1;
	[dreg:$0x2] =	wrdreg s3  }
0xa9: {  	[dreg:$0x3] =	wrdreg s5  }
0xaa: {  	[dreg:$0x4] =	wrdreg $0xC0  }
0xab: {  	_ =	task [dreg:s7], $0x5FFFF  }
0xac: {  	[dreg:$0x1] =	wrdreg $0xFFFFFFFF  }
0xad: {  	[dreg:$0x0] =	wrdreg $0x60  }
0xae: {  	[dreg:$0x2] =	wrdreg s24  }
0xaf: {  	[dreg:$0x3] =	wrdreg s2  }
0xb0: {  	[dreg:$0x4] =	wrdreg $0x9  }
0xb1: {  	_ =	task.clear_ibuf [dreg:s7], $0x5FFFF;
	_ =	strace $0x90000049  }
0xb2: {  	s29 =	simm.s32 $0x9;
	_ =	strace $0x8000004B  }
0xb3: {  	_ =	swait.ge [sflag:s29], $0x1  }
0xb4: {  	[sflag:s29] =	ssyncadd.s32 $0xFFFFFFFF  }
0xb5: {  	_ =	strace $0x9000004B  }
0xb6: {  	_ =	sfence  }
0xb7: {  	s30 =	sld [smem:$0x0];
	_ =	sdelay $0x2  }
0xb8: {  	s31 =	sshll.u32 s1, $0xD;
	s1 =	sshrl.u32 s1, $0x2  }
0xb9: {  	s3 =	sand.u32 $0x4000, s31;
	s1 =	sadd.s32 s1, s30  }
0xba: {  	s0 =	sor.u32 s3, s0;
	s1 =	sshll.u32 s1, $0x11  }
0xbb: {  	s0 =	sor.u32 s1, s0  }
0xbc: {  	s0 =	sadd.s32 $0x8F2B, s0  }
0xbd: {  	[sflag:s0] =	ssyncadd.remote.s32 $0x1  }
0xbe: {  	_ =	sfence.sel $0xFFFF  }
0xbf: {  	[dreg:$0x0] =	wrdreg $0xFFFFFFFF;
	(pc) =	sbr.abs _section_cstart, $3  }
0xc0: {  	[dreg:$0x1] =	wrdreg $0xFFFFFFFF  }
0xc1: {  	_ =	task.clear_ibuf [dreg:s7], $0x2FFFF;
	_ =	strace $0x9FFFFFFF  }
0xc2: {  	(tm) =	ssettm $0x7FFFFFFF  }
0xc3: {  	_ =	shalt  }
tec
execute0_lowered:
.L_overlay_start_1:
0x0: {  	(tag) =	ssettag $0x1  }
0x1: {  	s3 =	rddreg [dreg:$0x0]  }
0x2: {  	s10 =	rddreg [dreg:$0x1]  }
0x3: {  	s1 =	srdreg.scid;
	s0 =	rddreg [dreg:$0x2]  }
0x4: {  	s2 =	simm.s32 $0x0;
	s14 =	simm.s32 $0x12C00;
	s15 =	simm.s32 $0x3200  }
0x5: {  	s16 =	simm.s32 $0x9600;
	s17 =	simm.s32 $0xE100;
	s18 =	simm.s32 $0x1  }
0x6: {  	s19 =	simm.s32 $0x2;
	s20 =	simm.s32 $0xFA00;
	s4 =	sand.u32 $0x1, s1  }
0x7: {  	s21 =	simm.s32 $0x3;
	s1 =	stileid.u32;
	s5 =	sshll.u32 s4, $0x4  }
0x8: {  	s22 =	simm.s32 $0x0;
	[smem:$0x7FF] =	sst s2;
	s5 =	sor.u32 s1, s5  }
0x9: {  	s7 =	sadd.s32 $0x27E00, s3;
	s9 =	sadd.s32 $0x59E00, s3;
	s6 =	smul.u32 $0x6400, s5  }
0xa: {  	s3 =	sadd.s32 $0x66600, s3;
	s8 =	ssub.s32 $0x2, s4;
	s11 =	smul.u32 $0x320, s5  }
0xb: {  	_ =	strace $0x8000004A;
	s12 =	sshrl.u32 s8, $0x1;
	s13 =	smul.u32 $0x640, s5  }
0xc: {  	s12 =	ssub.s32 s8, s12;
	s30 =	sshrl.u32 s6, $0x3;
	s11 =	sadd.s32 $0x190, s11  }
0xd: {  	s6 =	sadd.s32 s9, s13;
	s10 =	sadd.s32 s10, s13;
	s13 =	simm.s32 $0xC800  }
0xe: {  	s4 =	sadd.s32 s7, s30;
	s31 =	sshll.u32 s11, $0x2;
	s11 =	sshll.u32 s11, $0x1  }
0xf: {  	s5 =	sadd.s32 $0x19000, s4;
	s7 =	sadd.s32 s7, s31;
	s9 =	sadd.s32 s9, s11  }
0x10: {  	s11 =	smax.u32 s12, $0x1;
	s12 =	simm.s32 $0x6400;
	s8 =	sadd.s32 $0x19000, s7  }
.LBB2_1:
0x11: {  	[tilespmem:s2], [sflag:$0x1] =	stream.linear.gather [hbm4b:s4+s2], $0x3200, $0x38;
	[tilespmem:$0x13C00] =	vst v63  }
0x12: {  	_ = 	snop  }
0x13: {  	[tilespmem:s12], [sflag:$0x1] =	stream.linear.gather [hbm4b:s5+s2], $0x3200, $0x38;
	[tilespmem:$0x13C00] =	vst v63  }
0x14: {  	_ = 	snop  }
0x15: {  	[tilespmem:s13], [sflag:$0x1] =	stream.linear.gather [hbm4b:s6+s2], $0x1900, $0x38;
	[tilespmem:$0x13C00] =	vst v63  }
0x16: {  	_ = 	snop  }
0x17: {  	[tilespmem:s14], [sflag:$0x1] =	stream.linear.gather [hbm4b:s3+s2], $0x1000, $0x38;
	[tilespmem:$0x13C00] =	vst v63  }
0x18: {  	_ = 	snop  }
0x19: {  	[tilespmem:s15], [sflag:$0x2] =	stream.linear.gather [hbm4b:s7+s2], $0x3200, $0x38;
	[tilespmem:$0x13C00] =	vst v63  }
0x1a: {  	_ = 	snop  }
0x1b: {  	[tilespmem:s16], [sflag:$0x2] =	stream.linear.gather [hbm4b:s8+s2], $0x3200, $0x38;
	[tilespmem:$0x13C00] =	vst v63  }
0x1c: {  	_ = 	snop  }
0x1d: {  	[tilespmem:s17], [sflag:$0x2] =	stream.linear.gather [hbm4b:s9+s2], $0x1900, $0x38;
	[tilespmem:$0x13C00] =	vst v63  }
0x1e: {  	_ =	swait.ge [sflag:s18], $0x3200  }
0x1f: {  	[sflag:s18] =	ssyncset.done $0x0  }
0x20: {  	[sflag:s18] =	ssyncadd.s32 $0xFFFFCE00  }
0x21: {  	_ =	swait.ge [sflag:s18], $0x3200  }
0x22: {  	[sflag:s18] =	ssyncset.done $0x0  }
0x23: {  	[sflag:s18] =	ssyncadd.s32 $0xFFFFCE00  }
0x24: {  	_ =	swait.ge [sflag:s18], $0x1900  }
0x25: {  	[sflag:s18] =	ssyncset.done $0x0  }
0x26: {  	[sflag:s18] =	ssyncadd.s32 $0xFFFFE700  }
0x27: {  	_ =	swait.ge [sflag:s18], $0x1000  }
0x28: {  	s23 =	simm.s32 $0x100;
	[sflag:s18] =	ssyncset.done $0x0  }
0x29: {  	s24 =	simm.s32 $0x6500;
	s25 =	simm.s32 $0x0;
	[sflag:s18] =	ssyncadd.s32 $0xFFFFF000  }
.LBB2_2:
0x2a: {  	v0 =	vld [tilespmem:s23+$0xFFFFFF10]  }
0x2b: {  	v1 =	vld [tilespmem:s24+$0xFFFFFF10];
	_ =	sdelay $0x4  }
0x2c: {  	v0 =	vadd.f32 v1, v0;
	_ =	sdelay $0x1  }
0x2d: {  	v0 =	vmin.f32 v0, $4.095000000e+03  }
0x2e: {  	v0 =	vtrunc.f32 v0  }
0x2f: {  	v0 =	vcvt.f32.s32 v0;
	_ =	sdelay $0x2  }
0x30: {  	v61 =	vld [tilespmem:s23+$0xFFFFFF00]  }
0x31: {  	v2 =	vld [tilespmem:s24+$0xFFFFFF00];
	_ =	sdelay $0x1  }
0x32: {  	v0 =	vld.idx.msk [tilespmem:v0+s14+$0x0], $0xffff  }
0x33: {  	s26 =	sshra.s32 s25, $0x2  }
0x34: {  	v3 =	vld [tilespmem:s26+$0xC800]  }
0x35: {  	v1 =	vadd.f32 v2, v61;
	_ =	sdelay $0x1  }
0x36: {  	v0 =	vmul.f32 v0, v1;
	_ =	sdelay $0x1  }
0x37: {  	v0 =	vadd.f32 v3, v0;
	_ =	sdelay $0x1  }
0x38: {  	[tilespmem:s26+$0xFA00] =	vst v0  }
0x39: {  	v0 =	vld [tilespmem:s23+$0xFFFFFF30]  }
0x3a: {  	v62 =	vld [tilespmem:s24+$0xFFFFFF30];
	_ =	sdelay $0x4  }
0x3b: {  	v0 =	vadd.f32 v62, v0;
	_ =	sdelay $0x1  }
0x3c: {  	v0 =	vmin.f32 v0, $4.095000000e+03  }
0x3d: {  	v0 =	vtrunc.f32 v0  }
0x3e: {  	v0 =	vcvt.f32.s32 v0;
	_ =	sdelay $0x2  }
0x3f: {  	v63 =	vld [tilespmem:s23+$0xFFFFFF20]  }
0x40: {  	v6 =	vld [tilespmem:s24+$0xFFFFFF20];
	_ =	sdelay $0x1  }
0x41: {  	v0 =	vld.idx.msk [tilespmem:v0+s14+$0x0], $0xffff;
	_ =	sdelay $0x1  }
0x42: {  	v7 =	vld [tilespmem:s26+$0xC810]  }
0x43: {  	v1 =	vadd.f32 v6, v63;
	_ =	sdelay $0x1  }
0x44: {  	v0 =	vmul.f32 v0, v1;
	_ =	sdelay $0x1  }
0x45: {  	v0 =	vadd.f32 v7, v0;
	_ =	sdelay $0x1  }
0x46: {  	[tilespmem:s26+$0xFA10] =	vst v0  }
0x47: {  	v0 =	vld [tilespmem:s23+$0xFFFFFF50]  }
0x48: {  	v8 =	vld [tilespmem:s24+$0xFFFFFF50];
	_ =	sdelay $0x4  }
0x49: {  	v0 =	vadd.f32 v8, v0;
	_ =	sdelay $0x1  }
0x4a: {  	v0 =	vmin.f32 v0, $4.095000000e+03  }
0x4b: {  	v0 =	vtrunc.f32 v0  }
0x4c: {  	v0 =	vcvt.f32.s32 v0;
	_ =	sdelay $0x2  }
0x4d: {  	v9 =	vld [tilespmem:s23+$0xFFFFFF40]  }
0x4e: {  	v10 =	vld [tilespmem:s24+$0xFFFFFF40];
	_ =	sdelay $0x1  }
0x4f: {  	v0 =	vld.idx.msk [tilespmem:v0+s14+$0x0], $0xffff;
	_ =	sdelay $0x1  }
0x50: {  	v11 =	vld [tilespmem:s26+$0xC820]  }
0x51: {  	v1 =	vadd.f32 v10, v9;
	_ =	sdelay $0x1  }
0x52: {  	v0 =	vmul.f32 v0, v1;
	_ =	sdelay $0x1  }
0x53: {  	v0 =	vadd.f32 v11, v0;
	_ =	sdelay $0x1  }
0x54: {  	[tilespmem:s26+$0xFA20] =	vst v0  }
0x55: {  	v0 =	vld [tilespmem:s23+$0xFFFFFF70]  }
0x56: {  	v12 =	vld [tilespmem:s24+$0xFFFFFF70];
	_ =	sdelay $0x4  }
0x57: {  	v0 =	vadd.f32 v12, v0;
	_ =	sdelay $0x1  }
0x58: {  	v0 =	vmin.f32 v0, $4.095000000e+03  }
0x59: {  	v0 =	vtrunc.f32 v0  }
0x5a: {  	v0 =	vcvt.f32.s32 v0;
	_ =	sdelay $0x2  }
0x5b: {  	v13 =	vld [tilespmem:s23+$0xFFFFFF60]  }
0x5c: {  	v14 =	vld [tilespmem:s24+$0xFFFFFF60];
	_ =	sdelay $0x1  }
0x5d: {  	v0 =	vld.idx.msk [tilespmem:v0+s14+$0x0], $0xffff;
	_ =	sdelay $0x1  }
0x5e: {  	v15 =	vld [tilespmem:s26+$0xC830]  }
0x5f: {  	v1 =	vadd.f32 v14, v13;
	_ =	sdelay $0x1  }
0x60: {  	v0 =	vmul.f32 v0, v1;
	_ =	sdelay $0x1  }
0x61: {  	v0 =	vadd.f32 v15, v0;
	_ =	sdelay $0x1  }
0x62: {  	[tilespmem:s26+$0xFA30] =	vst v0  }
0x63: {  	v0 =	vld [tilespmem:s23+$0xFFFFFF90]  }
0x64: {  	v16 =	vld [tilespmem:s24+$0xFFFFFF90];
	_ =	sdelay $0x4  }
0x65: {  	v0 =	vadd.f32 v16, v0;
	_ =	sdelay $0x1  }
0x66: {  	v0 =	vmin.f32 v0, $4.095000000e+03  }
0x67: {  	v0 =	vtrunc.f32 v0  }
0x68: {  	v0 =	vcvt.f32.s32 v0;
	_ =	sdelay $0x2  }
0x69: {  	v17 =	vld [tilespmem:s23+$0xFFFFFF80]  }
0x6a: {  	v18 =	vld [tilespmem:s24+$0xFFFFFF80];
	_ =	sdelay $0x1  }
0x6b: {  	v0 =	vld.idx.msk [tilespmem:v0+s14+$0x0], $0xffff;
	_ =	sdelay $0x1  }
0x6c: {  	v19 =	vld [tilespmem:s26+$0xC840]  }
0x6d: {  	v1 =	vadd.f32 v18, v17;
	_ =	sdelay $0x1  }
0x6e: {  	v0 =	vmul.f32 v0, v1;
	_ =	sdelay $0x1  }
0x6f: {  	v0 =	vadd.f32 v19, v0;
	_ =	sdelay $0x1  }
0x70: {  	[tilespmem:s26+$0xFA40] =	vst v0  }
0x71: {  	v0 =	vld [tilespmem:s23+$0xFFFFFFB0]  }
0x72: {  	v20 =	vld [tilespmem:s24+$0xFFFFFFB0];
	_ =	sdelay $0x4  }
0x73: {  	v0 =	vadd.f32 v20, v0;
	_ =	sdelay $0x1  }
0x74: {  	v0 =	vmin.f32 v0, $4.095000000e+03  }
0x75: {  	v0 =	vtrunc.f32 v0  }
0x76: {  	v0 =	vcvt.f32.s32 v0;
	_ =	sdelay $0x2  }
0x77: {  	v21 =	vld [tilespmem:s23+$0xFFFFFFA0]  }
0x78: {  	v22 =	vld [tilespmem:s24+$0xFFFFFFA0];
	_ =	sdelay $0x1  }
0x79: {  	v0 =	vld.idx.msk [tilespmem:v0+s14+$0x0], $0xffff;
	_ =	sdelay $0x1  }
0x7a: {  	v23 =	vld [tilespmem:s26+$0xC850]  }
0x7b: {  	v1 =	vadd.f32 v22, v21;
	_ =	sdelay $0x1  }
0x7c: {  	v0 =	vmul.f32 v0, v1;
	_ =	sdelay $0x1  }
0x7d: {  	v0 =	vadd.f32 v23, v0;
	_ =	sdelay $0x1  }
0x7e: {  	[tilespmem:s26+$0xFA50] =	vst v0  }
0x7f: {  	v0 =	vld [tilespmem:s23+$0xFFFFFFD0]  }
0x80: {  	v24 =	vld [tilespmem:s24+$0xFFFFFFD0];
	_ =	sdelay $0x4  }
0x81: {  	v0 =	vadd.f32 v24, v0;
	_ =	sdelay $0x1  }
0x82: {  	v0 =	vmin.f32 v0, $4.095000000e+03  }
0x83: {  	v0 =	vtrunc.f32 v0  }
0x84: {  	v0 =	vcvt.f32.s32 v0;
	_ =	sdelay $0x2  }
0x85: {  	v25 =	vld [tilespmem:s23+$0xFFFFFFC0]  }
0x86: {  	v26 =	vld [tilespmem:s24+$0xFFFFFFC0];
	_ =	sdelay $0x1  }
0x87: {  	v0 =	vld.idx.msk [tilespmem:v0+s14+$0x0], $0xffff;
	_ =	sdelay $0x1  }
0x88: {  	v27 =	vld [tilespmem:s26+$0xC860]  }
0x89: {  	v1 =	vadd.f32 v26, v25;
	_ =	sdelay $0x1  }
0x8a: {  	v0 =	vmul.f32 v0, v1;
	_ =	sdelay $0x1  }
0x8b: {  	v0 =	vadd.f32 v27, v0;
	_ =	sdelay $0x1  }
0x8c: {  	[tilespmem:s26+$0xFA60] =	vst v0  }
0x8d: {  	v0 =	vld [tilespmem:s23+$0xFFFFFFF0]  }
0x8e: {  	v28 =	vld [tilespmem:s24+$0xFFFFFFF0];
	_ =	sdelay $0x4  }
0x8f: {  	v0 =	vadd.f32 v28, v0;
	_ =	sdelay $0x1  }
0x90: {  	v0 =	vmin.f32 v0, $4.095000000e+03  }
0x91: {  	v0 =	vtrunc.f32 v0  }
0x92: {  	v0 =	vcvt.f32.s32 v0;
	_ =	sdelay $0x2  }
0x93: {  	v29 =	vld [tilespmem:s23+$0xFFFFFFE0]  }
0x94: {  	v30 =	vld [tilespmem:s24+$0xFFFFFFE0];
	_ =	sdelay $0x1  }
0x95: {  	v0 =	vld.idx.msk [tilespmem:v0+s14+$0x0], $0xffff;
	_ =	sdelay $0x1  }
0x96: {  	v31 =	vld [tilespmem:s26+$0xC870]  }
0x97: {  	v1 =	vadd.f32 v30, v29;
	_ =	sdelay $0x1  }
0x98: {  	v0 =	vmul.f32 v0, v1;
	_ =	sdelay $0x1  }
0x99: {  	v0 =	vadd.f32 v31, v0;
	_ =	sdelay $0x1  }
0x9a: {  	[tilespmem:s26+$0xFA70] =	vst v0  }
0x9b: {  	v0 =	vld [tilespmem:s23+$0x10]  }
0x9c: {  	v32 =	vld [tilespmem:s24+$0x10];
	_ =	sdelay $0x4  }
0x9d: {  	v0 =	vadd.f32 v32, v0;
	_ =	sdelay $0x1  }
0x9e: {  	v0 =	vmin.f32 v0, $4.095000000e+03  }
0x9f: {  	v0 =	vtrunc.f32 v0  }
0xa0: {  	v0 =	vcvt.f32.s32 v0;
	_ =	sdelay $0x2  }
0xa1: {  	v33 =	vld [tilespmem:s23+$0x0]  }
0xa2: {  	v34 =	vld [tilespmem:s24+$0x0];
	_ =	sdelay $0x1  }
0xa3: {  	v0 =	vld.idx.msk [tilespmem:v0+s14+$0x0], $0xffff;
	_ =	sdelay $0x1  }
0xa4: {  	v35 =	vld [tilespmem:s26+$0xC880]  }
0xa5: {  	v1 =	vadd.f32 v34, v33;
	_ =	sdelay $0x1  }
0xa6: {  	v0 =	vmul.f32 v0, v1;
	_ =	sdelay $0x1  }
0xa7: {  	v0 =	vadd.f32 v35, v0;
	_ =	sdelay $0x1  }
0xa8: {  	[tilespmem:s26+$0xFA80] =	vst v0  }
0xa9: {  	v0 =	vld [tilespmem:s23+$0x30]  }
0xaa: {  	v36 =	vld [tilespmem:s24+$0x30];
	_ =	sdelay $0x4  }
0xab: {  	v0 =	vadd.f32 v36, v0;
	_ =	sdelay $0x1  }
0xac: {  	v0 =	vmin.f32 v0, $4.095000000e+03  }
0xad: {  	v0 =	vtrunc.f32 v0  }
0xae: {  	v0 =	vcvt.f32.s32 v0;
	_ =	sdelay $0x2  }
0xaf: {  	v37 =	vld [tilespmem:s23+$0x20]  }
0xb0: {  	v38 =	vld [tilespmem:s24+$0x20];
	_ =	sdelay $0x1  }
0xb1: {  	v0 =	vld.idx.msk [tilespmem:v0+s14+$0x0], $0xffff;
	_ =	sdelay $0x1  }
0xb2: {  	v39 =	vld [tilespmem:s26+$0xC890]  }
0xb3: {  	v1 =	vadd.f32 v38, v37;
	_ =	sdelay $0x1  }
0xb4: {  	v0 =	vmul.f32 v0, v1;
	_ =	sdelay $0x1  }
0xb5: {  	v0 =	vadd.f32 v39, v0;
	_ =	sdelay $0x1  }
0xb6: {  	[tilespmem:s26+$0xFA90] =	vst v0  }
0xb7: {  	v0 =	vld [tilespmem:s23+$0x50]  }
0xb8: {  	v40 =	vld [tilespmem:s24+$0x50];
	_ =	sdelay $0x4  }
0xb9: {  	v0 =	vadd.f32 v40, v0;
	_ =	sdelay $0x1  }
0xba: {  	v0 =	vmin.f32 v0, $4.095000000e+03  }
0xbb: {  	v0 =	vtrunc.f32 v0  }
0xbc: {  	v0 =	vcvt.f32.s32 v0;
	_ =	sdelay $0x2  }
0xbd: {  	v41 =	vld [tilespmem:s23+$0x40]  }
0xbe: {  	v42 =	vld [tilespmem:s24+$0x40];
	_ =	sdelay $0x1  }
0xbf: {  	v0 =	vld.idx.msk [tilespmem:v0+s14+$0x0], $0xffff;
	_ =	sdelay $0x1  }
0xc0: {  	v43 =	vld [tilespmem:s26+$0xC8A0]  }
0xc1: {  	v1 =	vadd.f32 v42, v41;
	_ =	sdelay $0x1  }
0xc2: {  	v0 =	vmul.f32 v0, v1;
	_ =	sdelay $0x1  }
0xc3: {  	v0 =	vadd.f32 v43, v0;
	_ =	sdelay $0x1  }
0xc4: {  	[tilespmem:s26+$0xFAA0] =	vst v0  }
0xc5: {  	v0 =	vld [tilespmem:s23+$0x70]  }
0xc6: {  	v44 =	vld [tilespmem:s24+$0x70];
	_ =	sdelay $0x4  }
0xc7: {  	v0 =	vadd.f32 v44, v0;
	_ =	sdelay $0x1  }
0xc8: {  	v0 =	vmin.f32 v0, $4.095000000e+03  }
0xc9: {  	v0 =	vtrunc.f32 v0  }
0xca: {  	v0 =	vcvt.f32.s32 v0;
	_ =	sdelay $0x2  }
0xcb: {  	v45 =	vld [tilespmem:s23+$0x60]  }
0xcc: {  	v46 =	vld [tilespmem:s24+$0x60];
	_ =	sdelay $0x1  }
0xcd: {  	v0 =	vld.idx.msk [tilespmem:v0+s14+$0x0], $0xffff;
	_ =	sdelay $0x1  }
0xce: {  	v47 =	vld [tilespmem:s26+$0xC8B0]  }
0xcf: {  	v1 =	vadd.f32 v46, v45;
	_ =	sdelay $0x1  }
0xd0: {  	v0 =	vmul.f32 v0, v1;
	_ =	sdelay $0x1  }
0xd1: {  	v0 =	vadd.f32 v47, v0;
	_ =	sdelay $0x1  }
0xd2: {  	[tilespmem:s26+$0xFAB0] =	vst v0  }
0xd3: {  	v0 =	vld [tilespmem:s23+$0x90]  }
0xd4: {  	v48 =	vld [tilespmem:s24+$0x90];
	_ =	sdelay $0x4  }
0xd5: {  	v0 =	vadd.f32 v48, v0;
	_ =	sdelay $0x1  }
0xd6: {  	v0 =	vmin.f32 v0, $4.095000000e+03  }
0xd7: {  	v0 =	vtrunc.f32 v0  }
0xd8: {  	v0 =	vcvt.f32.s32 v0;
	_ =	sdelay $0x2  }
0xd9: {  	v49 =	vld [tilespmem:s23+$0x80]  }
0xda: {  	v50 =	vld [tilespmem:s24+$0x80];
	_ =	sdelay $0x1  }
0xdb: {  	v0 =	vld.idx.msk [tilespmem:v0+s14+$0x0], $0xffff;
	_ =	sdelay $0x1  }
0xdc: {  	v51 =	vld [tilespmem:s26+$0xC8C0]  }
0xdd: {  	v1 =	vadd.f32 v50, v49;
	_ =	sdelay $0x1  }
0xde: {  	v0 =	vmul.f32 v0, v1;
	_ =	sdelay $0x1  }
0xdf: {  	v0 =	vadd.f32 v51, v0;
	_ =	sdelay $0x1  }
0xe0: {  	[tilespmem:s26+$0xFAC0] =	vst v0  }
0xe1: {  	v0 =	vld [tilespmem:s23+$0xB0]  }
0xe2: {  	v52 =	vld [tilespmem:s24+$0xB0];
	_ =	sdelay $0x4  }
0xe3: {  	v0 =	vadd.f32 v52, v0;
	_ =	sdelay $0x1  }
0xe4: {  	v0 =	vmin.f32 v0, $4.095000000e+03  }
0xe5: {  	v0 =	vtrunc.f32 v0  }
0xe6: {  	v0 =	vcvt.f32.s32 v0;
	_ =	sdelay $0x2  }
0xe7: {  	v53 =	vld [tilespmem:s23+$0xA0]  }
0xe8: {  	v54 =	vld [tilespmem:s24+$0xA0];
	_ =	sdelay $0x1  }
0xe9: {  	v0 =	vld.idx.msk [tilespmem:v0+s14+$0x0], $0xffff;
	_ =	sdelay $0x1  }
0xea: {  	v55 =	vld [tilespmem:s26+$0xC8D0]  }
0xeb: {  	v1 =	vadd.f32 v54, v53;
	_ =	sdelay $0x1  }
0xec: {  	v0 =	vmul.f32 v0, v1;
	_ =	sdelay $0x1  }
0xed: {  	v0 =	vadd.f32 v55, v0;
	_ =	sdelay $0x1  }
0xee: {  	[tilespmem:s26+$0xFAD0] =	vst v0  }
0xef: {  	v0 =	vld [tilespmem:s23+$0xD0]  }
0xf0: {  	v56 =	vld [tilespmem:s24+$0xD0];
	_ =	sdelay $0x4  }
0xf1: {  	v0 =	vadd.f32 v56, v0;
	_ =	sdelay $0x1  }
0xf2: {  	v0 =	vmin.f32 v0, $4.095000000e+03  }
0xf3: {  	v0 =	vtrunc.f32 v0  }
0xf4: {  	v0 =	vcvt.f32.s32 v0;
	_ =	sdelay $0x2  }
0xf5: {  	v57 =	vld [tilespmem:s23+$0xC0]  }
0xf6: {  	v58 =	vld [tilespmem:s24+$0xC0];
	_ =	sdelay $0x1  }
0xf7: {  	v0 =	vld.idx.msk [tilespmem:v0+s14+$0x0], $0xffff;
	_ =	sdelay $0x1  }
0xf8: {  	v59 =	vld [tilespmem:s26+$0xC8E0]  }
0xf9: {  	v1 =	vadd.f32 v58, v57;
	_ =	sdelay $0x1  }
0xfa: {  	v0 =	vmul.f32 v0, v1;
	_ =	sdelay $0x1  }
0xfb: {  	v0 =	vadd.f32 v59, v0;
	_ =	sdelay $0x1  }
0xfc: {  	[tilespmem:s26+$0xFAE0] =	vst v0  }
0xfd: {  	v0 =	vld [tilespmem:s23+$0xF0]  }
0xfe: {  	v60 =	vld [tilespmem:s24+$0xF0];
	_ =	sdelay $0x4  }
0xff: {  	v0 =	vadd.f32 v60, v0;
	_ =	sdelay $0x1  }
0x100: {  	v0 =	vmin.f32 v0, $4.095000000e+03  }
0x101: {  	v0 =	vtrunc.f32 v0  }
0x102: {  	v0 =	vcvt.f32.s32 v0;
	_ =	sdelay $0x2  }
0x103: {  	v61 =	vld [tilespmem:s23+$0xE0]  }
0x104: {  	v62 =	vld [tilespmem:s24+$0xE0];
	_ =	sdelay $0x1  }
0x105: {  	v0 =	vld.idx.msk [tilespmem:v0+s14+$0x0], $0xffff;
	_ =	sdelay $0x1  }
0x106: {  	v63 =	vld [tilespmem:s26+$0xC8F0]  }
0x107: {  	v1 =	vadd.f32 v62, v61  }
0x108: {  	p0 =	sne.s32 s25, $0x6000  }
.Ltmp0:
0x109: {  	v0 =	vmul.f32 v0, v1;
	(pc) =	sbr.rel @p0 .LBB2_2-.Ltmp0, $3  }
0x10a: {  	_ = 	snop  }
0x10b: {  	v0 =	vadd.f32 v63, v0;
	_ =	sdelay $0x1  }
0x10c: {  	s25 =	sadd.s32 $0x400, s25;
	s23 =	sadd.s32 $0x200, s23;
	s24 =	sadd.s32 $0x200, s24;
	[tilespmem:s26+$0xFAF0] =	vst v0  }
0x10d: {  	_ =	swait.ge [sflag:s19], $0x3200  }
0x10e: {  	[sflag:s19] =	ssyncset.done $0x0  }
0x10f: {  	[sflag:s19] =	ssyncadd.s32 $0xFFFFCE00  }
0x110: {  	_ =	swait.ge [sflag:s19], $0x3200  }
0x111: {  	[sflag:s19] =	ssyncset.done $0x0  }
0x112: {  	[sflag:s19] =	ssyncadd.s32 $0xFFFFCE00  }
0x113: {  	_ =	swait.ge [sflag:s19], $0x1900  }
0x114: {  	s23 =	simm.s32 $0x0;
	[sflag:s19] =	ssyncset.done $0x0  }
0x115: {  	s24 =	simm.s32 $0x33F0;
	s25 =	simm.s32 $0x97F0;
	[sflag:s19] =	ssyncadd.s32 $0xFFFFE700  }
.LBB2_4:
0x116: {  	v0 =	vld [tilespmem:s24+$0xFFFFFE20]  }
0x117: {  	v1 =	vld [tilespmem:s25+$0xFFFFFE20];
	_ =	sdelay $0x4  }
0x118: {  	v0 =	vadd.f32 v1, v0;
	_ =	sdelay $0x1  }
0x119: {  	v0 =	vmin.f32 v0, $4.095000000e+03  }
0x11a: {  	v0 =	vtrunc.f32 v0  }
0x11b: {  	v0 =	vcvt.f32.s32 v0;
	_ =	sdelay $0x2  }
0x11c: {  	v61 =	vld [tilespmem:s24+$0xFFFFFE10]  }
0x11d: {  	v2 =	vld [tilespmem:s25+$0xFFFFFE10];
	_ =	sdelay $0x1  }
0x11e: {  	v0 =	vld.idx.msk [tilespmem:v0+s14+$0x0], $0xffff  }
0x11f: {  	s26 =	sshra.s32 s23, $0x2  }
0x120: {  	v3 =	vld [tilespmem:s26+$0xE100]  }
0x121: {  	v1 =	vadd.f32 v2, v61;
	_ =	sdelay $0x1  }
0x122: {  	v0 =	vmul.f32 v0, v1;
	_ =	sdelay $0x1  }
0x123: {  	v0 =	vadd.f32 v3, v0;
	_ =	sdelay $0x1  }
0x124: {  	[tilespmem:s26+$0x11300] =	vst v0  }
0x125: {  	v0 =	vld [tilespmem:s24+$0xFFFFFE40]  }
0x126: {  	v62 =	vld [tilespmem:s25+$0xFFFFFE40];
	_ =	sdelay $0x4  }
0x127: {  	v0 =	vadd.f32 v62, v0;
	_ =	sdelay $0x1  }
0x128: {  	v0 =	vmin.f32 v0, $4.095000000e+03  }
0x129: {  	v0 =	vtrunc.f32 v0  }
0x12a: {  	v0 =	vcvt.f32.s32 v0;
	_ =	sdelay $0x2  }
0x12b: {  	v63 =	vld [tilespmem:s24+$0xFFFFFE30]  }
0x12c: {  	v6 =	vld [tilespmem:s25+$0xFFFFFE30];
	_ =	sdelay $0x1  }
0x12d: {  	v0 =	vld.idx.msk [tilespmem:v0+s14+$0x0], $0xffff;
	_ =	sdelay $0x1  }
0x12e: {  	v7 =	vld [tilespmem:s26+$0xE110]  }
0x12f: {  	v1 =	vadd.f32 v6, v63;
	_ =	sdelay $0x1  }
0x130: {  	v0 =	vmul.f32 v0, v1;
	_ =	sdelay $0x1  }
0x131: {  	v0 =	vadd.f32 v7, v0;
	_ =	sdelay $0x1  }
0x132: {  	[tilespmem:s26+$0x11310] =	vst v0  }
0x133: {  	v0 =	vld [tilespmem:s24+$0xFFFFFE60]  }
0x134: {  	v8 =	vld [tilespmem:s25+$0xFFFFFE60];
	_ =	sdelay $0x4  }
0x135: {  	v0 =	vadd.f32 v8, v0;
	_ =	sdelay $0x1  }
0x136: {  	v0 =	vmin.f32 v0, $4.095000000e+03  }
0x137: {  	v0 =	vtrunc.f32 v0  }
0x138: {  	v0 =	vcvt.f32.s32 v0;
	_ =	sdelay $0x2  }
0x139: {  	v9 =	vld [tilespmem:s24+$0xFFFFFE50]  }
0x13a: {  	v10 =	vld [tilespmem:s25+$0xFFFFFE50];
	_ =	sdelay $0x1  }
0x13b: {  	v0 =	vld.idx.msk [tilespmem:v0+s14+$0x0], $0xffff;
	_ =	sdelay $0x1  }
0x13c: {  	v11 =	vld [tilespmem:s26+$0xE120]  }
0x13d: {  	v1 =	vadd.f32 v10, v9;
	_ =	sdelay $0x1  }
0x13e: {  	v0 =	vmul.f32 v0, v1;
	_ =	sdelay $0x1  }
0x13f: {  	v0 =	vadd.f32 v11, v0;
	_ =	sdelay $0x1  }
0x140: {  	[tilespmem:s26+$0x11320] =	vst v0  }
0x141: {  	v0 =	vld [tilespmem:s24+$0xFFFFFE80]  }
0x142: {  	v12 =	vld [tilespmem:s25+$0xFFFFFE80];
	_ =	sdelay $0x4  }
0x143: {  	v0 =	vadd.f32 v12, v0;
	_ =	sdelay $0x1  }
0x144: {  	v0 =	vmin.f32 v0, $4.095000000e+03  }
0x145: {  	v0 =	vtrunc.f32 v0  }
0x146: {  	v0 =	vcvt.f32.s32 v0;
	_ =	sdelay $0x2  }
0x147: {  	v13 =	vld [tilespmem:s24+$0xFFFFFE70]  }
0x148: {  	v14 =	vld [tilespmem:s25+$0xFFFFFE70];
	_ =	sdelay $0x1  }
0x149: {  	v0 =	vld.idx.msk [tilespmem:v0+s14+$0x0], $0xffff;
	_ =	sdelay $0x1  }
0x14a: {  	v15 =	vld [tilespmem:s26+$0xE130]  }
0x14b: {  	v1 =	vadd.f32 v14, v13;
	_ =	sdelay $0x1  }
0x14c: {  	v0 =	vmul.f32 v0, v1;
	_ =	sdelay $0x1  }
0x14d: {  	v0 =	vadd.f32 v15, v0;
	_ =	sdelay $0x1  }
0x14e: {  	[tilespmem:s26+$0x11330] =	vst v0  }
0x14f: {  	v0 =	vld [tilespmem:s24+$0xFFFFFEA0]  }
0x150: {  	v16 =	vld [tilespmem:s25+$0xFFFFFEA0];
	_ =	sdelay $0x4  }
0x151: {  	v0 =	vadd.f32 v16, v0;
	_ =	sdelay $0x1  }
0x152: {  	v0 =	vmin.f32 v0, $4.095000000e+03  }
0x153: {  	v0 =	vtrunc.f32 v0  }
0x154: {  	v0 =	vcvt.f32.s32 v0;
	_ =	sdelay $0x2  }
0x155: {  	v17 =	vld [tilespmem:s24+$0xFFFFFE90]  }
0x156: {  	v18 =	vld [tilespmem:s25+$0xFFFFFE90];
	_ =	sdelay $0x1  }
0x157: {  	v0 =	vld.idx.msk [tilespmem:v0+s14+$0x0], $0xffff;
	_ =	sdelay $0x1  }
0x158: {  	v19 =	vld [tilespmem:s26+$0xE140]  }
0x159: {  	v1 =	vadd.f32 v18, v17;
	_ =	sdelay $0x1  }
0x15a: {  	v0 =	vmul.f32 v0, v1;
	_ =	sdelay $0x1  }
0x15b: {  	v0 =	vadd.f32 v19, v0;
	_ =	sdelay $0x1  }
0x15c: {  	[tilespmem:s26+$0x11340] =	vst v0  }
0x15d: {  	v0 =	vld [tilespmem:s24+$0xFFFFFEC0]  }
0x15e: {  	v20 =	vld [tilespmem:s25+$0xFFFFFEC0];
	_ =	sdelay $0x4  }
0x15f: {  	v0 =	vadd.f32 v20, v0;
	_ =	sdelay $0x1  }
0x160: {  	v0 =	vmin.f32 v0, $4.095000000e+03  }
0x161: {  	v0 =	vtrunc.f32 v0  }
0x162: {  	v0 =	vcvt.f32.s32 v0;
	_ =	sdelay $0x2  }
0x163: {  	v21 =	vld [tilespmem:s24+$0xFFFFFEB0]  }
0x164: {  	v22 =	vld [tilespmem:s25+$0xFFFFFEB0];
	_ =	sdelay $0x1  }
0x165: {  	v0 =	vld.idx.msk [tilespmem:v0+s14+$0x0], $0xffff;
	_ =	sdelay $0x1  }
0x166: {  	v23 =	vld [tilespmem:s26+$0xE150]  }
0x167: {  	v1 =	vadd.f32 v22, v21;
	_ =	sdelay $0x1  }
0x168: {  	v0 =	vmul.f32 v0, v1;
	_ =	sdelay $0x1  }
0x169: {  	v0 =	vadd.f32 v23, v0;
	_ =	sdelay $0x1  }
0x16a: {  	[tilespmem:s26+$0x11350] =	vst v0  }
0x16b: {  	v0 =	vld [tilespmem:s24+$0xFFFFFEE0]  }
0x16c: {  	v24 =	vld [tilespmem:s25+$0xFFFFFEE0];
	_ =	sdelay $0x4  }
0x16d: {  	v0 =	vadd.f32 v24, v0;
	_ =	sdelay $0x1  }
0x16e: {  	v0 =	vmin.f32 v0, $4.095000000e+03  }
0x16f: {  	v0 =	vtrunc.f32 v0  }
0x170: {  	v0 =	vcvt.f32.s32 v0;
	_ =	sdelay $0x2  }
0x171: {  	v25 =	vld [tilespmem:s24+$0xFFFFFED0]  }
0x172: {  	v26 =	vld [tilespmem:s25+$0xFFFFFED0];
	_ =	sdelay $0x1  }
0x173: {  	v0 =	vld.idx.msk [tilespmem:v0+s14+$0x0], $0xffff;
	_ =	sdelay $0x1  }
0x174: {  	v27 =	vld [tilespmem:s26+$0xE160]  }
0x175: {  	v1 =	vadd.f32 v26, v25;
	_ =	sdelay $0x1  }
0x176: {  	v0 =	vmul.f32 v0, v1;
	_ =	sdelay $0x1  }
0x177: {  	v0 =	vadd.f32 v27, v0;
	_ =	sdelay $0x1  }
0x178: {  	[tilespmem:s26+$0x11360] =	vst v0  }
0x179: {  	v0 =	vld [tilespmem:s24+$0xFFFFFF00]  }
0x17a: {  	v28 =	vld [tilespmem:s25+$0xFFFFFF00];
	_ =	sdelay $0x4  }
0x17b: {  	v0 =	vadd.f32 v28, v0;
	_ =	sdelay $0x1  }
0x17c: {  	v0 =	vmin.f32 v0, $4.095000000e+03  }
0x17d: {  	v0 =	vtrunc.f32 v0  }
0x17e: {  	v0 =	vcvt.f32.s32 v0;
	_ =	sdelay $0x2  }
0x17f: {  	v29 =	vld [tilespmem:s24+$0xFFFFFEF0]  }
0x180: {  	v30 =	vld [tilespmem:s25+$0xFFFFFEF0];
	_ =	sdelay $0x1  }
0x181: {  	v0 =	vld.idx.msk [tilespmem:v0+s14+$0x0], $0xffff;
	_ =	sdelay $0x1  }
0x182: {  	v31 =	vld [tilespmem:s26+$0xE170]  }
0x183: {  	v1 =	vadd.f32 v30, v29;
	_ =	sdelay $0x1  }
0x184: {  	v0 =	vmul.f32 v0, v1;
	_ =	sdelay $0x1  }
0x185: {  	v0 =	vadd.f32 v31, v0;
	_ =	sdelay $0x1  }
0x186: {  	[tilespmem:s26+$0x11370] =	vst v0  }
0x187: {  	v0 =	vld [tilespmem:s24+$0xFFFFFF20]  }
0x188: {  	v32 =	vld [tilespmem:s25+$0xFFFFFF20];
	_ =	sdelay $0x4  }
0x189: {  	v0 =	vadd.f32 v32, v0;
	_ =	sdelay $0x1  }
0x18a: {  	v0 =	vmin.f32 v0, $4.095000000e+03  }
0x18b: {  	v0 =	vtrunc.f32 v0  }
0x18c: {  	v0 =	vcvt.f32.s32 v0;
	_ =	sdelay $0x2  }
0x18d: {  	v33 =	vld [tilespmem:s24+$0xFFFFFF10]  }
0x18e: {  	v34 =	vld [tilespmem:s25+$0xFFFFFF10];
	_ =	sdelay $0x1  }
0x18f: {  	v0 =	vld.idx.msk [tilespmem:v0+s14+$0x0], $0xffff;
	_ =	sdelay $0x1  }
0x190: {  	v35 =	vld [tilespmem:s26+$0xE180]  }
0x191: {  	v1 =	vadd.f32 v34, v33;
	_ =	sdelay $0x1  }
0x192: {  	v0 =	vmul.f32 v0, v1;
	_ =	sdelay $0x1  }
0x193: {  	v0 =	vadd.f32 v35, v0;
	_ =	sdelay $0x1  }
0x194: {  	[tilespmem:s26+$0x11380] =	vst v0  }
0x195: {  	v0 =	vld [tilespmem:s24+$0xFFFFFF40]  }
0x196: {  	v36 =	vld [tilespmem:s25+$0xFFFFFF40];
	_ =	sdelay $0x4  }
0x197: {  	v0 =	vadd.f32 v36, v0;
	_ =	sdelay $0x1  }
0x198: {  	v0 =	vmin.f32 v0, $4.095000000e+03  }
0x199: {  	v0 =	vtrunc.f32 v0  }
0x19a: {  	v0 =	vcvt.f32.s32 v0;
	_ =	sdelay $0x2  }
0x19b: {  	v37 =	vld [tilespmem:s24+$0xFFFFFF30]  }
0x19c: {  	v38 =	vld [tilespmem:s25+$0xFFFFFF30];
	_ =	sdelay $0x1  }
0x19d: {  	v0 =	vld.idx.msk [tilespmem:v0+s14+$0x0], $0xffff;
	_ =	sdelay $0x1  }
0x19e: {  	v39 =	vld [tilespmem:s26+$0xE190]  }
0x19f: {  	v1 =	vadd.f32 v38, v37;
	_ =	sdelay $0x1  }
0x1a0: {  	v0 =	vmul.f32 v0, v1;
	_ =	sdelay $0x1  }
0x1a1: {  	v0 =	vadd.f32 v39, v0;
	_ =	sdelay $0x1  }
0x1a2: {  	[tilespmem:s26+$0x11390] =	vst v0  }
0x1a3: {  	v0 =	vld [tilespmem:s24+$0xFFFFFF60]  }
0x1a4: {  	v40 =	vld [tilespmem:s25+$0xFFFFFF60];
	_ =	sdelay $0x4  }
0x1a5: {  	v0 =	vadd.f32 v40, v0;
	_ =	sdelay $0x1  }
0x1a6: {  	v0 =	vmin.f32 v0, $4.095000000e+03  }
0x1a7: {  	v0 =	vtrunc.f32 v0  }
0x1a8: {  	v0 =	vcvt.f32.s32 v0;
	_ =	sdelay $0x2  }
0x1a9: {  	v41 =	vld [tilespmem:s24+$0xFFFFFF50]  }
0x1aa: {  	v42 =	vld [tilespmem:s25+$0xFFFFFF50];
	_ =	sdelay $0x1  }
0x1ab: {  	v0 =	vld.idx.msk [tilespmem:v0+s14+$0x0], $0xffff;
	_ =	sdelay $0x1  }
0x1ac: {  	v43 =	vld [tilespmem:s26+$0xE1A0]  }
0x1ad: {  	v1 =	vadd.f32 v42, v41;
	_ =	sdelay $0x1  }
0x1ae: {  	v0 =	vmul.f32 v0, v1;
	_ =	sdelay $0x1  }
0x1af: {  	v0 =	vadd.f32 v43, v0;
	_ =	sdelay $0x1  }
0x1b0: {  	[tilespmem:s26+$0x113A0] =	vst v0  }
0x1b1: {  	v0 =	vld [tilespmem:s24+$0xFFFFFF80]  }
0x1b2: {  	v44 =	vld [tilespmem:s25+$0xFFFFFF80];
	_ =	sdelay $0x4  }
0x1b3: {  	v0 =	vadd.f32 v44, v0;
	_ =	sdelay $0x1  }
0x1b4: {  	v0 =	vmin.f32 v0, $4.095000000e+03  }
0x1b5: {  	v0 =	vtrunc.f32 v0  }
0x1b6: {  	v0 =	vcvt.f32.s32 v0;
	_ =	sdelay $0x2  }
0x1b7: {  	v45 =	vld [tilespmem:s24+$0xFFFFFF70]  }
0x1b8: {  	v46 =	vld [tilespmem:s25+$0xFFFFFF70];
	_ =	sdelay $0x1  }
0x1b9: {  	v0 =	vld.idx.msk [tilespmem:v0+s14+$0x0], $0xffff;
	_ =	sdelay $0x1  }
0x1ba: {  	v47 =	vld [tilespmem:s26+$0xE1B0]  }
0x1bb: {  	v1 =	vadd.f32 v46, v45;
	_ =	sdelay $0x1  }
0x1bc: {  	v0 =	vmul.f32 v0, v1;
	_ =	sdelay $0x1  }
0x1bd: {  	v0 =	vadd.f32 v47, v0;
	_ =	sdelay $0x1  }
0x1be: {  	[tilespmem:s26+$0x113B0] =	vst v0  }
0x1bf: {  	v0 =	vld [tilespmem:s24+$0xFFFFFFA0]  }
0x1c0: {  	v48 =	vld [tilespmem:s25+$0xFFFFFFA0];
	_ =	sdelay $0x4  }
0x1c1: {  	v0 =	vadd.f32 v48, v0;
	_ =	sdelay $0x1  }
0x1c2: {  	v0 =	vmin.f32 v0, $4.095000000e+03  }
0x1c3: {  	v0 =	vtrunc.f32 v0  }
0x1c4: {  	v0 =	vcvt.f32.s32 v0;
	_ =	sdelay $0x2  }
0x1c5: {  	v49 =	vld [tilespmem:s24+$0xFFFFFF90]  }
0x1c6: {  	v50 =	vld [tilespmem:s25+$0xFFFFFF90];
	_ =	sdelay $0x1  }
0x1c7: {  	v0 =	vld.idx.msk [tilespmem:v0+s14+$0x0], $0xffff;
	_ =	sdelay $0x1  }
0x1c8: {  	v51 =	vld [tilespmem:s26+$0xE1C0]  }
0x1c9: {  	v1 =	vadd.f32 v50, v49;
	_ =	sdelay $0x1  }
0x1ca: {  	v0 =	vmul.f32 v0, v1;
	_ =	sdelay $0x1  }
0x1cb: {  	v0 =	vadd.f32 v51, v0;
	_ =	sdelay $0x1  }
0x1cc: {  	[tilespmem:s26+$0x113C0] =	vst v0  }
0x1cd: {  	v0 =	vld [tilespmem:s24+$0xFFFFFFC0]  }
0x1ce: {  	v52 =	vld [tilespmem:s25+$0xFFFFFFC0];
	_ =	sdelay $0x4  }
0x1cf: {  	v0 =	vadd.f32 v52, v0;
	_ =	sdelay $0x1  }
0x1d0: {  	v0 =	vmin.f32 v0, $4.095000000e+03  }
0x1d1: {  	v0 =	vtrunc.f32 v0  }
0x1d2: {  	v0 =	vcvt.f32.s32 v0;
	_ =	sdelay $0x2  }
0x1d3: {  	v53 =	vld [tilespmem:s24+$0xFFFFFFB0]  }
0x1d4: {  	v54 =	vld [tilespmem:s25+$0xFFFFFFB0];
	_ =	sdelay $0x1  }
0x1d5: {  	v0 =	vld.idx.msk [tilespmem:v0+s14+$0x0], $0xffff;
	_ =	sdelay $0x1  }
0x1d6: {  	v55 =	vld [tilespmem:s26+$0xE1D0]  }
0x1d7: {  	v1 =	vadd.f32 v54, v53;
	_ =	sdelay $0x1  }
0x1d8: {  	v0 =	vmul.f32 v0, v1;
	_ =	sdelay $0x1  }
0x1d9: {  	v0 =	vadd.f32 v55, v0;
	_ =	sdelay $0x1  }
0x1da: {  	[tilespmem:s26+$0x113D0] =	vst v0  }
0x1db: {  	v0 =	vld [tilespmem:s24+$0xFFFFFFE0]  }
0x1dc: {  	v56 =	vld [tilespmem:s25+$0xFFFFFFE0];
	_ =	sdelay $0x4  }
0x1dd: {  	v0 =	vadd.f32 v56, v0;
	_ =	sdelay $0x1  }
0x1de: {  	v0 =	vmin.f32 v0, $4.095000000e+03  }
0x1df: {  	v0 =	vtrunc.f32 v0  }
0x1e0: {  	v0 =	vcvt.f32.s32 v0;
	_ =	sdelay $0x2  }
0x1e1: {  	v57 =	vld [tilespmem:s24+$0xFFFFFFD0]  }
0x1e2: {  	v58 =	vld [tilespmem:s25+$0xFFFFFFD0];
	_ =	sdelay $0x1  }
0x1e3: {  	v0 =	vld.idx.msk [tilespmem:v0+s14+$0x0], $0xffff;
	_ =	sdelay $0x1  }
0x1e4: {  	v59 =	vld [tilespmem:s26+$0xE1E0]  }
0x1e5: {  	v1 =	vadd.f32 v58, v57;
	_ =	sdelay $0x1  }
0x1e6: {  	v0 =	vmul.f32 v0, v1;
	_ =	sdelay $0x1  }
0x1e7: {  	v0 =	vadd.f32 v59, v0;
	_ =	sdelay $0x1  }
0x1e8: {  	[tilespmem:s26+$0x113E0] =	vst v0  }
0x1e9: {  	v0 =	vld [tilespmem:s24+$0x0]  }
0x1ea: {  	v60 =	vld [tilespmem:s25+$0x0];
	_ =	sdelay $0x4  }
0x1eb: {  	v0 =	vadd.f32 v60, v0;
	_ =	sdelay $0x1  }
0x1ec: {  	v0 =	vmin.f32 v0, $4.095000000e+03  }
0x1ed: {  	v0 =	vtrunc.f32 v0  }
0x1ee: {  	v0 =	vcvt.f32.s32 v0;
	_ =	sdelay $0x2  }
0x1ef: {  	v61 =	vld [tilespmem:s24+$0xFFFFFFF0]  }
0x1f0: {  	v62 =	vld [tilespmem:s25+$0xFFFFFFF0];
	_ =	sdelay $0x1  }
0x1f1: {  	v0 =	vld.idx.msk [tilespmem:v0+s14+$0x0], $0xffff;
	_ =	sdelay $0x1  }
0x1f2: {  	v63 =	vld [tilespmem:s26+$0xE1F0]  }
0x1f3: {  	v1 =	vadd.f32 v62, v61  }
0x1f4: {  	p0 =	sne.s32 s23, $0x6000  }
.Ltmp1:
0x1f5: {  	v0 =	vmul.f32 v0, v1;
	(pc) =	sbr.rel @p0 .LBB2_4-.Ltmp1, $3  }
0x1f6: {  	_ = 	snop  }
0x1f7: {  	v0 =	vadd.f32 v63, v0;
	_ =	sdelay $0x1  }
0x1f8: {  	s23 =	sadd.s32 $0x400, s23;
	s24 =	sadd.s32 $0x200, s24;
	s25 =	sadd.s32 $0x200, s25;
	[tilespmem:s26+$0x113F0] =	vst v0  }
0x1f9: {  	s22 =	sadd.s32 $0x1, s22  }
0x1fa: {  	p0 =	sne.s32 s22, s11  }
.Ltmp2:
0x1fb: {  	_ = 	snop;
	(pc) =	sbr.rel @p0 .LBB2_1-.Ltmp2, $4  }
0x1fc: {  	[hbm4b:s10+s2] =	stream.linear.scatter [tilespmem:s20], [sflag:$0x3], $0x3200, $0x38;
	[tilespmem:$0x13C00] =	vst v63  }
0x1fd: {  	_ =	swait.ge [sflag:s21], $0x3200  }
0x1fe: {  	[sflag:s21] =	ssyncset.done $0x0  }
0x1ff: {  	[sflag:s21] =	ssyncadd.s32 $0xFFFFCE00  }
0x200: {  	_ =	sfence.sel $0x180000  }
0x201: {  	[bflag:$0x0] =	sbarrier.arrive $0xFFFF  }
0x202: {  	p0 =	sne.s32 s1, $0x0;
	_ =	strace $0x9000004A  }
0x203: {  	s0 =	sadd.s32 @!p0 $0x100000, s0;
	[bflag:$0x2] =	sbarrier.arrive $0xFFFF  }
0x204: {  	[sflag:s0] =	ssyncadd.tile.s32 @!p0 $0x1;
	_ =	shalt  }
.Lfunc_end2:
_tile_overlayer_lowered:
.L_overlay_start_2:
0x205: {  	(tag) =	ssettag $0x2  }
0x206: {  	s0 =	rddreg [dreg:$0x0];
	s2 =	stileid.u32  }
0x207: {  	s1 =	rddreg [dreg:$0x1];
	p0 =	sne.s32 s2, $0x0  }
0x208: {  	s3 =	rddreg [dreg:$0x2];
	[bflag:$0x3] =	sbarrier.arrive $0xFFFF;
	s2 =	simm.s32 @!p0 $0x1C03  }
0x209: {  	[timem:s3], [sflag:s2] =	dma.local @!p0 [hbm:s0], s1  }
0x20a: {  	s0 =	simm.s32 @!p0 $0x3  }
0x20b: {  	_ =	swait.ge @!p0 [sflag:s0], s1  }
0x20c: {  	s1 =	ssub.s32 @!p0 $0x0, s1;
	[sflag:s0] =	ssyncset.done @!p0 $0x0  }
0x20d: {  	[sflag:s0] =	ssyncadd.s32 @!p0 s1  }
0x20e: {  	[bflag:$0x3] =	sbarrier.arrive $0xFFFF  }
0x20f: {  	_ =	shalt  }

</sc_bundles>
